<compile_context>
chip_gen: v7x
topology: tpu7x:2x2x1
jax: 0.10.2.dev20260603
libtpu: 0.0.44.dev20260713+nightly
codegen_flags: <defaults>
</compile_context>

<pallas_src>
import functools

import jax
import jax.numpy as jnp
from jax import lax
from jax.experimental import pallas as pl
from jax.experimental.pallas import tpu as pltpu
from jax.experimental.pallas import tpu_sc as plsc

N = 10000
E = 160000
D_IN = 256
D_H = 512
D_OUT = 128

NC = 2
NS = 16
CH = 128
EP = 163840
ECH = EP // CH
NPAD = 10240
ZR = NPAD // NS

_mesh = plsc.VectorSubcoreMesh(core_axis_name="c", subcore_axis_name="s")


@functools.partial(
    pl.kernel,
    mesh=_mesh,
    out_type=(
        jax.ShapeDtypeStruct((NPAD, 128), jnp.float32),
        jax.ShapeDtypeStruct((NPAD, 128), jnp.float32),
    ),
    scratch_types=[
        pltpu.VMEM((ECH // NS, CH), jnp.int32),
        pltpu.VMEM((CH, 128), jnp.float32),
        pltpu.VMEM_SHARED((NPAD, 128), jnp.float32),
        pltpu.SemaphoreType.DMA,
    ],
)
def _sc_counts(dst1p, dst2p, zerosF, onesF, cnt1, cnt2,
               dst2d, buf_v, acc_sh, sem_s):
    c = lax.axis_index("c")
    s = lax.axis_index("s")
    nch = ECH // NS
    pltpu.sync_copy(zerosF, buf_v)
    for k in range(ZR // CH):
        pltpu.sync_copy(buf_v, acc_sh.at[pl.ds(s * ZR + k * CH, CH)])

    @pl.when(c == 0)
    def _():
        pltpu.sync_copy(dst1p.at[pl.ds(s * nch, nch)], dst2d)

    @pl.when(c == 1)
    def _():
        pltpu.sync_copy(dst2p.at[pl.ds(s * nch, nch)], dst2d)

    pltpu.sync_copy(onesF, buf_v)
    plsc.subcore_barrier()

    AHEAD = 4

    def chunk(i, carry):
        pltpu.async_copy(buf_v, acc_sh.at[dst2d.at[i]], sem_s, add=True)

        @pl.when(i >= AHEAD)
        def _():
            pltpu.make_async_copy(buf_v, acc_sh.at[dst2d.at[i]], sem_s).wait()

        return carry

    lax.fori_loop(0, nch, chunk, 0)
    for _ in range(AHEAD):
        pltpu.make_async_copy(buf_v, acc_sh.at[dst2d.at[0]], sem_s).wait()

    plsc.subcore_barrier()
    for k in range(ZR // CH):
        sl = pl.ds(s * ZR + k * CH, CH)
        pltpu.sync_copy(acc_sh.at[sl], buf_v)

        @pl.when(c == 0)
        def _():
            pltpu.sync_copy(buf_v, cnt1.at[sl])

        @pl.when(c == 1)
        def _():
            pltpu.sync_copy(buf_v, cnt2.at[sl])


PC = 40


def _pipelined_segsum(table, idx2d, dst2d, rows2, acc_sh, sem_g, sem_s):
    pltpu.async_copy(table.at[idx2d.at[0]], rows2.at[0], sem_g)

    def chunk(i, carry):
        p = lax.rem(i, 2)

        @pl.when(i > 0)
        def _():
            pltpu.make_async_copy(rows2.at[1 - p], acc_sh.at[dst2d.at[i]],
                                  sem_s).wait()

        @pl.when(i + 1 < PC)
        def _():
            pltpu.async_copy(table.at[idx2d.at[i + 1]], rows2.at[1 - p], sem_g)

        pltpu.make_async_copy(table.at[idx2d.at[i]], rows2.at[p], sem_g).wait()
        pltpu.async_copy(rows2.at[p], acc_sh.at[dst2d.at[i]], sem_s, add=True)
        return carry

    lax.fori_loop(0, PC, chunk, 0)
    pltpu.make_async_copy(rows2.at[(PC - 1) % 2], acc_sh.at[dst2d.at[0]],
                          sem_s).wait()


@functools.partial(
    pl.kernel,
    mesh=_mesh,
    out_type=(
        jax.ShapeDtypeStruct((NPAD, 128), jnp.float32),
        jax.ShapeDtypeStruct((NPAD, 128), jnp.float32),
    ),
    scratch_types=[
        pltpu.VMEM((PC, CH), jnp.int32),
        pltpu.VMEM((PC, CH), jnp.int32),
        pltpu.VMEM((2, CH, 128), jnp.float32),
        pltpu.VMEM_SHARED((NPAD, 128), jnp.float32),
        pltpu.SemaphoreType.DMA,
        pltpu.SemaphoreType.DMA,
    ],
)
def _sc_segsum_feat_split(xflat, srclo, srchi, dstp, zerosF, aggL, aggR,
                          idx2d, dst2d, rows2, acc_sh, sem_g, sem_s):
    c = lax.axis_index("c")
    s = lax.axis_index("s")
    nch = ECH // NS
    pltpu.sync_copy(zerosF, rows2.at[0])
    for k in range(ZR // CH):
        pltpu.sync_copy(rows2.at[0], acc_sh.at[pl.ds(s * ZR + k * CH, CH)])

    plsc.subcore_barrier()

    for ph in range(nch // PC):
        off = s * nch + ph * PC

        @pl.when(c == 0)
        def _():
            pltpu.sync_copy(srclo.at[pl.ds(off, PC)], idx2d)

        @pl.when(c == 1)
        def _():
            pltpu.sync_copy(srchi.at[pl.ds(off, PC)], idx2d)

        pltpu.sync_copy(dstp.at[pl.ds(off, PC)], dst2d)
        _pipelined_segsum(xflat, idx2d, dst2d, rows2, acc_sh, sem_g, sem_s)

    plsc.subcore_barrier()
    for k in range(ZR // CH):
        sl = pl.ds(s * ZR + k * CH, CH)
        pltpu.sync_copy(acc_sh.at[sl], rows2.at[0])

        @pl.when(c == 0)
        def _():
            pltpu.sync_copy(rows2.at[0], aggL.at[sl])

        @pl.when(c == 1)
        def _():
            pltpu.sync_copy(rows2.at[0], aggR.at[sl])


@functools.partial(
    pl.kernel,
    mesh=_mesh,
    out_type=(
        jax.ShapeDtypeStruct((NPAD, 128), jnp.float32),
        jax.ShapeDtypeStruct((NPAD, 128), jnp.float32),
    ),
    scratch_types=[
        pltpu.VMEM((PC, CH), jnp.int32),
        pltpu.VMEM((PC, CH), jnp.int32),
        pltpu.VMEM((2, CH, 128), jnp.float32),
        pltpu.VMEM_SHARED((NPAD, 128), jnp.float32),
        pltpu.SemaphoreType.DMA,
        pltpu.SemaphoreType.DMA,
    ],
)
def _sc_segsum_edge_split(table, srcp, dstp, zerosF, p0, p1,
                          idx2d, dst2d, rows2, acc_sh, sem_g, sem_s):
    c = lax.axis_index("c")
    s = lax.axis_index("s")
    nch = ECH // (NC * NS)
    w = c * NS + s
    pltpu.sync_copy(zerosF, rows2.at[0])
    for k in range(ZR // CH):
        pltpu.sync_copy(rows2.at[0], acc_sh.at[pl.ds(s * ZR + k * CH, CH)])
    pltpu.sync_copy(srcp.at[pl.ds(w * nch, nch)], idx2d)
    pltpu.sync_copy(dstp.at[pl.ds(w * nch, nch)], dst2d)
    plsc.subcore_barrier()

    _pipelined_segsum(table, idx2d, dst2d, rows2, acc_sh, sem_g, sem_s)

    plsc.subcore_barrier()
    for k in range(ZR // CH):
        sl = pl.ds(s * ZR + k * CH, CH)
        pltpu.sync_copy(acc_sh.at[sl], rows2.at[0])

        @pl.when(c == 0)
        def _():
            pltpu.sync_copy(rows2.at[0], p0.at[sl])

        @pl.when(c == 1)
        def _():
            pltpu.sync_copy(rows2.at[0], p1.at[sl])


BM = 1000


def _tc_layer1_body(x_ref, aggL_ref, aggR_ref, cnt_ref,
                    w1s_ref, w1nL_ref, w1nR_ref, b1_ref, w2s_ref, w2n_ref,
                    s_ref, t_ref, sums_ref, acc_ref):
    i = pl.program_id(0)
    bf = jnp.bfloat16
    c1 = jnp.maximum(cnt_ref[:, 0:1], 1.0)
    aL = (aggL_ref[...] / c1).astype(bf)
    aR = (aggR_ref[...] / c1).astype(bf)
    h = jnp.dot(x_ref[...].astype(bf), w1s_ref[...].astype(bf),
                preferred_element_type=jnp.float32)
    h = h + jnp.dot(aL, w1nL_ref[...].astype(bf),
                    preferred_element_type=jnp.float32)
    h = h + jnp.dot(aR, w1nR_ref[...].astype(bf),
                    preferred_element_type=jnp.float32)
    h = h + b1_ref[...]
    h = jnp.maximum(h, 0.0)
    hb = h.astype(bf)
    s_ref[...] = jnp.dot(hb, w2s_ref[...].astype(bf),
                         preferred_element_type=jnp.float32)
    t_ref[...] = jnp.dot(hb, w2n_ref[...].astype(bf),
                         preferred_element_type=jnp.float32)
    bsum = jnp.sum(h)
    bsq = jnp.sum(h * h)

    @pl.when(i == 0)
    def _():
        acc_ref[0] = bsum
        acc_ref[1] = bsq

    @pl.when(i > 0)
    def _():
        acc_ref[0] += bsum
        acc_ref[1] += bsq

    @pl.when(i == pl.num_programs(0) - 1)
    def _():
        sums_ref[0, 0] = acc_ref[0]
        sums_ref[0, 1] = acc_ref[1]


def _tc_layer2_body(s_ref, p0_ref, p1_ref, cnt_ref,
                    sums_ref, w2s_ref, w2n_ref, b2_ref, out_ref):
    tot = float(N * D_H)
    ssum = sums_ref[0, 0]
    ssq = sums_ref[0, 1]
    mu = ssum / tot
    var = ssq / tot - mu * mu
    inv = 1.0 / jnp.sqrt(var + 1e-5)
    cs_self = jnp.sum(w2s_ref[...], axis=0, keepdims=True)
    cs_neigh = jnp.sum(w2n_ref[...], axis=0, keepdims=True)
    seg = p0_ref[...] + p1_ref[...]
    c2 = cnt_ref[:, 0:1]
    denom = jnp.maximum(c2, 1.0)
    aggterm = (seg - (c2 * mu) * cs_neigh) / denom
    out_ref[...] = (s_ref[...] - mu * cs_self + aggterm) * inv + b2_ref[...]


def kernel(x, edge_index, edge_index2, W1_self, W1_neigh, b1,
           W2_self, W2_neigh, b2, num_bits, num_grad_bits):
    f32 = jnp.float32
    xflat = jnp.concatenate([x[:, :128], x[:, 128:]], axis=0)
    pad = EP - E
    pidx = jnp.arange(pad, dtype=jnp.int32)
    psrc = pidx % N
    pdst = N + (pidx % 16)
    src1p = jnp.concatenate([edge_index[0], psrc]).reshape(ECH, CH)
    dst1p = jnp.concatenate([edge_index[1], pdst]).reshape(ECH, CH)
    src2p = jnp.concatenate([edge_index2[0], psrc]).reshape(ECH, CH)
    dst2p = jnp.concatenate([edge_index2[1], pdst]).reshape(ECH, CH)
    src1hi = src1p + N
    zerosF = jnp.zeros((CH, 128), f32)
    onesF = jnp.ones((CH, 128), f32)

    cnt1, cnt2 = _sc_counts(dst1p, dst2p, zerosF, onesF)
    aggL, aggR = _sc_segsum_feat_split(xflat, src1p, src1hi, dst1p, zerosF)

    grid = N // BM
    full = lambda shape: pl.BlockSpec(shape, lambda i: (0, 0))
    row_blk = lambda w: pl.BlockSpec((BM, w), lambda i: (i, 0))
    S, T, sums = pl.pallas_call(
        _tc_layer1_body,
        grid=(grid,),
        in_specs=[
            row_blk(D_IN), row_blk(128), row_blk(128), row_blk(128),
            full((D_IN, D_H)), full((128, D_H)), full((128, D_H)),
            full((1, D_H)), full((D_H, D_OUT)), full((D_H, D_OUT)),
        ],
        out_specs=[
            row_blk(D_OUT), row_blk(D_OUT),
            pl.BlockSpec(memory_space=pltpu.SMEM),
        ],
        out_shape=[
            jax.ShapeDtypeStruct((N, D_OUT), f32),
            jax.ShapeDtypeStruct((N, D_OUT), f32),
            jax.ShapeDtypeStruct((1, 2), f32),
        ],
        scratch_shapes=[pltpu.SMEM((2,), f32)],
    )(x, aggL, aggR, cnt1,
      W1_self, W1_neigh[:128], W1_neigh[128:], b1.reshape(1, D_H),
      W2_self, W2_neigh)

    p0, p1 = _sc_segsum_edge_split(T, src2p, dst2p, zerosF)

    out = pl.pallas_call(
        _tc_layer2_body,
        grid=(grid,),
        in_specs=[
            row_blk(D_OUT), row_blk(D_OUT), row_blk(D_OUT), row_blk(128),
            pl.BlockSpec(memory_space=pltpu.SMEM),
            full((D_H, D_OUT)), full((D_H, D_OUT)), full((1, D_OUT)),
        ],
        out_specs=row_blk(D_OUT),
        out_shape=jax.ShapeDtypeStruct((N, D_OUT), f32),
    )(S, p0, p1, cnt2, sums, W2_self, W2_neigh, b2.reshape(1, D_OUT))

    return out

# --- scband reference (transcript-rebuilt; emitter-appended) ---
"""Pipeline reference for scband-qgraph-sage-75350906241116 (READ-ONLY COPY).

The authoritative reference and input builder live on the scoring server;
editing this copy changes nothing except your own understanding.
"""

import jax, jax.numpy as jnp
import numpy as np

N = 10000
E = 160000
D_IN = 256
D_H = 512
D_OUT = 128


def setup_inputs(seed: int = 0) -> dict:
    key = jax.random.key(seed)
    ks = jax.random.split(key, 10)
    x = jax.random.normal(ks[0], (N, D_IN), dtype=jnp.float32)
    edge_index = jax.random.randint(ks[1], (2, E), 0, N, dtype=jnp.int32)
    edge_index2 = jax.random.randint(ks[2], (2, E), 0, N, dtype=jnp.int32)
    # SAGEConv parameters: W_neigh (aggregated neighbors) and W_self (dst/root), plus bias
    s1 = 1.0 / np.sqrt(D_IN)
    s2 = 1.0 / np.sqrt(D_H)
    W1_self = jax.random.uniform(ks[3], (D_IN, D_H), dtype=jnp.float32, minval=-s1, maxval=s1)
    W1_neigh = jax.random.uniform(ks[4], (D_IN, D_H), dtype=jnp.float32, minval=-s1, maxval=s1)
    b1 = jnp.zeros((D_H,), dtype=jnp.float32)
    W2_self = jax.random.uniform(ks[5], (D_H, D_OUT), dtype=jnp.float32, minval=-s2, maxval=s2)
    W2_neigh = jax.random.uniform(ks[6], (D_H, D_OUT), dtype=jnp.float32, minval=-s2, maxval=s2)
    b2 = jnp.zeros((D_OUT,), dtype=jnp.float32)
    return {
        "x": x,
        "edge_index": edge_index,
        "edge_index2": edge_index2,
        "W1_self": W1_self,
        "W1_neigh": W1_neigh,
        "b1": b1,
        "W2_self": W2_self,
        "W2_neigh": W2_neigh,
        "b2": b2,
        "num_bits": 8,
        "num_grad_bits": 8,
    }


def _sage_conv(x_src, x_dst, edge_index, W_self, W_neigh, b):
    # GraphSAGE mean aggregator: gather src features, scatter-mean into dst,
    # then dense transforms for self and neighbor paths.
    src = edge_index[0]
    dst = edge_index[1]
    msgs = jnp.take(x_src, src, axis=0)
    n_dst = x_dst.shape[0]
    agg = jax.ops.segment_sum(msgs, dst, num_segments=n_dst)
    cnt = jax.ops.segment_sum(jnp.ones((src.shape[0],), jnp.float32), dst, num_segments=n_dst)
    agg = agg / jnp.clip(cnt, 1.0, None)[:, None]
    return x_dst @ W_self + agg @ W_neigh + b


def _global_layer_norm(h, eps=1e-5):
    # F.layer_norm(h, h.shape): normalize over the ENTIRE tensor, no affine
    mu = jnp.mean(h)
    var = jnp.var(h)
    return (h - mu) / jnp.sqrt(var + eps)


def reference(x, edge_index, edge_index2, W1_self, W1_neigh, b1, W2_self, W2_neigh, b2, num_bits, num_grad_bits):
    # num_bits / num_grad_bits control fake-quantization in SAGEQConv; with
    # full-precision semantics (quant_agg=False) they are numeric no-ops.
    h = _sage_conv(x, x, edge_index, W1_self, W1_neigh, b1)
    h = jax.nn.relu(h)
    h = _global_layer_norm(h)
    # dropout is identity in eval mode
    h = _sage_conv(h, h, edge_index2, W2_self, W2_neigh, b2)
    return h

if __name__ == "__main__":
    import jax
    _d = setup_inputs()
    print(jax.jit(kernel)(*tuple(_d.values())))

</pallas_src>

<mosaic_0001>
#map = affine_map<(d0, d1) -> (0, 0)>
module attributes {stable_mosaic.version = 14 : i64} {
  func.func @_sc_segsum_feat_split(%arg0: i32, %arg1: i32, %arg2: memref<20000x128xf32, #tpu.memory_space<hbm>>, %arg3: memref<1280x128xi32, #tpu.memory_space<hbm>>, %arg4: memref<1280x128xi32, #tpu.memory_space<hbm>>, %arg5: memref<1280x128xi32, #tpu.memory_space<hbm>>, %arg6: memref<128x128xf32, #tpu.memory_space<hbm>>, %arg7: memref<10240x128xf32, #tpu.memory_space<hbm>>, %arg8: memref<10240x128xf32, #tpu.memory_space<hbm>>, %arg9: memref<40x128xi32, #tpu.memory_space<vmem>>, %arg10: memref<40x128xi32, #tpu.memory_space<vmem>>, %arg11: memref<2x128x128xf32, #tpu.memory_space<vmem>>, %arg12: memref<10240x128xf32, #tpu.memory_space<vmem_shared>>, %arg13: memref<!tpu.dma_semaphore, #tpu.memory_space<semaphore_mem>>, %arg14: memref<!tpu.dma_semaphore, #tpu.memory_space<semaphore_mem>>) attributes {dimension_semantics = [#tpu.dimension_semantics<core_parallel>, #tpu.dimension_semantics<subcore_parallel>], iteration_bounds = array<i64: 2, 16>, scalar_prefetch = 0 : i64, scratch_operands = 6 : i64, tpu.core_type = #tpu.core_type<sc_vector_subcore>, window_params = [{transform_indices = #map}, {transform_indices = #map}, {transform_indices = #map}, {transform_indices = #map}, {transform_indices = #map}, {transform_indices = #map}, {transform_indices = #map}]} {
    %run_scoped3A = arith.constant 0 : i32
    "tpu.region"() ({
      %run_scoped3A_181 = tpu.sem_alloc : memref<!tpu.dma_semaphore, #tpu.memory_space<semaphore_mem>>
      %dma_start3A_182 = arith.constant 0 : i32
      %dma_start3A_183 = arith.constant 0 : i32
      %dma_start3A_184 = tpu.memref_slice %arg11[%run_scoped3A, %dma_start3A_182, %dma_start3A_183] : memref<2x128x128xf32, #tpu.memory_space<vmem>> -> memref<1x128x128xf32, #tpu.memory_space<vmem>>
      %dma_start3A_185 = tpu.memref_squeeze %dma_start3A_184 : memref<1x128x128xf32, #tpu.memory_space<vmem>> -> memref<128x128xf32, #tpu.memory_space<vmem>>
      %dma_start3A_186 = arith.constant 0 : i32
      %dma_start3A_187 = arith.constant 0 : i32
      %dma_start3A_188 = tpu.memref_slice %arg11[%run_scoped3A, %dma_start3A_186, %dma_start3A_187] : memref<2x128x128xf32, #tpu.memory_space<vmem>> -> memref<1x128x128xf32, #tpu.memory_space<vmem>>
      %dma_start3A_189 = tpu.memref_squeeze %dma_start3A_188 : memref<1x128x128xf32, #tpu.memory_space<vmem>> -> memref<128x128xf32, #tpu.memory_space<vmem>>
      tpu.enqueue_dma source(%arg6 : memref<128x128xf32, #tpu.memory_space<hbm>>) target(%dma_start3A_189 : memref<128x128xf32, #tpu.memory_space<vmem>>) target_semaphore(%run_scoped3A_181 : memref<!tpu.dma_semaphore, #tpu.memory_space<semaphore_mem>>)
      %dma_wait3A_190 = arith.constant 0 : i32
      %dma_wait3A_191 = arith.constant 0 : i32
      %dma_wait3A_192 = tpu.memref_slice %arg11[%run_scoped3A, %dma_wait3A_190, %dma_wait3A_191] : memref<2x128x128xf32, #tpu.memory_space<vmem>> -> memref<1x128x128xf32, #tpu.memory_space<vmem>>
      %dma_wait3A_193 = tpu.memref_squeeze %dma_wait3A_192 : memref<1x128x128xf32, #tpu.memory_space<vmem>> -> memref<128x128xf32, #tpu.memory_space<vmem>>
      %dma_wait3A_194 = arith.constant 0 : i32
      %dma_wait3A_195 = arith.constant 0 : i32
      %dma_wait3A_196 = tpu.memref_slice %arg11[%run_scoped3A, %dma_wait3A_194, %dma_wait3A_195] : memref<2x128x128xf32, #tpu.memory_space<vmem>> -> memref<1x128x128xf32, #tpu.memory_space<vmem>>
      %dma_wait3A_197 = tpu.memref_squeeze %dma_wait3A_196 : memref<1x128x128xf32, #tpu.memory_space<vmem>> -> memref<128x128xf32, #tpu.memory_space<vmem>>
      tpu.wait_dma2 semaphore(%run_scoped3A_181 : memref<!tpu.dma_semaphore, #tpu.memory_space<semaphore_mem>>) src(%arg6 : memref<128x128xf32, #tpu.memory_space<hbm>>) dst(%dma_wait3A_197 : memref<128x128xf32, #tpu.memory_space<vmem>>)
      tpu.yield
    }) : () -> ()
    %mul3A = arith.constant 640 : i32
    %mul3A_0 = arith.muli %arg1, %mul3A : i32
    %add3A = arith.constant 0 : i32
    %add3A_1 = arith.addi %mul3A_0, %add3A : i32
    %run_scoped3A_2 = arith.constant 0 : i32
    "tpu.region"() ({
      %run_scoped3A_181 = tpu.sem_alloc : memref<!tpu.dma_semaphore, #tpu.memory_space<semaphore_mem>>
      %dma_start3A_182 = arith.constant 0 : i32
      %dma_start3A_183 = arith.constant 0 : i32
      %dma_start3A_184 = tpu.memref_slice %arg11[%run_scoped3A_2, %dma_start3A_182, %dma_start3A_183] : memref<2x128x128xf32, #tpu.memory_space<vmem>> -> memref<1x128x128xf32, #tpu.memory_space<vmem>>
      %dma_start3A_185 = tpu.memref_squeeze %dma_start3A_184 : memref<1x128x128xf32, #tpu.memory_space<vmem>> -> memref<128x128xf32, #tpu.memory_space<vmem>>
      %dma_start3A_186 = arith.constant 0 : i32
      %dma_start3A_187 = tpu.memref_slice %arg12[%add3A_1, %dma_start3A_186] : memref<10240x128xf32, #tpu.memory_space<vmem_shared>> -> memref<128x128xf32, #tpu.memory_space<vmem_shared>>
      %dma_start3A_188 = arith.constant 0 : i32
      %dma_start3A_189 = tpu.memref_slice %arg12[%add3A_1, %dma_start3A_188] : memref<10240x128xf32, #tpu.memory_space<vmem_shared>> -> memref<128x128xf32, #tpu.memory_space<vmem_shared>>
      %dma_start3A_190 = arith.constant 0 : i32
      %dma_start3A_191 = arith.constant 0 : i32
      %dma_start3A_192 = tpu.memref_slice %arg11[%run_scoped3A_2, %dma_start3A_190, %dma_start3A_191] : memref<2x128x128xf32, #tpu.memory_space<vmem>> -> memref<1x128x128xf32, #tpu.memory_space<vmem>>
      %dma_start3A_193 = tpu.memref_squeeze %dma_start3A_192 : memref<1x128x128xf32, #tpu.memory_space<vmem>> -> memref<128x128xf32, #tpu.memory_space<vmem>>
      tpu.enqueue_dma source(%dma_start3A_193 : memref<128x128xf32, #tpu.memory_space<vmem>>) target(%dma_start3A_189 : memref<128x128xf32, #tpu.memory_space<vmem_shared>>) target_semaphore(%run_scoped3A_181 : memref<!tpu.dma_semaphore, #tpu.memory_space<semaphore_mem>>)
      %dma_wait3A_194 = arith.constant 0 : i32
      %dma_wait3A_195 = arith.constant 0 : i32
      %dma_wait3A_196 = tpu.memref_slice %arg11[%run_scoped3A_2, %dma_wait3A_194, %dma_wait3A_195] : memref<2x128x128xf32, #tpu.memory_space<vmem>> -> memref<1x128x128xf32, #tpu.memory_space<vmem>>
      %dma_wait3A_197 = tpu.memref_squeeze %dma_wait3A_196 : memref<1x128x128xf32, #tpu.memory_space<vmem>> -> memref<128x128xf32, #tpu.memory_space<vmem>>
      %dma_wait3A_198 = arith.constant 0 : i32
      %dma_wait3A_199 = tpu.memref_slice %arg12[%add3A_1, %dma_wait3A_198] : memref<10240x128xf32, #tpu.memory_space<vmem_shared>> -> memref<128x128xf32, #tpu.memory_space<vmem_shared>>
      %dma_wait3A_200 = arith.constant 0 : i32
      %dma_wait3A_201 = tpu.memref_slice %arg12[%add3A_1, %dma_wait3A_200] : memref<10240x128xf32, #tpu.memory_space<vmem_shared>> -> memref<128x128xf32, #tpu.memory_space<vmem_shared>>
      %dma_wait3A_202 = arith.constant 0 : i32
      %dma_wait3A_203 = arith.constant 0 : i32
      %dma_wait3A_204 = tpu.memref_slice %arg11[%run_scoped3A_2, %dma_wait3A_202, %dma_wait3A_203] : memref<2x128x128xf32, #tpu.memory_space<vmem>> -> memref<1x128x128xf32, #tpu.memory_space<vmem>>
      %dma_wait3A_205 = tpu.memref_squeeze %dma_wait3A_204 : memref<1x128x128xf32, #tpu.memory_space<vmem>> -> memref<128x128xf32, #tpu.memory_space<vmem>>
      tpu.wait_dma2 semaphore(%run_scoped3A_181 : memref<!tpu.dma_semaphore, #tpu.memory_space<semaphore_mem>>) src(%dma_wait3A_205 : memref<128x128xf32, #tpu.memory_space<vmem>>) dst(%dma_wait3A_201 : memref<128x128xf32, #tpu.memory_space<vmem_shared>>)
      tpu.yield
    }) : () -> ()
    %mul3A_3 = arith.constant 640 : i32
    %mul3A_4 = arith.muli %arg1, %mul3A_3 : i32
    %add3A_5 = arith.constant 128 : i32
    %add3A_6 = arith.addi %mul3A_4, %add3A_5 : i32
    %run_scoped3A_7 = arith.constant 0 : i32
    "tpu.region"() ({
      %run_scoped3A_181 = tpu.sem_alloc : memref<!tpu.dma_semaphore, #tpu.memory_space<semaphore_mem>>
      %dma_start3A_182 = arith.constant 0 : i32
      %dma_start3A_183 = arith.constant 0 : i32
      %dma_start3A_184 = tpu.memref_slice %arg11[%run_scoped3A_7, %dma_start3A_182, %dma_start3A_183] : memref<2x128x128xf32, #tpu.memory_space<vmem>> -> memref<1x128x128xf32, #tpu.memory_space<vmem>>
      %dma_start3A_185 = tpu.memref_squeeze %dma_start3A_184 : memref<1x128x128xf32, #tpu.memory_space<vmem>> -> memref<128x128xf32, #tpu.memory_space<vmem>>
      %dma_start3A_186 = arith.constant 0 : i32
      %dma_start3A_187 = tpu.memref_slice %arg12[%add3A_6, %dma_start3A_186] : memref<10240x128xf32, #tpu.memory_space<vmem_shared>> -> memref<128x128xf32, #tpu.memory_space<vmem_shared>>
      %dma_start3A_188 = arith.constant 0 : i32
      %dma_start3A_189 = tpu.memref_slice %arg12[%add3A_6, %dma_start3A_188] : memref<10240x128xf32, #tpu.memory_space<vmem_shared>> -> memref<128x128xf32, #tpu.memory_space<vmem_shared>>
      %dma_start3A_190 = arith.constant 0 : i32
      %dma_start3A_191 = arith.constant 0 : i32
      %dma_start3A_192 = tpu.memref_slice %arg11[%run_scoped3A_7, %dma_start3A_190, %dma_start3A_191] : memref<2x128x128xf32, #tpu.memory_space<vmem>> -> memref<1x128x128xf32, #tpu.memory_space<vmem>>
      %dma_start3A_193 = tpu.memref_squeeze %dma_start3A_192 : memref<1x128x128xf32, #tpu.memory_space<vmem>> -> memref<128x128xf32, #tpu.memory_space<vmem>>
      tpu.enqueue_dma source(%dma_start3A_193 : memref<128x128xf32, #tpu.memory_space<vmem>>) target(%dma_start3A_189 : memref<128x128xf32, #tpu.memory_space<vmem_shared>>) target_semaphore(%run_scoped3A_181 : memref<!tpu.dma_semaphore, #tpu.memory_space<semaphore_mem>>)
      %dma_wait3A_194 = arith.constant 0 : i32
      %dma_wait3A_195 = arith.constant 0 : i32
      %dma_wait3A_196 = tpu.memref_slice %arg11[%run_scoped3A_7, %dma_wait3A_194, %dma_wait3A_195] : memref<2x128x128xf32, #tpu.memory_space<vmem>> -> memref<1x128x128xf32, #tpu.memory_space<vmem>>
      %dma_wait3A_197 = tpu.memref_squeeze %dma_wait3A_196 : memref<1x128x128xf32, #tpu.memory_space<vmem>> -> memref<128x128xf32, #tpu.memory_space<vmem>>
      %dma_wait3A_198 = arith.constant 0 : i32
      %dma_wait3A_199 = tpu.memref_slice %arg12[%add3A_6, %dma_wait3A_198] : memref<10240x128xf32, #tpu.memory_space<vmem_shared>> -> memref<128x128xf32, #tpu.memory_space<vmem_shared>>
      %dma_wait3A_200 = arith.constant 0 : i32
      %dma_wait3A_201 = tpu.memref_slice %arg12[%add3A_6, %dma_wait3A_200] : memref<10240x128xf32, #tpu.memory_space<vmem_shared>> -> memref<128x128xf32, #tpu.memory_space<vmem_shared>>
      %dma_wait3A_202 = arith.constant 0 : i32
      %dma_wait3A_203 = arith.constant 0 : i32
      %dma_wait3A_204 = tpu.memref_slice %arg11[%run_scoped3A_7, %dma_wait3A_202, %dma_wait3A_203] : memref<2x128x128xf32, #tpu.memory_space<vmem>> -> memref<1x128x128xf32, #tpu.memory_space<vmem>>
      %dma_wait3A_205 = tpu.memref_squeeze %dma_wait3A_204 : memref<1x128x128xf32, #tpu.memory_space<vmem>> -> memref<128x128xf32, #tpu.memory_space<vmem>>
      tpu.wait_dma2 semaphore(%run_scoped3A_181 : memref<!tpu.dma_semaphore, #tpu.memory_space<semaphore_mem>>) src(%dma_wait3A_205 : memref<128x128xf32, #tpu.memory_space<vmem>>) dst(%dma_wait3A_201 : memref<128x128xf32, #tpu.memory_space<vmem_shared>>)
      tpu.yield
    }) : () -> ()
    %mul3A_8 = arith.constant 640 : i32
    %mul3A_9 = arith.muli %arg1, %mul3A_8 : i32
    %add3A_10 = arith.constant 256 : i32
    %add3A_11 = arith.addi %mul3A_9, %add3A_10 : i32
    %run_scoped3A_12 = arith.constant 0 : i32
    "tpu.region"() ({
      %run_scoped3A_181 = tpu.sem_alloc : memref<!tpu.dma_semaphore, #tpu.memory_space<semaphore_mem>>
      %dma_start3A_182 = arith.constant 0 : i32
      %dma_start3A_183 = arith.constant 0 : i32
      %dma_start3A_184 = tpu.memref_slice %arg11[%run_scoped3A_12, %dma_start3A_182, %dma_start3A_183] : memref<2x128x128xf32, #tpu.memory_space<vmem>> -> memref<1x128x128xf32, #tpu.memory_space<vmem>>
      %dma_start3A_185 = tpu.memref_squeeze %dma_start3A_184 : memref<1x128x128xf32, #tpu.memory_space<vmem>> -> memref<128x128xf32, #tpu.memory_space<vmem>>
      %dma_start3A_186 = arith.constant 0 : i32
      %dma_start3A_187 = tpu.memref_slice %arg12[%add3A_11, %dma_start3A_186] : memref<10240x128xf32, #tpu.memory_space<vmem_shared>> -> memref<128x128xf32, #tpu.memory_space<vmem_shared>>
      %dma_start3A_188 = arith.constant 0 : i32
      %dma_start3A_189 = tpu.memref_slice %arg12[%add3A_11, %dma_start3A_188] : memref<10240x128xf32, #tpu.memory_space<vmem_shared>> -> memref<128x128xf32, #tpu.memory_space<vmem_shared>>
      %dma_start3A_190 = arith.constant 0 : i32
      %dma_start3A_191 = arith.constant 0 : i32
      %dma_start3A_192 = tpu.memref_slice %arg11[%run_scoped3A_12, %dma_start3A_190, %dma_start3A_191] : memref<2x128x128xf32, #tpu.memory_space<vmem>> -> memref<1x128x128xf32, #tpu.memory_space<vmem>>
      %dma_start3A_193 = tpu.memref_squeeze %dma_start3A_192 : memref<1x128x128xf32, #tpu.memory_space<vmem>> -> memref<128x128xf32, #tpu.memory_space<vmem>>
      tpu.enqueue_dma source(%dma_start3A_193 : memref<128x128xf32, #tpu.memory_space<vmem>>) target(%dma_start3A_189 : memref<128x128xf32, #tpu.memory_space<vmem_shared>>) target_semaphore(%run_scoped3A_181 : memref<!tpu.dma_semaphore, #tpu.memory_space<semaphore_mem>>)
      %dma_wait3A_194 = arith.constant 0 : i32
      %dma_wait3A_195 = arith.constant 0 : i32
      %dma_wait3A_196 = tpu.memref_slice %arg11[%run_scoped3A_12, %dma_wait3A_194, %dma_wait3A_195] : memref<2x128x128xf32, #tpu.memory_space<vmem>> -> memref<1x128x128xf32, #tpu.memory_space<vmem>>
      %dma_wait3A_197 = tpu.memref_squeeze %dma_wait3A_196 : memref<1x128x128xf32, #tpu.memory_space<vmem>> -> memref<128x128xf32, #tpu.memory_space<vmem>>
      %dma_wait3A_198 = arith.constant 0 : i32
      %dma_wait3A_199 = tpu.memref_slice %arg12[%add3A_11, %dma_wait3A_198] : memref<10240x128xf32, #tpu.memory_space<vmem_shared>> -> memref<128x128xf32, #tpu.memory_space<vmem_shared>>
      %dma_wait3A_200 = arith.constant 0 : i32
      %dma_wait3A_201 = tpu.memref_slice %arg12[%add3A_11, %dma_wait3A_200] : memref<10240x128xf32, #tpu.memory_space<vmem_shared>> -> memref<128x128xf32, #tpu.memory_space<vmem_shared>>
      %dma_wait3A_202 = arith.constant 0 : i32
      %dma_wait3A_203 = arith.constant 0 : i32
      %dma_wait3A_204 = tpu.memref_slice %arg11[%run_scoped3A_12, %dma_wait3A_202, %dma_wait3A_203] : memref<2x128x128xf32, #tpu.memory_space<vmem>> -> memref<1x128x128xf32, #tpu.memory_space<vmem>>
      %dma_wait3A_205 = tpu.memref_squeeze %dma_wait3A_204 : memref<1x128x128xf32, #tpu.memory_space<vmem>> -> memref<128x128xf32, #tpu.memory_space<vmem>>
      tpu.wait_dma2 semaphore(%run_scoped3A_181 : memref<!tpu.dma_semaphore, #tpu.memory_space<semaphore_mem>>) src(%dma_wait3A_205 : memref<128x128xf32, #tpu.memory_space<vmem>>) dst(%dma_wait3A_201 : memref<128x128xf32, #tpu.memory_space<vmem_shared>>)
      tpu.yield
    }) : () -> ()
    %mul3A_13 = arith.constant 640 : i32
    %mul3A_14 = arith.muli %arg1, %mul3A_13 : i32
    %add3A_15 = arith.constant 384 : i32
    %add3A_16 = arith.addi %mul3A_14, %add3A_15 : i32
    %run_scoped3A_17 = arith.constant 0 : i32
    "tpu.region"() ({
      %run_scoped3A_181 = tpu.sem_alloc : memref<!tpu.dma_semaphore, #tpu.memory_space<semaphore_mem>>
      %dma_start3A_182 = arith.constant 0 : i32
      %dma_start3A_183 = arith.constant 0 : i32
      %dma_start3A_184 = tpu.memref_slice %arg11[%run_scoped3A_17, %dma_start3A_182, %dma_start3A_183] : memref<2x128x128xf32, #tpu.memory_space<vmem>> -> memref<1x128x128xf32, #tpu.memory_space<vmem>>
      %dma_start3A_185 = tpu.memref_squeeze %dma_start3A_184 : memref<1x128x128xf32, #tpu.memory_space<vmem>> -> memref<128x128xf32, #tpu.memory_space<vmem>>
      %dma_start3A_186 = arith.constant 0 : i32
      %dma_start3A_187 = tpu.memref_slice %arg12[%add3A_16, %dma_start3A_186] : memref<10240x128xf32, #tpu.memory_space<vmem_shared>> -> memref<128x128xf32, #tpu.memory_space<vmem_shared>>
      %dma_start3A_188 = arith.constant 0 : i32
      %dma_start3A_189 = tpu.memref_slice %arg12[%add3A_16, %dma_start3A_188] : memref<10240x128xf32, #tpu.memory_space<vmem_shared>> -> memref<128x128xf32, #tpu.memory_space<vmem_shared>>
      %dma_start3A_190 = arith.constant 0 : i32
      %dma_start3A_191 = arith.constant 0 : i32
      %dma_start3A_192 = tpu.memref_slice %arg11[%run_scoped3A_17, %dma_start3A_190, %dma_start3A_191] : memref<2x128x128xf32, #tpu.memory_space<vmem>> -> memref<1x128x128xf32, #tpu.memory_space<vmem>>
      %dma_start3A_193 = tpu.memref_squeeze %dma_start3A_192 : memref<1x128x128xf32, #tpu.memory_space<vmem>> -> memref<128x128xf32, #tpu.memory_space<vmem>>
      tpu.enqueue_dma source(%dma_start3A_193 : memref<128x128xf32, #tpu.memory_space<vmem>>) target(%dma_start3A_189 : memref<128x128xf32, #tpu.memory_space<vmem_shared>>) target_semaphore(%run_scoped3A_181 : memref<!tpu.dma_semaphore, #tpu.memory_space<semaphore_mem>>)
      %dma_wait3A_194 = arith.constant 0 : i32
      %dma_wait3A_195 = arith.constant 0 : i32
      %dma_wait3A_196 = tpu.memref_slice %arg11[%run_scoped3A_17, %dma_wait3A_194, %dma_wait3A_195] : memref<2x128x128xf32, #tpu.memory_space<vmem>> -> memref<1x128x128xf32, #tpu.memory_space<vmem>>
      %dma_wait3A_197 = tpu.memref_squeeze %dma_wait3A_196 : memref<1x128x128xf32, #tpu.memory_space<vmem>> -> memref<128x128xf32, #tpu.memory_space<vmem>>
      %dma_wait3A_198 = arith.constant 0 : i32
      %dma_wait3A_199 = tpu.memref_slice %arg12[%add3A_16, %dma_wait3A_198] : memref<10240x128xf32, #tpu.memory_space<vmem_shared>> -> memref<128x128xf32, #tpu.memory_space<vmem_shared>>
      %dma_wait3A_200 = arith.constant 0 : i32
      %dma_wait3A_201 = tpu.memref_slice %arg12[%add3A_16, %dma_wait3A_200] : memref<10240x128xf32, #tpu.memory_space<vmem_shared>> -> memref<128x128xf32, #tpu.memory_space<vmem_shared>>
      %dma_wait3A_202 = arith.constant 0 : i32
      %dma_wait3A_203 = arith.constant 0 : i32
      %dma_wait3A_204 = tpu.memref_slice %arg11[%run_scoped3A_17, %dma_wait3A_202, %dma_wait3A_203] : memref<2x128x128xf32, #tpu.memory_space<vmem>> -> memref<1x128x128xf32, #tpu.memory_space<vmem>>
      %dma_wait3A_205 = tpu.memref_squeeze %dma_wait3A_204 : memref<1x128x128xf32, #tpu.memory_space<vmem>> -> memref<128x128xf32, #tpu.memory_space<vmem>>
      tpu.wait_dma2 semaphore(%run_scoped3A_181 : memref<!tpu.dma_semaphore, #tpu.memory_space<semaphore_mem>>) src(%dma_wait3A_205 : memref<128x128xf32, #tpu.memory_space<vmem>>) dst(%dma_wait3A_201 : memref<128x128xf32, #tpu.memory_space<vmem_shared>>)
      tpu.yield
    }) : () -> ()
    %mul3A_18 = arith.constant 640 : i32
    %mul3A_19 = arith.muli %arg1, %mul3A_18 : i32
    %add3A_20 = arith.constant 512 : i32
    %add3A_21 = arith.addi %mul3A_19, %add3A_20 : i32
    %run_scoped3A_22 = arith.constant 0 : i32
    "tpu.region"() ({
      %run_scoped3A_181 = tpu.sem_alloc : memref<!tpu.dma_semaphore, #tpu.memory_space<semaphore_mem>>
      %dma_start3A_182 = arith.constant 0 : i32
      %dma_start3A_183 = arith.constant 0 : i32
      %dma_start3A_184 = tpu.memref_slice %arg11[%run_scoped3A_22, %dma_start3A_182, %dma_start3A_183] : memref<2x128x128xf32, #tpu.memory_space<vmem>> -> memref<1x128x128xf32, #tpu.memory_space<vmem>>
      %dma_start3A_185 = tpu.memref_squeeze %dma_start3A_184 : memref<1x128x128xf32, #tpu.memory_space<vmem>> -> memref<128x128xf32, #tpu.memory_space<vmem>>
      %dma_start3A_186 = arith.constant 0 : i32
      %dma_start3A_187 = tpu.memref_slice %arg12[%add3A_21, %dma_start3A_186] : memref<10240x128xf32, #tpu.memory_space<vmem_shared>> -> memref<128x128xf32, #tpu.memory_space<vmem_shared>>
      %dma_start3A_188 = arith.constant 0 : i32
      %dma_start3A_189 = tpu.memref_slice %arg12[%add3A_21, %dma_start3A_188] : memref<10240x128xf32, #tpu.memory_space<vmem_shared>> -> memref<128x128xf32, #tpu.memory_space<vmem_shared>>
      %dma_start3A_190 = arith.constant 0 : i32
      %dma_start3A_191 = arith.constant 0 : i32
      %dma_start3A_192 = tpu.memref_slice %arg11[%run_scoped3A_22, %dma_start3A_190, %dma_start3A_191] : memref<2x128x128xf32, #tpu.memory_space<vmem>> -> memref<1x128x128xf32, #tpu.memory_space<vmem>>
      %dma_start3A_193 = tpu.memref_squeeze %dma_start3A_192 : memref<1x128x128xf32, #tpu.memory_space<vmem>> -> memref<128x128xf32, #tpu.memory_space<vmem>>
      tpu.enqueue_dma source(%dma_start3A_193 : memref<128x128xf32, #tpu.memory_space<vmem>>) target(%dma_start3A_189 : memref<128x128xf32, #tpu.memory_space<vmem_shared>>) target_semaphore(%run_scoped3A_181 : memref<!tpu.dma_semaphore, #tpu.memory_space<semaphore_mem>>)
      %dma_wait3A_194 = arith.constant 0 : i32
      %dma_wait3A_195 = arith.constant 0 : i32
      %dma_wait3A_196 = tpu.memref_slice %arg11[%run_scoped3A_22, %dma_wait3A_194, %dma_wait3A_195] : memref<2x128x128xf32, #tpu.memory_space<vmem>> -> memref<1x128x128xf32, #tpu.memory_space<vmem>>
      %dma_wait3A_197 = tpu.memref_squeeze %dma_wait3A_196 : memref<1x128x128xf32, #tpu.memory_space<vmem>> -> memref<128x128xf32, #tpu.memory_space<vmem>>
      %dma_wait3A_198 = arith.constant 0 : i32
      %dma_wait3A_199 = tpu.memref_slice %arg12[%add3A_21, %dma_wait3A_198] : memref<10240x128xf32, #tpu.memory_space<vmem_shared>> -> memref<128x128xf32, #tpu.memory_space<vmem_shared>>
      %dma_wait3A_200 = arith.constant 0 : i32
      %dma_wait3A_201 = tpu.memref_slice %arg12[%add3A_21, %dma_wait3A_200] : memref<10240x128xf32, #tpu.memory_space<vmem_shared>> -> memref<128x128xf32, #tpu.memory_space<vmem_shared>>
      %dma_wait3A_202 = arith.constant 0 : i32
      %dma_wait3A_203 = arith.constant 0 : i32
      %dma_wait3A_204 = tpu.memref_slice %arg11[%run_scoped3A_22, %dma_wait3A_202, %dma_wait3A_203] : memref<2x128x128xf32, #tpu.memory_space<vmem>> -> memref<1x128x128xf32, #tpu.memory_space<vmem>>
      %dma_wait3A_205 = tpu.memref_squeeze %dma_wait3A_204 : memref<1x128x128xf32, #tpu.memory_space<vmem>> -> memref<128x128xf32, #tpu.memory_space<vmem>>
      tpu.wait_dma2 semaphore(%run_scoped3A_181 : memref<!tpu.dma_semaphore, #tpu.memory_space<semaphore_mem>>) src(%dma_wait3A_205 : memref<128x128xf32, #tpu.memory_space<vmem>>) dst(%dma_wait3A_201 : memref<128x128xf32, #tpu.memory_space<vmem_shared>>)
      tpu.yield
    }) : () -> ()
    %barrier3A = arith.constant 0 : index
    tpu.barrier barrier_id(%barrier3A)
    %mul3A_23 = arith.constant 80 : i32
    %mul3A_24 = arith.muli %arg1, %mul3A_23 : i32
    %add3A_25 = arith.constant 0 : i32
    %add3A_26 = arith.addi %mul3A_24, %add3A_25 : i32
    %eq3A = arith.constant 0 : i32
    %eq3A_27 = arith.cmpi eq, %arg0, %eq3A : i32
    %convert_element_type3A = arith.extui %eq3A_27 : i1 to i32
    %cond3A = arith.constant 0 : i32
    %cond3A_28 = arith.cmpi ne, %convert_element_type3A, %cond3A : i32
    scf.if %cond3A_28 {
      "tpu.region"() ({
        %run_scoped3A_181 = tpu.sem_alloc : memref<!tpu.dma_semaphore, #tpu.memory_space<semaphore_mem>>
        %dma_start3A_182 = arith.constant 0 : i32
        %dma_start3A_183 = tpu.memref_slice %arg3[%add3A_26, %dma_start3A_182] : memref<1280x128xi32, #tpu.memory_space<hbm>> -> memref<40x128xi32, #tpu.memory_space<hbm>>
        %dma_start3A_184 = arith.constant 0 : i32
        %dma_start3A_185 = tpu.memref_slice %arg3[%add3A_26, %dma_start3A_184] : memref<1280x128xi32, #tpu.memory_space<hbm>> -> memref<40x128xi32, #tpu.memory_space<hbm>>
        tpu.enqueue_dma source(%dma_start3A_185 : memref<40x128xi32, #tpu.memory_space<hbm>>) target(%arg9 : memref<40x128xi32, #tpu.memory_space<vmem>>) target_semaphore(%run_scoped3A_181 : memref<!tpu.dma_semaphore, #tpu.memory_space<semaphore_mem>>)
        %dma_wait3A_186 = arith.constant 0 : i32
        %dma_wait3A_187 = tpu.memref_slice %arg3[%add3A_26, %dma_wait3A_186] : memref<1280x128xi32, #tpu.memory_space<hbm>> -> memref<40x128xi32, #tpu.memory_space<hbm>>
        %dma_wait3A_188 = arith.constant 0 : i32
        %dma_wait3A_189 = tpu.memref_slice %arg3[%add3A_26, %dma_wait3A_188] : memref<1280x128xi32, #tpu.memory_space<hbm>> -> memref<40x128xi32, #tpu.memory_space<hbm>>
        tpu.wait_dma2 semaphore(%run_scoped3A_181 : memref<!tpu.dma_semaphore, #tpu.memory_space<semaphore_mem>>) src(%dma_wait3A_189 : memref<40x128xi32, #tpu.memory_space<hbm>>) dst(%arg9 : memref<40x128xi32, #tpu.memory_space<vmem>>)
        tpu.yield
      }) : () -> ()
    } else {
    }
    %eq3A_29 = arith.constant 1 : i32
    %eq3A_30 = arith.cmpi eq, %arg0, %eq3A_29 : i32
    %convert_element_type3A_31 = arith.extui %eq3A_30 : i1 to i32
    %cond3A_32 = arith.constant 0 : i32
    %cond3A_33 = arith.cmpi ne, %convert_element_type3A_31, %cond3A_32 : i32
    scf.if %cond3A_33 {
      "tpu.region"() ({
        %run_scoped3A_181 = tpu.sem_alloc : memref<!tpu.dma_semaphore, #tpu.memory_space<semaphore_mem>>
        %dma_start3A_182 = arith.constant 0 : i32
        %dma_start3A_183 = tpu.memref_slice %arg4[%add3A_26, %dma_start3A_182] : memref<1280x128xi32, #tpu.memory_space<hbm>> -> memref<40x128xi32, #tpu.memory_space<hbm>>
        %dma_start3A_184 = arith.constant 0 : i32
        %dma_start3A_185 = tpu.memref_slice %arg4[%add3A_26, %dma_start3A_184] : memref<1280x128xi32, #tpu.memory_space<hbm>> -> memref<40x128xi32, #tpu.memory_space<hbm>>
        tpu.enqueue_dma source(%dma_start3A_185 : memref<40x128xi32, #tpu.memory_space<hbm>>) target(%arg9 : memref<40x128xi32, #tpu.memory_space<vmem>>) target_semaphore(%run_scoped3A_181 : memref<!tpu.dma_semaphore, #tpu.memory_space<semaphore_mem>>)
        %dma_wait3A_186 = arith.constant 0 : i32
        %dma_wait3A_187 = tpu.memref_slice %arg4[%add3A_26, %dma_wait3A_186] : memref<1280x128xi32, #tpu.memory_space<hbm>> -> memref<40x128xi32, #tpu.memory_space<hbm>>
        %dma_wait3A_188 = arith.constant 0 : i32
        %dma_wait3A_189 = tpu.memref_slice %arg4[%add3A_26, %dma_wait3A_188] : memref<1280x128xi32, #tpu.memory_space<hbm>> -> memref<40x128xi32, #tpu.memory_space<hbm>>
        tpu.wait_dma2 semaphore(%run_scoped3A_181 : memref<!tpu.dma_semaphore, #tpu.memory_space<semaphore_mem>>) src(%dma_wait3A_189 : memref<40x128xi32, #tpu.memory_space<hbm>>) dst(%arg9 : memref<40x128xi32, #tpu.memory_space<vmem>>)
        tpu.yield
      }) : () -> ()
    } else {
    }
    "tpu.region"() ({
      %run_scoped3A_181 = tpu.sem_alloc : memref<!tpu.dma_semaphore, #tpu.memory_space<semaphore_mem>>
      %dma_start3A_182 = arith.constant 0 : i32
      %dma_start3A_183 = tpu.memref_slice %arg5[%add3A_26, %dma_start3A_182] : memref<1280x128xi32, #tpu.memory_space<hbm>> -> memref<40x128xi32, #tpu.memory_space<hbm>>
      %dma_start3A_184 = arith.constant 0 : i32
      %dma_start3A_185 = tpu.memref_slice %arg5[%add3A_26, %dma_start3A_184] : memref<1280x128xi32, #tpu.memory_space<hbm>> -> memref<40x128xi32, #tpu.memory_space<hbm>>
      tpu.enqueue_dma source(%dma_start3A_185 : memref<40x128xi32, #tpu.memory_space<hbm>>) target(%arg10 : memref<40x128xi32, #tpu.memory_space<vmem>>) target_semaphore(%run_scoped3A_181 : memref<!tpu.dma_semaphore, #tpu.memory_space<semaphore_mem>>)
      %dma_wait3A_186 = arith.constant 0 : i32
      %dma_wait3A_187 = tpu.memref_slice %arg5[%add3A_26, %dma_wait3A_186] : memref<1280x128xi32, #tpu.memory_space<hbm>> -> memref<40x128xi32, #tpu.memory_space<hbm>>
      %dma_wait3A_188 = arith.constant 0 : i32
      %dma_wait3A_189 = tpu.memref_slice %arg5[%add3A_26, %dma_wait3A_188] : memref<1280x128xi32, #tpu.memory_space<hbm>> -> memref<40x128xi32, #tpu.memory_space<hbm>>
      tpu.wait_dma2 semaphore(%run_scoped3A_181 : memref<!tpu.dma_semaphore, #tpu.memory_space<semaphore_mem>>) src(%dma_wait3A_189 : memref<40x128xi32, #tpu.memory_space<hbm>>) dst(%arg10 : memref<40x128xi32, #tpu.memory_space<vmem>>)
      tpu.yield
    }) : () -> ()
    %dma_start3A = arith.constant 0 : i32
    %dma_start3A_34 = arith.constant 0 : i32
    %dma_start3A_35 = arith.constant 0 : i32
    %dma_start3A_36 = arith.constant 0 : i32
    %dma_start3A_37 = tpu.memref_slice %arg11[%dma_start3A_34, %dma_start3A_35, %dma_start3A_36] : memref<2x128x128xf32, #tpu.memory_space<vmem>> -> memref<1x128x128xf32, #tpu.memory_space<vmem>>
    %dma_start3A_38 = tpu.memref_squeeze %dma_start3A_37 : memref<1x128x128xf32, #tpu.memory_space<vmem>> -> memref<128x128xf32, #tpu.memory_space<vmem>>
    %dma_start3A_39 = arith.constant 0 : i32
    %dma_start3A_40 = tpu.memref_slice %arg9[%dma_start3A, %dma_start3A_39] : memref<40x128xi32, #tpu.memory_space<vmem>> -> memref<1x128xi32, #tpu.memory_space<vmem>>
    %dma_start3A_41 = tpu.memref_squeeze %dma_start3A_40 : memref<1x128xi32, #tpu.memory_space<vmem>> -> memref<128xi32, #tpu.memory_space<vmem>>
    %dma_start3A_42 = arith.constant 0 : i32
    %dma_start3A_43 = arith.constant 0 : i32
    %dma_start3A_44 = tpu.memref_slice %arg2[%dma_start3A_42, %dma_start3A_43] : memref<20000x128xf32, #tpu.memory_space<hbm>> -> memref<20000x128xf32, #tpu.memory_space<hbm>>
    tpu.enqueue_indirect_dma source(%dma_start3A_44 : memref<20000x128xf32, #tpu.memory_space<hbm>>) target(%dma_start3A_38 : memref<128x128xf32, #tpu.memory_space<vmem>>) offsets(%dma_start3A_41 : memref<128xi32, #tpu.memory_space<vmem>>) semaphore(%arg13 : memref<!tpu.dma_semaphore, #tpu.memory_space<semaphore_mem>>)
    %scan3A = arith.constant 0 : i32
    %scan3A_45 = arith.constant 0 : i32
    %scan3A_46 = arith.constant 40 : i32
    %scan3A_47 = arith.addi %scan3A_45, %scan3A_46 : i32
    %scan3A_48 = arith.constant 1 : i32
    scf.for %scan3A_181 = %scan3A_45 to %scan3A_47 step %scan3A_48  : i32 {
      %rem3A = arith.constant 2 : i32
      %rem3A_182 = arith.remsi %scan3A_181, %rem3A : i32
      %gt3A = arith.constant 0 : i32
      %gt3A_183 = arith.cmpi sgt, %scan3A_181, %gt3A : i32
      %convert_element_type3A_184 = arith.extui %gt3A_183 : i1 to i32
      %cond3A_185 = arith.constant 0 : i32
      %cond3A_186 = arith.cmpi ne, %convert_element_type3A_184, %cond3A_185 : i32
      scf.if %cond3A_186 {
        %sub3A = arith.constant 1 : i32
        %sub3A_213 = arith.subi %sub3A, %rem3A_182 : i32
        %dma_wait3A_214 = arith.constant 0 : i32
        %dma_wait3A_215 = arith.constant 0 : i32
        %dma_wait3A_216 = tpu.memref_slice %arg11[%sub3A_213, %dma_wait3A_214, %dma_wait3A_215] : memref<2x128x128xf32, #tpu.memory_space<vmem>> -> memref<1x128x128xf32, #tpu.memory_space<vmem>>
        %dma_wait3A_217 = tpu.memref_squeeze %dma_wait3A_216 : memref<1x128x128xf32, #tpu.memory_space<vmem>> -> memref<128x128xf32, #tpu.memory_space<vmem>>
        %dma_wait3A_218 = arith.constant 0 : i32
        %dma_wait3A_219 = tpu.memref_slice %arg10[%scan3A_181, %dma_wait3A_218] : memref<40x128xi32, #tpu.memory_space<vmem>> -> memref<1x128xi32, #tpu.memory_space<vmem>>
        %dma_wait3A_220 = tpu.memref_squeeze %dma_wait3A_219 : memref<1x128xi32, #tpu.memory_space<vmem>> -> memref<128xi32, #tpu.memory_space<vmem>>
        %dma_wait3A_221 = arith.constant 0 : i32
        %dma_wait3A_222 = arith.constant 0 : i32
        %dma_wait3A_223 = tpu.memref_slice %arg12[%dma_wait3A_221, %dma_wait3A_222] : memref<10240x128xf32, #tpu.memory_space<vmem_shared>> -> memref<10240x128xf32, #tpu.memory_space<vmem_shared>>
        tpu.wait_indirect_dma semaphore(%arg14 : memref<!tpu.dma_semaphore, #tpu.memory_space<semaphore_mem>>) src(%dma_wait3A_217 : memref<128x128xf32, #tpu.memory_space<vmem>>) dst(%dma_wait3A_223 : memref<10240x128xf32, #tpu.memory_space<vmem_shared>>)
      } else {
      }
      %add3A_187 = arith.constant 1 : i32
      %add3A_188 = arith.addi %scan3A_181, %add3A_187 : i32
      %lt3A = arith.constant 40 : i32
      %lt3A_189 = arith.cmpi slt, %add3A_188, %lt3A : i32
      %convert_element_type3A_190 = arith.extui %lt3A_189 : i1 to i32
      %cond3A_191 = arith.constant 0 : i32
      %cond3A_192 = arith.cmpi ne, %convert_element_type3A_190, %cond3A_191 : i32
      scf.if %cond3A_192 {
        %add3A_213 = arith.constant 1 : i32
        %add3A_214 = arith.addi %scan3A_181, %add3A_213 : i32
        %sub3A = arith.constant 1 : i32
        %sub3A_215 = arith.subi %sub3A, %rem3A_182 : i32
        %dma_start3A_216 = arith.constant 0 : i32
        %dma_start3A_217 = arith.constant 0 : i32
        %dma_start3A_218 = tpu.memref_slice %arg11[%sub3A_215, %dma_start3A_216, %dma_start3A_217] : memref<2x128x128xf32, #tpu.memory_space<vmem>> -> memref<1x128x128xf32, #tpu.memory_space<vmem>>
        %dma_start3A_219 = tpu.memref_squeeze %dma_start3A_218 : memref<1x128x128xf32, #tpu.memory_space<vmem>> -> memref<128x128xf32, #tpu.memory_space<vmem>>
        %dma_start3A_220 = arith.constant 0 : i32
        %dma_start3A_221 = tpu.memref_slice %arg9[%add3A_214, %dma_start3A_220] : memref<40x128xi32, #tpu.memory_space<vmem>> -> memref<1x128xi32, #tpu.memory_space<vmem>>
        %dma_start3A_222 = tpu.memref_squeeze %dma_start3A_221 : memref<1x128xi32, #tpu.memory_space<vmem>> -> memref<128xi32, #tpu.memory_space<vmem>>
        %dma_start3A_223 = arith.constant 0 : i32
        %dma_start3A_224 = arith.constant 0 : i32
        %dma_start3A_225 = tpu.memref_slice %arg2[%dma_start3A_223, %dma_start3A_224] : memref<20000x128xf32, #tpu.memory_space<hbm>> -> memref<20000x128xf32, #tpu.memory_space<hbm>>
        tpu.enqueue_indirect_dma source(%dma_start3A_225 : memref<20000x128xf32, #tpu.memory_space<hbm>>) target(%dma_start3A_219 : memref<128x128xf32, #tpu.memory_space<vmem>>) offsets(%dma_start3A_222 : memref<128xi32, #tpu.memory_space<vmem>>) semaphore(%arg13 : memref<!tpu.dma_semaphore, #tpu.memory_space<semaphore_mem>>)
      } else {
      }
      %dma_wait3A_193 = arith.constant 0 : i32
      %dma_wait3A_194 = arith.constant 0 : i32
      %dma_wait3A_195 = tpu.memref_slice %arg11[%rem3A_182, %dma_wait3A_193, %dma_wait3A_194] : memref<2x128x128xf32, #tpu.memory_space<vmem>> -> memref<1x128x128xf32, #tpu.memory_space<vmem>>
      %dma_wait3A_196 = tpu.memref_squeeze %dma_wait3A_195 : memref<1x128x128xf32, #tpu.memory_space<vmem>> -> memref<128x128xf32, #tpu.memory_space<vmem>>
      %dma_wait3A_197 = arith.constant 0 : i32
      %dma_wait3A_198 = tpu.memref_slice %arg9[%scan3A_181, %dma_wait3A_197] : memref<40x128xi32, #tpu.memory_space<vmem>> -> memref<1x128xi32, #tpu.memory_space<vmem>>
      %dma_wait3A_199 = tpu.memref_squeeze %dma_wait3A_198 : memref<1x128xi32, #tpu.memory_space<vmem>> -> memref<128xi32, #tpu.memory_space<vmem>>
      %dma_wait3A_200 = arith.constant 0 : i32
      %dma_wait3A_201 = arith.constant 0 : i32
      %dma_wait3A_202 = tpu.memref_slice %arg2[%dma_wait3A_200, %dma_wait3A_201] : memref<20000x128xf32, #tpu.memory_space<hbm>> -> memref<20000x128xf32, #tpu.memory_space<hbm>>
      tpu.wait_indirect_dma semaphore(%arg13 : memref<!tpu.dma_semaphore, #tpu.memory_space<semaphore_mem>>) src(%dma_wait3A_202 : memref<20000x128xf32, #tpu.memory_space<hbm>>) dst(%dma_wait3A_196 : memref<128x128xf32, #tpu.memory_space<vmem>>)
      %dma_start3A_203 = arith.constant 0 : i32
      %dma_start3A_204 = arith.constant 0 : i32
      %dma_start3A_205 = tpu.memref_slice %arg11[%rem3A_182, %dma_start3A_203, %dma_start3A_204] : memref<2x128x128xf32, #tpu.memory_space<vmem>> -> memref<1x128x128xf32, #tpu.memory_space<vmem>>
      %dma_start3A_206 = tpu.memref_squeeze %dma_start3A_205 : memref<1x128x128xf32, #tpu.memory_space<vmem>> -> memref<128x128xf32, #tpu.memory_space<vmem>>
      %dma_start3A_207 = arith.constant 0 : i32
      %dma_start3A_208 = tpu.memref_slice %arg10[%scan3A_181, %dma_start3A_207] : memref<40x128xi32, #tpu.memory_space<vmem>> -> memref<1x128xi32, #tpu.memory_space<vmem>>
      %dma_start3A_209 = tpu.memref_squeeze %dma_start3A_208 : memref<1x128xi32, #tpu.memory_space<vmem>> -> memref<128xi32, #tpu.memory_space<vmem>>
      %dma_start3A_210 = arith.constant 0 : i32
      %dma_start3A_211 = arith.constant 0 : i32
      %dma_start3A_212 = tpu.memref_slice %arg12[%dma_start3A_210, %dma_start3A_211] : memref<10240x128xf32, #tpu.memory_space<vmem_shared>> -> memref<10240x128xf32, #tpu.memory_space<vmem_shared>>
      tpu.enqueue_indirect_dma source(%dma_start3A_206 : memref<128x128xf32, #tpu.memory_space<vmem>>) target(%dma_start3A_212 : memref<10240x128xf32, #tpu.memory_space<vmem_shared>>) offsets(%dma_start3A_209 : memref<128xi32, #tpu.memory_space<vmem>>) semaphore(%arg14 : memref<!tpu.dma_semaphore, #tpu.memory_space<semaphore_mem>>) {add = true}
    }
    %scan3A_49 = arith.constant 40 : i32
    %dma_wait3A = arith.constant 1 : i32
    %dma_wait3A_50 = arith.constant 0 : i32
    %dma_wait3A_51 = arith.constant 0 : i32
    %dma_wait3A_52 = arith.constant 0 : i32
    %dma_wait3A_53 = tpu.memref_slice %arg11[%dma_wait3A, %dma_wait3A_51, %dma_wait3A_52] : memref<2x128x128xf32, #tpu.memory_space<vmem>> -> memref<1x128x128xf32, #tpu.memory_space<vmem>>
    %dma_wait3A_54 = tpu.memref_squeeze %dma_wait3A_53 : memref<1x128x128xf32, #tpu.memory_space<vmem>> -> memref<128x128xf32, #tpu.memory_space<vmem>>
    %dma_wait3A_55 = arith.constant 0 : i32
    %dma_wait3A_56 = tpu.memref_slice %arg10[%dma_wait3A_50, %dma_wait3A_55] : memref<40x128xi32, #tpu.memory_space<vmem>> -> memref<1x128xi32, #tpu.memory_space<vmem>>
    %dma_wait3A_57 = tpu.memref_squeeze %dma_wait3A_56 : memref<1x128xi32, #tpu.memory_space<vmem>> -> memref<128xi32, #tpu.memory_space<vmem>>
    %dma_wait3A_58 = arith.constant 0 : i32
    %dma_wait3A_59 = arith.constant 0 : i32
    %dma_wait3A_60 = tpu.memref_slice %arg12[%dma_wait3A_58, %dma_wait3A_59] : memref<10240x128xf32, #tpu.memory_space<vmem_shared>> -> memref<10240x128xf32, #tpu.memory_space<vmem_shared>>
    tpu.wait_indirect_dma semaphore(%arg14 : memref<!tpu.dma_semaphore, #tpu.memory_space<semaphore_mem>>) src(%dma_wait3A_54 : memref<128x128xf32, #tpu.memory_space<vmem>>) dst(%dma_wait3A_60 : memref<10240x128xf32, #tpu.memory_space<vmem_shared>>)
    %mul3A_61 = arith.constant 80 : i32
    %mul3A_62 = arith.muli %arg1, %mul3A_61 : i32
    %add3A_63 = arith.constant 40 : i32
    %add3A_64 = arith.addi %mul3A_62, %add3A_63 : i32
    %eq3A_65 = arith.constant 0 : i32
    %eq3A_66 = arith.cmpi eq, %arg0, %eq3A_65 : i32
    %convert_element_type3A_67 = arith.extui %eq3A_66 : i1 to i32
    %cond3A_68 = arith.constant 0 : i32
    %cond3A_69 = arith.cmpi ne, %convert_element_type3A_67, %cond3A_68 : i32
    scf.if %cond3A_69 {
      "tpu.region"() ({
        %run_scoped3A_181 = tpu.sem_alloc : memref<!tpu.dma_semaphore, #tpu.memory_space<semaphore_mem>>
        %dma_start3A_182 = arith.constant 0 : i32
        %dma_start3A_183 = tpu.memref_slice %arg3[%add3A_64, %dma_start3A_182] : memref<1280x128xi32, #tpu.memory_space<hbm>> -> memref<40x128xi32, #tpu.memory_space<hbm>>
        %dma_start3A_184 = arith.constant 0 : i32
        %dma_start3A_185 = tpu.memref_slice %arg3[%add3A_64, %dma_start3A_184] : memref<1280x128xi32, #tpu.memory_space<hbm>> -> memref<40x128xi32, #tpu.memory_space<hbm>>
        tpu.enqueue_dma source(%dma_start3A_185 : memref<40x128xi32, #tpu.memory_space<hbm>>) target(%arg9 : memref<40x128xi32, #tpu.memory_space<vmem>>) target_semaphore(%run_scoped3A_181 : memref<!tpu.dma_semaphore, #tpu.memory_space<semaphore_mem>>)
        %dma_wait3A_186 = arith.constant 0 : i32
        %dma_wait3A_187 = tpu.memref_slice %arg3[%add3A_64, %dma_wait3A_186] : memref<1280x128xi32, #tpu.memory_space<hbm>> -> memref<40x128xi32, #tpu.memory_space<hbm>>
        %dma_wait3A_188 = arith.constant 0 : i32
        %dma_wait3A_189 = tpu.memref_slice %arg3[%add3A_64, %dma_wait3A_188] : memref<1280x128xi32, #tpu.memory_space<hbm>> -> memref<40x128xi32, #tpu.memory_space<hbm>>
        tpu.wait_dma2 semaphore(%run_scoped3A_181 : memref<!tpu.dma_semaphore, #tpu.memory_space<semaphore_mem>>) src(%dma_wait3A_189 : memref<40x128xi32, #tpu.memory_space<hbm>>) dst(%arg9 : memref<40x128xi32, #tpu.memory_space<vmem>>)
        tpu.yield
      }) : () -> ()
    } else {
    }
    %eq3A_70 = arith.constant 1 : i32
    %eq3A_71 = arith.cmpi eq, %arg0, %eq3A_70 : i32
    %convert_element_type3A_72 = arith.extui %eq3A_71 : i1 to i32
    %cond3A_73 = arith.constant 0 : i32
    %cond3A_74 = arith.cmpi ne, %convert_element_type3A_72, %cond3A_73 : i32
    scf.if %cond3A_74 {
      "tpu.region"() ({
        %run_scoped3A_181 = tpu.sem_alloc : memref<!tpu.dma_semaphore, #tpu.memory_space<semaphore_mem>>
        %dma_start3A_182 = arith.constant 0 : i32
        %dma_start3A_183 = tpu.memref_slice %arg4[%add3A_64, %dma_start3A_182] : memref<1280x128xi32, #tpu.memory_space<hbm>> -> memref<40x128xi32, #tpu.memory_space<hbm>>
        %dma_start3A_184 = arith.constant 0 : i32
        %dma_start3A_185 = tpu.memref_slice %arg4[%add3A_64, %dma_start3A_184] : memref<1280x128xi32, #tpu.memory_space<hbm>> -> memref<40x128xi32, #tpu.memory_space<hbm>>
        tpu.enqueue_dma source(%dma_start3A_185 : memref<40x128xi32, #tpu.memory_space<hbm>>) target(%arg9 : memref<40x128xi32, #tpu.memory_space<vmem>>) target_semaphore(%run_scoped3A_181 : memref<!tpu.dma_semaphore, #tpu.memory_space<semaphore_mem>>)
        %dma_wait3A_186 = arith.constant 0 : i32
        %dma_wait3A_187 = tpu.memref_slice %arg4[%add3A_64, %dma_wait3A_186] : memref<1280x128xi32, #tpu.memory_space<hbm>> -> memref<40x128xi32, #tpu.memory_space<hbm>>
        %dma_wait3A_188 = arith.constant 0 : i32
        %dma_wait3A_189 = tpu.memref_slice %arg4[%add3A_64, %dma_wait3A_188] : memref<1280x128xi32, #tpu.memory_space<hbm>> -> memref<40x128xi32, #tpu.memory_space<hbm>>
        tpu.wait_dma2 semaphore(%run_scoped3A_181 : memref<!tpu.dma_semaphore, #tpu.memory_space<semaphore_mem>>) src(%dma_wait3A_189 : memref<40x128xi32, #tpu.memory_space<hbm>>) dst(%arg9 : memref<40x128xi32, #tpu.memory_space<vmem>>)
        tpu.yield
      }) : () -> ()
    } else {
    }
    "tpu.region"() ({
      %run_scoped3A_181 = tpu.sem_alloc : memref<!tpu.dma_semaphore, #tpu.memory_space<semaphore_mem>>
      %dma_start3A_182 = arith.constant 0 : i32
      %dma_start3A_183 = tpu.memref_slice %arg5[%add3A_64, %dma_start3A_182] : memref<1280x128xi32, #tpu.memory_space<hbm>> -> memref<40x128xi32, #tpu.memory_space<hbm>>
      %dma_start3A_184 = arith.constant 0 : i32
      %dma_start3A_185 = tpu.memref_slice %arg5[%add3A_64, %dma_start3A_184] : memref<1280x128xi32, #tpu.memory_space<hbm>> -> memref<40x128xi32, #tpu.memory_space<hbm>>
      tpu.enqueue_dma source(%dma_start3A_185 : memref<40x128xi32, #tpu.memory_space<hbm>>) target(%arg10 : memref<40x128xi32, #tpu.memory_space<vmem>>) target_semaphore(%run_scoped3A_181 : memref<!tpu.dma_semaphore, #tpu.memory_space<semaphore_mem>>)
      %dma_wait3A_186 = arith.constant 0 : i32
      %dma_wait3A_187 = tpu.memref_slice %arg5[%add3A_64, %dma_wait3A_186] : memref<1280x128xi32, #tpu.memory_space<hbm>> -> memref<40x128xi32, #tpu.memory_space<hbm>>
      %dma_wait3A_188 = arith.constant 0 : i32
      %dma_wait3A_189 = tpu.memref_slice %arg5[%add3A_64, %dma_wait3A_188] : memref<1280x128xi32, #tpu.memory_space<hbm>> -> memref<40x128xi32, #tpu.memory_space<hbm>>
      tpu.wait_dma2 semaphore(%run_scoped3A_181 : memref<!tpu.dma_semaphore, #tpu.memory_space<semaphore_mem>>) src(%dma_wait3A_189 : memref<40x128xi32, #tpu.memory_space<hbm>>) dst(%arg10 : memref<40x128xi32, #tpu.memory_space<vmem>>)
      tpu.yield
    }) : () -> ()
    %dma_start3A_75 = arith.constant 0 : i32
    %dma_start3A_76 = arith.constant 0 : i32
    %dma_start3A_77 = arith.constant 0 : i32
    %dma_start3A_78 = arith.constant 0 : i32
    %dma_start3A_79 = tpu.memref_slice %arg11[%dma_start3A_76, %dma_start3A_77, %dma_start3A_78] : memref<2x128x128xf32, #tpu.memory_space<vmem>> -> memref<1x128x128xf32, #tpu.memory_space<vmem>>
    %dma_start3A_80 = tpu.memref_squeeze %dma_start3A_79 : memref<1x128x128xf32, #tpu.memory_space<vmem>> -> memref<128x128xf32, #tpu.memory_space<vmem>>
    %dma_start3A_81 = arith.constant 0 : i32
    %dma_start3A_82 = tpu.memref_slice %arg9[%dma_start3A_75, %dma_start3A_81] : memref<40x128xi32, #tpu.memory_space<vmem>> -> memref<1x128xi32, #tpu.memory_space<vmem>>
    %dma_start3A_83 = tpu.memref_squeeze %dma_start3A_82 : memref<1x128xi32, #tpu.memory_space<vmem>> -> memref<128xi32, #tpu.memory_space<vmem>>
    %dma_start3A_84 = arith.constant 0 : i32
    %dma_start3A_85 = arith.constant 0 : i32
    %dma_start3A_86 = tpu.memref_slice %arg2[%dma_start3A_84, %dma_start3A_85] : memref<20000x128xf32, #tpu.memory_space<hbm>> -> memref<20000x128xf32, #tpu.memory_space<hbm>>
    tpu.enqueue_indirect_dma source(%dma_start3A_86 : memref<20000x128xf32, #tpu.memory_space<hbm>>) target(%dma_start3A_80 : memref<128x128xf32, #tpu.memory_space<vmem>>) offsets(%dma_start3A_83 : memref<128xi32, #tpu.memory_space<vmem>>) semaphore(%arg13 : memref<!tpu.dma_semaphore, #tpu.memory_space<semaphore_mem>>)
    %scan3A_87 = arith.constant 0 : i32
    %scan3A_88 = arith.constant 0 : i32
    %scan3A_89 = arith.constant 40 : i32
    %scan3A_90 = arith.addi %scan3A_88, %scan3A_89 : i32
    %scan3A_91 = arith.constant 1 : i32
    scf.for %scan3A_181 = %scan3A_88 to %scan3A_90 step %scan3A_91  : i32 {
      %rem3A = arith.constant 2 : i32
      %rem3A_182 = arith.remsi %scan3A_181, %rem3A : i32
      %gt3A = arith.constant 0 : i32
      %gt3A_183 = arith.cmpi sgt, %scan3A_181, %gt3A : i32
      %convert_element_type3A_184 = arith.extui %gt3A_183 : i1 to i32
      %cond3A_185 = arith.constant 0 : i32
      %cond3A_186 = arith.cmpi ne, %convert_element_type3A_184, %cond3A_185 : i32
      scf.if %cond3A_186 {
        %sub3A = arith.constant 1 : i32
        %sub3A_213 = arith.subi %sub3A, %rem3A_182 : i32
        %dma_wait3A_214 = arith.constant 0 : i32
        %dma_wait3A_215 = arith.constant 0 : i32
        %dma_wait3A_216 = tpu.memref_slice %arg11[%sub3A_213, %dma_wait3A_214, %dma_wait3A_215] : memref<2x128x128xf32, #tpu.memory_space<vmem>> -> memref<1x128x128xf32, #tpu.memory_space<vmem>>
        %dma_wait3A_217 = tpu.memref_squeeze %dma_wait3A_216 : memref<1x128x128xf32, #tpu.memory_space<vmem>> -> memref<128x128xf32, #tpu.memory_space<vmem>>
        %dma_wait3A_218 = arith.constant 0 : i32
        %dma_wait3A_219 = tpu.memref_slice %arg10[%scan3A_181, %dma_wait3A_218] : memref<40x128xi32, #tpu.memory_space<vmem>> -> memref<1x128xi32, #tpu.memory_space<vmem>>
        %dma_wait3A_220 = tpu.memref_squeeze %dma_wait3A_219 : memref<1x128xi32, #tpu.memory_space<vmem>> -> memref<128xi32, #tpu.memory_space<vmem>>
        %dma_wait3A_221 = arith.constant 0 : i32
        %dma_wait3A_222 = arith.constant 0 : i32
        %dma_wait3A_223 = tpu.memref_slice %arg12[%dma_wait3A_221, %dma_wait3A_222] : memref<10240x128xf32, #tpu.memory_space<vmem_shared>> -> memref<10240x128xf32, #tpu.memory_space<vmem_shared>>
        tpu.wait_indirect_dma semaphore(%arg14 : memref<!tpu.dma_semaphore, #tpu.memory_space<semaphore_mem>>) src(%dma_wait3A_217 : memref<128x128xf32, #tpu.memory_space<vmem>>) dst(%dma_wait3A_223 : memref<10240x128xf32, #tpu.memory_space<vmem_shared>>)
      } else {
      }
      %add3A_187 = arith.constant 1 : i32
      %add3A_188 = arith.addi %scan3A_181, %add3A_187 : i32
      %lt3A = arith.constant 40 : i32
      %lt3A_189 = arith.cmpi slt, %add3A_188, %lt3A : i32
      %convert_element_type3A_190 = arith.extui %lt3A_189 : i1 to i32
      %cond3A_191 = arith.constant 0 : i32
      %cond3A_192 = arith.cmpi ne, %convert_element_type3A_190, %cond3A_191 : i32
      scf.if %cond3A_192 {
        %add3A_213 = arith.constant 1 : i32
        %add3A_214 = arith.addi %scan3A_181, %add3A_213 : i32
        %sub3A = arith.constant 1 : i32
        %sub3A_215 = arith.subi %sub3A, %rem3A_182 : i32
        %dma_start3A_216 = arith.constant 0 : i32
        %dma_start3A_217 = arith.constant 0 : i32
        %dma_start3A_218 = tpu.memref_slice %arg11[%sub3A_215, %dma_start3A_216, %dma_start3A_217] : memref<2x128x128xf32, #tpu.memory_space<vmem>> -> memref<1x128x128xf32, #tpu.memory_space<vmem>>
        %dma_start3A_219 = tpu.memref_squeeze %dma_start3A_218 : memref<1x128x128xf32, #tpu.memory_space<vmem>> -> memref<128x128xf32, #tpu.memory_space<vmem>>
        %dma_start3A_220 = arith.constant 0 : i32
        %dma_start3A_221 = tpu.memref_slice %arg9[%add3A_214, %dma_start3A_220] : memref<40x128xi32, #tpu.memory_space<vmem>> -> memref<1x128xi32, #tpu.memory_space<vmem>>
        %dma_start3A_222 = tpu.memref_squeeze %dma_start3A_221 : memref<1x128xi32, #tpu.memory_space<vmem>> -> memref<128xi32, #tpu.memory_space<vmem>>
        %dma_start3A_223 = arith.constant 0 : i32
        %dma_start3A_224 = arith.constant 0 : i32
        %dma_start3A_225 = tpu.memref_slice %arg2[%dma_start3A_223, %dma_start3A_224] : memref<20000x128xf32, #tpu.memory_space<hbm>> -> memref<20000x128xf32, #tpu.memory_space<hbm>>
        tpu.enqueue_indirect_dma source(%dma_start3A_225 : memref<20000x128xf32, #tpu.memory_space<hbm>>) target(%dma_start3A_219 : memref<128x128xf32, #tpu.memory_space<vmem>>) offsets(%dma_start3A_222 : memref<128xi32, #tpu.memory_space<vmem>>) semaphore(%arg13 : memref<!tpu.dma_semaphore, #tpu.memory_space<semaphore_mem>>)
      } else {
      }
      %dma_wait3A_193 = arith.constant 0 : i32
      %dma_wait3A_194 = arith.constant 0 : i32
      %dma_wait3A_195 = tpu.memref_slice %arg11[%rem3A_182, %dma_wait3A_193, %dma_wait3A_194] : memref<2x128x128xf32, #tpu.memory_space<vmem>> -> memref<1x128x128xf32, #tpu.memory_space<vmem>>
      %dma_wait3A_196 = tpu.memref_squeeze %dma_wait3A_195 : memref<1x128x128xf32, #tpu.memory_space<vmem>> -> memref<128x128xf32, #tpu.memory_space<vmem>>
      %dma_wait3A_197 = arith.constant 0 : i32
      %dma_wait3A_198 = tpu.memref_slice %arg9[%scan3A_181, %dma_wait3A_197] : memref<40x128xi32, #tpu.memory_space<vmem>> -> memref<1x128xi32, #tpu.memory_space<vmem>>
      %dma_wait3A_199 = tpu.memref_squeeze %dma_wait3A_198 : memref<1x128xi32, #tpu.memory_space<vmem>> -> memref<128xi32, #tpu.memory_space<vmem>>
      %dma_wait3A_200 = arith.constant 0 : i32
      %dma_wait3A_201 = arith.constant 0 : i32
      %dma_wait3A_202 = tpu.memref_slice %arg2[%dma_wait3A_200, %dma_wait3A_201] : memref<20000x128xf32, #tpu.memory_space<hbm>> -> memref<20000x128xf32, #tpu.memory_space<hbm>>
      tpu.wait_indirect_dma semaphore(%arg13 : memref<!tpu.dma_semaphore, #tpu.memory_space<semaphore_mem>>) src(%dma_wait3A_202 : memref<20000x128xf32, #tpu.memory_space<hbm>>) dst(%dma_wait3A_196 : memref<128x128xf32, #tpu.memory_space<vmem>>)
      %dma_start3A_203 = arith.constant 0 : i32
      %dma_start3A_204 = arith.constant 0 : i32
      %dma_start3A_205 = tpu.memref_slice %arg11[%rem3A_182, %dma_start3A_203, %dma_start3A_204] : memref<2x128x128xf32, #tpu.memory_space<vmem>> -> memref<1x128x128xf32, #tpu.memory_space<vmem>>
      %dma_start3A_206 = tpu.memref_squeeze %dma_start3A_205 : memref<1x128x128xf32, #tpu.memory_space<vmem>> -> memref<128x128xf32, #tpu.memory_space<vmem>>
      %dma_start3A_207 = arith.constant 0 : i32
      %dma_start3A_208 = tpu.memref_slice %arg10[%scan3A_181, %dma_start3A_207] : memref<40x128xi32, #tpu.memory_space<vmem>> -> memref<1x128xi32, #tpu.memory_space<vmem>>
      %dma_start3A_209 = tpu.memref_squeeze %dma_start3A_208 : memref<1x128xi32, #tpu.memory_space<vmem>> -> memref<128xi32, #tpu.memory_space<vmem>>
      %dma_start3A_210 = arith.constant 0 : i32
      %dma_start3A_211 = arith.constant 0 : i32
      %dma_start3A_212 = tpu.memref_slice %arg12[%dma_start3A_210, %dma_start3A_211] : memref<10240x128xf32, #tpu.memory_space<vmem_shared>> -> memref<10240x128xf32, #tpu.memory_space<vmem_shared>>
      tpu.enqueue_indirect_dma source(%dma_start3A_206 : memref<128x128xf32, #tpu.memory_space<vmem>>) target(%dma_start3A_212 : memref<10240x128xf32, #tpu.memory_space<vmem_shared>>) offsets(%dma_start3A_209 : memref<128xi32, #tpu.memory_space<vmem>>) semaphore(%arg14 : memref<!tpu.dma_semaphore, #tpu.memory_space<semaphore_mem>>) {add = true}
    }
    %scan3A_92 = arith.constant 40 : i32
    %dma_wait3A_93 = arith.constant 1 : i32
    %dma_wait3A_94 = arith.constant 0 : i32
    %dma_wait3A_95 = arith.constant 0 : i32
    %dma_wait3A_96 = arith.constant 0 : i32
    %dma_wait3A_97 = tpu.memref_slice %arg11[%dma_wait3A_93, %dma_wait3A_95, %dma_wait3A_96] : memref<2x128x128xf32, #tpu.memory_space<vmem>> -> memref<1x128x128xf32, #tpu.memory_space<vmem>>
    %dma_wait3A_98 = tpu.memref_squeeze %dma_wait3A_97 : memref<1x128x128xf32, #tpu.memory_space<vmem>> -> memref<128x128xf32, #tpu.memory_space<vmem>>
    %dma_wait3A_99 = arith.constant 0 : i32
    %dma_wait3A_100 = tpu.memref_slice %arg10[%dma_wait3A_94, %dma_wait3A_99] : memref<40x128xi32, #tpu.memory_space<vmem>> -> memref<1x128xi32, #tpu.memory_space<vmem>>
    %dma_wait3A_101 = tpu.memref_squeeze %dma_wait3A_100 : memref<1x128xi32, #tpu.memory_space<vmem>> -> memref<128xi32, #tpu.memory_space<vmem>>
    %dma_wait3A_102 = arith.constant 0 : i32
    %dma_wait3A_103 = arith.constant 0 : i32
    %dma_wait3A_104 = tpu.memref_slice %arg12[%dma_wait3A_102, %dma_wait3A_103] : memref<10240x128xf32, #tpu.memory_space<vmem_shared>> -> memref<10240x128xf32, #tpu.memory_space<vmem_shared>>
    tpu.wait_indirect_dma semaphore(%arg14 : memref<!tpu.dma_semaphore, #tpu.memory_space<semaphore_mem>>) src(%dma_wait3A_98 : memref<128x128xf32, #tpu.memory_space<vmem>>) dst(%dma_wait3A_104 : memref<10240x128xf32, #tpu.memory_space<vmem_shared>>)
    %barrier3A_105 = arith.constant 0 : index
    tpu.barrier barrier_id(%barrier3A_105)
    %mul3A_106 = arith.constant 640 : i32
    %mul3A_107 = arith.muli %arg1, %mul3A_106 : i32
    %add3A_108 = arith.constant 0 : i32
    %add3A_109 = arith.addi %mul3A_107, %add3A_108 : i32
    %run_scoped3A_110 = arith.constant 0 : i32
    "tpu.region"() ({
      %run_scoped3A_181 = tpu.sem_alloc : memref<!tpu.dma_semaphore, #tpu.memory_space<semaphore_mem>>
      %dma_start3A_182 = arith.constant 0 : i32
      %dma_start3A_183 = arith.constant 0 : i32
      %dma_start3A_184 = tpu.memref_slice %arg11[%run_scoped3A_110, %dma_start3A_182, %dma_start3A_183] : memref<2x128x128xf32, #tpu.memory_space<vmem>> -> memref<1x128x128xf32, #tpu.memory_space<vmem>>
      %dma_start3A_185 = tpu.memref_squeeze %dma_start3A_184 : memref<1x128x128xf32, #tpu.memory_space<vmem>> -> memref<128x128xf32, #tpu.memory_space<vmem>>
      %dma_start3A_186 = arith.constant 0 : i32
      %dma_start3A_187 = tpu.memref_slice %arg12[%add3A_109, %dma_start3A_186] : memref<10240x128xf32, #tpu.memory_space<vmem_shared>> -> memref<128x128xf32, #tpu.memory_space<vmem_shared>>
      %dma_start3A_188 = arith.constant 0 : i32
      %dma_start3A_189 = arith.constant 0 : i32
      %dma_start3A_190 = tpu.memref_slice %arg11[%run_scoped3A_110, %dma_start3A_188, %dma_start3A_189] : memref<2x128x128xf32, #tpu.memory_space<vmem>> -> memref<1x128x128xf32, #tpu.memory_space<vmem>>
      %dma_start3A_191 = tpu.memref_squeeze %dma_start3A_190 : memref<1x128x128xf32, #tpu.memory_space<vmem>> -> memref<128x128xf32, #tpu.memory_space<vmem>>
      %dma_start3A_192 = arith.constant 0 : i32
      %dma_start3A_193 = tpu.memref_slice %arg12[%add3A_109, %dma_start3A_192] : memref<10240x128xf32, #tpu.memory_space<vmem_shared>> -> memref<128x128xf32, #tpu.memory_space<vmem_shared>>
      tpu.enqueue_dma source(%dma_start3A_193 : memref<128x128xf32, #tpu.memory_space<vmem_shared>>) target(%dma_start3A_191 : memref<128x128xf32, #tpu.memory_space<vmem>>) target_semaphore(%run_scoped3A_181 : memref<!tpu.dma_semaphore, #tpu.memory_space<semaphore_mem>>)
      %dma_wait3A_194 = arith.constant 0 : i32
      %dma_wait3A_195 = arith.constant 0 : i32
      %dma_wait3A_196 = tpu.memref_slice %arg11[%run_scoped3A_110, %dma_wait3A_194, %dma_wait3A_195] : memref<2x128x128xf32, #tpu.memory_space<vmem>> -> memref<1x128x128xf32, #tpu.memory_space<vmem>>
      %dma_wait3A_197 = tpu.memref_squeeze %dma_wait3A_196 : memref<1x128x128xf32, #tpu.memory_space<vmem>> -> memref<128x128xf32, #tpu.memory_space<vmem>>
      %dma_wait3A_198 = arith.constant 0 : i32
      %dma_wait3A_199 = tpu.memref_slice %arg12[%add3A_109, %dma_wait3A_198] : memref<10240x128xf32, #tpu.memory_space<vmem_shared>> -> memref<128x128xf32, #tpu.memory_space<vmem_shared>>
      %dma_wait3A_200 = arith.constant 0 : i32
      %dma_wait3A_201 = arith.constant 0 : i32
      %dma_wait3A_202 = tpu.memref_slice %arg11[%run_scoped3A_110, %dma_wait3A_200, %dma_wait3A_201] : memref<2x128x128xf32, #tpu.memory_space<vmem>> -> memref<1x128x128xf32, #tpu.memory_space<vmem>>
      %dma_wait3A_203 = tpu.memref_squeeze %dma_wait3A_202 : memref<1x128x128xf32, #tpu.memory_space<vmem>> -> memref<128x128xf32, #tpu.memory_space<vmem>>
      %dma_wait3A_204 = arith.constant 0 : i32
      %dma_wait3A_205 = tpu.memref_slice %arg12[%add3A_109, %dma_wait3A_204] : memref<10240x128xf32, #tpu.memory_space<vmem_shared>> -> memref<128x128xf32, #tpu.memory_space<vmem_shared>>
      tpu.wait_dma2 semaphore(%run_scoped3A_181 : memref<!tpu.dma_semaphore, #tpu.memory_space<semaphore_mem>>) src(%dma_wait3A_205 : memref<128x128xf32, #tpu.memory_space<vmem_shared>>) dst(%dma_wait3A_203 : memref<128x128xf32, #tpu.memory_space<vmem>>)
      tpu.yield
    }) : () -> ()
    %eq3A_111 = arith.constant 0 : i32
    %eq3A_112 = arith.cmpi eq, %arg0, %eq3A_111 : i32
    %convert_element_type3A_113 = arith.extui %eq3A_112 : i1 to i32
    %cond3A_114 = arith.constant 0 : i32
    %cond3A_115 = arith.cmpi ne, %convert_element_type3A_113, %cond3A_114 : i32
    scf.if %cond3A_115 {
      %run_scoped3A_181 = arith.constant 0 : i32
      "tpu.region"() ({
        %run_scoped3A_182 = tpu.sem_alloc : memref<!tpu.dma_semaphore, #tpu.memory_space<semaphore_mem>>
        %dma_start3A_183 = arith.constant 0 : i32
        %dma_start3A_184 = arith.constant 0 : i32
        %dma_start3A_185 = tpu.memref_slice %arg11[%run_scoped3A_181, %dma_start3A_183, %dma_start3A_184] : memref<2x128x128xf32, #tpu.memory_space<vmem>> -> memref<1x128x128xf32, #tpu.memory_space<vmem>>
        %dma_start3A_186 = tpu.memref_squeeze %dma_start3A_185 : memref<1x128x128xf32, #tpu.memory_space<vmem>> -> memref<128x128xf32, #tpu.memory_space<vmem>>
        %dma_start3A_187 = arith.constant 0 : i32
        %dma_start3A_188 = tpu.memref_slice %arg7[%add3A_109, %dma_start3A_187] : memref<10240x128xf32, #tpu.memory_space<hbm>> -> memref<128x128xf32, #tpu.memory_space<hbm>>
        %dma_start3A_189 = arith.constant 0 : i32
        %dma_start3A_190 = tpu.memref_slice %arg7[%add3A_109, %dma_start3A_189] : memref<10240x128xf32, #tpu.memory_space<hbm>> -> memref<128x128xf32, #tpu.memory_space<hbm>>
        %dma_start3A_191 = arith.constant 0 : i32
        %dma_start3A_192 = arith.constant 0 : i32
        %dma_start3A_193 = tpu.memref_slice %arg11[%run_scoped3A_181, %dma_start3A_191, %dma_start3A_192] : memref<2x128x128xf32, #tpu.memory_space<vmem>> -> memref<1x128x128xf32, #tpu.memory_space<vmem>>
        %dma_start3A_194 = tpu.memref_squeeze %dma_start3A_193 : memref<1x128x128xf32, #tpu.memory_space<vmem>> -> memref<128x128xf32, #tpu.memory_space<vmem>>
        tpu.enqueue_dma source(%dma_start3A_194 : memref<128x128xf32, #tpu.memory_space<vmem>>) target(%dma_start3A_190 : memref<128x128xf32, #tpu.memory_space<hbm>>) target_semaphore(%run_scoped3A_182 : memref<!tpu.dma_semaphore, #tpu.memory_space<semaphore_mem>>)
        %dma_wait3A_195 = arith.constant 0 : i32
        %dma_wait3A_196 = arith.constant 0 : i32
        %dma_wait3A_197 = tpu.memref_slice %arg11[%run_scoped3A_181, %dma_wait3A_195, %dma_wait3A_196] : memref<2x128x128xf32, #tpu.memory_space<vmem>> -> memref<1x128x128xf32, #tpu.memory_space<vmem>>
        %dma_wait3A_198 = tpu.memref_squeeze %dma_wait3A_197 : memref<1x128x128xf32, #tpu.memory_space<vmem>> -> memref<128x128xf32, #tpu.memory_space<vmem>>
        %dma_wait3A_199 = arith.constant 0 : i32
        %dma_wait3A_200 = tpu.memref_slice %arg7[%add3A_109, %dma_wait3A_199] : memref<10240x128xf32, #tpu.memory_space<hbm>> -> memref<128x128xf32, #tpu.memory_space<hbm>>
        %dma_wait3A_201 = arith.constant 0 : i32
        %dma_wait3A_202 = tpu.memref_slice %arg7[%add3A_109, %dma_wait3A_201] : memref<10240x128xf32, #tpu.memory_space<hbm>> -> memref<128x128xf32, #tpu.memory_space<hbm>>
        %dma_wait3A_203 = arith.constant 0 : i32
        %dma_wait3A_204 = arith.constant 0 : i32
        %dma_wait3A_205 = tpu.memref_slice %arg11[%run_scoped3A_181, %dma_wait3A_203, %dma_wait3A_204] : memref<2x128x128xf32, #tpu.memory_space<vmem>> -> memref<1x128x128xf32, #tpu.memory_space<vmem>>
        %dma_wait3A_206 = tpu.memref_squeeze %dma_wait3A_205 : memref<1x128x128xf32, #tpu.memory_space<vmem>> -> memref<128x128xf32, #tpu.memory_space<vmem>>
        tpu.wait_dma2 semaphore(%run_scoped3A_182 : memref<!tpu.dma_semaphore, #tpu.memory_space<semaphore_mem>>) src(%dma_wait3A_206 : memref<128x128xf32, #tpu.memory_space<vmem>>) dst(%dma_wait3A_202 : memref<128x128xf32, #tpu.memory_space<hbm>>)
        tpu.yield
      }) : () -> ()
    } else {
    }
    %eq3A_116 = arith.constant 1 : i32
    %eq3A_117 = arith.cmpi eq, %arg0, %eq3A_116 : i32
    %convert_element_type3A_118 = arith.extui %eq3A_117 : i1 to i32
    %cond3A_119 = arith.constant 0 : i32
    %cond3A_120 = arith.cmpi ne, %convert_element_type3A_118, %cond3A_119 : i32
    scf.if %cond3A_120 {
      %run_scoped3A_181 = arith.constant 0 : i32
      "tpu.region"() ({
        %run_scoped3A_182 = tpu.sem_alloc : memref<!tpu.dma_semaphore, #tpu.memory_space<semaphore_mem>>
        %dma_start3A_183 = arith.constant 0 : i32
        %dma_start3A_184 = arith.constant 0 : i32
        %dma_start3A_185 = tpu.memref_slice %arg11[%run_scoped3A_181, %dma_start3A_183, %dma_start3A_184] : memref<2x128x128xf32, #tpu.memory_space<vmem>> -> memref<1x128x128xf32, #tpu.memory_space<vmem>>
        %dma_start3A_186 = tpu.memref_squeeze %dma_start3A_185 : memref<1x128x128xf32, #tpu.memory_space<vmem>> -> memref<128x128xf32, #tpu.memory_space<vmem>>
        %dma_start3A_187 = arith.constant 0 : i32
        %dma_start3A_188 = tpu.memref_slice %arg8[%add3A_109, %dma_start3A_187] : memref<10240x128xf32, #tpu.memory_space<hbm>> -> memref<128x128xf32, #tpu.memory_space<hbm>>
        %dma_start3A_189 = arith.constant 0 : i32
        %dma_start3A_190 = tpu.memref_slice %arg8[%add3A_109, %dma_start3A_189] : memref<10240x128xf32, #tpu.memory_space<hbm>> -> memref<128x128xf32, #tpu.memory_space<hbm>>
        %dma_start3A_191 = arith.constant 0 : i32
        %dma_start3A_192 = arith.constant 0 : i32
        %dma_start3A_193 = tpu.memref_slice %arg11[%run_scoped3A_181, %dma_start3A_191, %dma_start3A_192] : memref<2x128x128xf32, #tpu.memory_space<vmem>> -> memref<1x128x128xf32, #tpu.memory_space<vmem>>
        %dma_start3A_194 = tpu.memref_squeeze %dma_start3A_193 : memref<1x128x128xf32, #tpu.memory_space<vmem>> -> memref<128x128xf32, #tpu.memory_space<vmem>>
        tpu.enqueue_dma source(%dma_start3A_194 : memref<128x128xf32, #tpu.memory_space<vmem>>) target(%dma_start3A_190 : memref<128x128xf32, #tpu.memory_space<hbm>>) target_semaphore(%run_scoped3A_182 : memref<!tpu.dma_semaphore, #tpu.memory_space<semaphore_mem>>)
        %dma_wait3A_195 = arith.constant 0 : i32
        %dma_wait3A_196 = arith.constant 0 : i32
        %dma_wait3A_197 = tpu.memref_slice %arg11[%run_scoped3A_181, %dma_wait3A_195, %dma_wait3A_196] : memref<2x128x128xf32, #tpu.memory_space<vmem>> -> memref<1x128x128xf32, #tpu.memory_space<vmem>>
        %dma_wait3A_198 = tpu.memref_squeeze %dma_wait3A_197 : memref<1x128x128xf32, #tpu.memory_space<vmem>> -> memref<128x128xf32, #tpu.memory_space<vmem>>
        %dma_wait3A_199 = arith.constant 0 : i32
        %dma_wait3A_200 = tpu.memref_slice %arg8[%add3A_109, %dma_wait3A_199] : memref<10240x128xf32, #tpu.memory_space<hbm>> -> memref<128x128xf32, #tpu.memory_space<hbm>>
        %dma_wait3A_201 = arith.constant 0 : i32
        %dma_wait3A_202 = tpu.memref_slice %arg8[%add3A_109, %dma_wait3A_201] : memref<10240x128xf32, #tpu.memory_space<hbm>> -> memref<128x128xf32, #tpu.memory_space<hbm>>
        %dma_wait3A_203 = arith.constant 0 : i32
        %dma_wait3A_204 = arith.constant 0 : i32
        %dma_wait3A_205 = tpu.memref_slice %arg11[%run_scoped3A_181, %dma_wait3A_203, %dma_wait3A_204] : memref<2x128x128xf32, #tpu.memory_space<vmem>> -> memref<1x128x128xf32, #tpu.memory_space<vmem>>
        %dma_wait3A_206 = tpu.memref_squeeze %dma_wait3A_205 : memref<1x128x128xf32, #tpu.memory_space<vmem>> -> memref<128x128xf32, #tpu.memory_space<vmem>>
        tpu.wait_dma2 semaphore(%run_scoped3A_182 : memref<!tpu.dma_semaphore, #tpu.memory_space<semaphore_mem>>) src(%dma_wait3A_206 : memref<128x128xf32, #tpu.memory_space<vmem>>) dst(%dma_wait3A_202 : memref<128x128xf32, #tpu.memory_space<hbm>>)
        tpu.yield
      }) : () -> ()
    } else {
    }
    %mul3A_121 = arith.constant 640 : i32
    %mul3A_122 = arith.muli %arg1, %mul3A_121 : i32
    %add3A_123 = arith.constant 128 : i32
    %add3A_124 = arith.addi %mul3A_122, %add3A_123 : i32
    %run_scoped3A_125 = arith.constant 0 : i32
    "tpu.region"() ({
      %run_scoped3A_181 = tpu.sem_alloc : memref<!tpu.dma_semaphore, #tpu.memory_space<semaphore_mem>>
      %dma_start3A_182 = arith.constant 0 : i32
      %dma_start3A_183 = arith.constant 0 : i32
      %dma_start3A_184 = tpu.memref_slice %arg11[%run_scoped3A_125, %dma_start3A_182, %dma_start3A_183] : memref<2x128x128xf32, #tpu.memory_space<vmem>> -> memref<1x128x128xf32, #tpu.memory_space<vmem>>
      %dma_start3A_185 = tpu.memref_squeeze %dma_start3A_184 : memref<1x128x128xf32, #tpu.memory_space<vmem>> -> memref<128x128xf32, #tpu.memory_space<vmem>>
      %dma_start3A_186 = arith.constant 0 : i32
      %dma_start3A_187 = tpu.memref_slice %arg12[%add3A_124, %dma_start3A_186] : memref<10240x128xf32, #tpu.memory_space<vmem_shared>> -> memref<128x128xf32, #tpu.memory_space<vmem_shared>>
      %dma_start3A_188 = arith.constant 0 : i32
      %dma_start3A_189 = arith.constant 0 : i32
      %dma_start3A_190 = tpu.memref_slice %arg11[%run_scoped3A_125, %dma_start3A_188, %dma_start3A_189] : memref<2x128x128xf32, #tpu.memory_space<vmem>> -> memref<1x128x128xf32, #tpu.memory_space<vmem>>
      %dma_start3A_191 = tpu.memref_squeeze %dma_start3A_190 : memref<1x128x128xf32, #tpu.memory_space<vmem>> -> memref<128x128xf32, #tpu.memory_space<vmem>>
      %dma_start3A_192 = arith.constant 0 : i32
      %dma_start3A_193 = tpu.memref_slice %arg12[%add3A_124, %dma_start3A_192] : memref<10240x128xf32, #tpu.memory_space<vmem_shared>> -> memref<128x128xf32, #tpu.memory_space<vmem_shared>>
      tpu.enqueue_dma source(%dma_start3A_193 : memref<128x128xf32, #tpu.memory_space<vmem_shared>>) target(%dma_start3A_191 : memref<128x128xf32, #tpu.memory_space<vmem>>) target_semaphore(%run_scoped3A_181 : memref<!tpu.dma_semaphore, #tpu.memory_space<semaphore_mem>>)
      %dma_wait3A_194 = arith.constant 0 : i32
      %dma_wait3A_195 = arith.constant 0 : i32
      %dma_wait3A_196 = tpu.memref_slice %arg11[%run_scoped3A_125, %dma_wait3A_194, %dma_wait3A_195] : memref<2x128x128xf32, #tpu.memory_space<vmem>> -> memref<1x128x128xf32, #tpu.memory_space<vmem>>
      %dma_wait3A_197 = tpu.memref_squeeze %dma_wait3A_196 : memref<1x128x128xf32, #tpu.memory_space<vmem>> -> memref<128x128xf32, #tpu.memory_space<vmem>>
      %dma_wait3A_198 = arith.constant 0 : i32
      %dma_wait3A_199 = tpu.memref_slice %arg12[%add3A_124, %dma_wait3A_198] : memref<10240x128xf32, #tpu.memory_space<vmem_shared>> -> memref<128x128xf32, #tpu.memory_space<vmem_shared>>
      %dma_wait3A_200 = arith.constant 0 : i32
      %dma_wait3A_201 = arith.constant 0 : i32
      %dma_wait3A_202 = tpu.memref_slice %arg11[%run_scoped3A_125, %dma_wait3A_200, %dma_wait3A_201] : memref<2x128x128xf32, #tpu.memory_space<vmem>> -> memref<1x128x128xf32, #tpu.memory_space<vmem>>
      %dma_wait3A_203 = tpu.memref_squeeze %dma_wait3A_202 : memref<1x128x128xf32, #tpu.memory_space<vmem>> -> memref<128x128xf32, #tpu.memory_space<vmem>>
      %dma_wait3A_204 = arith.constant 0 : i32
      %dma_wait3A_205 = tpu.memref_slice %arg12[%add3A_124, %dma_wait3A_204] : memref<10240x128xf32, #tpu.memory_space<vmem_shared>> -> memref<128x128xf32, #tpu.memory_space<vmem_shared>>
      tpu.wait_dma2 semaphore(%run_scoped3A_181 : memref<!tpu.dma_semaphore, #tpu.memory_space<semaphore_mem>>) src(%dma_wait3A_205 : memref<128x128xf32, #tpu.memory_space<vmem_shared>>) dst(%dma_wait3A_203 : memref<128x128xf32, #tpu.memory_space<vmem>>)
      tpu.yield
    }) : () -> ()
    %eq3A_126 = arith.constant 0 : i32
    %eq3A_127 = arith.cmpi eq, %arg0, %eq3A_126 : i32
    %convert_element_type3A_128 = arith.extui %eq3A_127 : i1 to i32
    %cond3A_129 = arith.constant 0 : i32
    %cond3A_130 = arith.cmpi ne, %convert_element_type3A_128, %cond3A_129 : i32
    scf.if %cond3A_130 {
      %run_scoped3A_181 = arith.constant 0 : i32
      "tpu.region"() ({
        %run_scoped3A_182 = tpu.sem_alloc : memref<!tpu.dma_semaphore, #tpu.memory_space<semaphore_mem>>
        %dma_start3A_183 = arith.constant 0 : i32
        %dma_start3A_184 = arith.constant 0 : i32
        %dma_start3A_185 = tpu.memref_slice %arg11[%run_scoped3A_181, %dma_start3A_183, %dma_start3A_184] : memref<2x128x128xf32, #tpu.memory_space<vmem>> -> memref<1x128x128xf32, #tpu.memory_space<vmem>>
        %dma_start3A_186 = tpu.memref_squeeze %dma_start3A_185 : memref<1x128x128xf32, #tpu.memory_space<vmem>> -> memref<128x128xf32, #tpu.memory_space<vmem>>
        %dma_start3A_187 = arith.constant 0 : i32
        %dma_start3A_188 = tpu.memref_slice %arg7[%add3A_124, %dma_start3A_187] : memref<10240x128xf32, #tpu.memory_space<hbm>> -> memref<128x128xf32, #tpu.memory_space<hbm>>
        %dma_start3A_189 = arith.constant 0 : i32
        %dma_start3A_190 = tpu.memref_slice %arg7[%add3A_124, %dma_start3A_189] : memref<10240x128xf32, #tpu.memory_space<hbm>> -> memref<128x128xf32, #tpu.memory_space<hbm>>
        %dma_start3A_191 = arith.constant 0 : i32
        %dma_start3A_192 = arith.constant 0 : i32
        %dma_start3A_193 = tpu.memref_slice %arg11[%run_scoped3A_181, %dma_start3A_191, %dma_start3A_192] : memref<2x128x128xf32, #tpu.memory_space<vmem>> -> memref<1x128x128xf32, #tpu.memory_space<vmem>>
        %dma_start3A_194 = tpu.memref_squeeze %dma_start3A_193 : memref<1x128x128xf32, #tpu.memory_space<vmem>> -> memref<128x128xf32, #tpu.memory_space<vmem>>
        tpu.enqueue_dma source(%dma_start3A_194 : memref<128x128xf32, #tpu.memory_space<vmem>>) target(%dma_start3A_190 : memref<128x128xf32, #tpu.memory_space<hbm>>) target_semaphore(%run_scoped3A_182 : memref<!tpu.dma_semaphore, #tpu.memory_space<semaphore_mem>>)
        %dma_wait3A_195 = arith.constant 0 : i32
        %dma_wait3A_196 = arith.constant 0 : i32
        %dma_wait3A_197 = tpu.memref_slice %arg11[%run_scoped3A_181, %dma_wait3A_195, %dma_wait3A_196] : memref<2x128x128xf32, #tpu.memory_space<vmem>> -> memref<1x128x128xf32, #tpu.memory_space<vmem>>
        %dma_wait3A_198 = tpu.memref_squeeze %dma_wait3A_197 : memref<1x128x128xf32, #tpu.memory_space<vmem>> -> memref<128x128xf32, #tpu.memory_space<vmem>>
        %dma_wait3A_199 = arith.constant 0 : i32
        %dma_wait3A_200 = tpu.memref_slice %arg7[%add3A_124, %dma_wait3A_199] : memref<10240x128xf32, #tpu.memory_space<hbm>> -> memref<128x128xf32, #tpu.memory_space<hbm>>
        %dma_wait3A_201 = arith.constant 0 : i32
        %dma_wait3A_202 = tpu.memref_slice %arg7[%add3A_124, %dma_wait3A_201] : memref<10240x128xf32, #tpu.memory_space<hbm>> -> memref<128x128xf32, #tpu.memory_space<hbm>>
        %dma_wait3A_203 = arith.constant 0 : i32
        %dma_wait3A_204 = arith.constant 0 : i32
        %dma_wait3A_205 = tpu.memref_slice %arg11[%run_scoped3A_181, %dma_wait3A_203, %dma_wait3A_204] : memref<2x128x128xf32, #tpu.memory_space<vmem>> -> memref<1x128x128xf32, #tpu.memory_space<vmem>>
        %dma_wait3A_206 = tpu.memref_squeeze %dma_wait3A_205 : memref<1x128x128xf32, #tpu.memory_space<vmem>> -> memref<128x128xf32, #tpu.memory_space<vmem>>
        tpu.wait_dma2 semaphore(%run_scoped3A_182 : memref<!tpu.dma_semaphore, #tpu.memory_space<semaphore_mem>>) src(%dma_wait3A_206 : memref<128x128xf32, #tpu.memory_space<vmem>>) dst(%dma_wait3A_202 : memref<128x128xf32, #tpu.memory_space<hbm>>)
        tpu.yield
      }) : () -> ()
    } else {
    }
    %eq3A_131 = arith.constant 1 : i32
    %eq3A_132 = arith.cmpi eq, %arg0, %eq3A_131 : i32
    %convert_element_type3A_133 = arith.extui %eq3A_132 : i1 to i32
    %cond3A_134 = arith.constant 0 : i32
    %cond3A_135 = arith.cmpi ne, %convert_element_type3A_133, %cond3A_134 : i32
    scf.if %cond3A_135 {
      %run_scoped3A_181 = arith.constant 0 : i32
      "tpu.region"() ({
        %run_scoped3A_182 = tpu.sem_alloc : memref<!tpu.dma_semaphore, #tpu.memory_space<semaphore_mem>>
        %dma_start3A_183 = arith.constant 0 : i32
        %dma_start3A_184 = arith.constant 0 : i32
        %dma_start3A_185 = tpu.memref_slice %arg11[%run_scoped3A_181, %dma_start3A_183, %dma_start3A_184] : memref<2x128x128xf32, #tpu.memory_space<vmem>> -> memref<1x128x128xf32, #tpu.memory_space<vmem>>
        %dma_start3A_186 = tpu.memref_squeeze %dma_start3A_185 : memref<1x128x128xf32, #tpu.memory_space<vmem>> -> memref<128x128xf32, #tpu.memory_space<vmem>>
        %dma_start3A_187 = arith.constant 0 : i32
        %dma_start3A_188 = tpu.memref_slice %arg8[%add3A_124, %dma_start3A_187] : memref<10240x128xf32, #tpu.memory_space<hbm>> -> memref<128x128xf32, #tpu.memory_space<hbm>>
        %dma_start3A_189 = arith.constant 0 : i32
        %dma_start3A_190 = tpu.memref_slice %arg8[%add3A_124, %dma_start3A_189] : memref<10240x128xf32, #tpu.memory_space<hbm>> -> memref<128x128xf32, #tpu.memory_space<hbm>>
        %dma_start3A_191 = arith.constant 0 : i32
        %dma_start3A_192 = arith.constant 0 : i32
        %dma_start3A_193 = tpu.memref_slice %arg11[%run_scoped3A_181, %dma_start3A_191, %dma_start3A_192] : memref<2x128x128xf32, #tpu.memory_space<vmem>> -> memref<1x128x128xf32, #tpu.memory_space<vmem>>
        %dma_start3A_194 = tpu.memref_squeeze %dma_start3A_193 : memref<1x128x128xf32, #tpu.memory_space<vmem>> -> memref<128x128xf32, #tpu.memory_space<vmem>>
        tpu.enqueue_dma source(%dma_start3A_194 : memref<128x128xf32, #tpu.memory_space<vmem>>) target(%dma_start3A_190 : memref<128x128xf32, #tpu.memory_space<hbm>>) target_semaphore(%run_scoped3A_182 : memref<!tpu.dma_semaphore, #tpu.memory_space<semaphore_mem>>)
        %dma_wait3A_195 = arith.constant 0 : i32
        %dma_wait3A_196 = arith.constant 0 : i32
        %dma_wait3A_197 = tpu.memref_slice %arg11[%run_scoped3A_181, %dma_wait3A_195, %dma_wait3A_196] : memref<2x128x128xf32, #tpu.memory_space<vmem>> -> memref<1x128x128xf32, #tpu.memory_space<vmem>>
        %dma_wait3A_198 = tpu.memref_squeeze %dma_wait3A_197 : memref<1x128x128xf32, #tpu.memory_space<vmem>> -> memref<128x128xf32, #tpu.memory_space<vmem>>
        %dma_wait3A_199 = arith.constant 0 : i32
        %dma_wait3A_200 = tpu.memref_slice %arg8[%add3A_124, %dma_wait3A_199] : memref<10240x128xf32, #tpu.memory_space<hbm>> -> memref<128x128xf32, #tpu.memory_space<hbm>>
        %dma_wait3A_201 = arith.constant 0 : i32
        %dma_wait3A_202 = tpu.memref_slice %arg8[%add3A_124, %dma_wait3A_201] : memref<10240x128xf32, #tpu.memory_space<hbm>> -> memref<128x128xf32, #tpu.memory_space<hbm>>
        %dma_wait3A_203 = arith.constant 0 : i32
        %dma_wait3A_204 = arith.constant 0 : i32
        %dma_wait3A_205 = tpu.memref_slice %arg11[%run_scoped3A_181, %dma_wait3A_203, %dma_wait3A_204] : memref<2x128x128xf32, #tpu.memory_space<vmem>> -> memref<1x128x128xf32, #tpu.memory_space<vmem>>
        %dma_wait3A_206 = tpu.memref_squeeze %dma_wait3A_205 : memref<1x128x128xf32, #tpu.memory_space<vmem>> -> memref<128x128xf32, #tpu.memory_space<vmem>>
        tpu.wait_dma2 semaphore(%run_scoped3A_182 : memref<!tpu.dma_semaphore, #tpu.memory_space<semaphore_mem>>) src(%dma_wait3A_206 : memref<128x128xf32, #tpu.memory_space<vmem>>) dst(%dma_wait3A_202 : memref<128x128xf32, #tpu.memory_space<hbm>>)
        tpu.yield
      }) : () -> ()
    } else {
    }
    %mul3A_136 = arith.constant 640 : i32
    %mul3A_137 = arith.muli %arg1, %mul3A_136 : i32
    %add3A_138 = arith.constant 256 : i32
    %add3A_139 = arith.addi %mul3A_137, %add3A_138 : i32
    %run_scoped3A_140 = arith.constant 0 : i32
    "tpu.region"() ({
      %run_scoped3A_181 = tpu.sem_alloc : memref<!tpu.dma_semaphore, #tpu.memory_space<semaphore_mem>>
      %dma_start3A_182 = arith.constant 0 : i32
      %dma_start3A_183 = arith.constant 0 : i32
      %dma_start3A_184 = tpu.memref_slice %arg11[%run_scoped3A_140, %dma_start3A_182, %dma_start3A_183] : memref<2x128x128xf32, #tpu.memory_space<vmem>> -> memref<1x128x128xf32, #tpu.memory_space<vmem>>
      %dma_start3A_185 = tpu.memref_squeeze %dma_start3A_184 : memref<1x128x128xf32, #tpu.memory_space<vmem>> -> memref<128x128xf32, #tpu.memory_space<vmem>>
      %dma_start3A_186 = arith.constant 0 : i32
      %dma_start3A_187 = tpu.memref_slice %arg12[%add3A_139, %dma_start3A_186] : memref<10240x128xf32, #tpu.memory_space<vmem_shared>> -> memref<128x128xf32, #tpu.memory_space<vmem_shared>>
      %dma_start3A_188 = arith.constant 0 : i32
      %dma_start3A_189 = arith.constant 0 : i32
      %dma_start3A_190 = tpu.memref_slice %arg11[%run_scoped3A_140, %dma_start3A_188, %dma_start3A_189] : memref<2x128x128xf32, #tpu.memory_space<vmem>> -> memref<1x128x128xf32, #tpu.memory_space<vmem>>
      %dma_start3A_191 = tpu.memref_squeeze %dma_start3A_190 : memref<1x128x128xf32, #tpu.memory_space<vmem>> -> memref<128x128xf32, #tpu.memory_space<vmem>>
      %dma_start3A_192 = arith.constant 0 : i32
      %dma_start3A_193 = tpu.memref_slice %arg12[%add3A_139, %dma_start3A_192] : memref<10240x128xf32, #tpu.memory_space<vmem_shared>> -> memref<128x128xf32, #tpu.memory_space<vmem_shared>>
      tpu.enqueue_dma source(%dma_start3A_193 : memref<128x128xf32, #tpu.memory_space<vmem_shared>>) target(%dma_start3A_191 : memref<128x128xf32, #tpu.memory_space<vmem>>) target_semaphore(%run_scoped3A_181 : memref<!tpu.dma_semaphore, #tpu.memory_space<semaphore_mem>>)
      %dma_wait3A_194 = arith.constant 0 : i32
      %dma_wait3A_195 = arith.constant 0 : i32
      %dma_wait3A_196 = tpu.memref_slice %arg11[%run_scoped3A_140, %dma_wait3A_194, %dma_wait3A_195] : memref<2x128x128xf32, #tpu.memory_space<vmem>> -> memref<1x128x128xf32, #tpu.memory_space<vmem>>
      %dma_wait3A_197 = tpu.memref_squeeze %dma_wait3A_196 : memref<1x128x128xf32, #tpu.memory_space<vmem>> -> memref<128x128xf32, #tpu.memory_space<vmem>>
      %dma_wait3A_198 = arith.constant 0 : i32
      %dma_wait3A_199 = tpu.memref_slice %arg12[%add3A_139, %dma_wait3A_198] : memref<10240x128xf32, #tpu.memory_space<vmem_shared>> -> memref<128x128xf32, #tpu.memory_space<vmem_shared>>
      %dma_wait3A_200 = arith.constant 0 : i32
      %dma_wait3A_201 = arith.constant 0 : i32
      %dma_wait3A_202 = tpu.memref_slice %arg11[%run_scoped3A_140, %dma_wait3A_200, %dma_wait3A_201] : memref<2x128x128xf32, #tpu.memory_space<vmem>> -> memref<1x128x128xf32, #tpu.memory_space<vmem>>
      %dma_wait3A_203 = tpu.memref_squeeze %dma_wait3A_202 : memref<1x128x128xf32, #tpu.memory_space<vmem>> -> memref<128x128xf32, #tpu.memory_space<vmem>>
      %dma_wait3A_204 = arith.constant 0 : i32
      %dma_wait3A_205 = tpu.memref_slice %arg12[%add3A_139, %dma_wait3A_204] : memref<10240x128xf32, #tpu.memory_space<vmem_shared>> -> memref<128x128xf32, #tpu.memory_space<vmem_shared>>
      tpu.wait_dma2 semaphore(%run_scoped3A_181 : memref<!tpu.dma_semaphore, #tpu.memory_space<semaphore_mem>>) src(%dma_wait3A_205 : memref<128x128xf32, #tpu.memory_space<vmem_shared>>) dst(%dma_wait3A_203 : memref<128x128xf32, #tpu.memory_space<vmem>>)
      tpu.yield
    }) : () -> ()
    %eq3A_141 = arith.constant 0 : i32
    %eq3A_142 = arith.cmpi eq, %arg0, %eq3A_141 : i32
    %convert_element_type3A_143 = arith.extui %eq3A_142 : i1 to i32
    %cond3A_144 = arith.constant 0 : i32
    %cond3A_145 = arith.cmpi ne, %convert_element_type3A_143, %cond3A_144 : i32
    scf.if %cond3A_145 {
      %run_scoped3A_181 = arith.constant 0 : i32
      "tpu.region"() ({
        %run_scoped3A_182 = tpu.sem_alloc : memref<!tpu.dma_semaphore, #tpu.memory_space<semaphore_mem>>
        %dma_start3A_183 = arith.constant 0 : i32
        %dma_start3A_184 = arith.constant 0 : i32
        %dma_start3A_185 = tpu.memref_slice %arg11[%run_scoped3A_181, %dma_start3A_183, %dma_start3A_184] : memref<2x128x128xf32, #tpu.memory_space<vmem>> -> memref<1x128x128xf32, #tpu.memory_space<vmem>>
        %dma_start3A_186 = tpu.memref_squeeze %dma_start3A_185 : memref<1x128x128xf32, #tpu.memory_space<vmem>> -> memref<128x128xf32, #tpu.memory_space<vmem>>
        %dma_start3A_187 = arith.constant 0 : i32
        %dma_start3A_188 = tpu.memref_slice %arg7[%add3A_139, %dma_start3A_187] : memref<10240x128xf32, #tpu.memory_space<hbm>> -> memref<128x128xf32, #tpu.memory_space<hbm>>
        %dma_start3A_189 = arith.constant 0 : i32
        %dma_start3A_190 = tpu.memref_slice %arg7[%add3A_139, %dma_start3A_189] : memref<10240x128xf32, #tpu.memory_space<hbm>> -> memref<128x128xf32, #tpu.memory_space<hbm>>
        %dma_start3A_191 = arith.constant 0 : i32
        %dma_start3A_192 = arith.constant 0 : i32
        %dma_start3A_193 = tpu.memref_slice %arg11[%run_scoped3A_181, %dma_start3A_191, %dma_start3A_192] : memref<2x128x128xf32, #tpu.memory_space<vmem>> -> memref<1x128x128xf32, #tpu.memory_space<vmem>>
        %dma_start3A_194 = tpu.memref_squeeze %dma_start3A_193 : memref<1x128x128xf32, #tpu.memory_space<vmem>> -> memref<128x128xf32, #tpu.memory_space<vmem>>
        tpu.enqueue_dma source(%dma_start3A_194 : memref<128x128xf32, #tpu.memory_space<vmem>>) target(%dma_start3A_190 : memref<128x128xf32, #tpu.memory_space<hbm>>) target_semaphore(%run_scoped3A_182 : memref<!tpu.dma_semaphore, #tpu.memory_space<semaphore_mem>>)
        %dma_wait3A_195 = arith.constant 0 : i32
        %dma_wait3A_196 = arith.constant 0 : i32
        %dma_wait3A_197 = tpu.memref_slice %arg11[%run_scoped3A_181, %dma_wait3A_195, %dma_wait3A_196] : memref<2x128x128xf32, #tpu.memory_space<vmem>> -> memref<1x128x128xf32, #tpu.memory_space<vmem>>
        %dma_wait3A_198 = tpu.memref_squeeze %dma_wait3A_197 : memref<1x128x128xf32, #tpu.memory_space<vmem>> -> memref<128x128xf32, #tpu.memory_space<vmem>>
        %dma_wait3A_199 = arith.constant 0 : i32
        %dma_wait3A_200 = tpu.memref_slice %arg7[%add3A_139, %dma_wait3A_199] : memref<10240x128xf32, #tpu.memory_space<hbm>> -> memref<128x128xf32, #tpu.memory_space<hbm>>
        %dma_wait3A_201 = arith.constant 0 : i32
        %dma_wait3A_202 = tpu.memref_slice %arg7[%add3A_139, %dma_wait3A_201] : memref<10240x128xf32, #tpu.memory_space<hbm>> -> memref<128x128xf32, #tpu.memory_space<hbm>>
        %dma_wait3A_203 = arith.constant 0 : i32
        %dma_wait3A_204 = arith.constant 0 : i32
        %dma_wait3A_205 = tpu.memref_slice %arg11[%run_scoped3A_181, %dma_wait3A_203, %dma_wait3A_204] : memref<2x128x128xf32, #tpu.memory_space<vmem>> -> memref<1x128x128xf32, #tpu.memory_space<vmem>>
        %dma_wait3A_206 = tpu.memref_squeeze %dma_wait3A_205 : memref<1x128x128xf32, #tpu.memory_space<vmem>> -> memref<128x128xf32, #tpu.memory_space<vmem>>
        tpu.wait_dma2 semaphore(%run_scoped3A_182 : memref<!tpu.dma_semaphore, #tpu.memory_space<semaphore_mem>>) src(%dma_wait3A_206 : memref<128x128xf32, #tpu.memory_space<vmem>>) dst(%dma_wait3A_202 : memref<128x128xf32, #tpu.memory_space<hbm>>)
        tpu.yield
      }) : () -> ()
    } else {
    }
    %eq3A_146 = arith.constant 1 : i32
    %eq3A_147 = arith.cmpi eq, %arg0, %eq3A_146 : i32
    %convert_element_type3A_148 = arith.extui %eq3A_147 : i1 to i32
    %cond3A_149 = arith.constant 0 : i32
    %cond3A_150 = arith.cmpi ne, %convert_element_type3A_148, %cond3A_149 : i32
    scf.if %cond3A_150 {
      %run_scoped3A_181 = arith.constant 0 : i32
      "tpu.region"() ({
        %run_scoped3A_182 = tpu.sem_alloc : memref<!tpu.dma_semaphore, #tpu.memory_space<semaphore_mem>>
        %dma_start3A_183 = arith.constant 0 : i32
        %dma_start3A_184 = arith.constant 0 : i32
        %dma_start3A_185 = tpu.memref_slice %arg11[%run_scoped3A_181, %dma_start3A_183, %dma_start3A_184] : memref<2x128x128xf32, #tpu.memory_space<vmem>> -> memref<1x128x128xf32, #tpu.memory_space<vmem>>
        %dma_start3A_186 = tpu.memref_squeeze %dma_start3A_185 : memref<1x128x128xf32, #tpu.memory_space<vmem>> -> memref<128x128xf32, #tpu.memory_space<vmem>>
        %dma_start3A_187 = arith.constant 0 : i32
        %dma_start3A_188 = tpu.memref_slice %arg8[%add3A_139, %dma_start3A_187] : memref<10240x128xf32, #tpu.memory_space<hbm>> -> memref<128x128xf32, #tpu.memory_space<hbm>>
        %dma_start3A_189 = arith.constant 0 : i32
        %dma_start3A_190 = tpu.memref_slice %arg8[%add3A_139, %dma_start3A_189] : memref<10240x128xf32, #tpu.memory_space<hbm>> -> memref<128x128xf32, #tpu.memory_space<hbm>>
        %dma_start3A_191 = arith.constant 0 : i32
        %dma_start3A_192 = arith.constant 0 : i32
        %dma_start3A_193 = tpu.memref_slice %arg11[%run_scoped3A_181, %dma_start3A_191, %dma_start3A_192] : memref<2x128x128xf32, #tpu.memory_space<vmem>> -> memref<1x128x128xf32, #tpu.memory_space<vmem>>
        %dma_start3A_194 = tpu.memref_squeeze %dma_start3A_193 : memref<1x128x128xf32, #tpu.memory_space<vmem>> -> memref<128x128xf32, #tpu.memory_space<vmem>>
        tpu.enqueue_dma source(%dma_start3A_194 : memref<128x128xf32, #tpu.memory_space<vmem>>) target(%dma_start3A_190 : memref<128x128xf32, #tpu.memory_space<hbm>>) target_semaphore(%run_scoped3A_182 : memref<!tpu.dma_semaphore, #tpu.memory_space<semaphore_mem>>)
        %dma_wait3A_195 = arith.constant 0 : i32
        %dma_wait3A_196 = arith.constant 0 : i32
        %dma_wait3A_197 = tpu.memref_slice %arg11[%run_scoped3A_181, %dma_wait3A_195, %dma_wait3A_196] : memref<2x128x128xf32, #tpu.memory_space<vmem>> -> memref<1x128x128xf32, #tpu.memory_space<vmem>>
        %dma_wait3A_198 = tpu.memref_squeeze %dma_wait3A_197 : memref<1x128x128xf32, #tpu.memory_space<vmem>> -> memref<128x128xf32, #tpu.memory_space<vmem>>
        %dma_wait3A_199 = arith.constant 0 : i32
        %dma_wait3A_200 = tpu.memref_slice %arg8[%add3A_139, %dma_wait3A_199] : memref<10240x128xf32, #tpu.memory_space<hbm>> -> memref<128x128xf32, #tpu.memory_space<hbm>>
        %dma_wait3A_201 = arith.constant 0 : i32
        %dma_wait3A_202 = tpu.memref_slice %arg8[%add3A_139, %dma_wait3A_201] : memref<10240x128xf32, #tpu.memory_space<hbm>> -> memref<128x128xf32, #tpu.memory_space<hbm>>
        %dma_wait3A_203 = arith.constant 0 : i32
        %dma_wait3A_204 = arith.constant 0 : i32
        %dma_wait3A_205 = tpu.memref_slice %arg11[%run_scoped3A_181, %dma_wait3A_203, %dma_wait3A_204] : memref<2x128x128xf32, #tpu.memory_space<vmem>> -> memref<1x128x128xf32, #tpu.memory_space<vmem>>
        %dma_wait3A_206 = tpu.memref_squeeze %dma_wait3A_205 : memref<1x128x128xf32, #tpu.memory_space<vmem>> -> memref<128x128xf32, #tpu.memory_space<vmem>>
        tpu.wait_dma2 semaphore(%run_scoped3A_182 : memref<!tpu.dma_semaphore, #tpu.memory_space<semaphore_mem>>) src(%dma_wait3A_206 : memref<128x128xf32, #tpu.memory_space<vmem>>) dst(%dma_wait3A_202 : memref<128x128xf32, #tpu.memory_space<hbm>>)
        tpu.yield
      }) : () -> ()
    } else {
    }
    %mul3A_151 = arith.constant 640 : i32
    %mul3A_152 = arith.muli %arg1, %mul3A_151 : i32
    %add3A_153 = arith.constant 384 : i32
    %add3A_154 = arith.addi %mul3A_152, %add3A_153 : i32
    %run_scoped3A_155 = arith.constant 0 : i32
    "tpu.region"() ({
      %run_scoped3A_181 = tpu.sem_alloc : memref<!tpu.dma_semaphore, #tpu.memory_space<semaphore_mem>>
      %dma_start3A_182 = arith.constant 0 : i32
      %dma_start3A_183 = arith.constant 0 : i32
      %dma_start3A_184 = tpu.memref_slice %arg11[%run_scoped3A_155, %dma_start3A_182, %dma_start3A_183] : memref<2x128x128xf32, #tpu.memory_space<vmem>> -> memref<1x128x128xf32, #tpu.memory_space<vmem>>
      %dma_start3A_185 = tpu.memref_squeeze %dma_start3A_184 : memref<1x128x128xf32, #tpu.memory_space<vmem>> -> memref<128x128xf32, #tpu.memory_space<vmem>>
      %dma_start3A_186 = arith.constant 0 : i32
      %dma_start3A_187 = tpu.memref_slice %arg12[%add3A_154, %dma_start3A_186] : memref<10240x128xf32, #tpu.memory_space<vmem_shared>> -> memref<128x128xf32, #tpu.memory_space<vmem_shared>>
      %dma_start3A_188 = arith.constant 0 : i32
      %dma_start3A_189 = arith.constant 0 : i32
      %dma_start3A_190 = tpu.memref_slice %arg11[%run_scoped3A_155, %dma_start3A_188, %dma_start3A_189] : memref<2x128x128xf32, #tpu.memory_space<vmem>> -> memref<1x128x128xf32, #tpu.memory_space<vmem>>
      %dma_start3A_191 = tpu.memref_squeeze %dma_start3A_190 : memref<1x128x128xf32, #tpu.memory_space<vmem>> -> memref<128x128xf32, #tpu.memory_space<vmem>>
      %dma_start3A_192 = arith.constant 0 : i32
      %dma_start3A_193 = tpu.memref_slice %arg12[%add3A_154, %dma_start3A_192] : memref<10240x128xf32, #tpu.memory_space<vmem_shared>> -> memref<128x128xf32, #tpu.memory_space<vmem_shared>>
      tpu.enqueue_dma source(%dma_start3A_193 : memref<128x128xf32, #tpu.memory_space<vmem_shared>>) target(%dma_start3A_191 : memref<128x128xf32, #tpu.memory_space<vmem>>) target_semaphore(%run_scoped3A_181 : memref<!tpu.dma_semaphore, #tpu.memory_space<semaphore_mem>>)
      %dma_wait3A_194 = arith.constant 0 : i32
      %dma_wait3A_195 = arith.constant 0 : i32
      %dma_wait3A_196 = tpu.memref_slice %arg11[%run_scoped3A_155, %dma_wait3A_194, %dma_wait3A_195] : memref<2x128x128xf32, #tpu.memory_space<vmem>> -> memref<1x128x128xf32, #tpu.memory_space<vmem>>
      %dma_wait3A_197 = tpu.memref_squeeze %dma_wait3A_196 : memref<1x128x128xf32, #tpu.memory_space<vmem>> -> memref<128x128xf32, #tpu.memory_space<vmem>>
      %dma_wait3A_198 = arith.constant 0 : i32
      %dma_wait3A_199 = tpu.memref_slice %arg12[%add3A_154, %dma_wait3A_198] : memref<10240x128xf32, #tpu.memory_space<vmem_shared>> -> memref<128x128xf32, #tpu.memory_space<vmem_shared>>
      %dma_wait3A_200 = arith.constant 0 : i32
      %dma_wait3A_201 = arith.constant 0 : i32
      %dma_wait3A_202 = tpu.memref_slice %arg11[%run_scoped3A_155, %dma_wait3A_200, %dma_wait3A_201] : memref<2x128x128xf32, #tpu.memory_space<vmem>> -> memref<1x128x128xf32, #tpu.memory_space<vmem>>
      %dma_wait3A_203 = tpu.memref_squeeze %dma_wait3A_202 : memref<1x128x128xf32, #tpu.memory_space<vmem>> -> memref<128x128xf32, #tpu.memory_space<vmem>>
      %dma_wait3A_204 = arith.constant 0 : i32
      %dma_wait3A_205 = tpu.memref_slice %arg12[%add3A_154, %dma_wait3A_204] : memref<10240x128xf32, #tpu.memory_space<vmem_shared>> -> memref<128x128xf32, #tpu.memory_space<vmem_shared>>
      tpu.wait_dma2 semaphore(%run_scoped3A_181 : memref<!tpu.dma_semaphore, #tpu.memory_space<semaphore_mem>>) src(%dma_wait3A_205 : memref<128x128xf32, #tpu.memory_space<vmem_shared>>) dst(%dma_wait3A_203 : memref<128x128xf32, #tpu.memory_space<vmem>>)
      tpu.yield
    }) : () -> ()
    %eq3A_156 = arith.constant 0 : i32
    %eq3A_157 = arith.cmpi eq, %arg0, %eq3A_156 : i32
    %convert_element_type3A_158 = arith.extui %eq3A_157 : i1 to i32
    %cond3A_159 = arith.constant 0 : i32
    %cond3A_160 = arith.cmpi ne, %convert_element_type3A_158, %cond3A_159 : i32
    scf.if %cond3A_160 {
      %run_scoped3A_181 = arith.constant 0 : i32
      "tpu.region"() ({
        %run_scoped3A_182 = tpu.sem_alloc : memref<!tpu.dma_semaphore, #tpu.memory_space<semaphore_mem>>
        %dma_start3A_183 = arith.constant 0 : i32
        %dma_start3A_184 = arith.constant 0 : i32
        %dma_start3A_185 = tpu.memref_slice %arg11[%run_scoped3A_181, %dma_start3A_183, %dma_start3A_184] : memref<2x128x128xf32, #tpu.memory_space<vmem>> -> memref<1x128x128xf32, #tpu.memory_space<vmem>>
        %dma_start3A_186 = tpu.memref_squeeze %dma_start3A_185 : memref<1x128x128xf32, #tpu.memory_space<vmem>> -> memref<128x128xf32, #tpu.memory_space<vmem>>
        %dma_start3A_187 = arith.constant 0 : i32
        %dma_start3A_188 = tpu.memref_slice %arg7[%add3A_154, %dma_start3A_187] : memref<10240x128xf32, #tpu.memory_space<hbm>> -> memref<128x128xf32, #tpu.memory_space<hbm>>
        %dma_start3A_189 = arith.constant 0 : i32
        %dma_start3A_190 = tpu.memref_slice %arg7[%add3A_154, %dma_start3A_189] : memref<10240x128xf32, #tpu.memory_space<hbm>> -> memref<128x128xf32, #tpu.memory_space<hbm>>
        %dma_start3A_191 = arith.constant 0 : i32
        %dma_start3A_192 = arith.constant 0 : i32
        %dma_start3A_193 = tpu.memref_slice %arg11[%run_scoped3A_181, %dma_start3A_191, %dma_start3A_192] : memref<2x128x128xf32, #tpu.memory_space<vmem>> -> memref<1x128x128xf32, #tpu.memory_space<vmem>>
        %dma_start3A_194 = tpu.memref_squeeze %dma_start3A_193 : memref<1x128x128xf32, #tpu.memory_space<vmem>> -> memref<128x128xf32, #tpu.memory_space<vmem>>
        tpu.enqueue_dma source(%dma_start3A_194 : memref<128x128xf32, #tpu.memory_space<vmem>>) target(%dma_start3A_190 : memref<128x128xf32, #tpu.memory_space<hbm>>) target_semaphore(%run_scoped3A_182 : memref<!tpu.dma_semaphore, #tpu.memory_space<semaphore_mem>>)
        %dma_wait3A_195 = arith.constant 0 : i32
        %dma_wait3A_196 = arith.constant 0 : i32
        %dma_wait3A_197 = tpu.memref_slice %arg11[%run_scoped3A_181, %dma_wait3A_195, %dma_wait3A_196] : memref<2x128x128xf32, #tpu.memory_space<vmem>> -> memref<1x128x128xf32, #tpu.memory_space<vmem>>
        %dma_wait3A_198 = tpu.memref_squeeze %dma_wait3A_197 : memref<1x128x128xf32, #tpu.memory_space<vmem>> -> memref<128x128xf32, #tpu.memory_space<vmem>>
        %dma_wait3A_199 = arith.constant 0 : i32
        %dma_wait3A_200 = tpu.memref_slice %arg7[%add3A_154, %dma_wait3A_199] : memref<10240x128xf32, #tpu.memory_space<hbm>> -> memref<128x128xf32, #tpu.memory_space<hbm>>
        %dma_wait3A_201 = arith.constant 0 : i32
        %dma_wait3A_202 = tpu.memref_slice %arg7[%add3A_154, %dma_wait3A_201] : memref<10240x128xf32, #tpu.memory_space<hbm>> -> memref<128x128xf32, #tpu.memory_space<hbm>>
        %dma_wait3A_203 = arith.constant 0 : i32
        %dma_wait3A_204 = arith.constant 0 : i32
        %dma_wait3A_205 = tpu.memref_slice %arg11[%run_scoped3A_181, %dma_wait3A_203, %dma_wait3A_204] : memref<2x128x128xf32, #tpu.memory_space<vmem>> -> memref<1x128x128xf32, #tpu.memory_space<vmem>>
        %dma_wait3A_206 = tpu.memref_squeeze %dma_wait3A_205 : memref<1x128x128xf32, #tpu.memory_space<vmem>> -> memref<128x128xf32, #tpu.memory_space<vmem>>
        tpu.wait_dma2 semaphore(%run_scoped3A_182 : memref<!tpu.dma_semaphore, #tpu.memory_space<semaphore_mem>>) src(%dma_wait3A_206 : memref<128x128xf32, #tpu.memory_space<vmem>>) dst(%dma_wait3A_202 : memref<128x128xf32, #tpu.memory_space<hbm>>)
        tpu.yield
      }) : () -> ()
    } else {
    }
    %eq3A_161 = arith.constant 1 : i32
    %eq3A_162 = arith.cmpi eq, %arg0, %eq3A_161 : i32
    %convert_element_type3A_163 = arith.extui %eq3A_162 : i1 to i32
    %cond3A_164 = arith.constant 0 : i32
    %cond3A_165 = arith.cmpi ne, %convert_element_type3A_163, %cond3A_164 : i32
    scf.if %cond3A_165 {
      %run_scoped3A_181 = arith.constant 0 : i32
      "tpu.region"() ({
        %run_scoped3A_182 = tpu.sem_alloc : memref<!tpu.dma_semaphore, #tpu.memory_space<semaphore_mem>>
        %dma_start3A_183 = arith.constant 0 : i32
        %dma_start3A_184 = arith.constant 0 : i32
        %dma_start3A_185 = tpu.memref_slice %arg11[%run_scoped3A_181, %dma_start3A_183, %dma_start3A_184] : memref<2x128x128xf32, #tpu.memory_space<vmem>> -> memref<1x128x128xf32, #tpu.memory_space<vmem>>
        %dma_start3A_186 = tpu.memref_squeeze %dma_start3A_185 : memref<1x128x128xf32, #tpu.memory_space<vmem>> -> memref<128x128xf32, #tpu.memory_space<vmem>>
        %dma_start3A_187 = arith.constant 0 : i32
        %dma_start3A_188 = tpu.memref_slice %arg8[%add3A_154, %dma_start3A_187] : memref<10240x128xf32, #tpu.memory_space<hbm>> -> memref<128x128xf32, #tpu.memory_space<hbm>>
        %dma_start3A_189 = arith.constant 0 : i32
        %dma_start3A_190 = tpu.memref_slice %arg8[%add3A_154, %dma_start3A_189] : memref<10240x128xf32, #tpu.memory_space<hbm>> -> memref<128x128xf32, #tpu.memory_space<hbm>>
        %dma_start3A_191 = arith.constant 0 : i32
        %dma_start3A_192 = arith.constant 0 : i32
        %dma_start3A_193 = tpu.memref_slice %arg11[%run_scoped3A_181, %dma_start3A_191, %dma_start3A_192] : memref<2x128x128xf32, #tpu.memory_space<vmem>> -> memref<1x128x128xf32, #tpu.memory_space<vmem>>
        %dma_start3A_194 = tpu.memref_squeeze %dma_start3A_193 : memref<1x128x128xf32, #tpu.memory_space<vmem>> -> memref<128x128xf32, #tpu.memory_space<vmem>>
        tpu.enqueue_dma source(%dma_start3A_194 : memref<128x128xf32, #tpu.memory_space<vmem>>) target(%dma_start3A_190 : memref<128x128xf32, #tpu.memory_space<hbm>>) target_semaphore(%run_scoped3A_182 : memref<!tpu.dma_semaphore, #tpu.memory_space<semaphore_mem>>)
        %dma_wait3A_195 = arith.constant 0 : i32
        %dma_wait3A_196 = arith.constant 0 : i32
        %dma_wait3A_197 = tpu.memref_slice %arg11[%run_scoped3A_181, %dma_wait3A_195, %dma_wait3A_196] : memref<2x128x128xf32, #tpu.memory_space<vmem>> -> memref<1x128x128xf32, #tpu.memory_space<vmem>>
        %dma_wait3A_198 = tpu.memref_squeeze %dma_wait3A_197 : memref<1x128x128xf32, #tpu.memory_space<vmem>> -> memref<128x128xf32, #tpu.memory_space<vmem>>
        %dma_wait3A_199 = arith.constant 0 : i32
        %dma_wait3A_200 = tpu.memref_slice %arg8[%add3A_154, %dma_wait3A_199] : memref<10240x128xf32, #tpu.memory_space<hbm>> -> memref<128x128xf32, #tpu.memory_space<hbm>>
        %dma_wait3A_201 = arith.constant 0 : i32
        %dma_wait3A_202 = tpu.memref_slice %arg8[%add3A_154, %dma_wait3A_201] : memref<10240x128xf32, #tpu.memory_space<hbm>> -> memref<128x128xf32, #tpu.memory_space<hbm>>
        %dma_wait3A_203 = arith.constant 0 : i32
        %dma_wait3A_204 = arith.constant 0 : i32
        %dma_wait3A_205 = tpu.memref_slice %arg11[%run_scoped3A_181, %dma_wait3A_203, %dma_wait3A_204] : memref<2x128x128xf32, #tpu.memory_space<vmem>> -> memref<1x128x128xf32, #tpu.memory_space<vmem>>
        %dma_wait3A_206 = tpu.memref_squeeze %dma_wait3A_205 : memref<1x128x128xf32, #tpu.memory_space<vmem>> -> memref<128x128xf32, #tpu.memory_space<vmem>>
        tpu.wait_dma2 semaphore(%run_scoped3A_182 : memref<!tpu.dma_semaphore, #tpu.memory_space<semaphore_mem>>) src(%dma_wait3A_206 : memref<128x128xf32, #tpu.memory_space<vmem>>) dst(%dma_wait3A_202 : memref<128x128xf32, #tpu.memory_space<hbm>>)
        tpu.yield
      }) : () -> ()
    } else {
    }
    %mul3A_166 = arith.constant 640 : i32
    %mul3A_167 = arith.muli %arg1, %mul3A_166 : i32
    %add3A_168 = arith.constant 512 : i32
    %add3A_169 = arith.addi %mul3A_167, %add3A_168 : i32
    %run_scoped3A_170 = arith.constant 0 : i32
    "tpu.region"() ({
      %run_scoped3A_181 = tpu.sem_alloc : memref<!tpu.dma_semaphore, #tpu.memory_space<semaphore_mem>>
      %dma_start3A_182 = arith.constant 0 : i32
      %dma_start3A_183 = arith.constant 0 : i32
      %dma_start3A_184 = tpu.memref_slice %arg11[%run_scoped3A_170, %dma_start3A_182, %dma_start3A_183] : memref<2x128x128xf32, #tpu.memory_space<vmem>> -> memref<1x128x128xf32, #tpu.memory_space<vmem>>
      %dma_start3A_185 = tpu.memref_squeeze %dma_start3A_184 : memref<1x128x128xf32, #tpu.memory_space<vmem>> -> memref<128x128xf32, #tpu.memory_space<vmem>>
      %dma_start3A_186 = arith.constant 0 : i32
      %dma_start3A_187 = tpu.memref_slice %arg12[%add3A_169, %dma_start3A_186] : memref<10240x128xf32, #tpu.memory_space<vmem_shared>> -> memref<128x128xf32, #tpu.memory_space<vmem_shared>>
      %dma_start3A_188 = arith.constant 0 : i32
      %dma_start3A_189 = arith.constant 0 : i32
      %dma_start3A_190 = tpu.memref_slice %arg11[%run_scoped3A_170, %dma_start3A_188, %dma_start3A_189] : memref<2x128x128xf32, #tpu.memory_space<vmem>> -> memref<1x128x128xf32, #tpu.memory_space<vmem>>
      %dma_start3A_191 = tpu.memref_squeeze %dma_start3A_190 : memref<1x128x128xf32, #tpu.memory_space<vmem>> -> memref<128x128xf32, #tpu.memory_space<vmem>>
      %dma_start3A_192 = arith.constant 0 : i32
      %dma_start3A_193 = tpu.memref_slice %arg12[%add3A_169, %dma_start3A_192] : memref<10240x128xf32, #tpu.memory_space<vmem_shared>> -> memref<128x128xf32, #tpu.memory_space<vmem_shared>>
      tpu.enqueue_dma source(%dma_start3A_193 : memref<128x128xf32, #tpu.memory_space<vmem_shared>>) target(%dma_start3A_191 : memref<128x128xf32, #tpu.memory_space<vmem>>) target_semaphore(%run_scoped3A_181 : memref<!tpu.dma_semaphore, #tpu.memory_space<semaphore_mem>>)
      %dma_wait3A_194 = arith.constant 0 : i32
      %dma_wait3A_195 = arith.constant 0 : i32
      %dma_wait3A_196 = tpu.memref_slice %arg11[%run_scoped3A_170, %dma_wait3A_194, %dma_wait3A_195] : memref<2x128x128xf32, #tpu.memory_space<vmem>> -> memref<1x128x128xf32, #tpu.memory_space<vmem>>
      %dma_wait3A_197 = tpu.memref_squeeze %dma_wait3A_196 : memref<1x128x128xf32, #tpu.memory_space<vmem>> -> memref<128x128xf32, #tpu.memory_space<vmem>>
      %dma_wait3A_198 = arith.constant 0 : i32
      %dma_wait3A_199 = tpu.memref_slice %arg12[%add3A_169, %dma_wait3A_198] : memref<10240x128xf32, #tpu.memory_space<vmem_shared>> -> memref<128x128xf32, #tpu.memory_space<vmem_shared>>
      %dma_wait3A_200 = arith.constant 0 : i32
      %dma_wait3A_201 = arith.constant 0 : i32
      %dma_wait3A_202 = tpu.memref_slice %arg11[%run_scoped3A_170, %dma_wait3A_200, %dma_wait3A_201] : memref<2x128x128xf32, #tpu.memory_space<vmem>> -> memref<1x128x128xf32, #tpu.memory_space<vmem>>
      %dma_wait3A_203 = tpu.memref_squeeze %dma_wait3A_202 : memref<1x128x128xf32, #tpu.memory_space<vmem>> -> memref<128x128xf32, #tpu.memory_space<vmem>>
      %dma_wait3A_204 = arith.constant 0 : i32
      %dma_wait3A_205 = tpu.memref_slice %arg12[%add3A_169, %dma_wait3A_204] : memref<10240x128xf32, #tpu.memory_space<vmem_shared>> -> memref<128x128xf32, #tpu.memory_space<vmem_shared>>
      tpu.wait_dma2 semaphore(%run_scoped3A_181 : memref<!tpu.dma_semaphore, #tpu.memory_space<semaphore_mem>>) src(%dma_wait3A_205 : memref<128x128xf32, #tpu.memory_space<vmem_shared>>) dst(%dma_wait3A_203 : memref<128x128xf32, #tpu.memory_space<vmem>>)
      tpu.yield
    }) : () -> ()
    %eq3A_171 = arith.constant 0 : i32
    %eq3A_172 = arith.cmpi eq, %arg0, %eq3A_171 : i32
    %convert_element_type3A_173 = arith.extui %eq3A_172 : i1 to i32
    %cond3A_174 = arith.constant 0 : i32
    %cond3A_175 = arith.cmpi ne, %convert_element_type3A_173, %cond3A_174 : i32
    scf.if %cond3A_175 {
      %run_scoped3A_181 = arith.constant 0 : i32
      "tpu.region"() ({
        %run_scoped3A_182 = tpu.sem_alloc : memref<!tpu.dma_semaphore, #tpu.memory_space<semaphore_mem>>
        %dma_start3A_183 = arith.constant 0 : i32
        %dma_start3A_184 = arith.constant 0 : i32
        %dma_start3A_185 = tpu.memref_slice %arg11[%run_scoped3A_181, %dma_start3A_183, %dma_start3A_184] : memref<2x128x128xf32, #tpu.memory_space<vmem>> -> memref<1x128x128xf32, #tpu.memory_space<vmem>>
        %dma_start3A_186 = tpu.memref_squeeze %dma_start3A_185 : memref<1x128x128xf32, #tpu.memory_space<vmem>> -> memref<128x128xf32, #tpu.memory_space<vmem>>
        %dma_start3A_187 = arith.constant 0 : i32
        %dma_start3A_188 = tpu.memref_slice %arg7[%add3A_169, %dma_start3A_187] : memref<10240x128xf32, #tpu.memory_space<hbm>> -> memref<128x128xf32, #tpu.memory_space<hbm>>
        %dma_start3A_189 = arith.constant 0 : i32
        %dma_start3A_190 = tpu.memref_slice %arg7[%add3A_169, %dma_start3A_189] : memref<10240x128xf32, #tpu.memory_space<hbm>> -> memref<128x128xf32, #tpu.memory_space<hbm>>
        %dma_start3A_191 = arith.constant 0 : i32
        %dma_start3A_192 = arith.constant 0 : i32
        %dma_start3A_193 = tpu.memref_slice %arg11[%run_scoped3A_181, %dma_start3A_191, %dma_start3A_192] : memref<2x128x128xf32, #tpu.memory_space<vmem>> -> memref<1x128x128xf32, #tpu.memory_space<vmem>>
        %dma_start3A_194 = tpu.memref_squeeze %dma_start3A_193 : memref<1x128x128xf32, #tpu.memory_space<vmem>> -> memref<128x128xf32, #tpu.memory_space<vmem>>
        tpu.enqueue_dma source(%dma_start3A_194 : memref<128x128xf32, #tpu.memory_space<vmem>>) target(%dma_start3A_190 : memref<128x128xf32, #tpu.memory_space<hbm>>) target_semaphore(%run_scoped3A_182 : memref<!tpu.dma_semaphore, #tpu.memory_space<semaphore_mem>>)
        %dma_wait3A_195 = arith.constant 0 : i32
        %dma_wait3A_196 = arith.constant 0 : i32
        %dma_wait3A_197 = tpu.memref_slice %arg11[%run_scoped3A_181, %dma_wait3A_195, %dma_wait3A_196] : memref<2x128x128xf32, #tpu.memory_space<vmem>> -> memref<1x128x128xf32, #tpu.memory_space<vmem>>
        %dma_wait3A_198 = tpu.memref_squeeze %dma_wait3A_197 : memref<1x128x128xf32, #tpu.memory_space<vmem>> -> memref<128x128xf32, #tpu.memory_space<vmem>>
        %dma_wait3A_199 = arith.constant 0 : i32
        %dma_wait3A_200 = tpu.memref_slice %arg7[%add3A_169, %dma_wait3A_199] : memref<10240x128xf32, #tpu.memory_space<hbm>> -> memref<128x128xf32, #tpu.memory_space<hbm>>
        %dma_wait3A_201 = arith.constant 0 : i32
        %dma_wait3A_202 = tpu.memref_slice %arg7[%add3A_169, %dma_wait3A_201] : memref<10240x128xf32, #tpu.memory_space<hbm>> -> memref<128x128xf32, #tpu.memory_space<hbm>>
        %dma_wait3A_203 = arith.constant 0 : i32
        %dma_wait3A_204 = arith.constant 0 : i32
        %dma_wait3A_205 = tpu.memref_slice %arg11[%run_scoped3A_181, %dma_wait3A_203, %dma_wait3A_204] : memref<2x128x128xf32, #tpu.memory_space<vmem>> -> memref<1x128x128xf32, #tpu.memory_space<vmem>>
        %dma_wait3A_206 = tpu.memref_squeeze %dma_wait3A_205 : memref<1x128x128xf32, #tpu.memory_space<vmem>> -> memref<128x128xf32, #tpu.memory_space<vmem>>
        tpu.wait_dma2 semaphore(%run_scoped3A_182 : memref<!tpu.dma_semaphore, #tpu.memory_space<semaphore_mem>>) src(%dma_wait3A_206 : memref<128x128xf32, #tpu.memory_space<vmem>>) dst(%dma_wait3A_202 : memref<128x128xf32, #tpu.memory_space<hbm>>)
        tpu.yield
      }) : () -> ()
    } else {
    }
    %eq3A_176 = arith.constant 1 : i32
    %eq3A_177 = arith.cmpi eq, %arg0, %eq3A_176 : i32
    %convert_element_type3A_178 = arith.extui %eq3A_177 : i1 to i32
    %cond3A_179 = arith.constant 0 : i32
    %cond3A_180 = arith.cmpi ne, %convert_element_type3A_178, %cond3A_179 : i32
    scf.if %cond3A_180 {
      %run_scoped3A_181 = arith.constant 0 : i32
      "tpu.region"() ({
        %run_scoped3A_182 = tpu.sem_alloc : memref<!tpu.dma_semaphore, #tpu.memory_space<semaphore_mem>>
        %dma_start3A_183 = arith.constant 0 : i32
        %dma_start3A_184 = arith.constant 0 : i32
        %dma_start3A_185 = tpu.memref_slice %arg11[%run_scoped3A_181, %dma_start3A_183, %dma_start3A_184] : memref<2x128x128xf32, #tpu.memory_space<vmem>> -> memref<1x128x128xf32, #tpu.memory_space<vmem>>
        %dma_start3A_186 = tpu.memref_squeeze %dma_start3A_185 : memref<1x128x128xf32, #tpu.memory_space<vmem>> -> memref<128x128xf32, #tpu.memory_space<vmem>>
        %dma_start3A_187 = arith.constant 0 : i32
        %dma_start3A_188 = tpu.memref_slice %arg8[%add3A_169, %dma_start3A_187] : memref<10240x128xf32, #tpu.memory_space<hbm>> -> memref<128x128xf32, #tpu.memory_space<hbm>>
        %dma_start3A_189 = arith.constant 0 : i32
        %dma_start3A_190 = tpu.memref_slice %arg8[%add3A_169, %dma_start3A_189] : memref<10240x128xf32, #tpu.memory_space<hbm>> -> memref<128x128xf32, #tpu.memory_space<hbm>>
        %dma_start3A_191 = arith.constant 0 : i32
        %dma_start3A_192 = arith.constant 0 : i32
        %dma_start3A_193 = tpu.memref_slice %arg11[%run_scoped3A_181, %dma_start3A_191, %dma_start3A_192] : memref<2x128x128xf32, #tpu.memory_space<vmem>> -> memref<1x128x128xf32, #tpu.memory_space<vmem>>
        %dma_start3A_194 = tpu.memref_squeeze %dma_start3A_193 : memref<1x128x128xf32, #tpu.memory_space<vmem>> -> memref<128x128xf32, #tpu.memory_space<vmem>>
        tpu.enqueue_dma source(%dma_start3A_194 : memref<128x128xf32, #tpu.memory_space<vmem>>) target(%dma_start3A_190 : memref<128x128xf32, #tpu.memory_space<hbm>>) target_semaphore(%run_scoped3A_182 : memref<!tpu.dma_semaphore, #tpu.memory_space<semaphore_mem>>)
        %dma_wait3A_195 = arith.constant 0 : i32
        %dma_wait3A_196 = arith.constant 0 : i32
        %dma_wait3A_197 = tpu.memref_slice %arg11[%run_scoped3A_181, %dma_wait3A_195, %dma_wait3A_196] : memref<2x128x128xf32, #tpu.memory_space<vmem>> -> memref<1x128x128xf32, #tpu.memory_space<vmem>>
        %dma_wait3A_198 = tpu.memref_squeeze %dma_wait3A_197 : memref<1x128x128xf32, #tpu.memory_space<vmem>> -> memref<128x128xf32, #tpu.memory_space<vmem>>
        %dma_wait3A_199 = arith.constant 0 : i32
        %dma_wait3A_200 = tpu.memref_slice %arg8[%add3A_169, %dma_wait3A_199] : memref<10240x128xf32, #tpu.memory_space<hbm>> -> memref<128x128xf32, #tpu.memory_space<hbm>>
        %dma_wait3A_201 = arith.constant 0 : i32
        %dma_wait3A_202 = tpu.memref_slice %arg8[%add3A_169, %dma_wait3A_201] : memref<10240x128xf32, #tpu.memory_space<hbm>> -> memref<128x128xf32, #tpu.memory_space<hbm>>
        %dma_wait3A_203 = arith.constant 0 : i32
        %dma_wait3A_204 = arith.constant 0 : i32
        %dma_wait3A_205 = tpu.memref_slice %arg11[%run_scoped3A_181, %dma_wait3A_203, %dma_wait3A_204] : memref<2x128x128xf32, #tpu.memory_space<vmem>> -> memref<1x128x128xf32, #tpu.memory_space<vmem>>
        %dma_wait3A_206 = tpu.memref_squeeze %dma_wait3A_205 : memref<1x128x128xf32, #tpu.memory_space<vmem>> -> memref<128x128xf32, #tpu.memory_space<vmem>>
        tpu.wait_dma2 semaphore(%run_scoped3A_182 : memref<!tpu.dma_semaphore, #tpu.memory_space<semaphore_mem>>) src(%dma_wait3A_206 : memref<128x128xf32, #tpu.memory_space<vmem>>) dst(%dma_wait3A_202 : memref<128x128xf32, #tpu.memory_space<hbm>>)
        tpu.yield
      }) : () -> ()
    } else {
    }
    return
  }
}

#map = affine_map<(d0, d1) -> (0, 0)>
module attributes {stable_mosaic.version = 14 : i64} {
  func.func @_sc_segsum_edge_split(%arg0: i32, %arg1: i32, %arg2: memref<10000x128xf32, #tpu.memory_space<hbm>>, %arg3: memref<1280x128xi32, #tpu.memory_space<hbm>>, %arg4: memref<1280x128xi32, #tpu.memory_space<hbm>>, %arg5: memref<128x128xf32, #tpu.memory_space<hbm>>, %arg6: memref<10240x128xf32, #tpu.memory_space<hbm>>, %arg7: memref<10240x128xf32, #tpu.memory_space<hbm>>, %arg8: memref<40x128xi32, #tpu.memory_space<vmem>>, %arg9: memref<40x128xi32, #tpu.memory_space<vmem>>, %arg10: memref<2x128x128xf32, #tpu.memory_space<vmem>>, %arg11: memref<10240x128xf32, #tpu.memory_space<vmem_shared>>, %arg12: memref<!tpu.dma_semaphore, #tpu.memory_space<semaphore_mem>>, %arg13: memref<!tpu.dma_semaphore, #tpu.memory_space<semaphore_mem>>) attributes {dimension_semantics = [#tpu.dimension_semantics<core_parallel>, #tpu.dimension_semantics<subcore_parallel>], iteration_bounds = array<i64: 2, 16>, scalar_prefetch = 0 : i64, scratch_operands = 6 : i64, tpu.core_type = #tpu.core_type<sc_vector_subcore>, window_params = [{transform_indices = #map}, {transform_indices = #map}, {transform_indices = #map}, {transform_indices = #map}, {transform_indices = #map}, {transform_indices = #map}]} {
    %mul3A = arith.constant 16 : i32
    %mul3A_0 = arith.muli %arg0, %mul3A : i32
    %add3A = arith.addi %mul3A_0, %arg1 : i32
    %run_scoped3A = arith.constant 0 : i32
    "tpu.region"() ({
      %run_scoped3A_130 = tpu.sem_alloc : memref<!tpu.dma_semaphore, #tpu.memory_space<semaphore_mem>>
      %dma_start3A_131 = arith.constant 0 : i32
      %dma_start3A_132 = arith.constant 0 : i32
      %dma_start3A_133 = tpu.memref_slice %arg10[%run_scoped3A, %dma_start3A_131, %dma_start3A_132] : memref<2x128x128xf32, #tpu.memory_space<vmem>> -> memref<1x128x128xf32, #tpu.memory_space<vmem>>
      %dma_start3A_134 = tpu.memref_squeeze %dma_start3A_133 : memref<1x128x128xf32, #tpu.memory_space<vmem>> -> memref<128x128xf32, #tpu.memory_space<vmem>>
      %dma_start3A_135 = arith.constant 0 : i32
      %dma_start3A_136 = arith.constant 0 : i32
      %dma_start3A_137 = tpu.memref_slice %arg10[%run_scoped3A, %dma_start3A_135, %dma_start3A_136] : memref<2x128x128xf32, #tpu.memory_space<vmem>> -> memref<1x128x128xf32, #tpu.memory_space<vmem>>
      %dma_start3A_138 = tpu.memref_squeeze %dma_start3A_137 : memref<1x128x128xf32, #tpu.memory_space<vmem>> -> memref<128x128xf32, #tpu.memory_space<vmem>>
      tpu.enqueue_dma source(%arg5 : memref<128x128xf32, #tpu.memory_space<hbm>>) target(%dma_start3A_138 : memref<128x128xf32, #tpu.memory_space<vmem>>) target_semaphore(%run_scoped3A_130 : memref<!tpu.dma_semaphore, #tpu.memory_space<semaphore_mem>>)
      %dma_wait3A_139 = arith.constant 0 : i32
      %dma_wait3A_140 = arith.constant 0 : i32
      %dma_wait3A_141 = tpu.memref_slice %arg10[%run_scoped3A, %dma_wait3A_139, %dma_wait3A_140] : memref<2x128x128xf32, #tpu.memory_space<vmem>> -> memref<1x128x128xf32, #tpu.memory_space<vmem>>
      %dma_wait3A_142 = tpu.memref_squeeze %dma_wait3A_141 : memref<1x128x128xf32, #tpu.memory_space<vmem>> -> memref<128x128xf32, #tpu.memory_space<vmem>>
      %dma_wait3A_143 = arith.constant 0 : i32
      %dma_wait3A_144 = arith.constant 0 : i32
      %dma_wait3A_145 = tpu.memref_slice %arg10[%run_scoped3A, %dma_wait3A_143, %dma_wait3A_144] : memref<2x128x128xf32, #tpu.memory_space<vmem>> -> memref<1x128x128xf32, #tpu.memory_space<vmem>>
      %dma_wait3A_146 = tpu.memref_squeeze %dma_wait3A_145 : memref<1x128x128xf32, #tpu.memory_space<vmem>> -> memref<128x128xf32, #tpu.memory_space<vmem>>
      tpu.wait_dma2 semaphore(%run_scoped3A_130 : memref<!tpu.dma_semaphore, #tpu.memory_space<semaphore_mem>>) src(%arg5 : memref<128x128xf32, #tpu.memory_space<hbm>>) dst(%dma_wait3A_146 : memref<128x128xf32, #tpu.memory_space<vmem>>)
      tpu.yield
    }) : () -> ()
    %mul3A_1 = arith.constant 640 : i32
    %mul3A_2 = arith.muli %arg1, %mul3A_1 : i32
    %add3A_3 = arith.constant 0 : i32
    %add3A_4 = arith.addi %mul3A_2, %add3A_3 : i32
    %run_scoped3A_5 = arith.constant 0 : i32
    "tpu.region"() ({
      %run_scoped3A_130 = tpu.sem_alloc : memref<!tpu.dma_semaphore, #tpu.memory_space<semaphore_mem>>
      %dma_start3A_131 = arith.constant 0 : i32
      %dma_start3A_132 = arith.constant 0 : i32
      %dma_start3A_133 = tpu.memref_slice %arg10[%run_scoped3A_5, %dma_start3A_131, %dma_start3A_132] : memref<2x128x128xf32, #tpu.memory_space<vmem>> -> memref<1x128x128xf32, #tpu.memory_space<vmem>>
      %dma_start3A_134 = tpu.memref_squeeze %dma_start3A_133 : memref<1x128x128xf32, #tpu.memory_space<vmem>> -> memref<128x128xf32, #tpu.memory_space<vmem>>
      %dma_start3A_135 = arith.constant 0 : i32
      %dma_start3A_136 = tpu.memref_slice %arg11[%add3A_4, %dma_start3A_135] : memref<10240x128xf32, #tpu.memory_space<vmem_shared>> -> memref<128x128xf32, #tpu.memory_space<vmem_shared>>
      %dma_start3A_137 = arith.constant 0 : i32
      %dma_start3A_138 = tpu.memref_slice %arg11[%add3A_4, %dma_start3A_137] : memref<10240x128xf32, #tpu.memory_space<vmem_shared>> -> memref<128x128xf32, #tpu.memory_space<vmem_shared>>
      %dma_start3A_139 = arith.constant 0 : i32
      %dma_start3A_140 = arith.constant 0 : i32
      %dma_start3A_141 = tpu.memref_slice %arg10[%run_scoped3A_5, %dma_start3A_139, %dma_start3A_140] : memref<2x128x128xf32, #tpu.memory_space<vmem>> -> memref<1x128x128xf32, #tpu.memory_space<vmem>>
      %dma_start3A_142 = tpu.memref_squeeze %dma_start3A_141 : memref<1x128x128xf32, #tpu.memory_space<vmem>> -> memref<128x128xf32, #tpu.memory_space<vmem>>
      tpu.enqueue_dma source(%dma_start3A_142 : memref<128x128xf32, #tpu.memory_space<vmem>>) target(%dma_start3A_138 : memref<128x128xf32, #tpu.memory_space<vmem_shared>>) target_semaphore(%run_scoped3A_130 : memref<!tpu.dma_semaphore, #tpu.memory_space<semaphore_mem>>)
      %dma_wait3A_143 = arith.constant 0 : i32
      %dma_wait3A_144 = arith.constant 0 : i32
      %dma_wait3A_145 = tpu.memref_slice %arg10[%run_scoped3A_5, %dma_wait3A_143, %dma_wait3A_144] : memref<2x128x128xf32, #tpu.memory_space<vmem>> -> memref<1x128x128xf32, #tpu.memory_space<vmem>>
      %dma_wait3A_146 = tpu.memref_squeeze %dma_wait3A_145 : memref<1x128x128xf32, #tpu.memory_space<vmem>> -> memref<128x128xf32, #tpu.memory_space<vmem>>
      %dma_wait3A_147 = arith.constant 0 : i32
      %dma_wait3A_148 = tpu.memref_slice %arg11[%add3A_4, %dma_wait3A_147] : memref<10240x128xf32, #tpu.memory_space<vmem_shared>> -> memref<128x128xf32, #tpu.memory_space<vmem_shared>>
      %dma_wait3A_149 = arith.constant 0 : i32
      %dma_wait3A_150 = tpu.memref_slice %arg11[%add3A_4, %dma_wait3A_149] : memref<10240x128xf32, #tpu.memory_space<vmem_shared>> -> memref<128x128xf32, #tpu.memory_space<vmem_shared>>
      %dma_wait3A_151 = arith.constant 0 : i32
      %dma_wait3A_152 = arith.constant 0 : i32
      %dma_wait3A_153 = tpu.memref_slice %arg10[%run_scoped3A_5, %dma_wait3A_151, %dma_wait3A_152] : memref<2x128x128xf32, #tpu.memory_space<vmem>> -> memref<1x128x128xf32, #tpu.memory_space<vmem>>
      %dma_wait3A_154 = tpu.memref_squeeze %dma_wait3A_153 : memref<1x128x128xf32, #tpu.memory_space<vmem>> -> memref<128x128xf32, #tpu.memory_space<vmem>>
      tpu.wait_dma2 semaphore(%run_scoped3A_130 : memref<!tpu.dma_semaphore, #tpu.memory_space<semaphore_mem>>) src(%dma_wait3A_154 : memref<128x128xf32, #tpu.memory_space<vmem>>) dst(%dma_wait3A_150 : memref<128x128xf32, #tpu.memory_space<vmem_shared>>)
      tpu.yield
    }) : () -> ()
    %mul3A_6 = arith.constant 640 : i32
    %mul3A_7 = arith.muli %arg1, %mul3A_6 : i32
    %add3A_8 = arith.constant 128 : i32
    %add3A_9 = arith.addi %mul3A_7, %add3A_8 : i32
    %run_scoped3A_10 = arith.constant 0 : i32
    "tpu.region"() ({
      %run_scoped3A_130 = tpu.sem_alloc : memref<!tpu.dma_semaphore, #tpu.memory_space<semaphore_mem>>
      %dma_start3A_131 = arith.constant 0 : i32
      %dma_start3A_132 = arith.constant 0 : i32
      %dma_start3A_133 = tpu.memref_slice %arg10[%run_scoped3A_10, %dma_start3A_131, %dma_start3A_132] : memref<2x128x128xf32, #tpu.memory_space<vmem>> -> memref<1x128x128xf32, #tpu.memory_space<vmem>>
      %dma_start3A_134 = tpu.memref_squeeze %dma_start3A_133 : memref<1x128x128xf32, #tpu.memory_space<vmem>> -> memref<128x128xf32, #tpu.memory_space<vmem>>
      %dma_start3A_135 = arith.constant 0 : i32
      %dma_start3A_136 = tpu.memref_slice %arg11[%add3A_9, %dma_start3A_135] : memref<10240x128xf32, #tpu.memory_space<vmem_shared>> -> memref<128x128xf32, #tpu.memory_space<vmem_shared>>
      %dma_start3A_137 = arith.constant 0 : i32
      %dma_start3A_138 = tpu.memref_slice %arg11[%add3A_9, %dma_start3A_137] : memref<10240x128xf32, #tpu.memory_space<vmem_shared>> -> memref<128x128xf32, #tpu.memory_space<vmem_shared>>
      %dma_start3A_139 = arith.constant 0 : i32
      %dma_start3A_140 = arith.constant 0 : i32
      %dma_start3A_141 = tpu.memref_slice %arg10[%run_scoped3A_10, %dma_start3A_139, %dma_start3A_140] : memref<2x128x128xf32, #tpu.memory_space<vmem>> -> memref<1x128x128xf32, #tpu.memory_space<vmem>>
      %dma_start3A_142 = tpu.memref_squeeze %dma_start3A_141 : memref<1x128x128xf32, #tpu.memory_space<vmem>> -> memref<128x128xf32, #tpu.memory_space<vmem>>
      tpu.enqueue_dma source(%dma_start3A_142 : memref<128x128xf32, #tpu.memory_space<vmem>>) target(%dma_start3A_138 : memref<128x128xf32, #tpu.memory_space<vmem_shared>>) target_semaphore(%run_scoped3A_130 : memref<!tpu.dma_semaphore, #tpu.memory_space<semaphore_mem>>)
      %dma_wait3A_143 = arith.constant 0 : i32
      %dma_wait3A_144 = arith.constant 0 : i32
      %dma_wait3A_145 = tpu.memref_slice %arg10[%run_scoped3A_10, %dma_wait3A_143, %dma_wait3A_144] : memref<2x128x128xf32, #tpu.memory_space<vmem>> -> memref<1x128x128xf32, #tpu.memory_space<vmem>>
      %dma_wait3A_146 = tpu.memref_squeeze %dma_wait3A_145 : memref<1x128x128xf32, #tpu.memory_space<vmem>> -> memref<128x128xf32, #tpu.memory_space<vmem>>
      %dma_wait3A_147 = arith.constant 0 : i32
      %dma_wait3A_148 = tpu.memref_slice %arg11[%add3A_9, %dma_wait3A_147] : memref<10240x128xf32, #tpu.memory_space<vmem_shared>> -> memref<128x128xf32, #tpu.memory_space<vmem_shared>>
      %dma_wait3A_149 = arith.constant 0 : i32
      %dma_wait3A_150 = tpu.memref_slice %arg11[%add3A_9, %dma_wait3A_149] : memref<10240x128xf32, #tpu.memory_space<vmem_shared>> -> memref<128x128xf32, #tpu.memory_space<vmem_shared>>
      %dma_wait3A_151 = arith.constant 0 : i32
      %dma_wait3A_152 = arith.constant 0 : i32
      %dma_wait3A_153 = tpu.memref_slice %arg10[%run_scoped3A_10, %dma_wait3A_151, %dma_wait3A_152] : memref<2x128x128xf32, #tpu.memory_space<vmem>> -> memref<1x128x128xf32, #tpu.memory_space<vmem>>
      %dma_wait3A_154 = tpu.memref_squeeze %dma_wait3A_153 : memref<1x128x128xf32, #tpu.memory_space<vmem>> -> memref<128x128xf32, #tpu.memory_space<vmem>>
      tpu.wait_dma2 semaphore(%run_scoped3A_130 : memref<!tpu.dma_semaphore, #tpu.memory_space<semaphore_mem>>) src(%dma_wait3A_154 : memref<128x128xf32, #tpu.memory_space<vmem>>) dst(%dma_wait3A_150 : memref<128x128xf32, #tpu.memory_space<vmem_shared>>)
      tpu.yield
    }) : () -> ()
    %mul3A_11 = arith.constant 640 : i32
    %mul3A_12 = arith.muli %arg1, %mul3A_11 : i32
    %add3A_13 = arith.constant 256 : i32
    %add3A_14 = arith.addi %mul3A_12, %add3A_13 : i32
    %run_scoped3A_15 = arith.constant 0 : i32
    "tpu.region"() ({
      %run_scoped3A_130 = tpu.sem_alloc : memref<!tpu.dma_semaphore, #tpu.memory_space<semaphore_mem>>
      %dma_start3A_131 = arith.constant 0 : i32
      %dma_start3A_132 = arith.constant 0 : i32
      %dma_start3A_133 = tpu.memref_slice %arg10[%run_scoped3A_15, %dma_start3A_131, %dma_start3A_132] : memref<2x128x128xf32, #tpu.memory_space<vmem>> -> memref<1x128x128xf32, #tpu.memory_space<vmem>>
      %dma_start3A_134 = tpu.memref_squeeze %dma_start3A_133 : memref<1x128x128xf32, #tpu.memory_space<vmem>> -> memref<128x128xf32, #tpu.memory_space<vmem>>
      %dma_start3A_135 = arith.constant 0 : i32
      %dma_start3A_136 = tpu.memref_slice %arg11[%add3A_14, %dma_start3A_135] : memref<10240x128xf32, #tpu.memory_space<vmem_shared>> -> memref<128x128xf32, #tpu.memory_space<vmem_shared>>
      %dma_start3A_137 = arith.constant 0 : i32
      %dma_start3A_138 = tpu.memref_slice %arg11[%add3A_14, %dma_start3A_137] : memref<10240x128xf32, #tpu.memory_space<vmem_shared>> -> memref<128x128xf32, #tpu.memory_space<vmem_shared>>
      %dma_start3A_139 = arith.constant 0 : i32
      %dma_start3A_140 = arith.constant 0 : i32
      %dma_start3A_141 = tpu.memref_slice %arg10[%run_scoped3A_15, %dma_start3A_139, %dma_start3A_140] : memref<2x128x128xf32, #tpu.memory_space<vmem>> -> memref<1x128x128xf32, #tpu.memory_space<vmem>>
      %dma_start3A_142 = tpu.memref_squeeze %dma_start3A_141 : memref<1x128x128xf32, #tpu.memory_space<vmem>> -> memref<128x128xf32, #tpu.memory_space<vmem>>
      tpu.enqueue_dma source(%dma_start3A_142 : memref<128x128xf32, #tpu.memory_space<vmem>>) target(%dma_start3A_138 : memref<128x128xf32, #tpu.memory_space<vmem_shared>>) target_semaphore(%run_scoped3A_130 : memref<!tpu.dma_semaphore, #tpu.memory_space<semaphore_mem>>)
      %dma_wait3A_143 = arith.constant 0 : i32
      %dma_wait3A_144 = arith.constant 0 : i32
      %dma_wait3A_145 = tpu.memref_slice %arg10[%run_scoped3A_15, %dma_wait3A_143, %dma_wait3A_144] : memref<2x128x128xf32, #tpu.memory_space<vmem>> -> memref<1x128x128xf32, #tpu.memory_space<vmem>>
      %dma_wait3A_146 = tpu.memref_squeeze %dma_wait3A_145 : memref<1x128x128xf32, #tpu.memory_space<vmem>> -> memref<128x128xf32, #tpu.memory_space<vmem>>
      %dma_wait3A_147 = arith.constant 0 : i32
      %dma_wait3A_148 = tpu.memref_slice %arg11[%add3A_14, %dma_wait3A_147] : memref<10240x128xf32, #tpu.memory_space<vmem_shared>> -> memref<128x128xf32, #tpu.memory_space<vmem_shared>>
      %dma_wait3A_149 = arith.constant 0 : i32
      %dma_wait3A_150 = tpu.memref_slice %arg11[%add3A_14, %dma_wait3A_149] : memref<10240x128xf32, #tpu.memory_space<vmem_shared>> -> memref<128x128xf32, #tpu.memory_space<vmem_shared>>
      %dma_wait3A_151 = arith.constant 0 : i32
      %dma_wait3A_152 = arith.constant 0 : i32
      %dma_wait3A_153 = tpu.memref_slice %arg10[%run_scoped3A_15, %dma_wait3A_151, %dma_wait3A_152] : memref<2x128x128xf32, #tpu.memory_space<vmem>> -> memref<1x128x128xf32, #tpu.memory_space<vmem>>
      %dma_wait3A_154 = tpu.memref_squeeze %dma_wait3A_153 : memref<1x128x128xf32, #tpu.memory_space<vmem>> -> memref<128x128xf32, #tpu.memory_space<vmem>>
      tpu.wait_dma2 semaphore(%run_scoped3A_130 : memref<!tpu.dma_semaphore, #tpu.memory_space<semaphore_mem>>) src(%dma_wait3A_154 : memref<128x128xf32, #tpu.memory_space<vmem>>) dst(%dma_wait3A_150 : memref<128x128xf32, #tpu.memory_space<vmem_shared>>)
      tpu.yield
    }) : () -> ()
    %mul3A_16 = arith.constant 640 : i32
    %mul3A_17 = arith.muli %arg1, %mul3A_16 : i32
    %add3A_18 = arith.constant 384 : i32
    %add3A_19 = arith.addi %mul3A_17, %add3A_18 : i32
    %run_scoped3A_20 = arith.constant 0 : i32
    "tpu.region"() ({
      %run_scoped3A_130 = tpu.sem_alloc : memref<!tpu.dma_semaphore, #tpu.memory_space<semaphore_mem>>
      %dma_start3A_131 = arith.constant 0 : i32
      %dma_start3A_132 = arith.constant 0 : i32
      %dma_start3A_133 = tpu.memref_slice %arg10[%run_scoped3A_20, %dma_start3A_131, %dma_start3A_132] : memref<2x128x128xf32, #tpu.memory_space<vmem>> -> memref<1x128x128xf32, #tpu.memory_space<vmem>>
      %dma_start3A_134 = tpu.memref_squeeze %dma_start3A_133 : memref<1x128x128xf32, #tpu.memory_space<vmem>> -> memref<128x128xf32, #tpu.memory_space<vmem>>
      %dma_start3A_135 = arith.constant 0 : i32
      %dma_start3A_136 = tpu.memref_slice %arg11[%add3A_19, %dma_start3A_135] : memref<10240x128xf32, #tpu.memory_space<vmem_shared>> -> memref<128x128xf32, #tpu.memory_space<vmem_shared>>
      %dma_start3A_137 = arith.constant 0 : i32
      %dma_start3A_138 = tpu.memref_slice %arg11[%add3A_19, %dma_start3A_137] : memref<10240x128xf32, #tpu.memory_space<vmem_shared>> -> memref<128x128xf32, #tpu.memory_space<vmem_shared>>
      %dma_start3A_139 = arith.constant 0 : i32
      %dma_start3A_140 = arith.constant 0 : i32
      %dma_start3A_141 = tpu.memref_slice %arg10[%run_scoped3A_20, %dma_start3A_139, %dma_start3A_140] : memref<2x128x128xf32, #tpu.memory_space<vmem>> -> memref<1x128x128xf32, #tpu.memory_space<vmem>>
      %dma_start3A_142 = tpu.memref_squeeze %dma_start3A_141 : memref<1x128x128xf32, #tpu.memory_space<vmem>> -> memref<128x128xf32, #tpu.memory_space<vmem>>
      tpu.enqueue_dma source(%dma_start3A_142 : memref<128x128xf32, #tpu.memory_space<vmem>>) target(%dma_start3A_138 : memref<128x128xf32, #tpu.memory_space<vmem_shared>>) target_semaphore(%run_scoped3A_130 : memref<!tpu.dma_semaphore, #tpu.memory_space<semaphore_mem>>)
      %dma_wait3A_143 = arith.constant 0 : i32
      %dma_wait3A_144 = arith.constant 0 : i32
      %dma_wait3A_145 = tpu.memref_slice %arg10[%run_scoped3A_20, %dma_wait3A_143, %dma_wait3A_144] : memref<2x128x128xf32, #tpu.memory_space<vmem>> -> memref<1x128x128xf32, #tpu.memory_space<vmem>>
      %dma_wait3A_146 = tpu.memref_squeeze %dma_wait3A_145 : memref<1x128x128xf32, #tpu.memory_space<vmem>> -> memref<128x128xf32, #tpu.memory_space<vmem>>
      %dma_wait3A_147 = arith.constant 0 : i32
      %dma_wait3A_148 = tpu.memref_slice %arg11[%add3A_19, %dma_wait3A_147] : memref<10240x128xf32, #tpu.memory_space<vmem_shared>> -> memref<128x128xf32, #tpu.memory_space<vmem_shared>>
      %dma_wait3A_149 = arith.constant 0 : i32
      %dma_wait3A_150 = tpu.memref_slice %arg11[%add3A_19, %dma_wait3A_149] : memref<10240x128xf32, #tpu.memory_space<vmem_shared>> -> memref<128x128xf32, #tpu.memory_space<vmem_shared>>
      %dma_wait3A_151 = arith.constant 0 : i32
      %dma_wait3A_152 = arith.constant 0 : i32
      %dma_wait3A_153 = tpu.memref_slice %arg10[%run_scoped3A_20, %dma_wait3A_151, %dma_wait3A_152] : memref<2x128x128xf32, #tpu.memory_space<vmem>> -> memref<1x128x128xf32, #tpu.memory_space<vmem>>
      %dma_wait3A_154 = tpu.memref_squeeze %dma_wait3A_153 : memref<1x128x128xf32, #tpu.memory_space<vmem>> -> memref<128x128xf32, #tpu.memory_space<vmem>>
      tpu.wait_dma2 semaphore(%run_scoped3A_130 : memref<!tpu.dma_semaphore, #tpu.memory_space<semaphore_mem>>) src(%dma_wait3A_154 : memref<128x128xf32, #tpu.memory_space<vmem>>) dst(%dma_wait3A_150 : memref<128x128xf32, #tpu.memory_space<vmem_shared>>)
      tpu.yield
    }) : () -> ()
    %mul3A_21 = arith.constant 640 : i32
    %mul3A_22 = arith.muli %arg1, %mul3A_21 : i32
    %add3A_23 = arith.constant 512 : i32
    %add3A_24 = arith.addi %mul3A_22, %add3A_23 : i32
    %run_scoped3A_25 = arith.constant 0 : i32
    "tpu.region"() ({
      %run_scoped3A_130 = tpu.sem_alloc : memref<!tpu.dma_semaphore, #tpu.memory_space<semaphore_mem>>
      %dma_start3A_131 = arith.constant 0 : i32
      %dma_start3A_132 = arith.constant 0 : i32
      %dma_start3A_133 = tpu.memref_slice %arg10[%run_scoped3A_25, %dma_start3A_131, %dma_start3A_132] : memref<2x128x128xf32, #tpu.memory_space<vmem>> -> memref<1x128x128xf32, #tpu.memory_space<vmem>>
      %dma_start3A_134 = tpu.memref_squeeze %dma_start3A_133 : memref<1x128x128xf32, #tpu.memory_space<vmem>> -> memref<128x128xf32, #tpu.memory_space<vmem>>
      %dma_start3A_135 = arith.constant 0 : i32
      %dma_start3A_136 = tpu.memref_slice %arg11[%add3A_24, %dma_start3A_135] : memref<10240x128xf32, #tpu.memory_space<vmem_shared>> -> memref<128x128xf32, #tpu.memory_space<vmem_shared>>
      %dma_start3A_137 = arith.constant 0 : i32
      %dma_start3A_138 = tpu.memref_slice %arg11[%add3A_24, %dma_start3A_137] : memref<10240x128xf32, #tpu.memory_space<vmem_shared>> -> memref<128x128xf32, #tpu.memory_space<vmem_shared>>
      %dma_start3A_139 = arith.constant 0 : i32
      %dma_start3A_140 = arith.constant 0 : i32
      %dma_start3A_141 = tpu.memref_slice %arg10[%run_scoped3A_25, %dma_start3A_139, %dma_start3A_140] : memref<2x128x128xf32, #tpu.memory_space<vmem>> -> memref<1x128x128xf32, #tpu.memory_space<vmem>>
      %dma_start3A_142 = tpu.memref_squeeze %dma_start3A_141 : memref<1x128x128xf32, #tpu.memory_space<vmem>> -> memref<128x128xf32, #tpu.memory_space<vmem>>
      tpu.enqueue_dma source(%dma_start3A_142 : memref<128x128xf32, #tpu.memory_space<vmem>>) target(%dma_start3A_138 : memref<128x128xf32, #tpu.memory_space<vmem_shared>>) target_semaphore(%run_scoped3A_130 : memref<!tpu.dma_semaphore, #tpu.memory_space<semaphore_mem>>)
      %dma_wait3A_143 = arith.constant 0 : i32
      %dma_wait3A_144 = arith.constant 0 : i32
      %dma_wait3A_145 = tpu.memref_slice %arg10[%run_scoped3A_25, %dma_wait3A_143, %dma_wait3A_144] : memref<2x128x128xf32, #tpu.memory_space<vmem>> -> memref<1x128x128xf32, #tpu.memory_space<vmem>>
      %dma_wait3A_146 = tpu.memref_squeeze %dma_wait3A_145 : memref<1x128x128xf32, #tpu.memory_space<vmem>> -> memref<128x128xf32, #tpu.memory_space<vmem>>
      %dma_wait3A_147 = arith.constant 0 : i32
      %dma_wait3A_148 = tpu.memref_slice %arg11[%add3A_24, %dma_wait3A_147] : memref<10240x128xf32, #tpu.memory_space<vmem_shared>> -> memref<128x128xf32, #tpu.memory_space<vmem_shared>>
      %dma_wait3A_149 = arith.constant 0 : i32
      %dma_wait3A_150 = tpu.memref_slice %arg11[%add3A_24, %dma_wait3A_149] : memref<10240x128xf32, #tpu.memory_space<vmem_shared>> -> memref<128x128xf32, #tpu.memory_space<vmem_shared>>
      %dma_wait3A_151 = arith.constant 0 : i32
      %dma_wait3A_152 = arith.constant 0 : i32
      %dma_wait3A_153 = tpu.memref_slice %arg10[%run_scoped3A_25, %dma_wait3A_151, %dma_wait3A_152] : memref<2x128x128xf32, #tpu.memory_space<vmem>> -> memref<1x128x128xf32, #tpu.memory_space<vmem>>
      %dma_wait3A_154 = tpu.memref_squeeze %dma_wait3A_153 : memref<1x128x128xf32, #tpu.memory_space<vmem>> -> memref<128x128xf32, #tpu.memory_space<vmem>>
      tpu.wait_dma2 semaphore(%run_scoped3A_130 : memref<!tpu.dma_semaphore, #tpu.memory_space<semaphore_mem>>) src(%dma_wait3A_154 : memref<128x128xf32, #tpu.memory_space<vmem>>) dst(%dma_wait3A_150 : memref<128x128xf32, #tpu.memory_space<vmem_shared>>)
      tpu.yield
    }) : () -> ()
    %mul3A_26 = arith.constant 40 : i32
    %mul3A_27 = arith.muli %add3A, %mul3A_26 : i32
    "tpu.region"() ({
      %run_scoped3A_130 = tpu.sem_alloc : memref<!tpu.dma_semaphore, #tpu.memory_space<semaphore_mem>>
      %dma_start3A_131 = arith.constant 0 : i32
      %dma_start3A_132 = tpu.memref_slice %arg3[%mul3A_27, %dma_start3A_131] : memref<1280x128xi32, #tpu.memory_space<hbm>> -> memref<40x128xi32, #tpu.memory_space<hbm>>
      %dma_start3A_133 = arith.constant 0 : i32
      %dma_start3A_134 = tpu.memref_slice %arg3[%mul3A_27, %dma_start3A_133] : memref<1280x128xi32, #tpu.memory_space<hbm>> -> memref<40x128xi32, #tpu.memory_space<hbm>>
      tpu.enqueue_dma source(%dma_start3A_134 : memref<40x128xi32, #tpu.memory_space<hbm>>) target(%arg8 : memref<40x128xi32, #tpu.memory_space<vmem>>) target_semaphore(%run_scoped3A_130 : memref<!tpu.dma_semaphore, #tpu.memory_space<semaphore_mem>>)
      %dma_wait3A_135 = arith.constant 0 : i32
      %dma_wait3A_136 = tpu.memref_slice %arg3[%mul3A_27, %dma_wait3A_135] : memref<1280x128xi32, #tpu.memory_space<hbm>> -> memref<40x128xi32, #tpu.memory_space<hbm>>
      %dma_wait3A_137 = arith.constant 0 : i32
      %dma_wait3A_138 = tpu.memref_slice %arg3[%mul3A_27, %dma_wait3A_137] : memref<1280x128xi32, #tpu.memory_space<hbm>> -> memref<40x128xi32, #tpu.memory_space<hbm>>
      tpu.wait_dma2 semaphore(%run_scoped3A_130 : memref<!tpu.dma_semaphore, #tpu.memory_space<semaphore_mem>>) src(%dma_wait3A_138 : memref<40x128xi32, #tpu.memory_space<hbm>>) dst(%arg8 : memref<40x128xi32, #tpu.memory_space<vmem>>)
      tpu.yield
    }) : () -> ()
    %mul3A_28 = arith.constant 40 : i32
    %mul3A_29 = arith.muli %add3A, %mul3A_28 : i32
    "tpu.region"() ({
      %run_scoped3A_130 = tpu.sem_alloc : memref<!tpu.dma_semaphore, #tpu.memory_space<semaphore_mem>>
      %dma_start3A_131 = arith.constant 0 : i32
      %dma_start3A_132 = tpu.memref_slice %arg4[%mul3A_29, %dma_start3A_131] : memref<1280x128xi32, #tpu.memory_space<hbm>> -> memref<40x128xi32, #tpu.memory_space<hbm>>
      %dma_start3A_133 = arith.constant 0 : i32
      %dma_start3A_134 = tpu.memref_slice %arg4[%mul3A_29, %dma_start3A_133] : memref<1280x128xi32, #tpu.memory_space<hbm>> -> memref<40x128xi32, #tpu.memory_space<hbm>>
      tpu.enqueue_dma source(%dma_start3A_134 : memref<40x128xi32, #tpu.memory_space<hbm>>) target(%arg9 : memref<40x128xi32, #tpu.memory_space<vmem>>) target_semaphore(%run_scoped3A_130 : memref<!tpu.dma_semaphore, #tpu.memory_space<semaphore_mem>>)
      %dma_wait3A_135 = arith.constant 0 : i32
      %dma_wait3A_136 = tpu.memref_slice %arg4[%mul3A_29, %dma_wait3A_135] : memref<1280x128xi32, #tpu.memory_space<hbm>> -> memref<40x128xi32, #tpu.memory_space<hbm>>
      %dma_wait3A_137 = arith.constant 0 : i32
      %dma_wait3A_138 = tpu.memref_slice %arg4[%mul3A_29, %dma_wait3A_137] : memref<1280x128xi32, #tpu.memory_space<hbm>> -> memref<40x128xi32, #tpu.memory_space<hbm>>
      tpu.wait_dma2 semaphore(%run_scoped3A_130 : memref<!tpu.dma_semaphore, #tpu.memory_space<semaphore_mem>>) src(%dma_wait3A_138 : memref<40x128xi32, #tpu.memory_space<hbm>>) dst(%arg9 : memref<40x128xi32, #tpu.memory_space<vmem>>)
      tpu.yield
    }) : () -> ()
    %barrier3A = arith.constant 0 : index
    tpu.barrier barrier_id(%barrier3A)
    %dma_start3A = arith.constant 0 : i32
    %dma_start3A_30 = arith.constant 0 : i32
    %dma_start3A_31 = arith.constant 0 : i32
    %dma_start3A_32 = arith.constant 0 : i32
    %dma_start3A_33 = tpu.memref_slice %arg10[%dma_start3A_30, %dma_start3A_31, %dma_start3A_32] : memref<2x128x128xf32, #tpu.memory_space<vmem>> -> memref<1x128x128xf32, #tpu.memory_space<vmem>>
    %dma_start3A_34 = tpu.memref_squeeze %dma_start3A_33 : memref<1x128x128xf32, #tpu.memory_space<vmem>> -> memref<128x128xf32, #tpu.memory_space<vmem>>
    %dma_start3A_35 = arith.constant 0 : i32
    %dma_start3A_36 = tpu.memref_slice %arg8[%dma_start3A, %dma_start3A_35] : memref<40x128xi32, #tpu.memory_space<vmem>> -> memref<1x128xi32, #tpu.memory_space<vmem>>
    %dma_start3A_37 = tpu.memref_squeeze %dma_start3A_36 : memref<1x128xi32, #tpu.memory_space<vmem>> -> memref<128xi32, #tpu.memory_space<vmem>>
    %dma_start3A_38 = arith.constant 0 : i32
    %dma_start3A_39 = arith.constant 0 : i32
    %dma_start3A_40 = tpu.memref_slice %arg2[%dma_start3A_38, %dma_start3A_39] : memref<10000x128xf32, #tpu.memory_space<hbm>> -> memref<10000x128xf32, #tpu.memory_space<hbm>>
    tpu.enqueue_indirect_dma source(%dma_start3A_40 : memref<10000x128xf32, #tpu.memory_space<hbm>>) target(%dma_start3A_34 : memref<128x128xf32, #tpu.memory_space<vmem>>) offsets(%dma_start3A_37 : memref<128xi32, #tpu.memory_space<vmem>>) semaphore(%arg12 : memref<!tpu.dma_semaphore, #tpu.memory_space<semaphore_mem>>)
    %scan3A = arith.constant 0 : i32
    %scan3A_41 = arith.constant 0 : i32
    %scan3A_42 = arith.constant 40 : i32
    %scan3A_43 = arith.addi %scan3A_41, %scan3A_42 : i32
    %scan3A_44 = arith.constant 1 : i32
    scf.for %scan3A_130 = %scan3A_41 to %scan3A_43 step %scan3A_44  : i32 {
      %rem3A = arith.constant 2 : i32
      %rem3A_131 = arith.remsi %scan3A_130, %rem3A : i32
      %gt3A = arith.constant 0 : i32
      %gt3A_132 = arith.cmpi sgt, %scan3A_130, %gt3A : i32
      %convert_element_type3A_133 = arith.extui %gt3A_132 : i1 to i32
      %cond3A_134 = arith.constant 0 : i32
      %cond3A_135 = arith.cmpi ne, %convert_element_type3A_133, %cond3A_134 : i32
      scf.if %cond3A_135 {
        %sub3A = arith.constant 1 : i32
        %sub3A_162 = arith.subi %sub3A, %rem3A_131 : i32
        %dma_wait3A_163 = arith.constant 0 : i32
        %dma_wait3A_164 = arith.constant 0 : i32
        %dma_wait3A_165 = tpu.memref_slice %arg10[%sub3A_162, %dma_wait3A_163, %dma_wait3A_164] : memref<2x128x128xf32, #tpu.memory_space<vmem>> -> memref<1x128x128xf32, #tpu.memory_space<vmem>>
        %dma_wait3A_166 = tpu.memref_squeeze %dma_wait3A_165 : memref<1x128x128xf32, #tpu.memory_space<vmem>> -> memref<128x128xf32, #tpu.memory_space<vmem>>
        %dma_wait3A_167 = arith.constant 0 : i32
        %dma_wait3A_168 = tpu.memref_slice %arg9[%scan3A_130, %dma_wait3A_167] : memref<40x128xi32, #tpu.memory_space<vmem>> -> memref<1x128xi32, #tpu.memory_space<vmem>>
        %dma_wait3A_169 = tpu.memref_squeeze %dma_wait3A_168 : memref<1x128xi32, #tpu.memory_space<vmem>> -> memref<128xi32, #tpu.memory_space<vmem>>
        %dma_wait3A_170 = arith.constant 0 : i32
        %dma_wait3A_171 = arith.constant 0 : i32
        %dma_wait3A_172 = tpu.memref_slice %arg11[%dma_wait3A_170, %dma_wait3A_171] : memref<10240x128xf32, #tpu.memory_space<vmem_shared>> -> memref<10240x128xf32, #tpu.memory_space<vmem_shared>>
        tpu.wait_indirect_dma semaphore(%arg13 : memref<!tpu.dma_semaphore, #tpu.memory_space<semaphore_mem>>) src(%dma_wait3A_166 : memref<128x128xf32, #tpu.memory_space<vmem>>) dst(%dma_wait3A_172 : memref<10240x128xf32, #tpu.memory_space<vmem_shared>>)
      } else {
      }
      %add3A_136 = arith.constant 1 : i32
      %add3A_137 = arith.addi %scan3A_130, %add3A_136 : i32
      %lt3A = arith.constant 40 : i32
      %lt3A_138 = arith.cmpi slt, %add3A_137, %lt3A : i32
      %convert_element_type3A_139 = arith.extui %lt3A_138 : i1 to i32
      %cond3A_140 = arith.constant 0 : i32
      %cond3A_141 = arith.cmpi ne, %convert_element_type3A_139, %cond3A_140 : i32
      scf.if %cond3A_141 {
        %add3A_162 = arith.constant 1 : i32
        %add3A_163 = arith.addi %scan3A_130, %add3A_162 : i32
        %sub3A = arith.constant 1 : i32
        %sub3A_164 = arith.subi %sub3A, %rem3A_131 : i32
        %dma_start3A_165 = arith.constant 0 : i32
        %dma_start3A_166 = arith.constant 0 : i32
        %dma_start3A_167 = tpu.memref_slice %arg10[%sub3A_164, %dma_start3A_165, %dma_start3A_166] : memref<2x128x128xf32, #tpu.memory_space<vmem>> -> memref<1x128x128xf32, #tpu.memory_space<vmem>>
        %dma_start3A_168 = tpu.memref_squeeze %dma_start3A_167 : memref<1x128x128xf32, #tpu.memory_space<vmem>> -> memref<128x128xf32, #tpu.memory_space<vmem>>
        %dma_start3A_169 = arith.constant 0 : i32
        %dma_start3A_170 = tpu.memref_slice %arg8[%add3A_163, %dma_start3A_169] : memref<40x128xi32, #tpu.memory_space<vmem>> -> memref<1x128xi32, #tpu.memory_space<vmem>>
        %dma_start3A_171 = tpu.memref_squeeze %dma_start3A_170 : memref<1x128xi32, #tpu.memory_space<vmem>> -> memref<128xi32, #tpu.memory_space<vmem>>
        %dma_start3A_172 = arith.constant 0 : i32
        %dma_start3A_173 = arith.constant 0 : i32
        %dma_start3A_174 = tpu.memref_slice %arg2[%dma_start3A_172, %dma_start3A_173] : memref<10000x128xf32, #tpu.memory_space<hbm>> -> memref<10000x128xf32, #tpu.memory_space<hbm>>
        tpu.enqueue_indirect_dma source(%dma_start3A_174 : memref<10000x128xf32, #tpu.memory_space<hbm>>) target(%dma_start3A_168 : memref<128x128xf32, #tpu.memory_space<vmem>>) offsets(%dma_start3A_171 : memref<128xi32, #tpu.memory_space<vmem>>) semaphore(%arg12 : memref<!tpu.dma_semaphore, #tpu.memory_space<semaphore_mem>>)
      } else {
      }
      %dma_wait3A_142 = arith.constant 0 : i32
      %dma_wait3A_143 = arith.constant 0 : i32
      %dma_wait3A_144 = tpu.memref_slice %arg10[%rem3A_131, %dma_wait3A_142, %dma_wait3A_143] : memref<2x128x128xf32, #tpu.memory_space<vmem>> -> memref<1x128x128xf32, #tpu.memory_space<vmem>>
      %dma_wait3A_145 = tpu.memref_squeeze %dma_wait3A_144 : memref<1x128x128xf32, #tpu.memory_space<vmem>> -> memref<128x128xf32, #tpu.memory_space<vmem>>
      %dma_wait3A_146 = arith.constant 0 : i32
      %dma_wait3A_147 = tpu.memref_slice %arg8[%scan3A_130, %dma_wait3A_146] : memref<40x128xi32, #tpu.memory_space<vmem>> -> memref<1x128xi32, #tpu.memory_space<vmem>>
      %dma_wait3A_148 = tpu.memref_squeeze %dma_wait3A_147 : memref<1x128xi32, #tpu.memory_space<vmem>> -> memref<128xi32, #tpu.memory_space<vmem>>
      %dma_wait3A_149 = arith.constant 0 : i32
      %dma_wait3A_150 = arith.constant 0 : i32
      %dma_wait3A_151 = tpu.memref_slice %arg2[%dma_wait3A_149, %dma_wait3A_150] : memref<10000x128xf32, #tpu.memory_space<hbm>> -> memref<10000x128xf32, #tpu.memory_space<hbm>>
      tpu.wait_indirect_dma semaphore(%arg12 : memref<!tpu.dma_semaphore, #tpu.memory_space<semaphore_mem>>) src(%dma_wait3A_151 : memref<10000x128xf32, #tpu.memory_space<hbm>>) dst(%dma_wait3A_145 : memref<128x128xf32, #tpu.memory_space<vmem>>)
      %dma_start3A_152 = arith.constant 0 : i32
      %dma_start3A_153 = arith.constant 0 : i32
      %dma_start3A_154 = tpu.memref_slice %arg10[%rem3A_131, %dma_start3A_152, %dma_start3A_153] : memref<2x128x128xf32, #tpu.memory_space<vmem>> -> memref<1x128x128xf32, #tpu.memory_space<vmem>>
      %dma_start3A_155 = tpu.memref_squeeze %dma_start3A_154 : memref<1x128x128xf32, #tpu.memory_space<vmem>> -> memref<128x128xf32, #tpu.memory_space<vmem>>
      %dma_start3A_156 = arith.constant 0 : i32
      %dma_start3A_157 = tpu.memref_slice %arg9[%scan3A_130, %dma_start3A_156] : memref<40x128xi32, #tpu.memory_space<vmem>> -> memref<1x128xi32, #tpu.memory_space<vmem>>
      %dma_start3A_158 = tpu.memref_squeeze %dma_start3A_157 : memref<1x128xi32, #tpu.memory_space<vmem>> -> memref<128xi32, #tpu.memory_space<vmem>>
      %dma_start3A_159 = arith.constant 0 : i32
      %dma_start3A_160 = arith.constant 0 : i32
      %dma_start3A_161 = tpu.memref_slice %arg11[%dma_start3A_159, %dma_start3A_160] : memref<10240x128xf32, #tpu.memory_space<vmem_shared>> -> memref<10240x128xf32, #tpu.memory_space<vmem_shared>>
      tpu.enqueue_indirect_dma source(%dma_start3A_155 : memref<128x128xf32, #tpu.memory_space<vmem>>) target(%dma_start3A_161 : memref<10240x128xf32, #tpu.memory_space<vmem_shared>>) offsets(%dma_start3A_158 : memref<128xi32, #tpu.memory_space<vmem>>) semaphore(%arg13 : memref<!tpu.dma_semaphore, #tpu.memory_space<semaphore_mem>>) {add = true}
    }
    %scan3A_45 = arith.constant 40 : i32
    %dma_wait3A = arith.constant 1 : i32
    %dma_wait3A_46 = arith.constant 0 : i32
    %dma_wait3A_47 = arith.constant 0 : i32
    %dma_wait3A_48 = arith.constant 0 : i32
    %dma_wait3A_49 = tpu.memref_slice %arg10[%dma_wait3A, %dma_wait3A_47, %dma_wait3A_48] : memref<2x128x128xf32, #tpu.memory_space<vmem>> -> memref<1x128x128xf32, #tpu.memory_space<vmem>>
    %dma_wait3A_50 = tpu.memref_squeeze %dma_wait3A_49 : memref<1x128x128xf32, #tpu.memory_space<vmem>> -> memref<128x128xf32, #tpu.memory_space<vmem>>
    %dma_wait3A_51 = arith.constant 0 : i32
    %dma_wait3A_52 = tpu.memref_slice %arg9[%dma_wait3A_46, %dma_wait3A_51] : memref<40x128xi32, #tpu.memory_space<vmem>> -> memref<1x128xi32, #tpu.memory_space<vmem>>
    %dma_wait3A_53 = tpu.memref_squeeze %dma_wait3A_52 : memref<1x128xi32, #tpu.memory_space<vmem>> -> memref<128xi32, #tpu.memory_space<vmem>>
    %dma_wait3A_54 = arith.constant 0 : i32
    %dma_wait3A_55 = arith.constant 0 : i32
    %dma_wait3A_56 = tpu.memref_slice %arg11[%dma_wait3A_54, %dma_wait3A_55] : memref<10240x128xf32, #tpu.memory_space<vmem_shared>> -> memref<10240x128xf32, #tpu.memory_space<vmem_shared>>
    tpu.wait_indirect_dma semaphore(%arg13 : memref<!tpu.dma_semaphore, #tpu.memory_space<semaphore_mem>>) src(%dma_wait3A_50 : memref<128x128xf32, #tpu.memory_space<vmem>>) dst(%dma_wait3A_56 : memref<10240x128xf32, #tpu.memory_space<vmem_shared>>)
    %barrier3A_57 = arith.constant 0 : index
    tpu.barrier barrier_id(%barrier3A_57)
    %mul3A_58 = arith.constant 640 : i32
    %mul3A_59 = arith.muli %arg1, %mul3A_58 : i32
    %add3A_60 = arith.constant 0 : i32
    %add3A_61 = arith.addi %mul3A_59, %add3A_60 : i32
    %run_scoped3A_62 = arith.constant 0 : i32
    "tpu.region"() ({
      %run_scoped3A_130 = tpu.sem_alloc : memref<!tpu.dma_semaphore, #tpu.memory_space<semaphore_mem>>
      %dma_start3A_131 = arith.constant 0 : i32
      %dma_start3A_132 = arith.constant 0 : i32
      %dma_start3A_133 = tpu.memref_slice %arg10[%run_scoped3A_62, %dma_start3A_131, %dma_start3A_132] : memref<2x128x128xf32, #tpu.memory_space<vmem>> -> memref<1x128x128xf32, #tpu.memory_space<vmem>>
      %dma_start3A_134 = tpu.memref_squeeze %dma_start3A_133 : memref<1x128x128xf32, #tpu.memory_space<vmem>> -> memref<128x128xf32, #tpu.memory_space<vmem>>
      %dma_start3A_135 = arith.constant 0 : i32
      %dma_start3A_136 = tpu.memref_slice %arg11[%add3A_61, %dma_start3A_135] : memref<10240x128xf32, #tpu.memory_space<vmem_shared>> -> memref<128x128xf32, #tpu.memory_space<vmem_shared>>
      %dma_start3A_137 = arith.constant 0 : i32
      %dma_start3A_138 = arith.constant 0 : i32
      %dma_start3A_139 = tpu.memref_slice %arg10[%run_scoped3A_62, %dma_start3A_137, %dma_start3A_138] : memref<2x128x128xf32, #tpu.memory_space<vmem>> -> memref<1x128x128xf32, #tpu.memory_space<vmem>>
      %dma_start3A_140 = tpu.memref_squeeze %dma_start3A_139 : memref<1x128x128xf32, #tpu.memory_space<vmem>> -> memref<128x128xf32, #tpu.memory_space<vmem>>
      %dma_start3A_141 = arith.constant 0 : i32
      %dma_start3A_142 = tpu.memref_slice %arg11[%add3A_61, %dma_start3A_141] : memref<10240x128xf32, #tpu.memory_space<vmem_shared>> -> memref<128x128xf32, #tpu.memory_space<vmem_shared>>
      tpu.enqueue_dma source(%dma_start3A_142 : memref<128x128xf32, #tpu.memory_space<vmem_shared>>) target(%dma_start3A_140 : memref<128x128xf32, #tpu.memory_space<vmem>>) target_semaphore(%run_scoped3A_130 : memref<!tpu.dma_semaphore, #tpu.memory_space<semaphore_mem>>)
      %dma_wait3A_143 = arith.constant 0 : i32
      %dma_wait3A_144 = arith.constant 0 : i32
      %dma_wait3A_145 = tpu.memref_slice %arg10[%run_scoped3A_62, %dma_wait3A_143, %dma_wait3A_144] : memref<2x128x128xf32, #tpu.memory_space<vmem>> -> memref<1x128x128xf32, #tpu.memory_space<vmem>>
      %dma_wait3A_146 = tpu.memref_squeeze %dma_wait3A_145 : memref<1x128x128xf32, #tpu.memory_space<vmem>> -> memref<128x128xf32, #tpu.memory_space<vmem>>
      %dma_wait3A_147 = arith.constant 0 : i32
      %dma_wait3A_148 = tpu.memref_slice %arg11[%add3A_61, %dma_wait3A_147] : memref<10240x128xf32, #tpu.memory_space<vmem_shared>> -> memref<128x128xf32, #tpu.memory_space<vmem_shared>>
      %dma_wait3A_149 = arith.constant 0 : i32
      %dma_wait3A_150 = arith.constant 0 : i32
      %dma_wait3A_151 = tpu.memref_slice %arg10[%run_scoped3A_62, %dma_wait3A_149, %dma_wait3A_150] : memref<2x128x128xf32, #tpu.memory_space<vmem>> -> memref<1x128x128xf32, #tpu.memory_space<vmem>>
      %dma_wait3A_152 = tpu.memref_squeeze %dma_wait3A_151 : memref<1x128x128xf32, #tpu.memory_space<vmem>> -> memref<128x128xf32, #tpu.memory_space<vmem>>
      %dma_wait3A_153 = arith.constant 0 : i32
      %dma_wait3A_154 = tpu.memref_slice %arg11[%add3A_61, %dma_wait3A_153] : memref<10240x128xf32, #tpu.memory_space<vmem_shared>> -> memref<128x128xf32, #tpu.memory_space<vmem_shared>>
      tpu.wait_dma2 semaphore(%run_scoped3A_130 : memref<!tpu.dma_semaphore, #tpu.memory_space<semaphore_mem>>) src(%dma_wait3A_154 : memref<128x128xf32, #tpu.memory_space<vmem_shared>>) dst(%dma_wait3A_152 : memref<128x128xf32, #tpu.memory_space<vmem>>)
      tpu.yield
    }) : () -> ()
    %eq3A = arith.constant 0 : i32
    %eq3A_63 = arith.cmpi eq, %arg0, %eq3A : i32
    %convert_element_type3A = arith.extui %eq3A_63 : i1 to i32
    %cond3A = arith.constant 0 : i32
    %cond3A_64 = arith.cmpi ne, %convert_element_type3A, %cond3A : i32
    scf.if %cond3A_64 {
      %run_scoped3A_130 = arith.constant 0 : i32
      "tpu.region"() ({
        %run_scoped3A_131 = tpu.sem_alloc : memref<!tpu.dma_semaphore, #tpu.memory_space<semaphore_mem>>
        %dma_start3A_132 = arith.constant 0 : i32
        %dma_start3A_133 = arith.constant 0 : i32
        %dma_start3A_134 = tpu.memref_slice %arg10[%run_scoped3A_130, %dma_start3A_132, %dma_start3A_133] : memref<2x128x128xf32, #tpu.memory_space<vmem>> -> memref<1x128x128xf32, #tpu.memory_space<vmem>>
        %dma_start3A_135 = tpu.memref_squeeze %dma_start3A_134 : memref<1x128x128xf32, #tpu.memory_space<vmem>> -> memref<128x128xf32, #tpu.memory_space<vmem>>
        %dma_start3A_136 = arith.constant 0 : i32
        %dma_start3A_137 = tpu.memref_slice %arg6[%add3A_61, %dma_start3A_136] : memref<10240x128xf32, #tpu.memory_space<hbm>> -> memref<128x128xf32, #tpu.memory_space<hbm>>
        %dma_start3A_138 = arith.constant 0 : i32
        %dma_start3A_139 = tpu.memref_slice %arg6[%add3A_61, %dma_start3A_138] : memref<10240x128xf32, #tpu.memory_space<hbm>> -> memref<128x128xf32, #tpu.memory_space<hbm>>
        %dma_start3A_140 = arith.constant 0 : i32
        %dma_start3A_141 = arith.constant 0 : i32
        %dma_start3A_142 = tpu.memref_slice %arg10[%run_scoped3A_130, %dma_start3A_140, %dma_start3A_141] : memref<2x128x128xf32, #tpu.memory_space<vmem>> -> memref<1x128x128xf32, #tpu.memory_space<vmem>>
        %dma_start3A_143 = tpu.memref_squeeze %dma_start3A_142 : memref<1x128x128xf32, #tpu.memory_space<vmem>> -> memref<128x128xf32, #tpu.memory_space<vmem>>
        tpu.enqueue_dma source(%dma_start3A_143 : memref<128x128xf32, #tpu.memory_space<vmem>>) target(%dma_start3A_139 : memref<128x128xf32, #tpu.memory_space<hbm>>) target_semaphore(%run_scoped3A_131 : memref<!tpu.dma_semaphore, #tpu.memory_space<semaphore_mem>>)
        %dma_wait3A_144 = arith.constant 0 : i32
        %dma_wait3A_145 = arith.constant 0 : i32
        %dma_wait3A_146 = tpu.memref_slice %arg10[%run_scoped3A_130, %dma_wait3A_144, %dma_wait3A_145] : memref<2x128x128xf32, #tpu.memory_space<vmem>> -> memref<1x128x128xf32, #tpu.memory_space<vmem>>
        %dma_wait3A_147 = tpu.memref_squeeze %dma_wait3A_146 : memref<1x128x128xf32, #tpu.memory_space<vmem>> -> memref<128x128xf32, #tpu.memory_space<vmem>>
        %dma_wait3A_148 = arith.constant 0 : i32
        %dma_wait3A_149 = tpu.memref_slice %arg6[%add3A_61, %dma_wait3A_148] : memref<10240x128xf32, #tpu.memory_space<hbm>> -> memref<128x128xf32, #tpu.memory_space<hbm>>
        %dma_wait3A_150 = arith.constant 0 : i32
        %dma_wait3A_151 = tpu.memref_slice %arg6[%add3A_61, %dma_wait3A_150] : memref<10240x128xf32, #tpu.memory_space<hbm>> -> memref<128x128xf32, #tpu.memory_space<hbm>>
        %dma_wait3A_152 = arith.constant 0 : i32
        %dma_wait3A_153 = arith.constant 0 : i32
        %dma_wait3A_154 = tpu.memref_slice %arg10[%run_scoped3A_130, %dma_wait3A_152, %dma_wait3A_153] : memref<2x128x128xf32, #tpu.memory_space<vmem>> -> memref<1x128x128xf32, #tpu.memory_space<vmem>>
        %dma_wait3A_155 = tpu.memref_squeeze %dma_wait3A_154 : memref<1x128x128xf32, #tpu.memory_space<vmem>> -> memref<128x128xf32, #tpu.memory_space<vmem>>
        tpu.wait_dma2 semaphore(%run_scoped3A_131 : memref<!tpu.dma_semaphore, #tpu.memory_space<semaphore_mem>>) src(%dma_wait3A_155 : memref<128x128xf32, #tpu.memory_space<vmem>>) dst(%dma_wait3A_151 : memref<128x128xf32, #tpu.memory_space<hbm>>)
        tpu.yield
      }) : () -> ()
    } else {
    }
    %eq3A_65 = arith.constant 1 : i32
    %eq3A_66 = arith.cmpi eq, %arg0, %eq3A_65 : i32
    %convert_element_type3A_67 = arith.extui %eq3A_66 : i1 to i32
    %cond3A_68 = arith.constant 0 : i32
    %cond3A_69 = arith.cmpi ne, %convert_element_type3A_67, %cond3A_68 : i32
    scf.if %cond3A_69 {
      %run_scoped3A_130 = arith.constant 0 : i32
      "tpu.region"() ({
        %run_scoped3A_131 = tpu.sem_alloc : memref<!tpu.dma_semaphore, #tpu.memory_space<semaphore_mem>>
        %dma_start3A_132 = arith.constant 0 : i32
        %dma_start3A_133 = arith.constant 0 : i32
        %dma_start3A_134 = tpu.memref_slice %arg10[%run_scoped3A_130, %dma_start3A_132, %dma_start3A_133] : memref<2x128x128xf32, #tpu.memory_space<vmem>> -> memref<1x128x128xf32, #tpu.memory_space<vmem>>
        %dma_start3A_135 = tpu.memref_squeeze %dma_start3A_134 : memref<1x128x128xf32, #tpu.memory_space<vmem>> -> memref<128x128xf32, #tpu.memory_space<vmem>>
        %dma_start3A_136 = arith.constant 0 : i32
        %dma_start3A_137 = tpu.memref_slice %arg7[%add3A_61, %dma_start3A_136] : memref<10240x128xf32, #tpu.memory_space<hbm>> -> memref<128x128xf32, #tpu.memory_space<hbm>>
        %dma_start3A_138 = arith.constant 0 : i32
        %dma_start3A_139 = tpu.memref_slice %arg7[%add3A_61, %dma_start3A_138] : memref<10240x128xf32, #tpu.memory_space<hbm>> -> memref<128x128xf32, #tpu.memory_space<hbm>>
        %dma_start3A_140 = arith.constant 0 : i32
        %dma_start3A_141 = arith.constant 0 : i32
        %dma_start3A_142 = tpu.memref_slice %arg10[%run_scoped3A_130, %dma_start3A_140, %dma_start3A_141] : memref<2x128x128xf32, #tpu.memory_space<vmem>> -> memref<1x128x128xf32, #tpu.memory_space<vmem>>
        %dma_start3A_143 = tpu.memref_squeeze %dma_start3A_142 : memref<1x128x128xf32, #tpu.memory_space<vmem>> -> memref<128x128xf32, #tpu.memory_space<vmem>>
        tpu.enqueue_dma source(%dma_start3A_143 : memref<128x128xf32, #tpu.memory_space<vmem>>) target(%dma_start3A_139 : memref<128x128xf32, #tpu.memory_space<hbm>>) target_semaphore(%run_scoped3A_131 : memref<!tpu.dma_semaphore, #tpu.memory_space<semaphore_mem>>)
        %dma_wait3A_144 = arith.constant 0 : i32
        %dma_wait3A_145 = arith.constant 0 : i32
        %dma_wait3A_146 = tpu.memref_slice %arg10[%run_scoped3A_130, %dma_wait3A_144, %dma_wait3A_145] : memref<2x128x128xf32, #tpu.memory_space<vmem>> -> memref<1x128x128xf32, #tpu.memory_space<vmem>>
        %dma_wait3A_147 = tpu.memref_squeeze %dma_wait3A_146 : memref<1x128x128xf32, #tpu.memory_space<vmem>> -> memref<128x128xf32, #tpu.memory_space<vmem>>
        %dma_wait3A_148 = arith.constant 0 : i32
        %dma_wait3A_149 = tpu.memref_slice %arg7[%add3A_61, %dma_wait3A_148] : memref<10240x128xf32, #tpu.memory_space<hbm>> -> memref<128x128xf32, #tpu.memory_space<hbm>>
        %dma_wait3A_150 = arith.constant 0 : i32
        %dma_wait3A_151 = tpu.memref_slice %arg7[%add3A_61, %dma_wait3A_150] : memref<10240x128xf32, #tpu.memory_space<hbm>> -> memref<128x128xf32, #tpu.memory_space<hbm>>
        %dma_wait3A_152 = arith.constant 0 : i32
        %dma_wait3A_153 = arith.constant 0 : i32
        %dma_wait3A_154 = tpu.memref_slice %arg10[%run_scoped3A_130, %dma_wait3A_152, %dma_wait3A_153] : memref<2x128x128xf32, #tpu.memory_space<vmem>> -> memref<1x128x128xf32, #tpu.memory_space<vmem>>
        %dma_wait3A_155 = tpu.memref_squeeze %dma_wait3A_154 : memref<1x128x128xf32, #tpu.memory_space<vmem>> -> memref<128x128xf32, #tpu.memory_space<vmem>>
        tpu.wait_dma2 semaphore(%run_scoped3A_131 : memref<!tpu.dma_semaphore, #tpu.memory_space<semaphore_mem>>) src(%dma_wait3A_155 : memref<128x128xf32, #tpu.memory_space<vmem>>) dst(%dma_wait3A_151 : memref<128x128xf32, #tpu.memory_space<hbm>>)
        tpu.yield
      }) : () -> ()
    } else {
    }
    %mul3A_70 = arith.constant 640 : i32
    %mul3A_71 = arith.muli %arg1, %mul3A_70 : i32
    %add3A_72 = arith.constant 128 : i32
    %add3A_73 = arith.addi %mul3A_71, %add3A_72 : i32
    %run_scoped3A_74 = arith.constant 0 : i32
    "tpu.region"() ({
      %run_scoped3A_130 = tpu.sem_alloc : memref<!tpu.dma_semaphore, #tpu.memory_space<semaphore_mem>>
      %dma_start3A_131 = arith.constant 0 : i32
      %dma_start3A_132 = arith.constant 0 : i32
      %dma_start3A_133 = tpu.memref_slice %arg10[%run_scoped3A_74, %dma_start3A_131, %dma_start3A_132] : memref<2x128x128xf32, #tpu.memory_space<vmem>> -> memref<1x128x128xf32, #tpu.memory_space<vmem>>
      %dma_start3A_134 = tpu.memref_squeeze %dma_start3A_133 : memref<1x128x128xf32, #tpu.memory_space<vmem>> -> memref<128x128xf32, #tpu.memory_space<vmem>>
      %dma_start3A_135 = arith.constant 0 : i32
      %dma_start3A_136 = tpu.memref_slice %arg11[%add3A_73, %dma_start3A_135] : memref<10240x128xf32, #tpu.memory_space<vmem_shared>> -> memref<128x128xf32, #tpu.memory_space<vmem_shared>>
      %dma_start3A_137 = arith.constant 0 : i32
      %dma_start3A_138 = arith.constant 0 : i32
      %dma_start3A_139 = tpu.memref_slice %arg10[%run_scoped3A_74, %dma_start3A_137, %dma_start3A_138] : memref<2x128x128xf32, #tpu.memory_space<vmem>> -> memref<1x128x128xf32, #tpu.memory_space<vmem>>
      %dma_start3A_140 = tpu.memref_squeeze %dma_start3A_139 : memref<1x128x128xf32, #tpu.memory_space<vmem>> -> memref<128x128xf32, #tpu.memory_space<vmem>>
      %dma_start3A_141 = arith.constant 0 : i32
      %dma_start3A_142 = tpu.memref_slice %arg11[%add3A_73, %dma_start3A_141] : memref<10240x128xf32, #tpu.memory_space<vmem_shared>> -> memref<128x128xf32, #tpu.memory_space<vmem_shared>>
      tpu.enqueue_dma source(%dma_start3A_142 : memref<128x128xf32, #tpu.memory_space<vmem_shared>>) target(%dma_start3A_140 : memref<128x128xf32, #tpu.memory_space<vmem>>) target_semaphore(%run_scoped3A_130 : memref<!tpu.dma_semaphore, #tpu.memory_space<semaphore_mem>>)
      %dma_wait3A_143 = arith.constant 0 : i32
      %dma_wait3A_144 = arith.constant 0 : i32
      %dma_wait3A_145 = tpu.memref_slice %arg10[%run_scoped3A_74, %dma_wait3A_143, %dma_wait3A_144] : memref<2x128x128xf32, #tpu.memory_space<vmem>> -> memref<1x128x128xf32, #tpu.memory_space<vmem>>
      %dma_wait3A_146 = tpu.memref_squeeze %dma_wait3A_145 : memref<1x128x128xf32, #tpu.memory_space<vmem>> -> memref<128x128xf32, #tpu.memory_space<vmem>>
      %dma_wait3A_147 = arith.constant 0 : i32
      %dma_wait3A_148 = tpu.memref_slice %arg11[%add3A_73, %dma_wait3A_147] : memref<10240x128xf32, #tpu.memory_space<vmem_shared>> -> memref<128x128xf32, #tpu.memory_space<vmem_shared>>
      %dma_wait3A_149 = arith.constant 0 : i32
      %dma_wait3A_150 = arith.constant 0 : i32
      %dma_wait3A_151 = tpu.memref_slice %arg10[%run_scoped3A_74, %dma_wait3A_149, %dma_wait3A_150] : memref<2x128x128xf32, #tpu.memory_space<vmem>> -> memref<1x128x128xf32, #tpu.memory_space<vmem>>
      %dma_wait3A_152 = tpu.memref_squeeze %dma_wait3A_151 : memref<1x128x128xf32, #tpu.memory_space<vmem>> -> memref<128x128xf32, #tpu.memory_space<vmem>>
      %dma_wait3A_153 = arith.constant 0 : i32
      %dma_wait3A_154 = tpu.memref_slice %arg11[%add3A_73, %dma_wait3A_153] : memref<10240x128xf32, #tpu.memory_space<vmem_shared>> -> memref<128x128xf32, #tpu.memory_space<vmem_shared>>
      tpu.wait_dma2 semaphore(%run_scoped3A_130 : memref<!tpu.dma_semaphore, #tpu.memory_space<semaphore_mem>>) src(%dma_wait3A_154 : memref<128x128xf32, #tpu.memory_space<vmem_shared>>) dst(%dma_wait3A_152 : memref<128x128xf32, #tpu.memory_space<vmem>>)
      tpu.yield
    }) : () -> ()
    %eq3A_75 = arith.constant 0 : i32
    %eq3A_76 = arith.cmpi eq, %arg0, %eq3A_75 : i32
    %convert_element_type3A_77 = arith.extui %eq3A_76 : i1 to i32
    %cond3A_78 = arith.constant 0 : i32
    %cond3A_79 = arith.cmpi ne, %convert_element_type3A_77, %cond3A_78 : i32
    scf.if %cond3A_79 {
      %run_scoped3A_130 = arith.constant 0 : i32
      "tpu.region"() ({
        %run_scoped3A_131 = tpu.sem_alloc : memref<!tpu.dma_semaphore, #tpu.memory_space<semaphore_mem>>
        %dma_start3A_132 = arith.constant 0 : i32
        %dma_start3A_133 = arith.constant 0 : i32
        %dma_start3A_134 = tpu.memref_slice %arg10[%run_scoped3A_130, %dma_start3A_132, %dma_start3A_133] : memref<2x128x128xf32, #tpu.memory_space<vmem>> -> memref<1x128x128xf32, #tpu.memory_space<vmem>>
        %dma_start3A_135 = tpu.memref_squeeze %dma_start3A_134 : memref<1x128x128xf32, #tpu.memory_space<vmem>> -> memref<128x128xf32, #tpu.memory_space<vmem>>
        %dma_start3A_136 = arith.constant 0 : i32
        %dma_start3A_137 = tpu.memref_slice %arg6[%add3A_73, %dma_start3A_136] : memref<10240x128xf32, #tpu.memory_space<hbm>> -> memref<128x128xf32, #tpu.memory_space<hbm>>
        %dma_start3A_138 = arith.constant 0 : i32
        %dma_start3A_139 = tpu.memref_slice %arg6[%add3A_73, %dma_start3A_138] : memref<10240x128xf32, #tpu.memory_space<hbm>> -> memref<128x128xf32, #tpu.memory_space<hbm>>
        %dma_start3A_140 = arith.constant 0 : i32
        %dma_start3A_141 = arith.constant 0 : i32
        %dma_start3A_142 = tpu.memref_slice %arg10[%run_scoped3A_130, %dma_start3A_140, %dma_start3A_141] : memref<2x128x128xf32, #tpu.memory_space<vmem>> -> memref<1x128x128xf32, #tpu.memory_space<vmem>>
        %dma_start3A_143 = tpu.memref_squeeze %dma_start3A_142 : memref<1x128x128xf32, #tpu.memory_space<vmem>> -> memref<128x128xf32, #tpu.memory_space<vmem>>
        tpu.enqueue_dma source(%dma_start3A_143 : memref<128x128xf32, #tpu.memory_space<vmem>>) target(%dma_start3A_139 : memref<128x128xf32, #tpu.memory_space<hbm>>) target_semaphore(%run_scoped3A_131 : memref<!tpu.dma_semaphore, #tpu.memory_space<semaphore_mem>>)
        %dma_wait3A_144 = arith.constant 0 : i32
        %dma_wait3A_145 = arith.constant 0 : i32
        %dma_wait3A_146 = tpu.memref_slice %arg10[%run_scoped3A_130, %dma_wait3A_144, %dma_wait3A_145] : memref<2x128x128xf32, #tpu.memory_space<vmem>> -> memref<1x128x128xf32, #tpu.memory_space<vmem>>
        %dma_wait3A_147 = tpu.memref_squeeze %dma_wait3A_146 : memref<1x128x128xf32, #tpu.memory_space<vmem>> -> memref<128x128xf32, #tpu.memory_space<vmem>>
        %dma_wait3A_148 = arith.constant 0 : i32
        %dma_wait3A_149 = tpu.memref_slice %arg6[%add3A_73, %dma_wait3A_148] : memref<10240x128xf32, #tpu.memory_space<hbm>> -> memref<128x128xf32, #tpu.memory_space<hbm>>
        %dma_wait3A_150 = arith.constant 0 : i32
        %dma_wait3A_151 = tpu.memref_slice %arg6[%add3A_73, %dma_wait3A_150] : memref<10240x128xf32, #tpu.memory_space<hbm>> -> memref<128x128xf32, #tpu.memory_space<hbm>>
        %dma_wait3A_152 = arith.constant 0 : i32
        %dma_wait3A_153 = arith.constant 0 : i32
        %dma_wait3A_154 = tpu.memref_slice %arg10[%run_scoped3A_130, %dma_wait3A_152, %dma_wait3A_153] : memref<2x128x128xf32, #tpu.memory_space<vmem>> -> memref<1x128x128xf32, #tpu.memory_space<vmem>>
        %dma_wait3A_155 = tpu.memref_squeeze %dma_wait3A_154 : memref<1x128x128xf32, #tpu.memory_space<vmem>> -> memref<128x128xf32, #tpu.memory_space<vmem>>
        tpu.wait_dma2 semaphore(%run_scoped3A_131 : memref<!tpu.dma_semaphore, #tpu.memory_space<semaphore_mem>>) src(%dma_wait3A_155 : memref<128x128xf32, #tpu.memory_space<vmem>>) dst(%dma_wait3A_151 : memref<128x128xf32, #tpu.memory_space<hbm>>)
        tpu.yield
      }) : () -> ()
    } else {
    }
    %eq3A_80 = arith.constant 1 : i32
    %eq3A_81 = arith.cmpi eq, %arg0, %eq3A_80 : i32
    %convert_element_type3A_82 = arith.extui %eq3A_81 : i1 to i32
    %cond3A_83 = arith.constant 0 : i32
    %cond3A_84 = arith.cmpi ne, %convert_element_type3A_82, %cond3A_83 : i32
    scf.if %cond3A_84 {
      %run_scoped3A_130 = arith.constant 0 : i32
      "tpu.region"() ({
        %run_scoped3A_131 = tpu.sem_alloc : memref<!tpu.dma_semaphore, #tpu.memory_space<semaphore_mem>>
        %dma_start3A_132 = arith.constant 0 : i32
        %dma_start3A_133 = arith.constant 0 : i32
        %dma_start3A_134 = tpu.memref_slice %arg10[%run_scoped3A_130, %dma_start3A_132, %dma_start3A_133] : memref<2x128x128xf32, #tpu.memory_space<vmem>> -> memref<1x128x128xf32, #tpu.memory_space<vmem>>
        %dma_start3A_135 = tpu.memref_squeeze %dma_start3A_134 : memref<1x128x128xf32, #tpu.memory_space<vmem>> -> memref<128x128xf32, #tpu.memory_space<vmem>>
        %dma_start3A_136 = arith.constant 0 : i32
        %dma_start3A_137 = tpu.memref_slice %arg7[%add3A_73, %dma_start3A_136] : memref<10240x128xf32, #tpu.memory_space<hbm>> -> memref<128x128xf32, #tpu.memory_space<hbm>>
        %dma_start3A_138 = arith.constant 0 : i32
        %dma_start3A_139 = tpu.memref_slice %arg7[%add3A_73, %dma_start3A_138] : memref<10240x128xf32, #tpu.memory_space<hbm>> -> memref<128x128xf32, #tpu.memory_space<hbm>>
        %dma_start3A_140 = arith.constant 0 : i32
        %dma_start3A_141 = arith.constant 0 : i32
        %dma_start3A_142 = tpu.memref_slice %arg10[%run_scoped3A_130, %dma_start3A_140, %dma_start3A_141] : memref<2x128x128xf32, #tpu.memory_space<vmem>> -> memref<1x128x128xf32, #tpu.memory_space<vmem>>
        %dma_start3A_143 = tpu.memref_squeeze %dma_start3A_142 : memref<1x128x128xf32, #tpu.memory_space<vmem>> -> memref<128x128xf32, #tpu.memory_space<vmem>>
        tpu.enqueue_dma source(%dma_start3A_143 : memref<128x128xf32, #tpu.memory_space<vmem>>) target(%dma_start3A_139 : memref<128x128xf32, #tpu.memory_space<hbm>>) target_semaphore(%run_scoped3A_131 : memref<!tpu.dma_semaphore, #tpu.memory_space<semaphore_mem>>)
        %dma_wait3A_144 = arith.constant 0 : i32
        %dma_wait3A_145 = arith.constant 0 : i32
        %dma_wait3A_146 = tpu.memref_slice %arg10[%run_scoped3A_130, %dma_wait3A_144, %dma_wait3A_145] : memref<2x128x128xf32, #tpu.memory_space<vmem>> -> memref<1x128x128xf32, #tpu.memory_space<vmem>>
        %dma_wait3A_147 = tpu.memref_squeeze %dma_wait3A_146 : memref<1x128x128xf32, #tpu.memory_space<vmem>> -> memref<128x128xf32, #tpu.memory_space<vmem>>
        %dma_wait3A_148 = arith.constant 0 : i32
        %dma_wait3A_149 = tpu.memref_slice %arg7[%add3A_73, %dma_wait3A_148] : memref<10240x128xf32, #tpu.memory_space<hbm>> -> memref<128x128xf32, #tpu.memory_space<hbm>>
        %dma_wait3A_150 = arith.constant 0 : i32
        %dma_wait3A_151 = tpu.memref_slice %arg7[%add3A_73, %dma_wait3A_150] : memref<10240x128xf32, #tpu.memory_space<hbm>> -> memref<128x128xf32, #tpu.memory_space<hbm>>
        %dma_wait3A_152 = arith.constant 0 : i32
        %dma_wait3A_153 = arith.constant 0 : i32
        %dma_wait3A_154 = tpu.memref_slice %arg10[%run_scoped3A_130, %dma_wait3A_152, %dma_wait3A_153] : memref<2x128x128xf32, #tpu.memory_space<vmem>> -> memref<1x128x128xf32, #tpu.memory_space<vmem>>
        %dma_wait3A_155 = tpu.memref_squeeze %dma_wait3A_154 : memref<1x128x128xf32, #tpu.memory_space<vmem>> -> memref<128x128xf32, #tpu.memory_space<vmem>>
        tpu.wait_dma2 semaphore(%run_scoped3A_131 : memref<!tpu.dma_semaphore, #tpu.memory_space<semaphore_mem>>) src(%dma_wait3A_155 : memref<128x128xf32, #tpu.memory_space<vmem>>) dst(%dma_wait3A_151 : memref<128x128xf32, #tpu.memory_space<hbm>>)
        tpu.yield
      }) : () -> ()
    } else {
    }
    %mul3A_85 = arith.constant 640 : i32
    %mul3A_86 = arith.muli %arg1, %mul3A_85 : i32
    %add3A_87 = arith.constant 256 : i32
    %add3A_88 = arith.addi %mul3A_86, %add3A_87 : i32
    %run_scoped3A_89 = arith.constant 0 : i32
    "tpu.region"() ({
      %run_scoped3A_130 = tpu.sem_alloc : memref<!tpu.dma_semaphore, #tpu.memory_space<semaphore_mem>>
      %dma_start3A_131 = arith.constant 0 : i32
      %dma_start3A_132 = arith.constant 0 : i32
      %dma_start3A_133 = tpu.memref_slice %arg10[%run_scoped3A_89, %dma_start3A_131, %dma_start3A_132] : memref<2x128x128xf32, #tpu.memory_space<vmem>> -> memref<1x128x128xf32, #tpu.memory_space<vmem>>
      %dma_start3A_134 = tpu.memref_squeeze %dma_start3A_133 : memref<1x128x128xf32, #tpu.memory_space<vmem>> -> memref<128x128xf32, #tpu.memory_space<vmem>>
      %dma_start3A_135 = arith.constant 0 : i32
      %dma_start3A_136 = tpu.memref_slice %arg11[%add3A_88, %dma_start3A_135] : memref<10240x128xf32, #tpu.memory_space<vmem_shared>> -> memref<128x128xf32, #tpu.memory_space<vmem_shared>>
      %dma_start3A_137 = arith.constant 0 : i32
      %dma_start3A_138 = arith.constant 0 : i32
      %dma_start3A_139 = tpu.memref_slice %arg10[%run_scoped3A_89, %dma_start3A_137, %dma_start3A_138] : memref<2x128x128xf32, #tpu.memory_space<vmem>> -> memref<1x128x128xf32, #tpu.memory_space<vmem>>
      %dma_start3A_140 = tpu.memref_squeeze %dma_start3A_139 : memref<1x128x128xf32, #tpu.memory_space<vmem>> -> memref<128x128xf32, #tpu.memory_space<vmem>>
      %dma_start3A_141 = arith.constant 0 : i32
      %dma_start3A_142 = tpu.memref_slice %arg11[%add3A_88, %dma_start3A_141] : memref<10240x128xf32, #tpu.memory_space<vmem_shared>> -> memref<128x128xf32, #tpu.memory_space<vmem_shared>>
      tpu.enqueue_dma source(%dma_start3A_142 : memref<128x128xf32, #tpu.memory_space<vmem_shared>>) target(%dma_start3A_140 : memref<128x128xf32, #tpu.memory_space<vmem>>) target_semaphore(%run_scoped3A_130 : memref<!tpu.dma_semaphore, #tpu.memory_space<semaphore_mem>>)
      %dma_wait3A_143 = arith.constant 0 : i32
      %dma_wait3A_144 = arith.constant 0 : i32
      %dma_wait3A_145 = tpu.memref_slice %arg10[%run_scoped3A_89, %dma_wait3A_143, %dma_wait3A_144] : memref<2x128x128xf32, #tpu.memory_space<vmem>> -> memref<1x128x128xf32, #tpu.memory_space<vmem>>
      %dma_wait3A_146 = tpu.memref_squeeze %dma_wait3A_145 : memref<1x128x128xf32, #tpu.memory_space<vmem>> -> memref<128x128xf32, #tpu.memory_space<vmem>>
      %dma_wait3A_147 = arith.constant 0 : i32
      %dma_wait3A_148 = tpu.memref_slice %arg11[%add3A_88, %dma_wait3A_147] : memref<10240x128xf32, #tpu.memory_space<vmem_shared>> -> memref<128x128xf32, #tpu.memory_space<vmem_shared>>
      %dma_wait3A_149 = arith.constant 0 : i32
      %dma_wait3A_150 = arith.constant 0 : i32
      %dma_wait3A_151 = tpu.memref_slice %arg10[%run_scoped3A_89, %dma_wait3A_149, %dma_wait3A_150] : memref<2x128x128xf32, #tpu.memory_space<vmem>> -> memref<1x128x128xf32, #tpu.memory_space<vmem>>
      %dma_wait3A_152 = tpu.memref_squeeze %dma_wait3A_151 : memref<1x128x128xf32, #tpu.memory_space<vmem>> -> memref<128x128xf32, #tpu.memory_space<vmem>>
      %dma_wait3A_153 = arith.constant 0 : i32
      %dma_wait3A_154 = tpu.memref_slice %arg11[%add3A_88, %dma_wait3A_153] : memref<10240x128xf32, #tpu.memory_space<vmem_shared>> -> memref<128x128xf32, #tpu.memory_space<vmem_shared>>
      tpu.wait_dma2 semaphore(%run_scoped3A_130 : memref<!tpu.dma_semaphore, #tpu.memory_space<semaphore_mem>>) src(%dma_wait3A_154 : memref<128x128xf32, #tpu.memory_space<vmem_shared>>) dst(%dma_wait3A_152 : memref<128x128xf32, #tpu.memory_space<vmem>>)
      tpu.yield
    }) : () -> ()
    %eq3A_90 = arith.constant 0 : i32
    %eq3A_91 = arith.cmpi eq, %arg0, %eq3A_90 : i32
    %convert_element_type3A_92 = arith.extui %eq3A_91 : i1 to i32
    %cond3A_93 = arith.constant 0 : i32
    %cond3A_94 = arith.cmpi ne, %convert_element_type3A_92, %cond3A_93 : i32
    scf.if %cond3A_94 {
      %run_scoped3A_130 = arith.constant 0 : i32
      "tpu.region"() ({
        %run_scoped3A_131 = tpu.sem_alloc : memref<!tpu.dma_semaphore, #tpu.memory_space<semaphore_mem>>
        %dma_start3A_132 = arith.constant 0 : i32
        %dma_start3A_133 = arith.constant 0 : i32
        %dma_start3A_134 = tpu.memref_slice %arg10[%run_scoped3A_130, %dma_start3A_132, %dma_start3A_133] : memref<2x128x128xf32, #tpu.memory_space<vmem>> -> memref<1x128x128xf32, #tpu.memory_space<vmem>>
        %dma_start3A_135 = tpu.memref_squeeze %dma_start3A_134 : memref<1x128x128xf32, #tpu.memory_space<vmem>> -> memref<128x128xf32, #tpu.memory_space<vmem>>
        %dma_start3A_136 = arith.constant 0 : i32
        %dma_start3A_137 = tpu.memref_slice %arg6[%add3A_88, %dma_start3A_136] : memref<10240x128xf32, #tpu.memory_space<hbm>> -> memref<128x128xf32, #tpu.memory_space<hbm>>
        %dma_start3A_138 = arith.constant 0 : i32
        %dma_start3A_139 = tpu.memref_slice %arg6[%add3A_88, %dma_start3A_138] : memref<10240x128xf32, #tpu.memory_space<hbm>> -> memref<128x128xf32, #tpu.memory_space<hbm>>
        %dma_start3A_140 = arith.constant 0 : i32
        %dma_start3A_141 = arith.constant 0 : i32
        %dma_start3A_142 = tpu.memref_slice %arg10[%run_scoped3A_130, %dma_start3A_140, %dma_start3A_141] : memref<2x128x128xf32, #tpu.memory_space<vmem>> -> memref<1x128x128xf32, #tpu.memory_space<vmem>>
        %dma_start3A_143 = tpu.memref_squeeze %dma_start3A_142 : memref<1x128x128xf32, #tpu.memory_space<vmem>> -> memref<128x128xf32, #tpu.memory_space<vmem>>
        tpu.enqueue_dma source(%dma_start3A_143 : memref<128x128xf32, #tpu.memory_space<vmem>>) target(%dma_start3A_139 : memref<128x128xf32, #tpu.memory_space<hbm>>) target_semaphore(%run_scoped3A_131 : memref<!tpu.dma_semaphore, #tpu.memory_space<semaphore_mem>>)
        %dma_wait3A_144 = arith.constant 0 : i32
        %dma_wait3A_145 = arith.constant 0 : i32
        %dma_wait3A_146 = tpu.memref_slice %arg10[%run_scoped3A_130, %dma_wait3A_144, %dma_wait3A_145] : memref<2x128x128xf32, #tpu.memory_space<vmem>> -> memref<1x128x128xf32, #tpu.memory_space<vmem>>
        %dma_wait3A_147 = tpu.memref_squeeze %dma_wait3A_146 : memref<1x128x128xf32, #tpu.memory_space<vmem>> -> memref<128x128xf32, #tpu.memory_space<vmem>>
        %dma_wait3A_148 = arith.constant 0 : i32
        %dma_wait3A_149 = tpu.memref_slice %arg6[%add3A_88, %dma_wait3A_148] : memref<10240x128xf32, #tpu.memory_space<hbm>> -> memref<128x128xf32, #tpu.memory_space<hbm>>
        %dma_wait3A_150 = arith.constant 0 : i32
        %dma_wait3A_151 = tpu.memref_slice %arg6[%add3A_88, %dma_wait3A_150] : memref<10240x128xf32, #tpu.memory_space<hbm>> -> memref<128x128xf32, #tpu.memory_space<hbm>>
        %dma_wait3A_152 = arith.constant 0 : i32
        %dma_wait3A_153 = arith.constant 0 : i32
        %dma_wait3A_154 = tpu.memref_slice %arg10[%run_scoped3A_130, %dma_wait3A_152, %dma_wait3A_153] : memref<2x128x128xf32, #tpu.memory_space<vmem>> -> memref<1x128x128xf32, #tpu.memory_space<vmem>>
        %dma_wait3A_155 = tpu.memref_squeeze %dma_wait3A_154 : memref<1x128x128xf32, #tpu.memory_space<vmem>> -> memref<128x128xf32, #tpu.memory_space<vmem>>
        tpu.wait_dma2 semaphore(%run_scoped3A_131 : memref<!tpu.dma_semaphore, #tpu.memory_space<semaphore_mem>>) src(%dma_wait3A_155 : memref<128x128xf32, #tpu.memory_space<vmem>>) dst(%dma_wait3A_151 : memref<128x128xf32, #tpu.memory_space<hbm>>)
        tpu.yield
      }) : () -> ()
    } else {
    }
    %eq3A_95 = arith.constant 1 : i32
    %eq3A_96 = arith.cmpi eq, %arg0, %eq3A_95 : i32
    %convert_element_type3A_97 = arith.extui %eq3A_96 : i1 to i32
    %cond3A_98 = arith.constant 0 : i32
    %cond3A_99 = arith.cmpi ne, %convert_element_type3A_97, %cond3A_98 : i32
    scf.if %cond3A_99 {
      %run_scoped3A_130 = arith.constant 0 : i32
      "tpu.region"() ({
        %run_scoped3A_131 = tpu.sem_alloc : memref<!tpu.dma_semaphore, #tpu.memory_space<semaphore_mem>>
        %dma_start3A_132 = arith.constant 0 : i32
        %dma_start3A_133 = arith.constant 0 : i32
        %dma_start3A_134 = tpu.memref_slice %arg10[%run_scoped3A_130, %dma_start3A_132, %dma_start3A_133] : memref<2x128x128xf32, #tpu.memory_space<vmem>> -> memref<1x128x128xf32, #tpu.memory_space<vmem>>
        %dma_start3A_135 = tpu.memref_squeeze %dma_start3A_134 : memref<1x128x128xf32, #tpu.memory_space<vmem>> -> memref<128x128xf32, #tpu.memory_space<vmem>>
        %dma_start3A_136 = arith.constant 0 : i32
        %dma_start3A_137 = tpu.memref_slice %arg7[%add3A_88, %dma_start3A_136] : memref<10240x128xf32, #tpu.memory_space<hbm>> -> memref<128x128xf32, #tpu.memory_space<hbm>>
        %dma_start3A_138 = arith.constant 0 : i32
        %dma_start3A_139 = tpu.memref_slice %arg7[%add3A_88, %dma_start3A_138] : memref<10240x128xf32, #tpu.memory_space<hbm>> -> memref<128x128xf32, #tpu.memory_space<hbm>>
        %dma_start3A_140 = arith.constant 0 : i32
        %dma_start3A_141 = arith.constant 0 : i32
        %dma_start3A_142 = tpu.memref_slice %arg10[%run_scoped3A_130, %dma_start3A_140, %dma_start3A_141] : memref<2x128x128xf32, #tpu.memory_space<vmem>> -> memref<1x128x128xf32, #tpu.memory_space<vmem>>
        %dma_start3A_143 = tpu.memref_squeeze %dma_start3A_142 : memref<1x128x128xf32, #tpu.memory_space<vmem>> -> memref<128x128xf32, #tpu.memory_space<vmem>>
        tpu.enqueue_dma source(%dma_start3A_143 : memref<128x128xf32, #tpu.memory_space<vmem>>) target(%dma_start3A_139 : memref<128x128xf32, #tpu.memory_space<hbm>>) target_semaphore(%run_scoped3A_131 : memref<!tpu.dma_semaphore, #tpu.memory_space<semaphore_mem>>)
        %dma_wait3A_144 = arith.constant 0 : i32
        %dma_wait3A_145 = arith.constant 0 : i32
        %dma_wait3A_146 = tpu.memref_slice %arg10[%run_scoped3A_130, %dma_wait3A_144, %dma_wait3A_145] : memref<2x128x128xf32, #tpu.memory_space<vmem>> -> memref<1x128x128xf32, #tpu.memory_space<vmem>>
        %dma_wait3A_147 = tpu.memref_squeeze %dma_wait3A_146 : memref<1x128x128xf32, #tpu.memory_space<vmem>> -> memref<128x128xf32, #tpu.memory_space<vmem>>
        %dma_wait3A_148 = arith.constant 0 : i32
        %dma_wait3A_149 = tpu.memref_slice %arg7[%add3A_88, %dma_wait3A_148] : memref<10240x128xf32, #tpu.memory_space<hbm>> -> memref<128x128xf32, #tpu.memory_space<hbm>>
        %dma_wait3A_150 = arith.constant 0 : i32
        %dma_wait3A_151 = tpu.memref_slice %arg7[%add3A_88, %dma_wait3A_150] : memref<10240x128xf32, #tpu.memory_space<hbm>> -> memref<128x128xf32, #tpu.memory_space<hbm>>
        %dma_wait3A_152 = arith.constant 0 : i32
        %dma_wait3A_153 = arith.constant 0 : i32
        %dma_wait3A_154 = tpu.memref_slice %arg10[%run_scoped3A_130, %dma_wait3A_152, %dma_wait3A_153] : memref<2x128x128xf32, #tpu.memory_space<vmem>> -> memref<1x128x128xf32, #tpu.memory_space<vmem>>
        %dma_wait3A_155 = tpu.memref_squeeze %dma_wait3A_154 : memref<1x128x128xf32, #tpu.memory_space<vmem>> -> memref<128x128xf32, #tpu.memory_space<vmem>>
        tpu.wait_dma2 semaphore(%run_scoped3A_131 : memref<!tpu.dma_semaphore, #tpu.memory_space<semaphore_mem>>) src(%dma_wait3A_155 : memref<128x128xf32, #tpu.memory_space<vmem>>) dst(%dma_wait3A_151 : memref<128x128xf32, #tpu.memory_space<hbm>>)
        tpu.yield
      }) : () -> ()
    } else {
    }
    %mul3A_100 = arith.constant 640 : i32
    %mul3A_101 = arith.muli %arg1, %mul3A_100 : i32
    %add3A_102 = arith.constant 384 : i32
    %add3A_103 = arith.addi %mul3A_101, %add3A_102 : i32
    %run_scoped3A_104 = arith.constant 0 : i32
    "tpu.region"() ({
      %run_scoped3A_130 = tpu.sem_alloc : memref<!tpu.dma_semaphore, #tpu.memory_space<semaphore_mem>>
      %dma_start3A_131 = arith.constant 0 : i32
      %dma_start3A_132 = arith.constant 0 : i32
      %dma_start3A_133 = tpu.memref_slice %arg10[%run_scoped3A_104, %dma_start3A_131, %dma_start3A_132] : memref<2x128x128xf32, #tpu.memory_space<vmem>> -> memref<1x128x128xf32, #tpu.memory_space<vmem>>
      %dma_start3A_134 = tpu.memref_squeeze %dma_start3A_133 : memref<1x128x128xf32, #tpu.memory_space<vmem>> -> memref<128x128xf32, #tpu.memory_space<vmem>>
      %dma_start3A_135 = arith.constant 0 : i32
      %dma_start3A_136 = tpu.memref_slice %arg11[%add3A_103, %dma_start3A_135] : memref<10240x128xf32, #tpu.memory_space<vmem_shared>> -> memref<128x128xf32, #tpu.memory_space<vmem_shared>>
      %dma_start3A_137 = arith.constant 0 : i32
      %dma_start3A_138 = arith.constant 0 : i32
      %dma_start3A_139 = tpu.memref_slice %arg10[%run_scoped3A_104, %dma_start3A_137, %dma_start3A_138] : memref<2x128x128xf32, #tpu.memory_space<vmem>> -> memref<1x128x128xf32, #tpu.memory_space<vmem>>
      %dma_start3A_140 = tpu.memref_squeeze %dma_start3A_139 : memref<1x128x128xf32, #tpu.memory_space<vmem>> -> memref<128x128xf32, #tpu.memory_space<vmem>>
      %dma_start3A_141 = arith.constant 0 : i32
      %dma_start3A_142 = tpu.memref_slice %arg11[%add3A_103, %dma_start3A_141] : memref<10240x128xf32, #tpu.memory_space<vmem_shared>> -> memref<128x128xf32, #tpu.memory_space<vmem_shared>>
      tpu.enqueue_dma source(%dma_start3A_142 : memref<128x128xf32, #tpu.memory_space<vmem_shared>>) target(%dma_start3A_140 : memref<128x128xf32, #tpu.memory_space<vmem>>) target_semaphore(%run_scoped3A_130 : memref<!tpu.dma_semaphore, #tpu.memory_space<semaphore_mem>>)
      %dma_wait3A_143 = arith.constant 0 : i32
      %dma_wait3A_144 = arith.constant 0 : i32
      %dma_wait3A_145 = tpu.memref_slice %arg10[%run_scoped3A_104, %dma_wait3A_143, %dma_wait3A_144] : memref<2x128x128xf32, #tpu.memory_space<vmem>> -> memref<1x128x128xf32, #tpu.memory_space<vmem>>
      %dma_wait3A_146 = tpu.memref_squeeze %dma_wait3A_145 : memref<1x128x128xf32, #tpu.memory_space<vmem>> -> memref<128x128xf32, #tpu.memory_space<vmem>>
      %dma_wait3A_147 = arith.constant 0 : i32
      %dma_wait3A_148 = tpu.memref_slice %arg11[%add3A_103, %dma_wait3A_147] : memref<10240x128xf32, #tpu.memory_space<vmem_shared>> -> memref<128x128xf32, #tpu.memory_space<vmem_shared>>
      %dma_wait3A_149 = arith.constant 0 : i32
      %dma_wait3A_150 = arith.constant 0 : i32
      %dma_wait3A_151 = tpu.memref_slice %arg10[%run_scoped3A_104, %dma_wait3A_149, %dma_wait3A_150] : memref<2x128x128xf32, #tpu.memory_space<vmem>> -> memref<1x128x128xf32, #tpu.memory_space<vmem>>
      %dma_wait3A_152 = tpu.memref_squeeze %dma_wait3A_151 : memref<1x128x128xf32, #tpu.memory_space<vmem>> -> memref<128x128xf32, #tpu.memory_space<vmem>>
      %dma_wait3A_153 = arith.constant 0 : i32
      %dma_wait3A_154 = tpu.memref_slice %arg11[%add3A_103, %dma_wait3A_153] : memref<10240x128xf32, #tpu.memory_space<vmem_shared>> -> memref<128x128xf32, #tpu.memory_space<vmem_shared>>
      tpu.wait_dma2 semaphore(%run_scoped3A_130 : memref<!tpu.dma_semaphore, #tpu.memory_space<semaphore_mem>>) src(%dma_wait3A_154 : memref<128x128xf32, #tpu.memory_space<vmem_shared>>) dst(%dma_wait3A_152 : memref<128x128xf32, #tpu.memory_space<vmem>>)
      tpu.yield
    }) : () -> ()
    %eq3A_105 = arith.constant 0 : i32
    %eq3A_106 = arith.cmpi eq, %arg0, %eq3A_105 : i32
    %convert_element_type3A_107 = arith.extui %eq3A_106 : i1 to i32
    %cond3A_108 = arith.constant 0 : i32
    %cond3A_109 = arith.cmpi ne, %convert_element_type3A_107, %cond3A_108 : i32
    scf.if %cond3A_109 {
      %run_scoped3A_130 = arith.constant 0 : i32
      "tpu.region"() ({
        %run_scoped3A_131 = tpu.sem_alloc : memref<!tpu.dma_semaphore, #tpu.memory_space<semaphore_mem>>
        %dma_start3A_132 = arith.constant 0 : i32
        %dma_start3A_133 = arith.constant 0 : i32
        %dma_start3A_134 = tpu.memref_slice %arg10[%run_scoped3A_130, %dma_start3A_132, %dma_start3A_133] : memref<2x128x128xf32, #tpu.memory_space<vmem>> -> memref<1x128x128xf32, #tpu.memory_space<vmem>>
        %dma_start3A_135 = tpu.memref_squeeze %dma_start3A_134 : memref<1x128x128xf32, #tpu.memory_space<vmem>> -> memref<128x128xf32, #tpu.memory_space<vmem>>
        %dma_start3A_136 = arith.constant 0 : i32
        %dma_start3A_137 = tpu.memref_slice %arg6[%add3A_103, %dma_start3A_136] : memref<10240x128xf32, #tpu.memory_space<hbm>> -> memref<128x128xf32, #tpu.memory_space<hbm>>
        %dma_start3A_138 = arith.constant 0 : i32
        %dma_start3A_139 = tpu.memref_slice %arg6[%add3A_103, %dma_start3A_138] : memref<10240x128xf32, #tpu.memory_space<hbm>> -> memref<128x128xf32, #tpu.memory_space<hbm>>
        %dma_start3A_140 = arith.constant 0 : i32
        %dma_start3A_141 = arith.constant 0 : i32
        %dma_start3A_142 = tpu.memref_slice %arg10[%run_scoped3A_130, %dma_start3A_140, %dma_start3A_141] : memref<2x128x128xf32, #tpu.memory_space<vmem>> -> memref<1x128x128xf32, #tpu.memory_space<vmem>>
        %dma_start3A_143 = tpu.memref_squeeze %dma_start3A_142 : memref<1x128x128xf32, #tpu.memory_space<vmem>> -> memref<128x128xf32, #tpu.memory_space<vmem>>
        tpu.enqueue_dma source(%dma_start3A_143 : memref<128x128xf32, #tpu.memory_space<vmem>>) target(%dma_start3A_139 : memref<128x128xf32, #tpu.memory_space<hbm>>) target_semaphore(%run_scoped3A_131 : memref<!tpu.dma_semaphore, #tpu.memory_space<semaphore_mem>>)
        %dma_wait3A_144 = arith.constant 0 : i32
        %dma_wait3A_145 = arith.constant 0 : i32
        %dma_wait3A_146 = tpu.memref_slice %arg10[%run_scoped3A_130, %dma_wait3A_144, %dma_wait3A_145] : memref<2x128x128xf32, #tpu.memory_space<vmem>> -> memref<1x128x128xf32, #tpu.memory_space<vmem>>
        %dma_wait3A_147 = tpu.memref_squeeze %dma_wait3A_146 : memref<1x128x128xf32, #tpu.memory_space<vmem>> -> memref<128x128xf32, #tpu.memory_space<vmem>>
        %dma_wait3A_148 = arith.constant 0 : i32
        %dma_wait3A_149 = tpu.memref_slice %arg6[%add3A_103, %dma_wait3A_148] : memref<10240x128xf32, #tpu.memory_space<hbm>> -> memref<128x128xf32, #tpu.memory_space<hbm>>
        %dma_wait3A_150 = arith.constant 0 : i32
        %dma_wait3A_151 = tpu.memref_slice %arg6[%add3A_103, %dma_wait3A_150] : memref<10240x128xf32, #tpu.memory_space<hbm>> -> memref<128x128xf32, #tpu.memory_space<hbm>>
        %dma_wait3A_152 = arith.constant 0 : i32
        %dma_wait3A_153 = arith.constant 0 : i32
        %dma_wait3A_154 = tpu.memref_slice %arg10[%run_scoped3A_130, %dma_wait3A_152, %dma_wait3A_153] : memref<2x128x128xf32, #tpu.memory_space<vmem>> -> memref<1x128x128xf32, #tpu.memory_space<vmem>>
        %dma_wait3A_155 = tpu.memref_squeeze %dma_wait3A_154 : memref<1x128x128xf32, #tpu.memory_space<vmem>> -> memref<128x128xf32, #tpu.memory_space<vmem>>
        tpu.wait_dma2 semaphore(%run_scoped3A_131 : memref<!tpu.dma_semaphore, #tpu.memory_space<semaphore_mem>>) src(%dma_wait3A_155 : memref<128x128xf32, #tpu.memory_space<vmem>>) dst(%dma_wait3A_151 : memref<128x128xf32, #tpu.memory_space<hbm>>)
        tpu.yield
      }) : () -> ()
    } else {
    }
    %eq3A_110 = arith.constant 1 : i32
    %eq3A_111 = arith.cmpi eq, %arg0, %eq3A_110 : i32
    %convert_element_type3A_112 = arith.extui %eq3A_111 : i1 to i32
    %cond3A_113 = arith.constant 0 : i32
    %cond3A_114 = arith.cmpi ne, %convert_element_type3A_112, %cond3A_113 : i32
    scf.if %cond3A_114 {
      %run_scoped3A_130 = arith.constant 0 : i32
      "tpu.region"() ({
        %run_scoped3A_131 = tpu.sem_alloc : memref<!tpu.dma_semaphore, #tpu.memory_space<semaphore_mem>>
        %dma_start3A_132 = arith.constant 0 : i32
        %dma_start3A_133 = arith.constant 0 : i32
        %dma_start3A_134 = tpu.memref_slice %arg10[%run_scoped3A_130, %dma_start3A_132, %dma_start3A_133] : memref<2x128x128xf32, #tpu.memory_space<vmem>> -> memref<1x128x128xf32, #tpu.memory_space<vmem>>
        %dma_start3A_135 = tpu.memref_squeeze %dma_start3A_134 : memref<1x128x128xf32, #tpu.memory_space<vmem>> -> memref<128x128xf32, #tpu.memory_space<vmem>>
        %dma_start3A_136 = arith.constant 0 : i32
        %dma_start3A_137 = tpu.memref_slice %arg7[%add3A_103, %dma_start3A_136] : memref<10240x128xf32, #tpu.memory_space<hbm>> -> memref<128x128xf32, #tpu.memory_space<hbm>>
        %dma_start3A_138 = arith.constant 0 : i32
        %dma_start3A_139 = tpu.memref_slice %arg7[%add3A_103, %dma_start3A_138] : memref<10240x128xf32, #tpu.memory_space<hbm>> -> memref<128x128xf32, #tpu.memory_space<hbm>>
        %dma_start3A_140 = arith.constant 0 : i32
        %dma_start3A_141 = arith.constant 0 : i32
        %dma_start3A_142 = tpu.memref_slice %arg10[%run_scoped3A_130, %dma_start3A_140, %dma_start3A_141] : memref<2x128x128xf32, #tpu.memory_space<vmem>> -> memref<1x128x128xf32, #tpu.memory_space<vmem>>
        %dma_start3A_143 = tpu.memref_squeeze %dma_start3A_142 : memref<1x128x128xf32, #tpu.memory_space<vmem>> -> memref<128x128xf32, #tpu.memory_space<vmem>>
        tpu.enqueue_dma source(%dma_start3A_143 : memref<128x128xf32, #tpu.memory_space<vmem>>) target(%dma_start3A_139 : memref<128x128xf32, #tpu.memory_space<hbm>>) target_semaphore(%run_scoped3A_131 : memref<!tpu.dma_semaphore, #tpu.memory_space<semaphore_mem>>)
        %dma_wait3A_144 = arith.constant 0 : i32
        %dma_wait3A_145 = arith.constant 0 : i32
        %dma_wait3A_146 = tpu.memref_slice %arg10[%run_scoped3A_130, %dma_wait3A_144, %dma_wait3A_145] : memref<2x128x128xf32, #tpu.memory_space<vmem>> -> memref<1x128x128xf32, #tpu.memory_space<vmem>>
        %dma_wait3A_147 = tpu.memref_squeeze %dma_wait3A_146 : memref<1x128x128xf32, #tpu.memory_space<vmem>> -> memref<128x128xf32, #tpu.memory_space<vmem>>
        %dma_wait3A_148 = arith.constant 0 : i32
        %dma_wait3A_149 = tpu.memref_slice %arg7[%add3A_103, %dma_wait3A_148] : memref<10240x128xf32, #tpu.memory_space<hbm>> -> memref<128x128xf32, #tpu.memory_space<hbm>>
        %dma_wait3A_150 = arith.constant 0 : i32
        %dma_wait3A_151 = tpu.memref_slice %arg7[%add3A_103, %dma_wait3A_150] : memref<10240x128xf32, #tpu.memory_space<hbm>> -> memref<128x128xf32, #tpu.memory_space<hbm>>
        %dma_wait3A_152 = arith.constant 0 : i32
        %dma_wait3A_153 = arith.constant 0 : i32
        %dma_wait3A_154 = tpu.memref_slice %arg10[%run_scoped3A_130, %dma_wait3A_152, %dma_wait3A_153] : memref<2x128x128xf32, #tpu.memory_space<vmem>> -> memref<1x128x128xf32, #tpu.memory_space<vmem>>
        %dma_wait3A_155 = tpu.memref_squeeze %dma_wait3A_154 : memref<1x128x128xf32, #tpu.memory_space<vmem>> -> memref<128x128xf32, #tpu.memory_space<vmem>>
        tpu.wait_dma2 semaphore(%run_scoped3A_131 : memref<!tpu.dma_semaphore, #tpu.memory_space<semaphore_mem>>) src(%dma_wait3A_155 : memref<128x128xf32, #tpu.memory_space<vmem>>) dst(%dma_wait3A_151 : memref<128x128xf32, #tpu.memory_space<hbm>>)
        tpu.yield
      }) : () -> ()
    } else {
    }
    %mul3A_115 = arith.constant 640 : i32
    %mul3A_116 = arith.muli %arg1, %mul3A_115 : i32
    %add3A_117 = arith.constant 512 : i32
    %add3A_118 = arith.addi %mul3A_116, %add3A_117 : i32
    %run_scoped3A_119 = arith.constant 0 : i32
    "tpu.region"() ({
      %run_scoped3A_130 = tpu.sem_alloc : memref<!tpu.dma_semaphore, #tpu.memory_space<semaphore_mem>>
      %dma_start3A_131 = arith.constant 0 : i32
      %dma_start3A_132 = arith.constant 0 : i32
      %dma_start3A_133 = tpu.memref_slice %arg10[%run_scoped3A_119, %dma_start3A_131, %dma_start3A_132] : memref<2x128x128xf32, #tpu.memory_space<vmem>> -> memref<1x128x128xf32, #tpu.memory_space<vmem>>
      %dma_start3A_134 = tpu.memref_squeeze %dma_start3A_133 : memref<1x128x128xf32, #tpu.memory_space<vmem>> -> memref<128x128xf32, #tpu.memory_space<vmem>>
      %dma_start3A_135 = arith.constant 0 : i32
      %dma_start3A_136 = tpu.memref_slice %arg11[%add3A_118, %dma_start3A_135] : memref<10240x128xf32, #tpu.memory_space<vmem_shared>> -> memref<128x128xf32, #tpu.memory_space<vmem_shared>>
      %dma_start3A_137 = arith.constant 0 : i32
      %dma_start3A_138 = arith.constant 0 : i32
      %dma_start3A_139 = tpu.memref_slice %arg10[%run_scoped3A_119, %dma_start3A_137, %dma_start3A_138] : memref<2x128x128xf32, #tpu.memory_space<vmem>> -> memref<1x128x128xf32, #tpu.memory_space<vmem>>
      %dma_start3A_140 = tpu.memref_squeeze %dma_start3A_139 : memref<1x128x128xf32, #tpu.memory_space<vmem>> -> memref<128x128xf32, #tpu.memory_space<vmem>>
      %dma_start3A_141 = arith.constant 0 : i32
      %dma_start3A_142 = tpu.memref_slice %arg11[%add3A_118, %dma_start3A_141] : memref<10240x128xf32, #tpu.memory_space<vmem_shared>> -> memref<128x128xf32, #tpu.memory_space<vmem_shared>>
      tpu.enqueue_dma source(%dma_start3A_142 : memref<128x128xf32, #tpu.memory_space<vmem_shared>>) target(%dma_start3A_140 : memref<128x128xf32, #tpu.memory_space<vmem>>) target_semaphore(%run_scoped3A_130 : memref<!tpu.dma_semaphore, #tpu.memory_space<semaphore_mem>>)
      %dma_wait3A_143 = arith.constant 0 : i32
      %dma_wait3A_144 = arith.constant 0 : i32
      %dma_wait3A_145 = tpu.memref_slice %arg10[%run_scoped3A_119, %dma_wait3A_143, %dma_wait3A_144] : memref<2x128x128xf32, #tpu.memory_space<vmem>> -> memref<1x128x128xf32, #tpu.memory_space<vmem>>
      %dma_wait3A_146 = tpu.memref_squeeze %dma_wait3A_145 : memref<1x128x128xf32, #tpu.memory_space<vmem>> -> memref<128x128xf32, #tpu.memory_space<vmem>>
      %dma_wait3A_147 = arith.constant 0 : i32
      %dma_wait3A_148 = tpu.memref_slice %arg11[%add3A_118, %dma_wait3A_147] : memref<10240x128xf32, #tpu.memory_space<vmem_shared>> -> memref<128x128xf32, #tpu.memory_space<vmem_shared>>
      %dma_wait3A_149 = arith.constant 0 : i32
      %dma_wait3A_150 = arith.constant 0 : i32
      %dma_wait3A_151 = tpu.memref_slice %arg10[%run_scoped3A_119, %dma_wait3A_149, %dma_wait3A_150] : memref<2x128x128xf32, #tpu.memory_space<vmem>> -> memref<1x128x128xf32, #tpu.memory_space<vmem>>
      %dma_wait3A_152 = tpu.memref_squeeze %dma_wait3A_151 : memref<1x128x128xf32, #tpu.memory_space<vmem>> -> memref<128x128xf32, #tpu.memory_space<vmem>>
      %dma_wait3A_153 = arith.constant 0 : i32
      %dma_wait3A_154 = tpu.memref_slice %arg11[%add3A_118, %dma_wait3A_153] : memref<10240x128xf32, #tpu.memory_space<vmem_shared>> -> memref<128x128xf32, #tpu.memory_space<vmem_shared>>
      tpu.wait_dma2 semaphore(%run_scoped3A_130 : memref<!tpu.dma_semaphore, #tpu.memory_space<semaphore_mem>>) src(%dma_wait3A_154 : memref<128x128xf32, #tpu.memory_space<vmem_shared>>) dst(%dma_wait3A_152 : memref<128x128xf32, #tpu.memory_space<vmem>>)
      tpu.yield
    }) : () -> ()
    %eq3A_120 = arith.constant 0 : i32
    %eq3A_121 = arith.cmpi eq, %arg0, %eq3A_120 : i32
    %convert_element_type3A_122 = arith.extui %eq3A_121 : i1 to i32
    %cond3A_123 = arith.constant 0 : i32
    %cond3A_124 = arith.cmpi ne, %convert_element_type3A_122, %cond3A_123 : i32
    scf.if %cond3A_124 {
      %run_scoped3A_130 = arith.constant 0 : i32
      "tpu.region"() ({
        %run_scoped3A_131 = tpu.sem_alloc : memref<!tpu.dma_semaphore, #tpu.memory_space<semaphore_mem>>
        %dma_start3A_132 = arith.constant 0 : i32
        %dma_start3A_133 = arith.constant 0 : i32
        %dma_start3A_134 = tpu.memref_slice %arg10[%run_scoped3A_130, %dma_start3A_132, %dma_start3A_133] : memref<2x128x128xf32, #tpu.memory_space<vmem>> -> memref<1x128x128xf32, #tpu.memory_space<vmem>>
        %dma_start3A_135 = tpu.memref_squeeze %dma_start3A_134 : memref<1x128x128xf32, #tpu.memory_space<vmem>> -> memref<128x128xf32, #tpu.memory_space<vmem>>
        %dma_start3A_136 = arith.constant 0 : i32
        %dma_start3A_137 = tpu.memref_slice %arg6[%add3A_118, %dma_start3A_136] : memref<10240x128xf32, #tpu.memory_space<hbm>> -> memref<128x128xf32, #tpu.memory_space<hbm>>
        %dma_start3A_138 = arith.constant 0 : i32
        %dma_start3A_139 = tpu.memref_slice %arg6[%add3A_118, %dma_start3A_138] : memref<10240x128xf32, #tpu.memory_space<hbm>> -> memref<128x128xf32, #tpu.memory_space<hbm>>
        %dma_start3A_140 = arith.constant 0 : i32
        %dma_start3A_141 = arith.constant 0 : i32
        %dma_start3A_142 = tpu.memref_slice %arg10[%run_scoped3A_130, %dma_start3A_140, %dma_start3A_141] : memref<2x128x128xf32, #tpu.memory_space<vmem>> -> memref<1x128x128xf32, #tpu.memory_space<vmem>>
        %dma_start3A_143 = tpu.memref_squeeze %dma_start3A_142 : memref<1x128x128xf32, #tpu.memory_space<vmem>> -> memref<128x128xf32, #tpu.memory_space<vmem>>
        tpu.enqueue_dma source(%dma_start3A_143 : memref<128x128xf32, #tpu.memory_space<vmem>>) target(%dma_start3A_139 : memref<128x128xf32, #tpu.memory_space<hbm>>) target_semaphore(%run_scoped3A_131 : memref<!tpu.dma_semaphore, #tpu.memory_space<semaphore_mem>>)
        %dma_wait3A_144 = arith.constant 0 : i32
        %dma_wait3A_145 = arith.constant 0 : i32
        %dma_wait3A_146 = tpu.memref_slice %arg10[%run_scoped3A_130, %dma_wait3A_144, %dma_wait3A_145] : memref<2x128x128xf32, #tpu.memory_space<vmem>> -> memref<1x128x128xf32, #tpu.memory_space<vmem>>
        %dma_wait3A_147 = tpu.memref_squeeze %dma_wait3A_146 : memref<1x128x128xf32, #tpu.memory_space<vmem>> -> memref<128x128xf32, #tpu.memory_space<vmem>>
        %dma_wait3A_148 = arith.constant 0 : i32
        %dma_wait3A_149 = tpu.memref_slice %arg6[%add3A_118, %dma_wait3A_148] : memref<10240x128xf32, #tpu.memory_space<hbm>> -> memref<128x128xf32, #tpu.memory_space<hbm>>
        %dma_wait3A_150 = arith.constant 0 : i32
        %dma_wait3A_151 = tpu.memref_slice %arg6[%add3A_118, %dma_wait3A_150] : memref<10240x128xf32, #tpu.memory_space<hbm>> -> memref<128x128xf32, #tpu.memory_space<hbm>>
        %dma_wait3A_152 = arith.constant 0 : i32
        %dma_wait3A_153 = arith.constant 0 : i32
        %dma_wait3A_154 = tpu.memref_slice %arg10[%run_scoped3A_130, %dma_wait3A_152, %dma_wait3A_153] : memref<2x128x128xf32, #tpu.memory_space<vmem>> -> memref<1x128x128xf32, #tpu.memory_space<vmem>>
        %dma_wait3A_155 = tpu.memref_squeeze %dma_wait3A_154 : memref<1x128x128xf32, #tpu.memory_space<vmem>> -> memref<128x128xf32, #tpu.memory_space<vmem>>
        tpu.wait_dma2 semaphore(%run_scoped3A_131 : memref<!tpu.dma_semaphore, #tpu.memory_space<semaphore_mem>>) src(%dma_wait3A_155 : memref<128x128xf32, #tpu.memory_space<vmem>>) dst(%dma_wait3A_151 : memref<128x128xf32, #tpu.memory_space<hbm>>)
        tpu.yield
      }) : () -> ()
    } else {
    }
    %eq3A_125 = arith.constant 1 : i32
    %eq3A_126 = arith.cmpi eq, %arg0, %eq3A_125 : i32
    %convert_element_type3A_127 = arith.extui %eq3A_126 : i1 to i32
    %cond3A_128 = arith.constant 0 : i32
    %cond3A_129 = arith.cmpi ne, %convert_element_type3A_127, %cond3A_128 : i32
    scf.if %cond3A_129 {
      %run_scoped3A_130 = arith.constant 0 : i32
      "tpu.region"() ({
        %run_scoped3A_131 = tpu.sem_alloc : memref<!tpu.dma_semaphore, #tpu.memory_space<semaphore_mem>>
        %dma_start3A_132 = arith.constant 0 : i32
        %dma_start3A_133 = arith.constant 0 : i32
        %dma_start3A_134 = tpu.memref_slice %arg10[%run_scoped3A_130, %dma_start3A_132, %dma_start3A_133] : memref<2x128x128xf32, #tpu.memory_space<vmem>> -> memref<1x128x128xf32, #tpu.memory_space<vmem>>
        %dma_start3A_135 = tpu.memref_squeeze %dma_start3A_134 : memref<1x128x128xf32, #tpu.memory_space<vmem>> -> memref<128x128xf32, #tpu.memory_space<vmem>>
        %dma_start3A_136 = arith.constant 0 : i32
        %dma_start3A_137 = tpu.memref_slice %arg7[%add3A_118, %dma_start3A_136] : memref<10240x128xf32, #tpu.memory_space<hbm>> -> memref<128x128xf32, #tpu.memory_space<hbm>>
        %dma_start3A_138 = arith.constant 0 : i32
        %dma_start3A_139 = tpu.memref_slice %arg7[%add3A_118, %dma_start3A_138] : memref<10240x128xf32, #tpu.memory_space<hbm>> -> memref<128x128xf32, #tpu.memory_space<hbm>>
        %dma_start3A_140 = arith.constant 0 : i32
        %dma_start3A_141 = arith.constant 0 : i32
        %dma_start3A_142 = tpu.memref_slice %arg10[%run_scoped3A_130, %dma_start3A_140, %dma_start3A_141] : memref<2x128x128xf32, #tpu.memory_space<vmem>> -> memref<1x128x128xf32, #tpu.memory_space<vmem>>
        %dma_start3A_143 = tpu.memref_squeeze %dma_start3A_142 : memref<1x128x128xf32, #tpu.memory_space<vmem>> -> memref<128x128xf32, #tpu.memory_space<vmem>>
        tpu.enqueue_dma source(%dma_start3A_143 : memref<128x128xf32, #tpu.memory_space<vmem>>) target(%dma_start3A_139 : memref<128x128xf32, #tpu.memory_space<hbm>>) target_semaphore(%run_scoped3A_131 : memref<!tpu.dma_semaphore, #tpu.memory_space<semaphore_mem>>)
        %dma_wait3A_144 = arith.constant 0 : i32
        %dma_wait3A_145 = arith.constant 0 : i32
        %dma_wait3A_146 = tpu.memref_slice %arg10[%run_scoped3A_130, %dma_wait3A_144, %dma_wait3A_145] : memref<2x128x128xf32, #tpu.memory_space<vmem>> -> memref<1x128x128xf32, #tpu.memory_space<vmem>>
        %dma_wait3A_147 = tpu.memref_squeeze %dma_wait3A_146 : memref<1x128x128xf32, #tpu.memory_space<vmem>> -> memref<128x128xf32, #tpu.memory_space<vmem>>
        %dma_wait3A_148 = arith.constant 0 : i32
        %dma_wait3A_149 = tpu.memref_slice %arg7[%add3A_118, %dma_wait3A_148] : memref<10240x128xf32, #tpu.memory_space<hbm>> -> memref<128x128xf32, #tpu.memory_space<hbm>>
        %dma_wait3A_150 = arith.constant 0 : i32
        %dma_wait3A_151 = tpu.memref_slice %arg7[%add3A_118, %dma_wait3A_150] : memref<10240x128xf32, #tpu.memory_space<hbm>> -> memref<128x128xf32, #tpu.memory_space<hbm>>
        %dma_wait3A_152 = arith.constant 0 : i32
        %dma_wait3A_153 = arith.constant 0 : i32
        %dma_wait3A_154 = tpu.memref_slice %arg10[%run_scoped3A_130, %dma_wait3A_152, %dma_wait3A_153] : memref<2x128x128xf32, #tpu.memory_space<vmem>> -> memref<1x128x128xf32, #tpu.memory_space<vmem>>
        %dma_wait3A_155 = tpu.memref_squeeze %dma_wait3A_154 : memref<1x128x128xf32, #tpu.memory_space<vmem>> -> memref<128x128xf32, #tpu.memory_space<vmem>>
        tpu.wait_dma2 semaphore(%run_scoped3A_131 : memref<!tpu.dma_semaphore, #tpu.memory_space<semaphore_mem>>) src(%dma_wait3A_155 : memref<128x128xf32, #tpu.memory_space<vmem>>) dst(%dma_wait3A_151 : memref<128x128xf32, #tpu.memory_space<hbm>>)
        tpu.yield
      }) : () -> ()
    } else {
    }
    return
  }
}

#map = affine_map<(d0, d1) -> (0, 0)>
module attributes {stable_mosaic.version = 14 : i64} {
  func.func @_sc_counts(%arg0: i32, %arg1: i32, %arg2: memref<1280x128xi32, #tpu.memory_space<hbm>>, %arg3: memref<1280x128xi32, #tpu.memory_space<hbm>>, %arg4: memref<128x128xf32, #tpu.memory_space<hbm>>, %arg5: memref<128x128xf32, #tpu.memory_space<hbm>>, %arg6: memref<10240x128xf32, #tpu.memory_space<hbm>>, %arg7: memref<10240x128xf32, #tpu.memory_space<hbm>>, %arg8: memref<80x128xi32, #tpu.memory_space<vmem>>, %arg9: memref<128x128xf32, #tpu.memory_space<vmem>>, %arg10: memref<10240x128xf32, #tpu.memory_space<vmem_shared>>, %arg11: memref<!tpu.dma_semaphore, #tpu.memory_space<semaphore_mem>>) attributes {dimension_semantics = [#tpu.dimension_semantics<core_parallel>, #tpu.dimension_semantics<subcore_parallel>], iteration_bounds = array<i64: 2, 16>, scalar_prefetch = 0 : i64, scratch_operands = 4 : i64, tpu.core_type = #tpu.core_type<sc_vector_subcore>, window_params = [{transform_indices = #map}, {transform_indices = #map}, {transform_indices = #map}, {transform_indices = #map}, {transform_indices = #map}, {transform_indices = #map}]} {
    "tpu.region"() ({
      %run_scoped3A = tpu.sem_alloc : memref<!tpu.dma_semaphore, #tpu.memory_space<semaphore_mem>>
      tpu.enqueue_dma source(%arg4 : memref<128x128xf32, #tpu.memory_space<hbm>>) target(%arg9 : memref<128x128xf32, #tpu.memory_space<vmem>>) target_semaphore(%run_scoped3A : memref<!tpu.dma_semaphore, #tpu.memory_space<semaphore_mem>>)
      tpu.wait_dma2 semaphore(%run_scoped3A : memref<!tpu.dma_semaphore, #tpu.memory_space<semaphore_mem>>) src(%arg4 : memref<128x128xf32, #tpu.memory_space<hbm>>) dst(%arg9 : memref<128x128xf32, #tpu.memory_space<vmem>>)
      tpu.yield
    }) : () -> ()
    %mul3A = arith.constant 640 : i32
    %mul3A_0 = arith.muli %arg1, %mul3A : i32
    %add3A = arith.constant 0 : i32
    %add3A_1 = arith.addi %mul3A_0, %add3A : i32
    "tpu.region"() ({
      %run_scoped3A = tpu.sem_alloc : memref<!tpu.dma_semaphore, #tpu.memory_space<semaphore_mem>>
      %dma_start3A = arith.constant 0 : i32
      %dma_start3A_128 = tpu.memref_slice %arg10[%add3A_1, %dma_start3A] : memref<10240x128xf32, #tpu.memory_space<vmem_shared>> -> memref<128x128xf32, #tpu.memory_space<vmem_shared>>
      %dma_start3A_129 = arith.constant 0 : i32
      %dma_start3A_130 = tpu.memref_slice %arg10[%add3A_1, %dma_start3A_129] : memref<10240x128xf32, #tpu.memory_space<vmem_shared>> -> memref<128x128xf32, #tpu.memory_space<vmem_shared>>
      tpu.enqueue_dma source(%arg9 : memref<128x128xf32, #tpu.memory_space<vmem>>) target(%dma_start3A_130 : memref<128x128xf32, #tpu.memory_space<vmem_shared>>) target_semaphore(%run_scoped3A : memref<!tpu.dma_semaphore, #tpu.memory_space<semaphore_mem>>)
      %dma_wait3A_131 = arith.constant 0 : i32
      %dma_wait3A_132 = tpu.memref_slice %arg10[%add3A_1, %dma_wait3A_131] : memref<10240x128xf32, #tpu.memory_space<vmem_shared>> -> memref<128x128xf32, #tpu.memory_space<vmem_shared>>
      %dma_wait3A_133 = arith.constant 0 : i32
      %dma_wait3A_134 = tpu.memref_slice %arg10[%add3A_1, %dma_wait3A_133] : memref<10240x128xf32, #tpu.memory_space<vmem_shared>> -> memref<128x128xf32, #tpu.memory_space<vmem_shared>>
      tpu.wait_dma2 semaphore(%run_scoped3A : memref<!tpu.dma_semaphore, #tpu.memory_space<semaphore_mem>>) src(%arg9 : memref<128x128xf32, #tpu.memory_space<vmem>>) dst(%dma_wait3A_134 : memref<128x128xf32, #tpu.memory_space<vmem_shared>>)
      tpu.yield
    }) : () -> ()
    %mul3A_2 = arith.constant 640 : i32
    %mul3A_3 = arith.muli %arg1, %mul3A_2 : i32
    %add3A_4 = arith.constant 128 : i32
    %add3A_5 = arith.addi %mul3A_3, %add3A_4 : i32
    "tpu.region"() ({
      %run_scoped3A = tpu.sem_alloc : memref<!tpu.dma_semaphore, #tpu.memory_space<semaphore_mem>>
      %dma_start3A = arith.constant 0 : i32
      %dma_start3A_128 = tpu.memref_slice %arg10[%add3A_5, %dma_start3A] : memref<10240x128xf32, #tpu.memory_space<vmem_shared>> -> memref<128x128xf32, #tpu.memory_space<vmem_shared>>
      %dma_start3A_129 = arith.constant 0 : i32
      %dma_start3A_130 = tpu.memref_slice %arg10[%add3A_5, %dma_start3A_129] : memref<10240x128xf32, #tpu.memory_space<vmem_shared>> -> memref<128x128xf32, #tpu.memory_space<vmem_shared>>
      tpu.enqueue_dma source(%arg9 : memref<128x128xf32, #tpu.memory_space<vmem>>) target(%dma_start3A_130 : memref<128x128xf32, #tpu.memory_space<vmem_shared>>) target_semaphore(%run_scoped3A : memref<!tpu.dma_semaphore, #tpu.memory_space<semaphore_mem>>)
      %dma_wait3A_131 = arith.constant 0 : i32
      %dma_wait3A_132 = tpu.memref_slice %arg10[%add3A_5, %dma_wait3A_131] : memref<10240x128xf32, #tpu.memory_space<vmem_shared>> -> memref<128x128xf32, #tpu.memory_space<vmem_shared>>
      %dma_wait3A_133 = arith.constant 0 : i32
      %dma_wait3A_134 = tpu.memref_slice %arg10[%add3A_5, %dma_wait3A_133] : memref<10240x128xf32, #tpu.memory_space<vmem_shared>> -> memref<128x128xf32, #tpu.memory_space<vmem_shared>>
      tpu.wait_dma2 semaphore(%run_scoped3A : memref<!tpu.dma_semaphore, #tpu.memory_space<semaphore_mem>>) src(%arg9 : memref<128x128xf32, #tpu.memory_space<vmem>>) dst(%dma_wait3A_134 : memref<128x128xf32, #tpu.memory_space<vmem_shared>>)
      tpu.yield
    }) : () -> ()
    %mul3A_6 = arith.constant 640 : i32
    %mul3A_7 = arith.muli %arg1, %mul3A_6 : i32
    %add3A_8 = arith.constant 256 : i32
    %add3A_9 = arith.addi %mul3A_7, %add3A_8 : i32
    "tpu.region"() ({
      %run_scoped3A = tpu.sem_alloc : memref<!tpu.dma_semaphore, #tpu.memory_space<semaphore_mem>>
      %dma_start3A = arith.constant 0 : i32
      %dma_start3A_128 = tpu.memref_slice %arg10[%add3A_9, %dma_start3A] : memref<10240x128xf32, #tpu.memory_space<vmem_shared>> -> memref<128x128xf32, #tpu.memory_space<vmem_shared>>
      %dma_start3A_129 = arith.constant 0 : i32
      %dma_start3A_130 = tpu.memref_slice %arg10[%add3A_9, %dma_start3A_129] : memref<10240x128xf32, #tpu.memory_space<vmem_shared>> -> memref<128x128xf32, #tpu.memory_space<vmem_shared>>
      tpu.enqueue_dma source(%arg9 : memref<128x128xf32, #tpu.memory_space<vmem>>) target(%dma_start3A_130 : memref<128x128xf32, #tpu.memory_space<vmem_shared>>) target_semaphore(%run_scoped3A : memref<!tpu.dma_semaphore, #tpu.memory_space<semaphore_mem>>)
      %dma_wait3A_131 = arith.constant 0 : i32
      %dma_wait3A_132 = tpu.memref_slice %arg10[%add3A_9, %dma_wait3A_131] : memref<10240x128xf32, #tpu.memory_space<vmem_shared>> -> memref<128x128xf32, #tpu.memory_space<vmem_shared>>
      %dma_wait3A_133 = arith.constant 0 : i32
      %dma_wait3A_134 = tpu.memref_slice %arg10[%add3A_9, %dma_wait3A_133] : memref<10240x128xf32, #tpu.memory_space<vmem_shared>> -> memref<128x128xf32, #tpu.memory_space<vmem_shared>>
      tpu.wait_dma2 semaphore(%run_scoped3A : memref<!tpu.dma_semaphore, #tpu.memory_space<semaphore_mem>>) src(%arg9 : memref<128x128xf32, #tpu.memory_space<vmem>>) dst(%dma_wait3A_134 : memref<128x128xf32, #tpu.memory_space<vmem_shared>>)
      tpu.yield
    }) : () -> ()
    %mul3A_10 = arith.constant 640 : i32
    %mul3A_11 = arith.muli %arg1, %mul3A_10 : i32
    %add3A_12 = arith.constant 384 : i32
    %add3A_13 = arith.addi %mul3A_11, %add3A_12 : i32
    "tpu.region"() ({
      %run_scoped3A = tpu.sem_alloc : memref<!tpu.dma_semaphore, #tpu.memory_space<semaphore_mem>>
      %dma_start3A = arith.constant 0 : i32
      %dma_start3A_128 = tpu.memref_slice %arg10[%add3A_13, %dma_start3A] : memref<10240x128xf32, #tpu.memory_space<vmem_shared>> -> memref<128x128xf32, #tpu.memory_space<vmem_shared>>
      %dma_start3A_129 = arith.constant 0 : i32
      %dma_start3A_130 = tpu.memref_slice %arg10[%add3A_13, %dma_start3A_129] : memref<10240x128xf32, #tpu.memory_space<vmem_shared>> -> memref<128x128xf32, #tpu.memory_space<vmem_shared>>
      tpu.enqueue_dma source(%arg9 : memref<128x128xf32, #tpu.memory_space<vmem>>) target(%dma_start3A_130 : memref<128x128xf32, #tpu.memory_space<vmem_shared>>) target_semaphore(%run_scoped3A : memref<!tpu.dma_semaphore, #tpu.memory_space<semaphore_mem>>)
      %dma_wait3A_131 = arith.constant 0 : i32
      %dma_wait3A_132 = tpu.memref_slice %arg10[%add3A_13, %dma_wait3A_131] : memref<10240x128xf32, #tpu.memory_space<vmem_shared>> -> memref<128x128xf32, #tpu.memory_space<vmem_shared>>
      %dma_wait3A_133 = arith.constant 0 : i32
      %dma_wait3A_134 = tpu.memref_slice %arg10[%add3A_13, %dma_wait3A_133] : memref<10240x128xf32, #tpu.memory_space<vmem_shared>> -> memref<128x128xf32, #tpu.memory_space<vmem_shared>>
      tpu.wait_dma2 semaphore(%run_scoped3A : memref<!tpu.dma_semaphore, #tpu.memory_space<semaphore_mem>>) src(%arg9 : memref<128x128xf32, #tpu.memory_space<vmem>>) dst(%dma_wait3A_134 : memref<128x128xf32, #tpu.memory_space<vmem_shared>>)
      tpu.yield
    }) : () -> ()
    %mul3A_14 = arith.constant 640 : i32
    %mul3A_15 = arith.muli %arg1, %mul3A_14 : i32
    %add3A_16 = arith.constant 512 : i32
    %add3A_17 = arith.addi %mul3A_15, %add3A_16 : i32
    "tpu.region"() ({
      %run_scoped3A = tpu.sem_alloc : memref<!tpu.dma_semaphore, #tpu.memory_space<semaphore_mem>>
      %dma_start3A = arith.constant 0 : i32
      %dma_start3A_128 = tpu.memref_slice %arg10[%add3A_17, %dma_start3A] : memref<10240x128xf32, #tpu.memory_space<vmem_shared>> -> memref<128x128xf32, #tpu.memory_space<vmem_shared>>
      %dma_start3A_129 = arith.constant 0 : i32
      %dma_start3A_130 = tpu.memref_slice %arg10[%add3A_17, %dma_start3A_129] : memref<10240x128xf32, #tpu.memory_space<vmem_shared>> -> memref<128x128xf32, #tpu.memory_space<vmem_shared>>
      tpu.enqueue_dma source(%arg9 : memref<128x128xf32, #tpu.memory_space<vmem>>) target(%dma_start3A_130 : memref<128x128xf32, #tpu.memory_space<vmem_shared>>) target_semaphore(%run_scoped3A : memref<!tpu.dma_semaphore, #tpu.memory_space<semaphore_mem>>)
      %dma_wait3A_131 = arith.constant 0 : i32
      %dma_wait3A_132 = tpu.memref_slice %arg10[%add3A_17, %dma_wait3A_131] : memref<10240x128xf32, #tpu.memory_space<vmem_shared>> -> memref<128x128xf32, #tpu.memory_space<vmem_shared>>
      %dma_wait3A_133 = arith.constant 0 : i32
      %dma_wait3A_134 = tpu.memref_slice %arg10[%add3A_17, %dma_wait3A_133] : memref<10240x128xf32, #tpu.memory_space<vmem_shared>> -> memref<128x128xf32, #tpu.memory_space<vmem_shared>>
      tpu.wait_dma2 semaphore(%run_scoped3A : memref<!tpu.dma_semaphore, #tpu.memory_space<semaphore_mem>>) src(%arg9 : memref<128x128xf32, #tpu.memory_space<vmem>>) dst(%dma_wait3A_134 : memref<128x128xf32, #tpu.memory_space<vmem_shared>>)
      tpu.yield
    }) : () -> ()
    %eq3A = arith.constant 0 : i32
    %eq3A_18 = arith.cmpi eq, %arg0, %eq3A : i32
    %convert_element_type3A = arith.extui %eq3A_18 : i1 to i32
    %cond3A = arith.constant 0 : i32
    %cond3A_19 = arith.cmpi ne, %convert_element_type3A, %cond3A : i32
    scf.if %cond3A_19 {
      %mul3A_128 = arith.constant 80 : i32
      %mul3A_129 = arith.muli %arg1, %mul3A_128 : i32
      "tpu.region"() ({
        %run_scoped3A = tpu.sem_alloc : memref<!tpu.dma_semaphore, #tpu.memory_space<semaphore_mem>>
        %dma_start3A = arith.constant 0 : i32
        %dma_start3A_130 = tpu.memref_slice %arg2[%mul3A_129, %dma_start3A] : memref<1280x128xi32, #tpu.memory_space<hbm>> -> memref<80x128xi32, #tpu.memory_space<hbm>>
        %dma_start3A_131 = arith.constant 0 : i32
        %dma_start3A_132 = tpu.memref_slice %arg2[%mul3A_129, %dma_start3A_131] : memref<1280x128xi32, #tpu.memory_space<hbm>> -> memref<80x128xi32, #tpu.memory_space<hbm>>
        tpu.enqueue_dma source(%dma_start3A_132 : memref<80x128xi32, #tpu.memory_space<hbm>>) target(%arg8 : memref<80x128xi32, #tpu.memory_space<vmem>>) target_semaphore(%run_scoped3A : memref<!tpu.dma_semaphore, #tpu.memory_space<semaphore_mem>>)
        %dma_wait3A_133 = arith.constant 0 : i32
        %dma_wait3A_134 = tpu.memref_slice %arg2[%mul3A_129, %dma_wait3A_133] : memref<1280x128xi32, #tpu.memory_space<hbm>> -> memref<80x128xi32, #tpu.memory_space<hbm>>
        %dma_wait3A_135 = arith.constant 0 : i32
        %dma_wait3A_136 = tpu.memref_slice %arg2[%mul3A_129, %dma_wait3A_135] : memref<1280x128xi32, #tpu.memory_space<hbm>> -> memref<80x128xi32, #tpu.memory_space<hbm>>
        tpu.wait_dma2 semaphore(%run_scoped3A : memref<!tpu.dma_semaphore, #tpu.memory_space<semaphore_mem>>) src(%dma_wait3A_136 : memref<80x128xi32, #tpu.memory_space<hbm>>) dst(%arg8 : memref<80x128xi32, #tpu.memory_space<vmem>>)
        tpu.yield
      }) : () -> ()
    } else {
    }
    %eq3A_20 = arith.constant 1 : i32
    %eq3A_21 = arith.cmpi eq, %arg0, %eq3A_20 : i32
    %convert_element_type3A_22 = arith.extui %eq3A_21 : i1 to i32
    %cond3A_23 = arith.constant 0 : i32
    %cond3A_24 = arith.cmpi ne, %convert_element_type3A_22, %cond3A_23 : i32
    scf.if %cond3A_24 {
      %mul3A_128 = arith.constant 80 : i32
      %mul3A_129 = arith.muli %arg1, %mul3A_128 : i32
      "tpu.region"() ({
        %run_scoped3A = tpu.sem_alloc : memref<!tpu.dma_semaphore, #tpu.memory_space<semaphore_mem>>
        %dma_start3A = arith.constant 0 : i32
        %dma_start3A_130 = tpu.memref_slice %arg3[%mul3A_129, %dma_start3A] : memref<1280x128xi32, #tpu.memory_space<hbm>> -> memref<80x128xi32, #tpu.memory_space<hbm>>
        %dma_start3A_131 = arith.constant 0 : i32
        %dma_start3A_132 = tpu.memref_slice %arg3[%mul3A_129, %dma_start3A_131] : memref<1280x128xi32, #tpu.memory_space<hbm>> -> memref<80x128xi32, #tpu.memory_space<hbm>>
        tpu.enqueue_dma source(%dma_start3A_132 : memref<80x128xi32, #tpu.memory_space<hbm>>) target(%arg8 : memref<80x128xi32, #tpu.memory_space<vmem>>) target_semaphore(%run_scoped3A : memref<!tpu.dma_semaphore, #tpu.memory_space<semaphore_mem>>)
        %dma_wait3A_133 = arith.constant 0 : i32
        %dma_wait3A_134 = tpu.memref_slice %arg3[%mul3A_129, %dma_wait3A_133] : memref<1280x128xi32, #tpu.memory_space<hbm>> -> memref<80x128xi32, #tpu.memory_space<hbm>>
        %dma_wait3A_135 = arith.constant 0 : i32
        %dma_wait3A_136 = tpu.memref_slice %arg3[%mul3A_129, %dma_wait3A_135] : memref<1280x128xi32, #tpu.memory_space<hbm>> -> memref<80x128xi32, #tpu.memory_space<hbm>>
        tpu.wait_dma2 semaphore(%run_scoped3A : memref<!tpu.dma_semaphore, #tpu.memory_space<semaphore_mem>>) src(%dma_wait3A_136 : memref<80x128xi32, #tpu.memory_space<hbm>>) dst(%arg8 : memref<80x128xi32, #tpu.memory_space<vmem>>)
        tpu.yield
      }) : () -> ()
    } else {
    }
    "tpu.region"() ({
      %run_scoped3A = tpu.sem_alloc : memref<!tpu.dma_semaphore, #tpu.memory_space<semaphore_mem>>
      tpu.enqueue_dma source(%arg5 : memref<128x128xf32, #tpu.memory_space<hbm>>) target(%arg9 : memref<128x128xf32, #tpu.memory_space<vmem>>) target_semaphore(%run_scoped3A : memref<!tpu.dma_semaphore, #tpu.memory_space<semaphore_mem>>)
      tpu.wait_dma2 semaphore(%run_scoped3A : memref<!tpu.dma_semaphore, #tpu.memory_space<semaphore_mem>>) src(%arg5 : memref<128x128xf32, #tpu.memory_space<hbm>>) dst(%arg9 : memref<128x128xf32, #tpu.memory_space<vmem>>)
      tpu.yield
    }) : () -> ()
    %barrier3A = arith.constant 0 : index
    tpu.barrier barrier_id(%barrier3A)
    %scan3A = arith.constant 0 : i32
    %scan3A_25 = arith.constant 0 : i32
    %scan3A_26 = arith.constant 80 : i32
    %scan3A_27 = arith.addi %scan3A_25, %scan3A_26 : i32
    %scan3A_28 = arith.constant 1 : i32
    scf.for %scan3A_128 = %scan3A_25 to %scan3A_27 step %scan3A_28  : i32 {
      %dma_start3A = arith.constant 0 : i32
      %dma_start3A_129 = tpu.memref_slice %arg8[%scan3A_128, %dma_start3A] : memref<80x128xi32, #tpu.memory_space<vmem>> -> memref<1x128xi32, #tpu.memory_space<vmem>>
      %dma_start3A_130 = tpu.memref_squeeze %dma_start3A_129 : memref<1x128xi32, #tpu.memory_space<vmem>> -> memref<128xi32, #tpu.memory_space<vmem>>
      %dma_start3A_131 = arith.constant 0 : i32
      %dma_start3A_132 = arith.constant 0 : i32
      %dma_start3A_133 = tpu.memref_slice %arg10[%dma_start3A_131, %dma_start3A_132] : memref<10240x128xf32, #tpu.memory_space<vmem_shared>> -> memref<10240x128xf32, #tpu.memory_space<vmem_shared>>
      tpu.enqueue_indirect_dma source(%arg9 : memref<128x128xf32, #tpu.memory_space<vmem>>) target(%dma_start3A_133 : memref<10240x128xf32, #tpu.memory_space<vmem_shared>>) offsets(%dma_start3A_130 : memref<128xi32, #tpu.memory_space<vmem>>) semaphore(%arg11 : memref<!tpu.dma_semaphore, #tpu.memory_space<semaphore_mem>>) {add = true}
      %ge3A = arith.constant 4 : i32
      %ge3A_134 = arith.cmpi sge, %scan3A_128, %ge3A : i32
      %convert_element_type3A_135 = arith.extui %ge3A_134 : i1 to i32
      %cond3A_136 = arith.constant 0 : i32
      %cond3A_137 = arith.cmpi ne, %convert_element_type3A_135, %cond3A_136 : i32
      scf.if %cond3A_137 {
        %dma_wait3A_138 = arith.constant 0 : i32
        %dma_wait3A_139 = tpu.memref_slice %arg8[%scan3A_128, %dma_wait3A_138] : memref<80x128xi32, #tpu.memory_space<vmem>> -> memref<1x128xi32, #tpu.memory_space<vmem>>
        %dma_wait3A_140 = tpu.memref_squeeze %dma_wait3A_139 : memref<1x128xi32, #tpu.memory_space<vmem>> -> memref<128xi32, #tpu.memory_space<vmem>>
        %dma_wait3A_141 = arith.constant 0 : i32
        %dma_wait3A_142 = arith.constant 0 : i32
        %dma_wait3A_143 = tpu.memref_slice %arg10[%dma_wait3A_141, %dma_wait3A_142] : memref<10240x128xf32, #tpu.memory_space<vmem_shared>> -> memref<10240x128xf32, #tpu.memory_space<vmem_shared>>
        tpu.wait_indirect_dma semaphore(%arg11 : memref<!tpu.dma_semaphore, #tpu.memory_space<semaphore_mem>>) src(%arg9 : memref<128x128xf32, #tpu.memory_space<vmem>>) dst(%dma_wait3A_143 : memref<10240x128xf32, #tpu.memory_space<vmem_shared>>)
      } else {
      }
    }
    %scan3A_29 = arith.constant 80 : i32
    %dma_wait3A = arith.constant 0 : i32
    %dma_wait3A_30 = arith.constant 0 : i32
    %dma_wait3A_31 = tpu.memref_slice %arg8[%dma_wait3A, %dma_wait3A_30] : memref<80x128xi32, #tpu.memory_space<vmem>> -> memref<1x128xi32, #tpu.memory_space<vmem>>
    %dma_wait3A_32 = tpu.memref_squeeze %dma_wait3A_31 : memref<1x128xi32, #tpu.memory_space<vmem>> -> memref<128xi32, #tpu.memory_space<vmem>>
    %dma_wait3A_33 = arith.constant 0 : i32
    %dma_wait3A_34 = arith.constant 0 : i32
    %dma_wait3A_35 = tpu.memref_slice %arg10[%dma_wait3A_33, %dma_wait3A_34] : memref<10240x128xf32, #tpu.memory_space<vmem_shared>> -> memref<10240x128xf32, #tpu.memory_space<vmem_shared>>
    tpu.wait_indirect_dma semaphore(%arg11 : memref<!tpu.dma_semaphore, #tpu.memory_space<semaphore_mem>>) src(%arg9 : memref<128x128xf32, #tpu.memory_space<vmem>>) dst(%dma_wait3A_35 : memref<10240x128xf32, #tpu.memory_space<vmem_shared>>)
    %dma_wait3A_36 = arith.constant 0 : i32
    %dma_wait3A_37 = arith.constant 0 : i32
    %dma_wait3A_38 = tpu.memref_slice %arg8[%dma_wait3A_36, %dma_wait3A_37] : memref<80x128xi32, #tpu.memory_space<vmem>> -> memref<1x128xi32, #tpu.memory_space<vmem>>
    %dma_wait3A_39 = tpu.memref_squeeze %dma_wait3A_38 : memref<1x128xi32, #tpu.memory_space<vmem>> -> memref<128xi32, #tpu.memory_space<vmem>>
    %dma_wait3A_40 = arith.constant 0 : i32
    %dma_wait3A_41 = arith.constant 0 : i32
    %dma_wait3A_42 = tpu.memref_slice %arg10[%dma_wait3A_40, %dma_wait3A_41] : memref<10240x128xf32, #tpu.memory_space<vmem_shared>> -> memref<10240x128xf32, #tpu.memory_space<vmem_shared>>
    tpu.wait_indirect_dma semaphore(%arg11 : memref<!tpu.dma_semaphore, #tpu.memory_space<semaphore_mem>>) src(%arg9 : memref<128x128xf32, #tpu.memory_space<vmem>>) dst(%dma_wait3A_42 : memref<10240x128xf32, #tpu.memory_space<vmem_shared>>)
    %dma_wait3A_43 = arith.constant 0 : i32
    %dma_wait3A_44 = arith.constant 0 : i32
    %dma_wait3A_45 = tpu.memref_slice %arg8[%dma_wait3A_43, %dma_wait3A_44] : memref<80x128xi32, #tpu.memory_space<vmem>> -> memref<1x128xi32, #tpu.memory_space<vmem>>
    %dma_wait3A_46 = tpu.memref_squeeze %dma_wait3A_45 : memref<1x128xi32, #tpu.memory_space<vmem>> -> memref<128xi32, #tpu.memory_space<vmem>>
    %dma_wait3A_47 = arith.constant 0 : i32
    %dma_wait3A_48 = arith.constant 0 : i32
    %dma_wait3A_49 = tpu.memref_slice %arg10[%dma_wait3A_47, %dma_wait3A_48] : memref<10240x128xf32, #tpu.memory_space<vmem_shared>> -> memref<10240x128xf32, #tpu.memory_space<vmem_shared>>
    tpu.wait_indirect_dma semaphore(%arg11 : memref<!tpu.dma_semaphore, #tpu.memory_space<semaphore_mem>>) src(%arg9 : memref<128x128xf32, #tpu.memory_space<vmem>>) dst(%dma_wait3A_49 : memref<10240x128xf32, #tpu.memory_space<vmem_shared>>)
    %dma_wait3A_50 = arith.constant 0 : i32
    %dma_wait3A_51 = arith.constant 0 : i32
    %dma_wait3A_52 = tpu.memref_slice %arg8[%dma_wait3A_50, %dma_wait3A_51] : memref<80x128xi32, #tpu.memory_space<vmem>> -> memref<1x128xi32, #tpu.memory_space<vmem>>
    %dma_wait3A_53 = tpu.memref_squeeze %dma_wait3A_52 : memref<1x128xi32, #tpu.memory_space<vmem>> -> memref<128xi32, #tpu.memory_space<vmem>>
    %dma_wait3A_54 = arith.constant 0 : i32
    %dma_wait3A_55 = arith.constant 0 : i32
    %dma_wait3A_56 = tpu.memref_slice %arg10[%dma_wait3A_54, %dma_wait3A_55] : memref<10240x128xf32, #tpu.memory_space<vmem_shared>> -> memref<10240x128xf32, #tpu.memory_space<vmem_shared>>
    tpu.wait_indirect_dma semaphore(%arg11 : memref<!tpu.dma_semaphore, #tpu.memory_space<semaphore_mem>>) src(%arg9 : memref<128x128xf32, #tpu.memory_space<vmem>>) dst(%dma_wait3A_56 : memref<10240x128xf32, #tpu.memory_space<vmem_shared>>)
    %barrier3A_57 = arith.constant 0 : index
    tpu.barrier barrier_id(%barrier3A_57)
    %mul3A_58 = arith.constant 640 : i32
    %mul3A_59 = arith.muli %arg1, %mul3A_58 : i32
    %add3A_60 = arith.constant 0 : i32
    %add3A_61 = arith.addi %mul3A_59, %add3A_60 : i32
    "tpu.region"() ({
      %run_scoped3A = tpu.sem_alloc : memref<!tpu.dma_semaphore, #tpu.memory_space<semaphore_mem>>
      %dma_start3A = arith.constant 0 : i32
      %dma_start3A_128 = tpu.memref_slice %arg10[%add3A_61, %dma_start3A] : memref<10240x128xf32, #tpu.memory_space<vmem_shared>> -> memref<128x128xf32, #tpu.memory_space<vmem_shared>>
      %dma_start3A_129 = arith.constant 0 : i32
      %dma_start3A_130 = tpu.memref_slice %arg10[%add3A_61, %dma_start3A_129] : memref<10240x128xf32, #tpu.memory_space<vmem_shared>> -> memref<128x128xf32, #tpu.memory_space<vmem_shared>>
      tpu.enqueue_dma source(%dma_start3A_130 : memref<128x128xf32, #tpu.memory_space<vmem_shared>>) target(%arg9 : memref<128x128xf32, #tpu.memory_space<vmem>>) target_semaphore(%run_scoped3A : memref<!tpu.dma_semaphore, #tpu.memory_space<semaphore_mem>>)
      %dma_wait3A_131 = arith.constant 0 : i32
      %dma_wait3A_132 = tpu.memref_slice %arg10[%add3A_61, %dma_wait3A_131] : memref<10240x128xf32, #tpu.memory_space<vmem_shared>> -> memref<128x128xf32, #tpu.memory_space<vmem_shared>>
      %dma_wait3A_133 = arith.constant 0 : i32
      %dma_wait3A_134 = tpu.memref_slice %arg10[%add3A_61, %dma_wait3A_133] : memref<10240x128xf32, #tpu.memory_space<vmem_shared>> -> memref<128x128xf32, #tpu.memory_space<vmem_shared>>
      tpu.wait_dma2 semaphore(%run_scoped3A : memref<!tpu.dma_semaphore, #tpu.memory_space<semaphore_mem>>) src(%dma_wait3A_134 : memref<128x128xf32, #tpu.memory_space<vmem_shared>>) dst(%arg9 : memref<128x128xf32, #tpu.memory_space<vmem>>)
      tpu.yield
    }) : () -> ()
    %eq3A_62 = arith.constant 0 : i32
    %eq3A_63 = arith.cmpi eq, %arg0, %eq3A_62 : i32
    %convert_element_type3A_64 = arith.extui %eq3A_63 : i1 to i32
    %cond3A_65 = arith.constant 0 : i32
    %cond3A_66 = arith.cmpi ne, %convert_element_type3A_64, %cond3A_65 : i32
    scf.if %cond3A_66 {
      "tpu.region"() ({
        %run_scoped3A = tpu.sem_alloc : memref<!tpu.dma_semaphore, #tpu.memory_space<semaphore_mem>>
        %dma_start3A = arith.constant 0 : i32
        %dma_start3A_128 = tpu.memref_slice %arg6[%add3A_61, %dma_start3A] : memref<10240x128xf32, #tpu.memory_space<hbm>> -> memref<128x128xf32, #tpu.memory_space<hbm>>
        %dma_start3A_129 = arith.constant 0 : i32
        %dma_start3A_130 = tpu.memref_slice %arg6[%add3A_61, %dma_start3A_129] : memref<10240x128xf32, #tpu.memory_space<hbm>> -> memref<128x128xf32, #tpu.memory_space<hbm>>
        tpu.enqueue_dma source(%arg9 : memref<128x128xf32, #tpu.memory_space<vmem>>) target(%dma_start3A_130 : memref<128x128xf32, #tpu.memory_space<hbm>>) target_semaphore(%run_scoped3A : memref<!tpu.dma_semaphore, #tpu.memory_space<semaphore_mem>>)
        %dma_wait3A_131 = arith.constant 0 : i32
        %dma_wait3A_132 = tpu.memref_slice %arg6[%add3A_61, %dma_wait3A_131] : memref<10240x128xf32, #tpu.memory_space<hbm>> -> memref<128x128xf32, #tpu.memory_space<hbm>>
        %dma_wait3A_133 = arith.constant 0 : i32
        %dma_wait3A_134 = tpu.memref_slice %arg6[%add3A_61, %dma_wait3A_133] : memref<10240x128xf32, #tpu.memory_space<hbm>> -> memref<128x128xf32, #tpu.memory_space<hbm>>
        tpu.wait_dma2 semaphore(%run_scoped3A : memref<!tpu.dma_semaphore, #tpu.memory_space<semaphore_mem>>) src(%arg9 : memref<128x128xf32, #tpu.memory_space<vmem>>) dst(%dma_wait3A_134 : memref<128x128xf32, #tpu.memory_space<hbm>>)
        tpu.yield
      }) : () -> ()
    } else {
    }
    %eq3A_67 = arith.constant 1 : i32
    %eq3A_68 = arith.cmpi eq, %arg0, %eq3A_67 : i32
    %convert_element_type3A_69 = arith.extui %eq3A_68 : i1 to i32
    %cond3A_70 = arith.constant 0 : i32
    %cond3A_71 = arith.cmpi ne, %convert_element_type3A_69, %cond3A_70 : i32
    scf.if %cond3A_71 {
      "tpu.region"() ({
        %run_scoped3A = tpu.sem_alloc : memref<!tpu.dma_semaphore, #tpu.memory_space<semaphore_mem>>
        %dma_start3A = arith.constant 0 : i32
        %dma_start3A_128 = tpu.memref_slice %arg7[%add3A_61, %dma_start3A] : memref<10240x128xf32, #tpu.memory_space<hbm>> -> memref<128x128xf32, #tpu.memory_space<hbm>>
        %dma_start3A_129 = arith.constant 0 : i32
        %dma_start3A_130 = tpu.memref_slice %arg7[%add3A_61, %dma_start3A_129] : memref<10240x128xf32, #tpu.memory_space<hbm>> -> memref<128x128xf32, #tpu.memory_space<hbm>>
        tpu.enqueue_dma source(%arg9 : memref<128x128xf32, #tpu.memory_space<vmem>>) target(%dma_start3A_130 : memref<128x128xf32, #tpu.memory_space<hbm>>) target_semaphore(%run_scoped3A : memref<!tpu.dma_semaphore, #tpu.memory_space<semaphore_mem>>)
        %dma_wait3A_131 = arith.constant 0 : i32
        %dma_wait3A_132 = tpu.memref_slice %arg7[%add3A_61, %dma_wait3A_131] : memref<10240x128xf32, #tpu.memory_space<hbm>> -> memref<128x128xf32, #tpu.memory_space<hbm>>
        %dma_wait3A_133 = arith.constant 0 : i32
        %dma_wait3A_134 = tpu.memref_slice %arg7[%add3A_61, %dma_wait3A_133] : memref<10240x128xf32, #tpu.memory_space<hbm>> -> memref<128x128xf32, #tpu.memory_space<hbm>>
        tpu.wait_dma2 semaphore(%run_scoped3A : memref<!tpu.dma_semaphore, #tpu.memory_space<semaphore_mem>>) src(%arg9 : memref<128x128xf32, #tpu.memory_space<vmem>>) dst(%dma_wait3A_134 : memref<128x128xf32, #tpu.memory_space<hbm>>)
        tpu.yield
      }) : () -> ()
    } else {
    }
    %mul3A_72 = arith.constant 640 : i32
    %mul3A_73 = arith.muli %arg1, %mul3A_72 : i32
    %add3A_74 = arith.constant 128 : i32
    %add3A_75 = arith.addi %mul3A_73, %add3A_74 : i32
    "tpu.region"() ({
      %run_scoped3A = tpu.sem_alloc : memref<!tpu.dma_semaphore, #tpu.memory_space<semaphore_mem>>
      %dma_start3A = arith.constant 0 : i32
      %dma_start3A_128 = tpu.memref_slice %arg10[%add3A_75, %dma_start3A] : memref<10240x128xf32, #tpu.memory_space<vmem_shared>> -> memref<128x128xf32, #tpu.memory_space<vmem_shared>>
      %dma_start3A_129 = arith.constant 0 : i32
      %dma_start3A_130 = tpu.memref_slice %arg10[%add3A_75, %dma_start3A_129] : memref<10240x128xf32, #tpu.memory_space<vmem_shared>> -> memref<128x128xf32, #tpu.memory_space<vmem_shared>>
      tpu.enqueue_dma source(%dma_start3A_130 : memref<128x128xf32, #tpu.memory_space<vmem_shared>>) target(%arg9 : memref<128x128xf32, #tpu.memory_space<vmem>>) target_semaphore(%run_scoped3A : memref<!tpu.dma_semaphore, #tpu.memory_space<semaphore_mem>>)
      %dma_wait3A_131 = arith.constant 0 : i32
      %dma_wait3A_132 = tpu.memref_slice %arg10[%add3A_75, %dma_wait3A_131] : memref<10240x128xf32, #tpu.memory_space<vmem_shared>> -> memref<128x128xf32, #tpu.memory_space<vmem_shared>>
      %dma_wait3A_133 = arith.constant 0 : i32
      %dma_wait3A_134 = tpu.memref_slice %arg10[%add3A_75, %dma_wait3A_133] : memref<10240x128xf32, #tpu.memory_space<vmem_shared>> -> memref<128x128xf32, #tpu.memory_space<vmem_shared>>
      tpu.wait_dma2 semaphore(%run_scoped3A : memref<!tpu.dma_semaphore, #tpu.memory_space<semaphore_mem>>) src(%dma_wait3A_134 : memref<128x128xf32, #tpu.memory_space<vmem_shared>>) dst(%arg9 : memref<128x128xf32, #tpu.memory_space<vmem>>)
      tpu.yield
    }) : () -> ()
    %eq3A_76 = arith.constant 0 : i32
    %eq3A_77 = arith.cmpi eq, %arg0, %eq3A_76 : i32
    %convert_element_type3A_78 = arith.extui %eq3A_77 : i1 to i32
    %cond3A_79 = arith.constant 0 : i32
    %cond3A_80 = arith.cmpi ne, %convert_element_type3A_78, %cond3A_79 : i32
    scf.if %cond3A_80 {
      "tpu.region"() ({
        %run_scoped3A = tpu.sem_alloc : memref<!tpu.dma_semaphore, #tpu.memory_space<semaphore_mem>>
        %dma_start3A = arith.constant 0 : i32
        %dma_start3A_128 = tpu.memref_slice %arg6[%add3A_75, %dma_start3A] : memref<10240x128xf32, #tpu.memory_space<hbm>> -> memref<128x128xf32, #tpu.memory_space<hbm>>
        %dma_start3A_129 = arith.constant 0 : i32
        %dma_start3A_130 = tpu.memref_slice %arg6[%add3A_75, %dma_start3A_129] : memref<10240x128xf32, #tpu.memory_space<hbm>> -> memref<128x128xf32, #tpu.memory_space<hbm>>
        tpu.enqueue_dma source(%arg9 : memref<128x128xf32, #tpu.memory_space<vmem>>) target(%dma_start3A_130 : memref<128x128xf32, #tpu.memory_space<hbm>>) target_semaphore(%run_scoped3A : memref<!tpu.dma_semaphore, #tpu.memory_space<semaphore_mem>>)
        %dma_wait3A_131 = arith.constant 0 : i32
        %dma_wait3A_132 = tpu.memref_slice %arg6[%add3A_75, %dma_wait3A_131] : memref<10240x128xf32, #tpu.memory_space<hbm>> -> memref<128x128xf32, #tpu.memory_space<hbm>>
        %dma_wait3A_133 = arith.constant 0 : i32
        %dma_wait3A_134 = tpu.memref_slice %arg6[%add3A_75, %dma_wait3A_133] : memref<10240x128xf32, #tpu.memory_space<hbm>> -> memref<128x128xf32, #tpu.memory_space<hbm>>
        tpu.wait_dma2 semaphore(%run_scoped3A : memref<!tpu.dma_semaphore, #tpu.memory_space<semaphore_mem>>) src(%arg9 : memref<128x128xf32, #tpu.memory_space<vmem>>) dst(%dma_wait3A_134 : memref<128x128xf32, #tpu.memory_space<hbm>>)
        tpu.yield
      }) : () -> ()
    } else {
    }
    %eq3A_81 = arith.constant 1 : i32
    %eq3A_82 = arith.cmpi eq, %arg0, %eq3A_81 : i32
    %convert_element_type3A_83 = arith.extui %eq3A_82 : i1 to i32
    %cond3A_84 = arith.constant 0 : i32
    %cond3A_85 = arith.cmpi ne, %convert_element_type3A_83, %cond3A_84 : i32
    scf.if %cond3A_85 {
      "tpu.region"() ({
        %run_scoped3A = tpu.sem_alloc : memref<!tpu.dma_semaphore, #tpu.memory_space<semaphore_mem>>
        %dma_start3A = arith.constant 0 : i32
        %dma_start3A_128 = tpu.memref_slice %arg7[%add3A_75, %dma_start3A] : memref<10240x128xf32, #tpu.memory_space<hbm>> -> memref<128x128xf32, #tpu.memory_space<hbm>>
        %dma_start3A_129 = arith.constant 0 : i32
        %dma_start3A_130 = tpu.memref_slice %arg7[%add3A_75, %dma_start3A_129] : memref<10240x128xf32, #tpu.memory_space<hbm>> -> memref<128x128xf32, #tpu.memory_space<hbm>>
        tpu.enqueue_dma source(%arg9 : memref<128x128xf32, #tpu.memory_space<vmem>>) target(%dma_start3A_130 : memref<128x128xf32, #tpu.memory_space<hbm>>) target_semaphore(%run_scoped3A : memref<!tpu.dma_semaphore, #tpu.memory_space<semaphore_mem>>)
        %dma_wait3A_131 = arith.constant 0 : i32
        %dma_wait3A_132 = tpu.memref_slice %arg7[%add3A_75, %dma_wait3A_131] : memref<10240x128xf32, #tpu.memory_space<hbm>> -> memref<128x128xf32, #tpu.memory_space<hbm>>
        %dma_wait3A_133 = arith.constant 0 : i32
        %dma_wait3A_134 = tpu.memref_slice %arg7[%add3A_75, %dma_wait3A_133] : memref<10240x128xf32, #tpu.memory_space<hbm>> -> memref<128x128xf32, #tpu.memory_space<hbm>>
        tpu.wait_dma2 semaphore(%run_scoped3A : memref<!tpu.dma_semaphore, #tpu.memory_space<semaphore_mem>>) src(%arg9 : memref<128x128xf32, #tpu.memory_space<vmem>>) dst(%dma_wait3A_134 : memref<128x128xf32, #tpu.memory_space<hbm>>)
        tpu.yield
      }) : () -> ()
    } else {
    }
    %mul3A_86 = arith.constant 640 : i32
    %mul3A_87 = arith.muli %arg1, %mul3A_86 : i32
    %add3A_88 = arith.constant 256 : i32
    %add3A_89 = arith.addi %mul3A_87, %add3A_88 : i32
    "tpu.region"() ({
      %run_scoped3A = tpu.sem_alloc : memref<!tpu.dma_semaphore, #tpu.memory_space<semaphore_mem>>
      %dma_start3A = arith.constant 0 : i32
      %dma_start3A_128 = tpu.memref_slice %arg10[%add3A_89, %dma_start3A] : memref<10240x128xf32, #tpu.memory_space<vmem_shared>> -> memref<128x128xf32, #tpu.memory_space<vmem_shared>>
      %dma_start3A_129 = arith.constant 0 : i32
      %dma_start3A_130 = tpu.memref_slice %arg10[%add3A_89, %dma_start3A_129] : memref<10240x128xf32, #tpu.memory_space<vmem_shared>> -> memref<128x128xf32, #tpu.memory_space<vmem_shared>>
      tpu.enqueue_dma source(%dma_start3A_130 : memref<128x128xf32, #tpu.memory_space<vmem_shared>>) target(%arg9 : memref<128x128xf32, #tpu.memory_space<vmem>>) target_semaphore(%run_scoped3A : memref<!tpu.dma_semaphore, #tpu.memory_space<semaphore_mem>>)
      %dma_wait3A_131 = arith.constant 0 : i32
      %dma_wait3A_132 = tpu.memref_slice %arg10[%add3A_89, %dma_wait3A_131] : memref<10240x128xf32, #tpu.memory_space<vmem_shared>> -> memref<128x128xf32, #tpu.memory_space<vmem_shared>>
      %dma_wait3A_133 = arith.constant 0 : i32
      %dma_wait3A_134 = tpu.memref_slice %arg10[%add3A_89, %dma_wait3A_133] : memref<10240x128xf32, #tpu.memory_space<vmem_shared>> -> memref<128x128xf32, #tpu.memory_space<vmem_shared>>
      tpu.wait_dma2 semaphore(%run_scoped3A : memref<!tpu.dma_semaphore, #tpu.memory_space<semaphore_mem>>) src(%dma_wait3A_134 : memref<128x128xf32, #tpu.memory_space<vmem_shared>>) dst(%arg9 : memref<128x128xf32, #tpu.memory_space<vmem>>)
      tpu.yield
    }) : () -> ()
    %eq3A_90 = arith.constant 0 : i32
    %eq3A_91 = arith.cmpi eq, %arg0, %eq3A_90 : i32
    %convert_element_type3A_92 = arith.extui %eq3A_91 : i1 to i32
    %cond3A_93 = arith.constant 0 : i32
    %cond3A_94 = arith.cmpi ne, %convert_element_type3A_92, %cond3A_93 : i32
    scf.if %cond3A_94 {
      "tpu.region"() ({
        %run_scoped3A = tpu.sem_alloc : memref<!tpu.dma_semaphore, #tpu.memory_space<semaphore_mem>>
        %dma_start3A = arith.constant 0 : i32
        %dma_start3A_128 = tpu.memref_slice %arg6[%add3A_89, %dma_start3A] : memref<10240x128xf32, #tpu.memory_space<hbm>> -> memref<128x128xf32, #tpu.memory_space<hbm>>
        %dma_start3A_129 = arith.constant 0 : i32
        %dma_start3A_130 = tpu.memref_slice %arg6[%add3A_89, %dma_start3A_129] : memref<10240x128xf32, #tpu.memory_space<hbm>> -> memref<128x128xf32, #tpu.memory_space<hbm>>
        tpu.enqueue_dma source(%arg9 : memref<128x128xf32, #tpu.memory_space<vmem>>) target(%dma_start3A_130 : memref<128x128xf32, #tpu.memory_space<hbm>>) target_semaphore(%run_scoped3A : memref<!tpu.dma_semaphore, #tpu.memory_space<semaphore_mem>>)
        %dma_wait3A_131 = arith.constant 0 : i32
        %dma_wait3A_132 = tpu.memref_slice %arg6[%add3A_89, %dma_wait3A_131] : memref<10240x128xf32, #tpu.memory_space<hbm>> -> memref<128x128xf32, #tpu.memory_space<hbm>>
        %dma_wait3A_133 = arith.constant 0 : i32
        %dma_wait3A_134 = tpu.memref_slice %arg6[%add3A_89, %dma_wait3A_133] : memref<10240x128xf32, #tpu.memory_space<hbm>> -> memref<128x128xf32, #tpu.memory_space<hbm>>
        tpu.wait_dma2 semaphore(%run_scoped3A : memref<!tpu.dma_semaphore, #tpu.memory_space<semaphore_mem>>) src(%arg9 : memref<128x128xf32, #tpu.memory_space<vmem>>) dst(%dma_wait3A_134 : memref<128x128xf32, #tpu.memory_space<hbm>>)
        tpu.yield
      }) : () -> ()
    } else {
    }
    %eq3A_95 = arith.constant 1 : i32
    %eq3A_96 = arith.cmpi eq, %arg0, %eq3A_95 : i32
    %convert_element_type3A_97 = arith.extui %eq3A_96 : i1 to i32
    %cond3A_98 = arith.constant 0 : i32
    %cond3A_99 = arith.cmpi ne, %convert_element_type3A_97, %cond3A_98 : i32
    scf.if %cond3A_99 {
      "tpu.region"() ({
        %run_scoped3A = tpu.sem_alloc : memref<!tpu.dma_semaphore, #tpu.memory_space<semaphore_mem>>
        %dma_start3A = arith.constant 0 : i32
        %dma_start3A_128 = tpu.memref_slice %arg7[%add3A_89, %dma_start3A] : memref<10240x128xf32, #tpu.memory_space<hbm>> -> memref<128x128xf32, #tpu.memory_space<hbm>>
        %dma_start3A_129 = arith.constant 0 : i32
        %dma_start3A_130 = tpu.memref_slice %arg7[%add3A_89, %dma_start3A_129] : memref<10240x128xf32, #tpu.memory_space<hbm>> -> memref<128x128xf32, #tpu.memory_space<hbm>>
        tpu.enqueue_dma source(%arg9 : memref<128x128xf32, #tpu.memory_space<vmem>>) target(%dma_start3A_130 : memref<128x128xf32, #tpu.memory_space<hbm>>) target_semaphore(%run_scoped3A : memref<!tpu.dma_semaphore, #tpu.memory_space<semaphore_mem>>)
        %dma_wait3A_131 = arith.constant 0 : i32
        %dma_wait3A_132 = tpu.memref_slice %arg7[%add3A_89, %dma_wait3A_131] : memref<10240x128xf32, #tpu.memory_space<hbm>> -> memref<128x128xf32, #tpu.memory_space<hbm>>
        %dma_wait3A_133 = arith.constant 0 : i32
        %dma_wait3A_134 = tpu.memref_slice %arg7[%add3A_89, %dma_wait3A_133] : memref<10240x128xf32, #tpu.memory_space<hbm>> -> memref<128x128xf32, #tpu.memory_space<hbm>>
        tpu.wait_dma2 semaphore(%run_scoped3A : memref<!tpu.dma_semaphore, #tpu.memory_space<semaphore_mem>>) src(%arg9 : memref<128x128xf32, #tpu.memory_space<vmem>>) dst(%dma_wait3A_134 : memref<128x128xf32, #tpu.memory_space<hbm>>)
        tpu.yield
      }) : () -> ()
    } else {
    }
    %mul3A_100 = arith.constant 640 : i32
    %mul3A_101 = arith.muli %arg1, %mul3A_100 : i32
    %add3A_102 = arith.constant 384 : i32
    %add3A_103 = arith.addi %mul3A_101, %add3A_102 : i32
    "tpu.region"() ({
      %run_scoped3A = tpu.sem_alloc : memref<!tpu.dma_semaphore, #tpu.memory_space<semaphore_mem>>
      %dma_start3A = arith.constant 0 : i32
      %dma_start3A_128 = tpu.memref_slice %arg10[%add3A_103, %dma_start3A] : memref<10240x128xf32, #tpu.memory_space<vmem_shared>> -> memref<128x128xf32, #tpu.memory_space<vmem_shared>>
      %dma_start3A_129 = arith.constant 0 : i32
      %dma_start3A_130 = tpu.memref_slice %arg10[%add3A_103, %dma_start3A_129] : memref<10240x128xf32, #tpu.memory_space<vmem_shared>> -> memref<128x128xf32, #tpu.memory_space<vmem_shared>>
      tpu.enqueue_dma source(%dma_start3A_130 : memref<128x128xf32, #tpu.memory_space<vmem_shared>>) target(%arg9 : memref<128x128xf32, #tpu.memory_space<vmem>>) target_semaphore(%run_scoped3A : memref<!tpu.dma_semaphore, #tpu.memory_space<semaphore_mem>>)
      %dma_wait3A_131 = arith.constant 0 : i32
      %dma_wait3A_132 = tpu.memref_slice %arg10[%add3A_103, %dma_wait3A_131] : memref<10240x128xf32, #tpu.memory_space<vmem_shared>> -> memref<128x128xf32, #tpu.memory_space<vmem_shared>>
      %dma_wait3A_133 = arith.constant 0 : i32
      %dma_wait3A_134 = tpu.memref_slice %arg10[%add3A_103, %dma_wait3A_133] : memref<10240x128xf32, #tpu.memory_space<vmem_shared>> -> memref<128x128xf32, #tpu.memory_space<vmem_shared>>
      tpu.wait_dma2 semaphore(%run_scoped3A : memref<!tpu.dma_semaphore, #tpu.memory_space<semaphore_mem>>) src(%dma_wait3A_134 : memref<128x128xf32, #tpu.memory_space<vmem_shared>>) dst(%arg9 : memref<128x128xf32, #tpu.memory_space<vmem>>)
      tpu.yield
    }) : () -> ()
    %eq3A_104 = arith.constant 0 : i32
    %eq3A_105 = arith.cmpi eq, %arg0, %eq3A_104 : i32
    %convert_element_type3A_106 = arith.extui %eq3A_105 : i1 to i32
    %cond3A_107 = arith.constant 0 : i32
    %cond3A_108 = arith.cmpi ne, %convert_element_type3A_106, %cond3A_107 : i32
    scf.if %cond3A_108 {
      "tpu.region"() ({
        %run_scoped3A = tpu.sem_alloc : memref<!tpu.dma_semaphore, #tpu.memory_space<semaphore_mem>>
        %dma_start3A = arith.constant 0 : i32
        %dma_start3A_128 = tpu.memref_slice %arg6[%add3A_103, %dma_start3A] : memref<10240x128xf32, #tpu.memory_space<hbm>> -> memref<128x128xf32, #tpu.memory_space<hbm>>
        %dma_start3A_129 = arith.constant 0 : i32
        %dma_start3A_130 = tpu.memref_slice %arg6[%add3A_103, %dma_start3A_129] : memref<10240x128xf32, #tpu.memory_space<hbm>> -> memref<128x128xf32, #tpu.memory_space<hbm>>
        tpu.enqueue_dma source(%arg9 : memref<128x128xf32, #tpu.memory_space<vmem>>) target(%dma_start3A_130 : memref<128x128xf32, #tpu.memory_space<hbm>>) target_semaphore(%run_scoped3A : memref<!tpu.dma_semaphore, #tpu.memory_space<semaphore_mem>>)
        %dma_wait3A_131 = arith.constant 0 : i32
        %dma_wait3A_132 = tpu.memref_slice %arg6[%add3A_103, %dma_wait3A_131] : memref<10240x128xf32, #tpu.memory_space<hbm>> -> memref<128x128xf32, #tpu.memory_space<hbm>>
        %dma_wait3A_133 = arith.constant 0 : i32
        %dma_wait3A_134 = tpu.memref_slice %arg6[%add3A_103, %dma_wait3A_133] : memref<10240x128xf32, #tpu.memory_space<hbm>> -> memref<128x128xf32, #tpu.memory_space<hbm>>
        tpu.wait_dma2 semaphore(%run_scoped3A : memref<!tpu.dma_semaphore, #tpu.memory_space<semaphore_mem>>) src(%arg9 : memref<128x128xf32, #tpu.memory_space<vmem>>) dst(%dma_wait3A_134 : memref<128x128xf32, #tpu.memory_space<hbm>>)
        tpu.yield
      }) : () -> ()
    } else {
    }
    %eq3A_109 = arith.constant 1 : i32
    %eq3A_110 = arith.cmpi eq, %arg0, %eq3A_109 : i32
    %convert_element_type3A_111 = arith.extui %eq3A_110 : i1 to i32
    %cond3A_112 = arith.constant 0 : i32
    %cond3A_113 = arith.cmpi ne, %convert_element_type3A_111, %cond3A_112 : i32
    scf.if %cond3A_113 {
      "tpu.region"() ({
        %run_scoped3A = tpu.sem_alloc : memref<!tpu.dma_semaphore, #tpu.memory_space<semaphore_mem>>
        %dma_start3A = arith.constant 0 : i32
        %dma_start3A_128 = tpu.memref_slice %arg7[%add3A_103, %dma_start3A] : memref<10240x128xf32, #tpu.memory_space<hbm>> -> memref<128x128xf32, #tpu.memory_space<hbm>>
        %dma_start3A_129 = arith.constant 0 : i32
        %dma_start3A_130 = tpu.memref_slice %arg7[%add3A_103, %dma_start3A_129] : memref<10240x128xf32, #tpu.memory_space<hbm>> -> memref<128x128xf32, #tpu.memory_space<hbm>>
        tpu.enqueue_dma source(%arg9 : memref<128x128xf32, #tpu.memory_space<vmem>>) target(%dma_start3A_130 : memref<128x128xf32, #tpu.memory_space<hbm>>) target_semaphore(%run_scoped3A : memref<!tpu.dma_semaphore, #tpu.memory_space<semaphore_mem>>)
        %dma_wait3A_131 = arith.constant 0 : i32
        %dma_wait3A_132 = tpu.memref_slice %arg7[%add3A_103, %dma_wait3A_131] : memref<10240x128xf32, #tpu.memory_space<hbm>> -> memref<128x128xf32, #tpu.memory_space<hbm>>
        %dma_wait3A_133 = arith.constant 0 : i32
        %dma_wait3A_134 = tpu.memref_slice %arg7[%add3A_103, %dma_wait3A_133] : memref<10240x128xf32, #tpu.memory_space<hbm>> -> memref<128x128xf32, #tpu.memory_space<hbm>>
        tpu.wait_dma2 semaphore(%run_scoped3A : memref<!tpu.dma_semaphore, #tpu.memory_space<semaphore_mem>>) src(%arg9 : memref<128x128xf32, #tpu.memory_space<vmem>>) dst(%dma_wait3A_134 : memref<128x128xf32, #tpu.memory_space<hbm>>)
        tpu.yield
      }) : () -> ()
    } else {
    }
    %mul3A_114 = arith.constant 640 : i32
    %mul3A_115 = arith.muli %arg1, %mul3A_114 : i32
    %add3A_116 = arith.constant 512 : i32
    %add3A_117 = arith.addi %mul3A_115, %add3A_116 : i32
    "tpu.region"() ({
      %run_scoped3A = tpu.sem_alloc : memref<!tpu.dma_semaphore, #tpu.memory_space<semaphore_mem>>
      %dma_start3A = arith.constant 0 : i32
      %dma_start3A_128 = tpu.memref_slice %arg10[%add3A_117, %dma_start3A] : memref<10240x128xf32, #tpu.memory_space<vmem_shared>> -> memref<128x128xf32, #tpu.memory_space<vmem_shared>>
      %dma_start3A_129 = arith.constant 0 : i32
      %dma_start3A_130 = tpu.memref_slice %arg10[%add3A_117, %dma_start3A_129] : memref<10240x128xf32, #tpu.memory_space<vmem_shared>> -> memref<128x128xf32, #tpu.memory_space<vmem_shared>>
      tpu.enqueue_dma source(%dma_start3A_130 : memref<128x128xf32, #tpu.memory_space<vmem_shared>>) target(%arg9 : memref<128x128xf32, #tpu.memory_space<vmem>>) target_semaphore(%run_scoped3A : memref<!tpu.dma_semaphore, #tpu.memory_space<semaphore_mem>>)
      %dma_wait3A_131 = arith.constant 0 : i32
      %dma_wait3A_132 = tpu.memref_slice %arg10[%add3A_117, %dma_wait3A_131] : memref<10240x128xf32, #tpu.memory_space<vmem_shared>> -> memref<128x128xf32, #tpu.memory_space<vmem_shared>>
      %dma_wait3A_133 = arith.constant 0 : i32
      %dma_wait3A_134 = tpu.memref_slice %arg10[%add3A_117, %dma_wait3A_133] : memref<10240x128xf32, #tpu.memory_space<vmem_shared>> -> memref<128x128xf32, #tpu.memory_space<vmem_shared>>
      tpu.wait_dma2 semaphore(%run_scoped3A : memref<!tpu.dma_semaphore, #tpu.memory_space<semaphore_mem>>) src(%dma_wait3A_134 : memref<128x128xf32, #tpu.memory_space<vmem_shared>>) dst(%arg9 : memref<128x128xf32, #tpu.memory_space<vmem>>)
      tpu.yield
    }) : () -> ()
    %eq3A_118 = arith.constant 0 : i32
    %eq3A_119 = arith.cmpi eq, %arg0, %eq3A_118 : i32
    %convert_element_type3A_120 = arith.extui %eq3A_119 : i1 to i32
    %cond3A_121 = arith.constant 0 : i32
    %cond3A_122 = arith.cmpi ne, %convert_element_type3A_120, %cond3A_121 : i32
    scf.if %cond3A_122 {
      "tpu.region"() ({
        %run_scoped3A = tpu.sem_alloc : memref<!tpu.dma_semaphore, #tpu.memory_space<semaphore_mem>>
        %dma_start3A = arith.constant 0 : i32
        %dma_start3A_128 = tpu.memref_slice %arg6[%add3A_117, %dma_start3A] : memref<10240x128xf32, #tpu.memory_space<hbm>> -> memref<128x128xf32, #tpu.memory_space<hbm>>
        %dma_start3A_129 = arith.constant 0 : i32
        %dma_start3A_130 = tpu.memref_slice %arg6[%add3A_117, %dma_start3A_129] : memref<10240x128xf32, #tpu.memory_space<hbm>> -> memref<128x128xf32, #tpu.memory_space<hbm>>
        tpu.enqueue_dma source(%arg9 : memref<128x128xf32, #tpu.memory_space<vmem>>) target(%dma_start3A_130 : memref<128x128xf32, #tpu.memory_space<hbm>>) target_semaphore(%run_scoped3A : memref<!tpu.dma_semaphore, #tpu.memory_space<semaphore_mem>>)
        %dma_wait3A_131 = arith.constant 0 : i32
        %dma_wait3A_132 = tpu.memref_slice %arg6[%add3A_117, %dma_wait3A_131] : memref<10240x128xf32, #tpu.memory_space<hbm>> -> memref<128x128xf32, #tpu.memory_space<hbm>>
        %dma_wait3A_133 = arith.constant 0 : i32
        %dma_wait3A_134 = tpu.memref_slice %arg6[%add3A_117, %dma_wait3A_133] : memref<10240x128xf32, #tpu.memory_space<hbm>> -> memref<128x128xf32, #tpu.memory_space<hbm>>
        tpu.wait_dma2 semaphore(%run_scoped3A : memref<!tpu.dma_semaphore, #tpu.memory_space<semaphore_mem>>) src(%arg9 : memref<128x128xf32, #tpu.memory_space<vmem>>) dst(%dma_wait3A_134 : memref<128x128xf32, #tpu.memory_space<hbm>>)
        tpu.yield
      }) : () -> ()
    } else {
    }
    %eq3A_123 = arith.constant 1 : i32
    %eq3A_124 = arith.cmpi eq, %arg0, %eq3A_123 : i32
    %convert_element_type3A_125 = arith.extui %eq3A_124 : i1 to i32
    %cond3A_126 = arith.constant 0 : i32
    %cond3A_127 = arith.cmpi ne, %convert_element_type3A_125, %cond3A_126 : i32
    scf.if %cond3A_127 {
      "tpu.region"() ({
        %run_scoped3A = tpu.sem_alloc : memref<!tpu.dma_semaphore, #tpu.memory_space<semaphore_mem>>
        %dma_start3A = arith.constant 0 : i32
        %dma_start3A_128 = tpu.memref_slice %arg7[%add3A_117, %dma_start3A] : memref<10240x128xf32, #tpu.memory_space<hbm>> -> memref<128x128xf32, #tpu.memory_space<hbm>>
        %dma_start3A_129 = arith.constant 0 : i32
        %dma_start3A_130 = tpu.memref_slice %arg7[%add3A_117, %dma_start3A_129] : memref<10240x128xf32, #tpu.memory_space<hbm>> -> memref<128x128xf32, #tpu.memory_space<hbm>>
        tpu.enqueue_dma source(%arg9 : memref<128x128xf32, #tpu.memory_space<vmem>>) target(%dma_start3A_130 : memref<128x128xf32, #tpu.memory_space<hbm>>) target_semaphore(%run_scoped3A : memref<!tpu.dma_semaphore, #tpu.memory_space<semaphore_mem>>)
        %dma_wait3A_131 = arith.constant 0 : i32
        %dma_wait3A_132 = tpu.memref_slice %arg7[%add3A_117, %dma_wait3A_131] : memref<10240x128xf32, #tpu.memory_space<hbm>> -> memref<128x128xf32, #tpu.memory_space<hbm>>
        %dma_wait3A_133 = arith.constant 0 : i32
        %dma_wait3A_134 = tpu.memref_slice %arg7[%add3A_117, %dma_wait3A_133] : memref<10240x128xf32, #tpu.memory_space<hbm>> -> memref<128x128xf32, #tpu.memory_space<hbm>>
        tpu.wait_dma2 semaphore(%run_scoped3A : memref<!tpu.dma_semaphore, #tpu.memory_space<semaphore_mem>>) src(%arg9 : memref<128x128xf32, #tpu.memory_space<vmem>>) dst(%dma_wait3A_134 : memref<128x128xf32, #tpu.memory_space<hbm>>)
        tpu.yield
      }) : () -> ()
    } else {
    }
    return
  }
}

module attributes {stable_mosaic.version = 14 : i64} {
  func.func @_tc_layer1_body(%arg0: i32, %arg1: memref<1000x256xf32, #tpu.memory_space<vmem>>, %arg2: memref<1000x128xf32, #tpu.memory_space<vmem>>, %arg3: memref<1000x128xf32, #tpu.memory_space<vmem>>, %arg4: memref<1000x128xf32, #tpu.memory_space<vmem>>, %arg5: memref<256x512xf32, #tpu.memory_space<vmem>>, %arg6: memref<128x512xf32, #tpu.memory_space<vmem>>, %arg7: memref<128x512xf32, #tpu.memory_space<vmem>>, %arg8: memref<1x512xf32, #tpu.memory_space<vmem>>, %arg9: memref<512x128xf32, #tpu.memory_space<vmem>>, %arg10: memref<512x128xf32, #tpu.memory_space<vmem>>, %arg11: memref<1000x128xf32, #tpu.memory_space<vmem>>, %arg12: memref<1000x128xf32, #tpu.memory_space<vmem>>, %arg13: memref<1x2xf32, #tpu.memory_space<smem>>, %arg14: memref<2xf32, #tpu.memory_space<smem>>) attributes {dimension_semantics = [#tpu.dimension_semantics<arbitrary>], iteration_bounds = array<i64: 10>, scalar_prefetch = 0 : i64, scratch_operands = 1 : i64, tpu.core_type = #tpu.core_type<tc>, window_params = [{transform_indices = @transform_0, window_bounds = array<i64: 1000, 256>}, {transform_indices = @transform_1, window_bounds = array<i64: 1000, 128>}, {transform_indices = @transform_2, window_bounds = array<i64: 1000, 128>}, {transform_indices = @transform_3, window_bounds = array<i64: 1000, 128>}, {pipeline_mode = #tpu.pipeline_mode<synchronous>, transform_indices = @transform_4, window_bounds = array<i64: 256, 512>}, {pipeline_mode = #tpu.pipeline_mode<synchronous>, transform_indices = @transform_5, window_bounds = array<i64: 128, 512>}, {pipeline_mode = #tpu.pipeline_mode<synchronous>, transform_indices = @transform_6, window_bounds = array<i64: 128, 512>}, {pipeline_mode = #tpu.pipeline_mode<synchronous>, transform_indices = @transform_7, window_bounds = array<i64: 1, 512>}, {pipeline_mode = #tpu.pipeline_mode<synchronous>, transform_indices = @transform_8, window_bounds = array<i64: 512, 128>}, {pipeline_mode = #tpu.pipeline_mode<synchronous>, transform_indices = @transform_9, window_bounds = array<i64: 512, 128>}, {transform_indices = @transform_10, window_bounds = array<i64: 1000, 128>}, {transform_indices = @transform_11, window_bounds = array<i64: 1000, 128>}, {transform_indices = @transform_12, window_bounds = array<i64: 1, 2>}]} {
    %get3A = arith.constant 0 : index
    %get3A_0 = arith.constant 0 : index
    %get3A_1 = vector.load %arg4[%get3A, %get3A_0] : memref<1000x128xf32, #tpu.memory_space<vmem>>, vector<1000x1xf32>
    %max3A = arith.constant 1.000000e+00 : f32
    %max3A_2 = vector.broadcast %max3A : f32 to vector<1000x1xf32>
    %max3A_3 = arith.maximumf %get3A_1, %max3A_2 : vector<1000x1xf32>
    %get3A_4 = arith.constant 0 : index
    %get3A_5 = arith.constant 0 : index
    %get3A_6 = vector.load %arg2[%get3A_4, %get3A_5] : memref<1000x128xf32, #tpu.memory_space<vmem>>, vector<1000x128xf32>
    %div3A = vector.broadcast %max3A_3 : vector<1000x1xf32> to vector<1000x128xf32>
    %div3A_7 = arith.divf %get3A_6, %div3A : vector<1000x128xf32>
    %convert_element_type3A = arith.truncf %div3A_7 : vector<1000x128xf32> to vector<1000x128xbf16>
    %get3A_8 = arith.constant 0 : index
    %get3A_9 = arith.constant 0 : index
    %get3A_10 = vector.load %arg3[%get3A_8, %get3A_9] : memref<1000x128xf32, #tpu.memory_space<vmem>>, vector<1000x128xf32>
    %div3A_11 = vector.broadcast %max3A_3 : vector<1000x1xf32> to vector<1000x128xf32>
    %div3A_12 = arith.divf %get3A_10, %div3A_11 : vector<1000x128xf32>
    %convert_element_type3A_13 = arith.truncf %div3A_12 : vector<1000x128xf32> to vector<1000x128xbf16>
    %get3A_14 = arith.constant 0 : index
    %get3A_15 = arith.constant 0 : index
    %get3A_16 = vector.load %arg1[%get3A_14, %get3A_15] : memref<1000x256xf32, #tpu.memory_space<vmem>>, vector<1000x256xf32>
    %convert_element_type3A_17 = arith.truncf %get3A_16 : vector<1000x256xf32> to vector<1000x256xbf16>
    %get3A_18 = arith.constant 0 : index
    %get3A_19 = arith.constant 0 : index
    %get3A_20 = vector.load %arg5[%get3A_18, %get3A_19] : memref<256x512xf32, #tpu.memory_space<vmem>>, vector<256x512xf32>
    %convert_element_type3A_21 = arith.truncf %get3A_20 : vector<256x512xf32> to vector<256x512xbf16>
    %dot_general3A = arith.constant dense<0.000000e+00> : vector<1000x512xf32>
    %dot_general3A_22 = tpu.matmul %convert_element_type3A_17, %convert_element_type3A_21, %dot_general3A {dimension_numbers = #tpu.dot_dimension_numbers<[1], [0], [0], [1], [0, 0, 1, 1], [], []>, transpose_lhs_hint = false} : vector<1000x256xbf16>, vector<256x512xbf16>, vector<1000x512xf32> -> vector<1000x512xf32>
    %get3A_23 = arith.constant 0 : index
    %get3A_24 = arith.constant 0 : index
    %get3A_25 = vector.load %arg6[%get3A_23, %get3A_24] : memref<128x512xf32, #tpu.memory_space<vmem>>, vector<128x512xf32>
    %convert_element_type3A_26 = arith.truncf %get3A_25 : vector<128x512xf32> to vector<128x512xbf16>
    %dot_general3A_27 = arith.constant dense<0.000000e+00> : vector<1000x512xf32>
    %dot_general3A_28 = tpu.matmul %convert_element_type3A, %convert_element_type3A_26, %dot_general3A_27 {dimension_numbers = #tpu.dot_dimension_numbers<[1], [0], [0], [1], [0, 0, 1, 1], [], []>, transpose_lhs_hint = false} : vector<1000x128xbf16>, vector<128x512xbf16>, vector<1000x512xf32> -> vector<1000x512xf32>
    %add3A = arith.addf %dot_general3A_22, %dot_general3A_28 : vector<1000x512xf32>
    %get3A_29 = arith.constant 0 : index
    %get3A_30 = arith.constant 0 : index
    %get3A_31 = vector.load %arg7[%get3A_29, %get3A_30] : memref<128x512xf32, #tpu.memory_space<vmem>>, vector<128x512xf32>
    %convert_element_type3A_32 = arith.truncf %get3A_31 : vector<128x512xf32> to vector<128x512xbf16>
    %dot_general3A_33 = arith.constant dense<0.000000e+00> : vector<1000x512xf32>
    %dot_general3A_34 = tpu.matmul %convert_element_type3A_13, %convert_element_type3A_32, %dot_general3A_33 {dimension_numbers = #tpu.dot_dimension_numbers<[1], [0], [0], [1], [0, 0, 1, 1], [], []>, transpose_lhs_hint = false} : vector<1000x128xbf16>, vector<128x512xbf16>, vector<1000x512xf32> -> vector<1000x512xf32>
    %add3A_35 = arith.addf %add3A, %dot_general3A_34 : vector<1000x512xf32>
    %get3A_36 = arith.constant 0 : index
    %get3A_37 = arith.constant 0 : index
    %get3A_38 = vector.load %arg8[%get3A_36, %get3A_37] : memref<1x512xf32, #tpu.memory_space<vmem>>, vector<1x512xf32>
    %add3A_39 = vector.broadcast %get3A_38 : vector<1x512xf32> to vector<1000x512xf32>
    %add3A_40 = arith.addf %add3A_35, %add3A_39 : vector<1000x512xf32>
    %max3A_41 = arith.constant 0.000000e+00 : f32
    %max3A_42 = vector.broadcast %max3A_41 : f32 to vector<1000x512xf32>
    %max3A_43 = arith.maximumf %add3A_40, %max3A_42 : vector<1000x512xf32>
    %convert_element_type3A_44 = arith.truncf %max3A_43 : vector<1000x512xf32> to vector<1000x512xbf16>
    %get3A_45 = arith.constant 0 : index
    %get3A_46 = arith.constant 0 : index
    %get3A_47 = vector.load %arg9[%get3A_45, %get3A_46] : memref<512x128xf32, #tpu.memory_space<vmem>>, vector<512x128xf32>
    %convert_element_type3A_48 = arith.truncf %get3A_47 : vector<512x128xf32> to vector<512x128xbf16>
    %dot_general3A_49 = arith.constant dense<0.000000e+00> : vector<1000x128xf32>
    %dot_general3A_50 = tpu.matmul %convert_element_type3A_44, %convert_element_type3A_48, %dot_general3A_49 {dimension_numbers = #tpu.dot_dimension_numbers<[1], [0], [0], [1], [0, 0, 1, 1], [], []>, transpose_lhs_hint = false} : vector<1000x512xbf16>, vector<512x128xbf16>, vector<1000x128xf32> -> vector<1000x128xf32>
    %swap3A = arith.constant 0 : index
    %swap3A_51 = arith.constant 0 : index
    %swap3A_52 = vector.load %arg11[%swap3A, %swap3A_51] : memref<1000x128xf32, #tpu.memory_space<vmem>>, vector<1000x128xf32>
    tpu.vector_store %arg11[%swap3A, %swap3A_51], %dot_general3A_50 {strides = array<i32>} : memref<1000x128xf32, #tpu.memory_space<vmem>>, vector<1000x128xf32>,
    %get3A_53 = arith.constant 0 : index
    %get3A_54 = arith.constant 0 : index
    %get3A_55 = vector.load %arg10[%get3A_53, %get3A_54] : memref<512x128xf32, #tpu.memory_space<vmem>>, vector<512x128xf32>
    %convert_element_type3A_56 = arith.truncf %get3A_55 : vector<512x128xf32> to vector<512x128xbf16>
    %dot_general3A_57 = arith.constant dense<0.000000e+00> : vector<1000x128xf32>
    %dot_general3A_58 = tpu.matmul %convert_element_type3A_44, %convert_element_type3A_56, %dot_general3A_57 {dimension_numbers = #tpu.dot_dimension_numbers<[1], [0], [0], [1], [0, 0, 1, 1], [], []>, transpose_lhs_hint = false} : vector<1000x512xbf16>, vector<512x128xbf16>, vector<1000x128xf32> -> vector<1000x128xf32>
    %swap3A_59 = arith.constant 0 : index
    %swap3A_60 = arith.constant 0 : index
    %swap3A_61 = vector.load %arg12[%swap3A_59, %swap3A_60] : memref<1000x128xf32, #tpu.memory_space<vmem>>, vector<1000x128xf32>
    tpu.vector_store %arg12[%swap3A_59, %swap3A_60], %dot_general3A_58 {strides = array<i32>} : memref<1000x128xf32, #tpu.memory_space<vmem>>, vector<1000x128xf32>,
    %reduce_sum3A = vector.shape_cast %max3A_43 : vector<1000x512xf32> to vector<1x1000x512xf32>
    %reduce_sum3A_62 = arith.constant dense<0.000000e+00> : vector<1xf32>
    %reduce_sum3A_63 = vector.multi_reduction <add>, %reduce_sum3A, %reduce_sum3A_62 [1, 2] : vector<1x1000x512xf32> to vector<1xf32>
    %reduce_sum3A_64 = vector.shape_cast %reduce_sum3A_63 : vector<1xf32> to vector<1x1x1xf32>
    %reduce_sum3A_65 = vector.extract %reduce_sum3A_64[0, 0, 0] : f32 from vector<1x1x1xf32>
    %mul3A = arith.mulf %max3A_43, %max3A_43 : vector<1000x512xf32>
    %reduce_sum3A_66 = vector.shape_cast %mul3A : vector<1000x512xf32> to vector<1x1000x512xf32>
    %reduce_sum3A_67 = arith.constant dense<0.000000e+00> : vector<1xf32>
    %reduce_sum3A_68 = vector.multi_reduction <add>, %reduce_sum3A_66, %reduce_sum3A_67 [1, 2] : vector<1x1000x512xf32> to vector<1xf32>
    %reduce_sum3A_69 = vector.shape_cast %reduce_sum3A_68 : vector<1xf32> to vector<1x1x1xf32>
    %reduce_sum3A_70 = vector.extract %reduce_sum3A_69[0, 0, 0] : f32 from vector<1x1x1xf32>
    %eq3A = arith.constant 0 : i32
    %eq3A_71 = arith.cmpi eq, %arg0, %eq3A : i32
    %convert_element_type3A_72 = arith.extui %eq3A_71 : i1 to i32
    %cond3A = arith.constant 0 : i32
    %cond3A_73 = arith.cmpi ne, %convert_element_type3A_72, %cond3A : i32
    scf.if %cond3A_73 {
      %swap3A_83 = arith.constant 0 : index
      %swap3A_84 = memref.load %arg14[%swap3A_83] : memref<2xf32, #tpu.memory_space<smem>>
      memref.store %reduce_sum3A_65, %arg14[%swap3A_83] : memref<2xf32, #tpu.memory_space<smem>>
      %swap3A_85 = arith.constant 1 : index
      %swap3A_86 = memref.load %arg14[%swap3A_85] : memref<2xf32, #tpu.memory_space<smem>>
      memref.store %reduce_sum3A_70, %arg14[%swap3A_85] : memref<2xf32, #tpu.memory_space<smem>>
    } else {
    }
    %gt3A = arith.constant 0 : i32
    %gt3A_74 = arith.cmpi sgt, %arg0, %gt3A : i32
    %convert_element_type3A_75 = arith.extui %gt3A_74 : i1 to i32
    %cond3A_76 = arith.constant 0 : i32
    %cond3A_77 = arith.cmpi ne, %convert_element_type3A_75, %cond3A_76 : i32
    scf.if %cond3A_77 {
      %get3A_83 = arith.constant 0 : index
      %get3A_84 = memref.load %arg14[%get3A_83] : memref<2xf32, #tpu.memory_space<smem>>
      %add3A_85 = arith.addf %get3A_84, %reduce_sum3A_65 : f32
      %swap3A_86 = arith.constant 0 : index
      %swap3A_87 = memref.load %arg14[%swap3A_86] : memref<2xf32, #tpu.memory_space<smem>>
      memref.store %add3A_85, %arg14[%swap3A_86] : memref<2xf32, #tpu.memory_space<smem>>
      %get3A_88 = arith.constant 1 : index
      %get3A_89 = memref.load %arg14[%get3A_88] : memref<2xf32, #tpu.memory_space<smem>>
      %add3A_90 = arith.addf %get3A_89, %reduce_sum3A_70 : f32
      %swap3A_91 = arith.constant 1 : index
      %swap3A_92 = memref.load %arg14[%swap3A_91] : memref<2xf32, #tpu.memory_space<smem>>
      memref.store %add3A_90, %arg14[%swap3A_91] : memref<2xf32, #tpu.memory_space<smem>>
    } else {
    }
    %eq3A_78 = arith.constant 9 : i32
    %eq3A_79 = arith.cmpi eq, %arg0, %eq3A_78 : i32
    %convert_element_type3A_80 = arith.extui %eq3A_79 : i1 to i32
    %cond3A_81 = arith.constant 0 : i32
    %cond3A_82 = arith.cmpi ne, %convert_element_type3A_80, %cond3A_81 : i32
    scf.if %cond3A_82 {
      %get3A_83 = arith.constant 0 : index
      %get3A_84 = memref.load %arg14[%get3A_83] : memref<2xf32, #tpu.memory_space<smem>>
      %swap3A_85 = arith.constant 0 : index
      %swap3A_86 = arith.constant 0 : index
      %swap3A_87 = memref.load %arg13[%swap3A_85, %swap3A_86] : memref<1x2xf32, #tpu.memory_space<smem>>
      memref.store %get3A_84, %arg13[%swap3A_85, %swap3A_86] : memref<1x2xf32, #tpu.memory_space<smem>>
      %get3A_88 = arith.constant 1 : index
      %get3A_89 = memref.load %arg14[%get3A_88] : memref<2xf32, #tpu.memory_space<smem>>
      %swap3A_90 = arith.constant 0 : index
      %swap3A_91 = arith.constant 1 : index
      %swap3A_92 = memref.load %arg13[%swap3A_90, %swap3A_91] : memref<1x2xf32, #tpu.memory_space<smem>>
      memref.store %get3A_89, %arg13[%swap3A_90, %swap3A_91] : memref<1x2xf32, #tpu.memory_space<smem>>
    } else {
    }
    return
  }
  func.func @transform_0(%arg0: i32) -> (i32, i32) {
    %c0_i32 = arith.constant 0 : i32
    %c0_i32_0 = arith.constant 0 : i32
    return %arg0, %c0_i32 : i32, i32
  }
  func.func @transform_1(%arg0: i32) -> (i32, i32) {
    %c0_i32 = arith.constant 0 : i32
    %c0_i32_0 = arith.constant 0 : i32
    return %arg0, %c0_i32 : i32, i32
  }
  func.func @transform_2(%arg0: i32) -> (i32, i32) {
    %c0_i32 = arith.constant 0 : i32
    %c0_i32_0 = arith.constant 0 : i32
    return %arg0, %c0_i32 : i32, i32
  }
  func.func @transform_3(%arg0: i32) -> (i32, i32) {
    %c0_i32 = arith.constant 0 : i32
    %c0_i32_0 = arith.constant 0 : i32
    return %arg0, %c0_i32 : i32, i32
  }
  func.func @transform_4(%arg0: i32) -> (i32, i32) {
    %c0_i32 = arith.constant 0 : i32
    %c0_i32_0 = arith.constant 0 : i32
    %c0_i32_1 = arith.constant 0 : i32
    return %c0_i32, %c0_i32_0 : i32, i32
  }
  func.func @transform_5(%arg0: i32) -> (i32, i32) {
    %c0_i32 = arith.constant 0 : i32
    %c0_i32_0 = arith.constant 0 : i32
    %c0_i32_1 = arith.constant 0 : i32
    return %c0_i32, %c0_i32_0 : i32, i32
  }
  func.func @transform_6(%arg0: i32) -> (i32, i32) {
    %c0_i32 = arith.constant 0 : i32
    %c0_i32_0 = arith.constant 0 : i32
    %c0_i32_1 = arith.constant 0 : i32
    return %c0_i32, %c0_i32_0 : i32, i32
  }
  func.func @transform_7(%arg0: i32) -> (i32, i32) {
    %c0_i32 = arith.constant 0 : i32
    %c0_i32_0 = arith.constant 0 : i32
    %c0_i32_1 = arith.constant 0 : i32
    return %c0_i32, %c0_i32_0 : i32, i32
  }
  func.func @transform_8(%arg0: i32) -> (i32, i32) {
    %c0_i32 = arith.constant 0 : i32
    %c0_i32_0 = arith.constant 0 : i32
    %c0_i32_1 = arith.constant 0 : i32
    return %c0_i32, %c0_i32_0 : i32, i32
  }
  func.func @transform_9(%arg0: i32) -> (i32, i32) {
    %c0_i32 = arith.constant 0 : i32
    %c0_i32_0 = arith.constant 0 : i32
    %c0_i32_1 = arith.constant 0 : i32
    return %c0_i32, %c0_i32_0 : i32, i32
  }
  func.func @transform_10(%arg0: i32) -> (i32, i32) {
    %c0_i32 = arith.constant 0 : i32
    %c0_i32_0 = arith.constant 0 : i32
    return %arg0, %c0_i32 : i32, i32
  }
  func.func @transform_11(%arg0: i32) -> (i32, i32) {
    %c0_i32 = arith.constant 0 : i32
    %c0_i32_0 = arith.constant 0 : i32
    return %arg0, %c0_i32 : i32, i32
  }
  func.func @transform_12(%arg0: i32) -> (i32, i32) {
    %c0_i32 = arith.constant 0 : i32
    %c0_i32_0 = arith.constant 0 : i32
    %c0_i32_1 = arith.constant 0 : i32
    return %c0_i32, %c0_i32_0 : i32, i32
  }
}

module attributes {stable_mosaic.version = 14 : i64} {
  func.func @_tc_layer2_body(%arg0: i32, %arg1: memref<1000x128xf32, #tpu.memory_space<vmem>>, %arg2: memref<1000x128xf32, #tpu.memory_space<vmem>>, %arg3: memref<1000x128xf32, #tpu.memory_space<vmem>>, %arg4: memref<1000x128xf32, #tpu.memory_space<vmem>>, %arg5: memref<1x2xf32, #tpu.memory_space<smem>>, %arg6: memref<512x128xf32, #tpu.memory_space<vmem>>, %arg7: memref<512x128xf32, #tpu.memory_space<vmem>>, %arg8: memref<1x128xf32, #tpu.memory_space<vmem>>, %arg9: memref<1000x128xf32, #tpu.memory_space<vmem>>) attributes {dimension_semantics = [#tpu.dimension_semantics<arbitrary>], iteration_bounds = array<i64: 10>, scalar_prefetch = 0 : i64, scratch_operands = 0 : i64, tpu.core_type = #tpu.core_type<tc>, window_params = [{transform_indices = @transform_0, window_bounds = array<i64: 1000, 128>}, {transform_indices = @transform_1, window_bounds = array<i64: 1000, 128>}, {transform_indices = @transform_2, window_bounds = array<i64: 1000, 128>}, {transform_indices = @transform_3, window_bounds = array<i64: 1000, 128>}, {transform_indices = @transform_4, window_bounds = array<i64: 1, 2>}, {pipeline_mode = #tpu.pipeline_mode<synchronous>, transform_indices = @transform_5, window_bounds = array<i64: 512, 128>}, {pipeline_mode = #tpu.pipeline_mode<synchronous>, transform_indices = @transform_6, window_bounds = array<i64: 512, 128>}, {pipeline_mode = #tpu.pipeline_mode<synchronous>, transform_indices = @transform_7, window_bounds = array<i64: 1, 128>}, {transform_indices = @transform_8, window_bounds = array<i64: 1000, 128>}]} {
    %get3A = arith.constant 0 : index
    %get3A_0 = arith.constant 0 : index
    %get3A_1 = memref.load %arg5[%get3A, %get3A_0] : memref<1x2xf32, #tpu.memory_space<smem>>
    %get3A_2 = arith.constant 0 : index
    %get3A_3 = arith.constant 1 : index
    %get3A_4 = memref.load %arg5[%get3A_2, %get3A_3] : memref<1x2xf32, #tpu.memory_space<smem>>
    %div3A = arith.constant 5.120000e+06 : f32
    %div3A_5 = arith.divf %get3A_1, %div3A : f32
    %div3A_6 = arith.constant 5.120000e+06 : f32
    %div3A_7 = arith.divf %get3A_4, %div3A_6 : f32
    %mul3A = arith.mulf %div3A_5, %div3A_5 : f32
    %sub3A = arith.subf %div3A_7, %mul3A : f32
    %add3A = arith.constant 9.99999974E-6 : f32
    %add3A_8 = arith.addf %sub3A, %add3A : f32
    %sqrt3A = math.sqrt %add3A_8 : f32
    %div3A_9 = arith.constant 1.000000e+00 : f32
    %div3A_10 = arith.divf %div3A_9, %sqrt3A : f32
    %get3A_11 = arith.constant 0 : index
    %get3A_12 = arith.constant 0 : index
    %get3A_13 = vector.load %arg6[%get3A_11, %get3A_12] : memref<512x128xf32, #tpu.memory_space<vmem>>, vector<512x128xf32>
    %reduce_sum3A = arith.constant dense<0.000000e+00> : vector<128xf32>
    %reduce_sum3A_14 = vector.multi_reduction <add>, %get3A_13, %reduce_sum3A [0] : vector<512x128xf32> to vector<128xf32>
    %broadcast_in_dim3A = vector.shape_cast %reduce_sum3A_14 : vector<128xf32> to vector<1x128xf32>
    %get3A_15 = arith.constant 0 : index
    %get3A_16 = arith.constant 0 : index
    %get3A_17 = vector.load %arg7[%get3A_15, %get3A_16] : memref<512x128xf32, #tpu.memory_space<vmem>>, vector<512x128xf32>
    %reduce_sum3A_18 = arith.constant dense<0.000000e+00> : vector<128xf32>
    %reduce_sum3A_19 = vector.multi_reduction <add>, %get3A_17, %reduce_sum3A_18 [0] : vector<512x128xf32> to vector<128xf32>
    %broadcast_in_dim3A_20 = vector.shape_cast %reduce_sum3A_19 : vector<128xf32> to vector<1x128xf32>
    %get3A_21 = arith.constant 0 : index
    %get3A_22 = arith.constant 0 : index
    %get3A_23 = vector.load %arg2[%get3A_21, %get3A_22] : memref<1000x128xf32, #tpu.memory_space<vmem>>, vector<1000x128xf32>
    %get3A_24 = arith.constant 0 : index
    %get3A_25 = arith.constant 0 : index
    %get3A_26 = vector.load %arg3[%get3A_24, %get3A_25] : memref<1000x128xf32, #tpu.memory_space<vmem>>, vector<1000x128xf32>
    %add3A_27 = arith.addf %get3A_23, %get3A_26 : vector<1000x128xf32>
    %get3A_28 = arith.constant 0 : index
    %get3A_29 = arith.constant 0 : index
    %get3A_30 = vector.load %arg4[%get3A_28, %get3A_29] : memref<1000x128xf32, #tpu.memory_space<vmem>>, vector<1000x1xf32>
    %max3A = arith.constant 1.000000e+00 : f32
    %max3A_31 = vector.broadcast %max3A : f32 to vector<1000x1xf32>
    %max3A_32 = arith.maximumf %get3A_30, %max3A_31 : vector<1000x1xf32>
    %mul3A_33 = vector.broadcast %div3A_5 : f32 to vector<1000x1xf32>
    %mul3A_34 = arith.mulf %get3A_30, %mul3A_33 : vector<1000x1xf32>
    %mul3A_35 = vector.broadcast %mul3A_34 : vector<1000x1xf32> to vector<1000x128xf32>
    %mul3A_36 = vector.broadcast %broadcast_in_dim3A_20 : vector<1x128xf32> to vector<1000x128xf32>
    %mul3A_37 = arith.mulf %mul3A_35, %mul3A_36 : vector<1000x128xf32>
    %sub3A_38 = arith.subf %add3A_27, %mul3A_37 : vector<1000x128xf32>
    %div3A_39 = vector.broadcast %max3A_32 : vector<1000x1xf32> to vector<1000x128xf32>
    %div3A_40 = arith.divf %sub3A_38, %div3A_39 : vector<1000x128xf32>
    %get3A_41 = arith.constant 0 : index
    %get3A_42 = arith.constant 0 : index
    %get3A_43 = vector.load %arg1[%get3A_41, %get3A_42] : memref<1000x128xf32, #tpu.memory_space<vmem>>, vector<1000x128xf32>
    %mul3A_44 = vector.broadcast %div3A_5 : f32 to vector<1x128xf32>
    %mul3A_45 = arith.mulf %mul3A_44, %broadcast_in_dim3A : vector<1x128xf32>
    %sub3A_46 = vector.broadcast %mul3A_45 : vector<1x128xf32> to vector<1000x128xf32>
    %sub3A_47 = arith.subf %get3A_43, %sub3A_46 : vector<1000x128xf32>
    %add3A_48 = arith.addf %sub3A_47, %div3A_40 : vector<1000x128xf32>
    %mul3A_49 = vector.broadcast %div3A_10 : f32 to vector<1000x128xf32>
    %mul3A_50 = arith.mulf %add3A_48, %mul3A_49 : vector<1000x128xf32>
    %get3A_51 = arith.constant 0 : index
    %get3A_52 = arith.constant 0 : index
    %get3A_53 = vector.load %arg8[%get3A_51, %get3A_52] : memref<1x128xf32, #tpu.memory_space<vmem>>, vector<1x128xf32>
    %add3A_54 = vector.broadcast %get3A_53 : vector<1x128xf32> to vector<1000x128xf32>
    %add3A_55 = arith.addf %mul3A_50, %add3A_54 : vector<1000x128xf32>
    %swap3A = arith.constant 0 : index
    %swap3A_56 = arith.constant 0 : index
    %swap3A_57 = vector.load %arg9[%swap3A, %swap3A_56] : memref<1000x128xf32, #tpu.memory_space<vmem>>, vector<1000x128xf32>
    tpu.vector_store %arg9[%swap3A, %swap3A_56], %add3A_55 {strides = array<i32>} : memref<1000x128xf32, #tpu.memory_space<vmem>>, vector<1000x128xf32>,
    return
  }
  func.func @transform_0(%arg0: i32) -> (i32, i32) {
    %c0_i32 = arith.constant 0 : i32
    %c0_i32_0 = arith.constant 0 : i32
    return %arg0, %c0_i32 : i32, i32
  }
  func.func @transform_1(%arg0: i32) -> (i32, i32) {
    %c0_i32 = arith.constant 0 : i32
    %c0_i32_0 = arith.constant 0 : i32
    return %arg0, %c0_i32 : i32, i32
  }
  func.func @transform_2(%arg0: i32) -> (i32, i32) {
    %c0_i32 = arith.constant 0 : i32
    %c0_i32_0 = arith.constant 0 : i32
    return %arg0, %c0_i32 : i32, i32
  }
  func.func @transform_3(%arg0: i32) -> (i32, i32) {
    %c0_i32 = arith.constant 0 : i32
    %c0_i32_0 = arith.constant 0 : i32
    return %arg0, %c0_i32 : i32, i32
  }
  func.func @transform_4(%arg0: i32) -> (i32, i32) {
    %c0_i32 = arith.constant 0 : i32
    %c0_i32_0 = arith.constant 0 : i32
    %c0_i32_1 = arith.constant 0 : i32
    return %c0_i32, %c0_i32_0 : i32, i32
  }
  func.func @transform_5(%arg0: i32) -> (i32, i32) {
    %c0_i32 = arith.constant 0 : i32
    %c0_i32_0 = arith.constant 0 : i32
    %c0_i32_1 = arith.constant 0 : i32
    return %c0_i32, %c0_i32_0 : i32, i32
  }
  func.func @transform_6(%arg0: i32) -> (i32, i32) {
    %c0_i32 = arith.constant 0 : i32
    %c0_i32_0 = arith.constant 0 : i32
    %c0_i32_1 = arith.constant 0 : i32
    return %c0_i32, %c0_i32_0 : i32, i32
  }
  func.func @transform_7(%arg0: i32) -> (i32, i32) {
    %c0_i32 = arith.constant 0 : i32
    %c0_i32_0 = arith.constant 0 : i32
    %c0_i32_1 = arith.constant 0 : i32
    return %c0_i32, %c0_i32_0 : i32, i32
  }
  func.func @transform_8(%arg0: i32) -> (i32, i32) {
    %c0_i32 = arith.constant 0 : i32
    %c0_i32_0 = arith.constant 0 : i32
    return %arg0, %c0_i32 : i32, i32
  }
}

</mosaic_0001>

<sc_bundles>
// kernel: kernel.10.cloned.1.call-start
scs
__scs_entry_jumppad:
0x0: {  	(pc) =	sbr.rel $0x88, $3  }
0x1: {  	(tag) =	ssettag $0x0;
	lr =	simm.s32 $0x1  }
0x2: {  	[smem:$0x3F98] =	sst lr;
	_ =	strace $0xD0000000  }
0x3: {  	_ = 	snop  }
0x4: {  	_ = 	snop  }
0x5: {  	_ = 	snop  }
0x6: {  	_ = 	snop  }
0x7: {  	_ = 	snop  }
__scs_overlays_trampoline_lowered:
0x8: {  	[smem:$0x3FA7] =	sst s0  }
0x9: {  	[smem:$0x3FA8] =	sst s1  }
0xa: {  	[smem:$0x3FA9] =	sst s2  }
0xb: {  	[smem:$0x3FAA] =	sst s3  }
0xc: {  	[smem:$0x3FAB] =	sst s4  }
0xd: {  	[smem:$0x3FAC] =	sst s5  }
0xe: {  	[smem:$0x3FAD] =	sst s6  }
0xf: {  	[smem:$0x3FAE] =	sst s7  }
0x10: {  	[smem:$0x3FAF] =	sst s8  }
0x11: {  	[smem:$0x3FB0] =	sst s9;
	s0 =	simm.s32 @!p0 $0x0  }
0x12: {  	s1 =	sld [smem:$0x3F96];
	s0 =	simm.s32 @p0 $0x1  }
0x13: {  	[smem:$0x3FB1] =	sst s0;
	s0 =	simm.s32 @!p1 $0x0  }
0x14: {  	s2 =	sld [smem:$0x3F95];
	s0 =	simm.s32 @p1 $0x1  }
0x15: {  	[smem:$0x3FB2] =	sst s0;
	s0 =	simm.s32 @!p2 $0x0  }
0x16: {  	s3 =	sld [smem:$0x3FDB];
	s0 =	simm.s32 @p2 $0x1  }
0x17: {  	s4 =	simm.s32 $0x1BF5;
	[smem:$0x3FB4] =	sst s0  }
0x18: {  	s0 =	sld [smem:$0x3F97];
	_ =	swait.ge [sflag:s4], $0x0  }
0x19: {  	s7 =	sld [smem:$0x3F98]  }
0x1a: {  	s8 =	sadd.s32 $0xFFFFE003, lr  }
0x1b: {  	s9 =	sadd.s32 $0xFFFFFEF7, lr;
	s5 =	simm.s32 $0xFFFFFFFF;
	p2 =	slt.u32 s8, $0xFFFFF086  }
0x1c: {  	p1 =	slt.u32 s9, $0xF7A;
	s5 =	simm.s32 @!p2 $0x0  }
0x1d: {  	s5 =	simm.s32 @p1 $0x1;
	p0 =	seq.s32 s7, s2  }
0x1e: {  	s7 =	smul.u32 @!p0 $0xF7A, s2;
	p2 =	seq.s32 @!p0 s5, $0x0  }
0x1f: {  	s9 =	smul.u32 $0xF7A, s1;
	s8 =	simm.s32 @!p0 $0x1BF5;
	p2 =	por !p2, p0  }
0x20: {  	[sflag:s8] =	ssyncset.s32 @!p0 $0xFFFFF086;
	s6 =	sadd.s32 @!p0 s3, s7;
	s7 =	simm.s32 @!p0 $0x108  }
0x21: {  	s3 =	sadd.s32 s3, s9;
	s6 =	sadd.s32 @!p0 $0x88, s6;
	s7 =	simm.s32 @p2 $0x1082  }
0x22: {  	[simem:s7], [sflag:s8] =	dma.local @!p0 [hbm:s6], $0xF7A  }
0x23: {  	s9 =	sor.u32 $0xD0000000, s2;
	s6 =	simm.s32 $0x108;
	_ =	swait.ge @!p0 [sflag:s8], $0x0  }
0x24: {  	s3 =	sadd.s32 $0x88, s3;
	s6 =	simm.s32 @!p1 $0x1082;
	[sflag:s4] =	ssyncset.s32 $0xFFFFF086  }
0x25: {  	[simem:s6], [sflag:s4] =	dma.local [hbm:s3], $0xF7A  }
0x26: {  	[smem:$0x3F98] =	sst s1;
	(tag) =	ssettag s2;
	_ =	strace s9  }
0x27: {  	s1 =	sld [smem:$0x3FA8]  }
0x28: {  	s2 =	sld [smem:$0x3FA9]  }
0x29: {  	s4 =	sld [smem:$0x3FAB]  }
0x2a: {  	p0 =	seq.s32 s5, $0x0;
	s5 =	sld [smem:$0x3FAC]  }
0x2b: {  	s6 =	sld [smem:$0x3FAD]  }
0x2c: {  	s7 =	sld [smem:$0x3FAE]  }
0x2d: {  	s3 =	simm.s32 $0x108;
	s8 =	sld [smem:$0x3FAF]  }
0x2e: {  	s3 =	simm.s32 @!p0 $0x1082;
	s9 =	sld [smem:$0x3FB0]  }
0x2f: {  	lr =	sadd.s32 s0, s3;
	s0 =	sld [smem:$0x3FA7]  }
0x30: {  	s3 =	sld [smem:$0x3FAA]  }
0x31: {  	[smem:$0x3FB3] =	sst s10  }
0x32: {  	s10 =	sld [smem:$0x3FB1];
	_ =	sdelay $0x3  }
0x33: {  	p0 =	seq.s32 s10, $0x1;
	s10 =	sld [smem:$0x3FB3];
	_ =	sdelay $0x3  }
0x34: {  	[smem:$0x3FB3] =	sst s10  }
0x35: {  	s10 =	sld [smem:$0x3FB2];
	_ =	sdelay $0x3  }
0x36: {  	p1 =	seq.s32 s10, $0x1;
	s10 =	sld [smem:$0x3FB3];
	_ =	sdelay $0x3  }
0x37: {  	[smem:$0x3FB3] =	sst s10  }
0x38: {  	s10 =	sld [smem:$0x3FB4]  }
0x39: {  	_ = 	snop;
	(pc) =	sbr.ind lr, $3  }
0x3a: {  	_ = 	snop  }
0x3b: {  	_ = 	snop  }
0x3c: {  	p2 =	seq.s32 s10, $0x1;
	s10 =	sld [smem:$0x3FB3]  }
0x3d: {  	_ =	shalt  }
0x3e: {  	_ =	shalt  }
0x3f: {  	_ =	shalt  }
0x40: {  	_ =	shalt  }
0x41: {  	_ =	shalt  }
0x42: {  	_ =	shalt  }
0x43: {  	_ =	shalt  }
0x44: {  	_ =	shalt  }
0x45: {  	_ =	shalt  }
0x46: {  	_ =	shalt  }
0x47: {  	_ =	shalt  }
0x48: {  	_ =	shalt  }
0x49: {  	_ =	shalt  }
0x4a: {  	_ =	shalt  }
0x4b: {  	_ =	shalt  }
0x4c: {  	_ =	shalt  }
0x4d: {  	_ =	shalt  }
0x4e: {  	_ =	shalt  }
0x4f: {  	_ =	shalt  }
0x50: {  	_ =	shalt  }
0x51: {  	_ =	shalt  }
0x52: {  	_ =	shalt  }
0x53: {  	_ =	shalt  }
0x54: {  	_ =	shalt  }
0x55: {  	_ =	shalt  }
0x56: {  	_ =	shalt  }
0x57: {  	_ =	shalt  }
0x58: {  	_ =	shalt  }
0x59: {  	_ =	shalt  }
0x5a: {  	_ =	shalt  }
0x5b: {  	_ =	shalt  }
0x5c: {  	_ =	shalt  }
0x5d: {  	_ =	shalt  }
0x5e: {  	_ =	shalt  }
0x5f: {  	_ =	shalt  }
0x60: {  	_ =	shalt  }
0x61: {  	_ =	shalt  }
0x62: {  	_ =	shalt  }
0x63: {  	_ =	shalt  }
0x64: {  	_ =	shalt  }
0x65: {  	_ =	shalt  }
0x66: {  	_ =	shalt  }
0x67: {  	_ =	shalt  }
0x68: {  	_ =	shalt  }
0x69: {  	_ =	shalt  }
0x6a: {  	_ =	shalt  }
0x6b: {  	_ =	shalt  }
0x6c: {  	_ =	shalt  }
0x6d: {  	_ =	shalt  }
0x6e: {  	_ =	shalt  }
0x6f: {  	_ =	shalt  }
0x70: {  	_ =	shalt  }
0x71: {  	_ =	shalt  }
0x72: {  	_ =	shalt  }
0x73: {  	_ =	shalt  }
0x74: {  	_ =	shalt  }
0x75: {  	_ =	shalt  }
0x76: {  	_ =	shalt  }
0x77: {  	_ =	shalt  }
0x78: {  	_ =	shalt  }
0x79: {  	_ =	shalt  }
0x7a: {  	_ =	shalt  }
0x7b: {  	_ =	shalt  }
0x7c: {  	_ =	shalt  }
0x7d: {  	_ =	shalt  }
0x7e: {  	_ =	shalt  }
0x7f: {  	_ =	shalt  }
0x80: {  	_ =	shalt  }
0x81: {  	_ =	shalt  }
0x82: {  	_ =	shalt  }
0x83: {  	_ =	shalt  }
0x84: {  	_ =	shalt  }
0x85: {  	_ =	shalt  }
0x86: {  	_ =	shalt  }
0x87: {  	_ =	shalt  }
.Lfunc_end0:
.L_simem_size_0:
called_computation.1_lowered:
.L_overlay_start_0:
0x88: {  	s2 =	sld [smem:$0x3FD9]  }
0x89: {  	s3 =	sld [smem:$0x3FFE];
	_ =	sdelay $0x1  }
0x8a: {  	s1 =	srdreg.scid  }
0x8b: {  	s0 =	sand.u32 $0x1, s1  }
0x8c: {  	s17 =	sshll.u32 s0, $0xA;
	s2 =	sadd.s32 s3, s2  }
0x8d: {  	s2 =	sadd.s32 s2, s17  }
0x8e: {  	[smem:$0x3FBF] =	sst s2  }
0x8f: {  	_ = 	snop  }
0x90: {  	s2 =	sld [smem:$0x3FD0];
	(tm) =	ssettm $0x1  }
0x91: {  	s18 =	sld [smem:$0x3FFB];
	_ =	sdelay $0x3  }
0x92: {  	_ =	strace s18  }
0x93: {  	s3 =	sld [smem:$0x3FFC];
	_ =	sdelay $0x3  }
0x94: {  	_ =	strace s3  }
0x95: {  	s3 =	sld [smem:$0x3FFD];
	_ =	sdelay $0x3  }
0x96: {  	_ =	strace s3  }
0x97: {  	_ =	strace $0x8FFFFFFF  }
0x98: {  	s19 =	sld [smem:$0x3FDB];
	_ =	sdelay $0x1  }
0x99: {  	s4 =	simm.s32 $_scs_section_size  }
0x9a: {  	s5 =	simm.s32 $_size__tile_overlayer_lowered;
	s6 =	simm.s32 $_tile_overlayer_lowered  }
0x9b: {  	s22 =	simm.s32 $0x1BFF;
	s21 =	sshll.u32 s6, $0x1;
	s3 =	sadd.s32 s4, s19  }
0x9c: {  	s7 =	simm.s32 $0x0;
	s20 =	sshll.u32 s5, $0x1;
	s5 =	sadd.s32 s21, s3  }
0x9d: {  	[timem:s7], [sflag:s22] =	dma.local [hbm:s5], s20  }
0x9e: {  	_ =	swait.ge [sflag:s22], s20  }
0x9f: {  	s4 =	ssub.s32 $0x0, s20;
	[sflag:s22] =	ssyncset.done $0x0  }
0xa0: {  	[sflag:s22] =	ssyncadd.s32 s4;
	_ =	sdelay $0x1  }
0xa1: {  	s23 =	simm.s32 $0x1B8B  }
0xa2: {  	_ =	swait.ge [sflag:s23], $0x1  }
0xa3: {  	[sflag:s23] =	ssyncset.done $0x0  }
0xa4: {  	s25 =	simm.s32 $0x1B8E;
	s24 =	sld [smem:$0x3FFE];
	[sflag:s23] =	ssyncadd.s32 $0xFFFFFFFF  }
0xa5: {  	s26 =	simm.s32 $execute0_lowered;
	[smem:$0x3FD2] =	sst s25  }
0xa6: {  	s5 =	sshll.u32 s26, $0x1;
	_ =	strace $0x80000046;
	[dreg:$0x1] =	wrdreg $0xFFFFFFFF  }
0xa7: {  	s28 =	simm.s32 $_size_execute0_lowered;
	s3 =	sadd.s32 s3, s5;
	[dreg:$0x0] =	wrdreg $0x0  }
0xa8: {  	s5 =	sshll.u32 s28, $0x1;
	[dreg:$0x2] =	wrdreg s3  }
0xa9: {  	[dreg:$0x3] =	wrdreg s5  }
0xaa: {  	[dreg:$0x4] =	wrdreg $0xC0  }
0xab: {  	_ =	task [dreg:s7], $0x5FFFF  }
0xac: {  	[dreg:$0x1] =	wrdreg $0xFFFFFFFF  }
0xad: {  	[dreg:$0x0] =	wrdreg $0x60  }
0xae: {  	[dreg:$0x2] =	wrdreg s24  }
0xaf: {  	[dreg:$0x3] =	wrdreg s2  }
0xb0: {  	[dreg:$0x4] =	wrdreg $0xA8000  }
0xb1: {  	[dreg:$0x5] =	wrdreg $0xA  }
0xb2: {  	_ =	task.clear_ibuf [dreg:s7], $0x6FFFF;
	_ =	strace $0x90000046  }
0xb3: {  	s29 =	simm.s32 $0xA;
	_ =	strace $0x80000048  }
0xb4: {  	_ =	swait.ge [sflag:s29], $0x1  }
0xb5: {  	[sflag:s29] =	ssyncadd.s32 $0xFFFFFFFF  }
0xb6: {  	_ =	strace $0x90000048  }
0xb7: {  	_ =	sfence  }
0xb8: {  	s30 =	sld [smem:$0x0];
	_ =	sdelay $0x2  }
0xb9: {  	s31 =	sshll.u32 s1, $0xD;
	s1 =	sshrl.u32 s1, $0x2  }
0xba: {  	s3 =	sand.u32 $0x4000, s31;
	s1 =	sadd.s32 s1, s30  }
0xbb: {  	s0 =	sor.u32 s3, s0;
	s1 =	sshll.u32 s1, $0x11  }
0xbc: {  	s0 =	sor.u32 s1, s0  }
0xbd: {  	s0 =	sadd.s32 $0x8F2B, s0  }
0xbe: {  	[sflag:s0] =	ssyncadd.remote.s32 $0x1  }
0xbf: {  	_ =	sfence.sel $0xFFFF  }
0xc0: {  	[dreg:$0x0] =	wrdreg $0xFFFFFFFF;
	(pc) =	sbr.abs _section_cstart, $3  }
0xc1: {  	[dreg:$0x1] =	wrdreg $0xFFFFFFFF  }
0xc2: {  	_ =	task.clear_ibuf [dreg:s7], $0x2FFFF;
	_ =	strace $0x9FFFFFFF  }
0xc3: {  	(tm) =	ssettm $0x7FFFFFFF  }
tec
execute0_lowered:
.L_overlay_start_1:
0x0: {  	(tag) =	ssettag $0x1  }
0x1: {  	s6 =	rddreg [dreg:$0x0]  }
0x2: {  	s15 =	rddreg [dreg:$0x1]  }
0x3: {  	s1 =	rddreg [dreg:$0x2];
	s2 =	simm.s32 $0x0;
	s5 =	srdreg.scid  }
0x4: {  	s0 =	stileid.u32;
	s28 =	simm.s32 $0x0;
	[smem:$0x7FF] =	sst s2  }
0x5: {  	s4 =	sadd.s32 $0x7800, s6;
	s14 =	sadd.s32 $0x2800, s6;
	s8 =	smul.u32 $0x280, s0  }
0x6: {  	s12 =	sadd.s32 $0x55A00, s6;
	s11 =	sand.u32 $0x1, s5;
	s9 =	smul.u32 $0x50000, s0  }
0x7: {  	s5 =	sadd.s32 $0x64A00, s6;
	s16 =	sadd.s32 $0x65200, s6;
	s22 =	smul.u32 $0x500, s0  }
0x8: {  	s20 =	sadd.s32 $0x8D200, s6;
	s24 =	smul.u32 $0x2800, s0;
	s7 =	ssub.s32 $0x2, s11  }
0x9: {  	_ =	strace $0x80000047;
	p0 =	seq.s32 s11, $0x0;
	s25 =	sshrl.u32 s7, $0x1  }
0xa: {  	s26 =	sshrl.u32 s9, $0x2;
	s17 =	sadd.s32 $0x80, s8;
	s18 =	sadd.s32 $0x100, s8  }
0xb: {  	s19 =	sadd.s32 $0x180, s8;
	s21 =	sadd.s32 $0x200, s8;
	s23 =	sadd.s32 $0x280, s22  }
0xc: {  	s11 =	sadd.s32 s12, s22;
	s15 =	smov.u32 @p0 s14;
	s20 =	smov.u32 @p0 s16  }
0xd: {  	s13 =	ssub.s32 s7, s25;
	s6 =	sadd.s32 s26, s1;
	s29 =	sshll.u32 s17, $0x7  }
0xe: {  	s30 =	sshll.u32 s18, $0x7;
	s10 =	sshll.u32 s19, $0x7;
	s31 =	sshll.u32 s21, $0x7  }
0xf: {  	s12 =	sadd.s32 s12, s23;
	s17 =	sshll.u32 s17, $0x4;
	s18 =	sshll.u32 s18, $0x4  }
0x10: {  	s19 =	sshll.u32 s19, $0x4;
	s21 =	sshll.u32 s21, $0x4;
	s14 =	sadd.s32 s15, s22  }
0x11: {  	s15 =	sadd.s32 s15, s23;
	s16 =	sadd.s32 s20, s24;
	s22 =	simm.s32 $0x3  }
.Ltmp0:
0x12: {  	s23 =	simm.s32 $0x1400;
	s24 =	simm.s32 $0x80;
	(pc) =	sbr.rel .LBB2_1-.Ltmp0, $4  }
0x13: {  	s25 =	simm.s32 $0x1;
	s26 =	simm.s32 $0x2;
	s7 =	sadd.s32 s29, s1  }
0x14: {  	s8 =	sadd.s32 s30, s1;
	s9 =	sadd.s32 s10, s1;
	s10 =	sadd.s32 s31, s1  }
0x15: {  	s13 =	smax.u32 s13, $0x1;
	s17 =	sadd.s32 s20, s17;
	s18 =	sadd.s32 s20, s18  }
0x16: {  	s19 =	sadd.s32 s20, s19;
	s20 =	sadd.s32 s20, s21;
	s21 =	simm.s32 $0x2800  }
.LBB2_9:
0x17: {  	_ =	swait.ge [sflag:s26], $0x4000  }
0x18: {  	[sflag:s26] =	ssyncset.done $0x0  }
0x19: {  	[sflag:s26] =	ssyncadd.s32 $0xFFFFC000  }
0x1a: {  	[bflag:$0x0] =	sbarrier.arrive $0xFFFF  }
0x1b: {  	[tilespmem:s21], [sflag:$0x3] =	stream.linear.gather [spmem:s6], $0x4000, $0x38;
	[tilespmem:$0x1E800] =	vst v63  }
0x1c: {  	_ =	swait.ge [sflag:s22], $0x4000  }
0x1d: {  	[sflag:s22] =	ssyncset.done $0x0  }
0x1e: {  	[sflag:s22] =	ssyncadd.s32 $0xFFFFC000  }
0x1f: {  	[hbm4b:s16+s2] =	stream.linear.scatter [tilespmem:s21], [sflag:$0x3], $0x4000, $0x38;
	[tilespmem:$0x1E800] =	vst v63  }
0x20: {  	_ =	swait.ge [sflag:s22], $0x4000  }
0x21: {  	[sflag:s22] =	ssyncset.done $0x0  }
0x22: {  	[sflag:s22] =	ssyncadd.s32 $0xFFFFC000  }
0x23: {  	[tilespmem:s21], [sflag:$0x3] =	stream.linear.gather [spmem:s7], $0x4000, $0x38;
	[tilespmem:$0x1E800] =	vst v63  }
0x24: {  	_ =	swait.ge [sflag:s22], $0x4000  }
0x25: {  	[sflag:s22] =	ssyncset.done $0x0  }
0x26: {  	[sflag:s22] =	ssyncadd.s32 $0xFFFFC000  }
0x27: {  	[hbm4b:s17+s2] =	stream.linear.scatter [tilespmem:s21], [sflag:$0x3], $0x4000, $0x38;
	[tilespmem:$0x1E800] =	vst v63  }
0x28: {  	_ =	swait.ge [sflag:s22], $0x4000  }
0x29: {  	[sflag:s22] =	ssyncset.done $0x0  }
0x2a: {  	[sflag:s22] =	ssyncadd.s32 $0xFFFFC000  }
0x2b: {  	[tilespmem:s21], [sflag:$0x3] =	stream.linear.gather [spmem:s8], $0x4000, $0x38;
	[tilespmem:$0x1E800] =	vst v63  }
0x2c: {  	_ =	swait.ge [sflag:s22], $0x4000  }
0x2d: {  	[sflag:s22] =	ssyncset.done $0x0  }
0x2e: {  	[sflag:s22] =	ssyncadd.s32 $0xFFFFC000  }
0x2f: {  	[hbm4b:s18+s2] =	stream.linear.scatter [tilespmem:s21], [sflag:$0x3], $0x4000, $0x38;
	[tilespmem:$0x1E800] =	vst v63  }
0x30: {  	_ =	swait.ge [sflag:s22], $0x4000  }
0x31: {  	[sflag:s22] =	ssyncset.done $0x0  }
0x32: {  	[sflag:s22] =	ssyncadd.s32 $0xFFFFC000  }
0x33: {  	[tilespmem:s21], [sflag:$0x3] =	stream.linear.gather [spmem:s9], $0x4000, $0x38;
	[tilespmem:$0x1E800] =	vst v63  }
0x34: {  	_ =	swait.ge [sflag:s22], $0x4000  }
0x35: {  	[sflag:s22] =	ssyncset.done $0x0  }
0x36: {  	[sflag:s22] =	ssyncadd.s32 $0xFFFFC000  }
0x37: {  	[hbm4b:s19+s2] =	stream.linear.scatter [tilespmem:s21], [sflag:$0x3], $0x4000, $0x38;
	[tilespmem:$0x1E800] =	vst v63  }
0x38: {  	_ =	swait.ge [sflag:s22], $0x4000  }
0x39: {  	[sflag:s22] =	ssyncset.done $0x0  }
0x3a: {  	[sflag:s22] =	ssyncadd.s32 $0xFFFFC000  }
0x3b: {  	[tilespmem:s21], [sflag:$0x3] =	stream.linear.gather [spmem:s10], $0x4000, $0x38;
	[tilespmem:$0x1E800] =	vst v63  }
0x3c: {  	s28 =	sadd.s32 $0x1, s28;
	_ =	swait.ge [sflag:s22], $0x4000  }
0x3d: {  	p0 =	sne.s32 s28, s13;
	[sflag:s22] =	ssyncset.done $0x0  }
.Ltmp1:
0x3e: {  	[sflag:s22] =	ssyncadd.s32 $0xFFFFC000;
	(pc) =	sbr.rel @!p0 .LBB2_10-.Ltmp1, $4  }
0x3f: {  	[hbm4b:s20+s2] =	stream.linear.scatter [tilespmem:s21], [sflag:$0x3], $0x4000, $0x38;
	[tilespmem:$0x1E800] =	vst v63  }
0x40: {  	_ =	swait.ge [sflag:s22], $0x4000  }
0x41: {  	[sflag:s22] =	ssyncset.done $0x0  }
0x42: {  	[sflag:s22] =	ssyncadd.s32 $0xFFFFC000  }
.LBB2_1:
0x43: {  	[tilespmem:s21], [sflag:$0x3] =	stream.linear.gather [hbm4b:s5+s2], $0x4000, $0x38;
	[tilespmem:$0x1E800] =	vst v63  }
0x44: {  	_ =	swait.ge [sflag:s22], $0x4000  }
0x45: {  	[sflag:s22] =	ssyncset.done $0x0  }
0x46: {  	[sflag:s22] =	ssyncadd.s32 $0xFFFFC000  }
0x47: {  	[spmem:s6] =	stream.linear.scatter [tilespmem:s21], [sflag:$0x3], $0x4000, $0x38;
	[tilespmem:$0x1E800] =	vst v63  }
0x48: {  	_ =	swait.ge [sflag:s22], $0x4000  }
0x49: {  	[sflag:s22] =	ssyncset.done $0x0  }
0x4a: {  	[sflag:s22] =	ssyncadd.s32 $0xFFFFC000  }
0x4b: {  	[spmem:s7] =	stream.linear.scatter [tilespmem:s21], [sflag:$0x3], $0x4000, $0x38;
	[tilespmem:$0x1E800] =	vst v63  }
0x4c: {  	_ =	swait.ge [sflag:s22], $0x4000  }
0x4d: {  	[sflag:s22] =	ssyncset.done $0x0  }
0x4e: {  	[sflag:s22] =	ssyncadd.s32 $0xFFFFC000  }
0x4f: {  	[spmem:s8] =	stream.linear.scatter [tilespmem:s21], [sflag:$0x3], $0x4000, $0x38;
	[tilespmem:$0x1E800] =	vst v63  }
0x50: {  	_ =	swait.ge [sflag:s22], $0x4000  }
0x51: {  	[sflag:s22] =	ssyncset.done $0x0  }
0x52: {  	[sflag:s22] =	ssyncadd.s32 $0xFFFFC000  }
0x53: {  	[spmem:s9] =	stream.linear.scatter [tilespmem:s21], [sflag:$0x3], $0x4000, $0x38;
	[tilespmem:$0x1E800] =	vst v63  }
0x54: {  	_ =	swait.ge [sflag:s22], $0x4000  }
0x55: {  	[sflag:s22] =	ssyncset.done $0x0  }
0x56: {  	[sflag:s22] =	ssyncadd.s32 $0xFFFFC000  }
0x57: {  	[spmem:s10] =	stream.linear.scatter [tilespmem:s21], [sflag:$0x3], $0x4000, $0x38;
	[tilespmem:$0x1E800] =	vst v63  }
0x58: {  	_ =	swait.ge [sflag:s22], $0x4000  }
0x59: {  	[sflag:s22] =	ssyncset.done $0x0  }
0x5a: {  	[sflag:s22] =	ssyncadd.s32 $0xFFFFC000  }
0x5b: {  	[bflag:$0x0] =	sbarrier.arrive $0xFFFF  }
0x5c: {  	[tilespmem:s2], [sflag:$0x3] =	stream.linear.gather [hbm4b:s14+s2], $0x1400, $0x38;
	[tilespmem:$0x1E800] =	vst v63  }
0x5d: {  	_ =	swait.ge [sflag:s22], $0x1400  }
0x5e: {  	[sflag:s22] =	ssyncset.done $0x0  }
0x5f: {  	[sflag:s22] =	ssyncadd.s32 $0xFFFFEC00  }
0x60: {  	[tilespmem:s23], [sflag:$0x3] =	stream.linear.gather [hbm4b:s11+s2], $0x1400, $0x38;
	[tilespmem:$0x1E800] =	vst v63  }
.Ltmp2:
0x61: {  	_ = 	snop;
	(pc) =	sbr.rel .LBB2_2-.Ltmp2, $4  }
0x62: {  	_ =	swait.ge [sflag:s22], $0x1400  }
0x63: {  	[sflag:s22] =	ssyncset.done $0x0  }
0x64: {  	s29 =	simm.s32 $0x0;
	[sflag:s22] =	ssyncadd.s32 $0xFFFFEC00  }
0x65: {  	[tilespmem:s21], [sflag:$0x1] =	stream.indirect.gather [hbm4b:s4+s24], $0x80, s2, s24, $0xb8;
	[tilespmem:$0x1E800] =	vst v63  }
.LBB2_4:
0x66: {  	p0 =	slt.u32 s30, $0x28  }
.Ltmp3:
0x67: {  	_ = 	snop;
	(pc) =	sbr.rel @!p0 .LBB2_5-.Ltmp3, $4  }
0x68: {  	_ =	swait.ge [sflag:s25], $0x4000;
	s0 =	sshll.u32 s29, $0x7;
	s3 =	sshll.u32 s31, $0xE  }
0x69: {  	s29 =	smov.u32 s30;
	[sflag:s25] =	ssyncset.done $0x0;
	s0 =	sand.u32 $0x3FFFFF80, s0  }
0x6a: {  	s3 =	sor.u32 $0x2800, s3;
	[sflag:s25] =	ssyncadd.s32 $0xFFFFC000;
	s0 =	sadd.s32 $0x1400, s0  }
0x6b: {  	[spmem:s1] =	stream.indirect.scatter.add.f32 [tilespmem:s3], [sflag:$0x2], $0x80, s0, s24, $0xb8;
	[tilespmem:$0x1E800] =	vst v63  }
.LBB2_2:
0x6c: {  	p0 =	seq.s32 s29, $0x0  }
0x6d: {  	p1 =	seq.s32 @!p0 s29, $0x27  }
0x6e: {  	p1 =	por p0, !p1  }
.Ltmp4:
0x6f: {  	_ = 	snop;
	(pc) =	sbr.rel @!p1 .LBB2_4-.Ltmp4, $4  }
0x70: {  	s30 =	simm.s32 @!p0 $0x2  }
0x71: {  	_ =	swait.ge @!p0 [sflag:s30], $0x4000  }
0x72: {  	[sflag:s30] =	ssyncset.done @!p0 $0x0  }
0x73: {  	s31 =	sand.u32 $0x1, s29;
	[sflag:s30] =	ssyncadd.s32 @!p0 $0xFFFFC000;
	s30 =	simm.s32 @!p0 $0x28  }
.Ltmp5:
0x74: {  	s30 =	sadd.s32 @!p0 $0x1, s29;
	(pc) =	sbr.rel .LBB2_4-.Ltmp5, $4  }
0x75: {  	s30 =	simm.s32 @p0 $0x1  }
0x76: {  	s0 =	sshll.u32 s31, $0xE;
	s3 =	sshll.u32 s30, $0x7  }
0x77: {  	s0 =	sxor.u32 $0x6800, s0;
	s3 =	sand.u32 $0x3FFFFF80, s3  }
0x78: {  	[tilespmem:s0], [sflag:$0x1] =	stream.indirect.gather [hbm4b:s4+s24], $0x80, s3, s24, $0xb8;
	[tilespmem:$0x1E800] =	vst v63  }
.LBB2_5:
0x79: {  	_ =	swait.ge [sflag:s26], $0x4000  }
0x7a: {  	[sflag:s26] =	ssyncset.done $0x0  }
0x7b: {  	s29 =	simm.s32 $0x0;
	[sflag:s26] =	ssyncadd.s32 $0xFFFFC000  }
0x7c: {  	[tilespmem:s29], [sflag:$0x3] =	stream.linear.gather [hbm4b:s15+s29], $0x1400, $0x38;
	[tilespmem:$0x1E800] =	vst v63  }
0x7d: {  	_ =	swait.ge [sflag:s22], $0x1400  }
0x7e: {  	[sflag:s22] =	ssyncset.done $0x0  }
0x7f: {  	[sflag:s22] =	ssyncadd.s32 $0xFFFFEC00  }
0x80: {  	[tilespmem:s23], [sflag:$0x3] =	stream.linear.gather [hbm4b:s12+s29], $0x1400, $0x38;
	[tilespmem:$0x1E800] =	vst v63  }
.Ltmp6:
0x81: {  	_ = 	snop;
	(pc) =	sbr.rel .LBB2_6-.Ltmp6, $4  }
0x82: {  	_ =	swait.ge [sflag:s22], $0x1400  }
0x83: {  	[sflag:s22] =	ssyncset.done $0x0  }
0x84: {  	[sflag:s22] =	ssyncadd.s32 $0xFFFFEC00  }
0x85: {  	[tilespmem:s21], [sflag:$0x1] =	stream.indirect.gather [hbm4b:s4+s24], $0x80, s29, s24, $0xb8;
	[tilespmem:$0x1E800] =	vst v63  }
.LBB2_8:
0x86: {  	p0 =	slt.u32 s30, $0x28  }
.Ltmp7:
0x87: {  	_ = 	snop;
	(pc) =	sbr.rel @!p0 .LBB2_9-.Ltmp7, $4  }
0x88: {  	_ =	swait.ge [sflag:s25], $0x4000;
	s0 =	sshll.u32 s29, $0x7;
	s3 =	sshll.u32 s31, $0xE  }
0x89: {  	s29 =	smov.u32 s30;
	[sflag:s25] =	ssyncset.done $0x0;
	s0 =	sand.u32 $0x3FFFFF80, s0  }
0x8a: {  	s3 =	sor.u32 $0x2800, s3;
	[sflag:s25] =	ssyncadd.s32 $0xFFFFC000;
	s0 =	sadd.s32 $0x1400, s0  }
0x8b: {  	[spmem:s1] =	stream.indirect.scatter.add.f32 [tilespmem:s3], [sflag:$0x2], $0x80, s0, s24, $0xb8;
	[tilespmem:$0x1E800] =	vst v63  }
.LBB2_6:
0x8c: {  	p0 =	seq.s32 s29, $0x0  }
0x8d: {  	p1 =	seq.s32 @!p0 s29, $0x27  }
0x8e: {  	p1 =	por p0, !p1  }
.Ltmp8:
0x8f: {  	_ = 	snop;
	(pc) =	sbr.rel @!p1 .LBB2_8-.Ltmp8, $4  }
0x90: {  	s0 =	simm.s32 @!p0 $0x2  }
0x91: {  	_ =	swait.ge @!p0 [sflag:s0], $0x4000  }
0x92: {  	[sflag:s0] =	ssyncset.done @!p0 $0x0  }
0x93: {  	s31 =	sand.u32 $0x1, s29;
	s30 =	simm.s32 @!p0 $0x28;
	[sflag:s0] =	ssyncadd.s32 @!p0 $0xFFFFC000  }
.Ltmp9:
0x94: {  	s30 =	sadd.s32 @!p0 $0x1, s29;
	(pc) =	sbr.rel .LBB2_8-.Ltmp9, $4  }
0x95: {  	s30 =	simm.s32 @p0 $0x1  }
0x96: {  	s0 =	sshll.u32 s31, $0xE;
	s3 =	sshll.u32 s30, $0x7  }
0x97: {  	s0 =	sxor.u32 $0x6800, s0;
	s3 =	sand.u32 $0x3FFFFF80, s3  }
0x98: {  	[tilespmem:s0], [sflag:$0x1] =	stream.indirect.gather [hbm4b:s4+s24], $0x80, s3, s24, $0xb8;
	[tilespmem:$0x1E800] =	vst v63  }
.LBB2_10:
0x99: {  	_ =	sfence.sel $0x180000  }
0x9a: {  	[bflag:$0x0] =	sbarrier.arrive $0xFFFF  }
0x9b: {  	_ =	strace $0x90000047  }
0x9c: {  	s0 =	stileid.u32;
	[bflag:$0x2] =	sbarrier.arrive $0xFFFF  }
0x9d: {  	p0 =	sne.s32 s0, $0x0;
	s0 =	rddreg [dreg:$0x3]  }
0x9e: {  	s0 =	sadd.s32 @!p0 $0x100000, s0  }
0x9f: {  	[sflag:s0] =	ssyncadd.tile.s32 @!p0 $0x1;
	_ =	shalt  }
.Lfunc_end2:
_tile_overlayer_lowered:
.L_overlay_start_2:
0xa0: {  	(tag) =	ssettag $0x2  }
0xa1: {  	s0 =	rddreg [dreg:$0x0];
	s2 =	stileid.u32  }
0xa2: {  	s1 =	rddreg [dreg:$0x1];
	p0 =	sne.s32 s2, $0x0  }
0xa3: {  	s3 =	rddreg [dreg:$0x2];
	[bflag:$0x3] =	sbarrier.arrive $0xFFFF;
	s2 =	simm.s32 @!p0 $0x1C03  }
0xa4: {  	[timem:s3], [sflag:s2] =	dma.local @!p0 [hbm:s0], s1  }
0xa5: {  	s0 =	simm.s32 @!p0 $0x3  }
0xa6: {  	_ =	swait.ge @!p0 [sflag:s0], s1  }
0xa7: {  	s1 =	ssub.s32 @!p0 $0x0, s1;
	[sflag:s0] =	ssyncset.done @!p0 $0x0  }
0xa8: {  	[sflag:s0] =	ssyncadd.s32 @!p0 s1  }
0xa9: {  	[bflag:$0x3] =	sbarrier.arrive $0xFFFF  }
0xaa: {  	_ =	shalt  }

// kernel: kernel.13.cloned.1.call-start
scs
__scs_entry_jumppad:
0x0: {  	(pc) =	sbr.rel $0x88, $3  }
0x1: {  	(tag) =	ssettag $0x0;
	lr =	simm.s32 $0x1  }
0x2: {  	[smem:$0x3F98] =	sst lr;
	_ =	strace $0xD0000000  }
0x3: {  	_ = 	snop  }
0x4: {  	_ = 	snop  }
0x5: {  	_ = 	snop  }
0x6: {  	_ = 	snop  }
0x7: {  	_ = 	snop  }
__scs_overlays_trampoline_lowered:
0x8: {  	[smem:$0x3FA7] =	sst s0  }
0x9: {  	[smem:$0x3FA8] =	sst s1  }
0xa: {  	[smem:$0x3FA9] =	sst s2  }
0xb: {  	[smem:$0x3FAA] =	sst s3  }
0xc: {  	[smem:$0x3FAB] =	sst s4  }
0xd: {  	[smem:$0x3FAC] =	sst s5  }
0xe: {  	[smem:$0x3FAD] =	sst s6  }
0xf: {  	[smem:$0x3FAE] =	sst s7  }
0x10: {  	[smem:$0x3FAF] =	sst s8  }
0x11: {  	[smem:$0x3FB0] =	sst s9;
	s0 =	simm.s32 @!p0 $0x0  }
0x12: {  	s1 =	sld [smem:$0x3F96];
	s0 =	simm.s32 @p0 $0x1  }
0x13: {  	[smem:$0x3FB1] =	sst s0;
	s0 =	simm.s32 @!p1 $0x0  }
0x14: {  	s2 =	sld [smem:$0x3F95];
	s0 =	simm.s32 @p1 $0x1  }
0x15: {  	[smem:$0x3FB2] =	sst s0;
	s0 =	simm.s32 @!p2 $0x0  }
0x16: {  	s3 =	sld [smem:$0x3FDB];
	s0 =	simm.s32 @p2 $0x1  }
0x17: {  	s4 =	simm.s32 $0x1BF5;
	[smem:$0x3FB4] =	sst s0  }
0x18: {  	s0 =	sld [smem:$0x3F97];
	_ =	swait.ge [sflag:s4], $0x0  }
0x19: {  	s7 =	sld [smem:$0x3F98]  }
0x1a: {  	s8 =	sadd.s32 $0xFFFFE003, lr  }
0x1b: {  	s9 =	sadd.s32 $0xFFFFFEF7, lr;
	s5 =	simm.s32 $0xFFFFFFFF;
	p2 =	slt.u32 s8, $0xFFFFF086  }
0x1c: {  	p1 =	slt.u32 s9, $0xF7A;
	s5 =	simm.s32 @!p2 $0x0  }
0x1d: {  	s5 =	simm.s32 @p1 $0x1;
	p0 =	seq.s32 s7, s2  }
0x1e: {  	s7 =	smul.u32 @!p0 $0xF7A, s2;
	p2 =	seq.s32 @!p0 s5, $0x0  }
0x1f: {  	s9 =	smul.u32 $0xF7A, s1;
	s8 =	simm.s32 @!p0 $0x1BF5;
	p2 =	por !p2, p0  }
0x20: {  	[sflag:s8] =	ssyncset.s32 @!p0 $0xFFFFF086;
	s6 =	sadd.s32 @!p0 s3, s7;
	s7 =	simm.s32 @!p0 $0x108  }
0x21: {  	s3 =	sadd.s32 s3, s9;
	s6 =	sadd.s32 @!p0 $0x88, s6;
	s7 =	simm.s32 @p2 $0x1082  }
0x22: {  	[simem:s7], [sflag:s8] =	dma.local @!p0 [hbm:s6], $0xF7A  }
0x23: {  	s9 =	sor.u32 $0xD0000000, s2;
	s6 =	simm.s32 $0x108;
	_ =	swait.ge @!p0 [sflag:s8], $0x0  }
0x24: {  	s3 =	sadd.s32 $0x88, s3;
	s6 =	simm.s32 @!p1 $0x1082;
	[sflag:s4] =	ssyncset.s32 $0xFFFFF086  }
0x25: {  	[simem:s6], [sflag:s4] =	dma.local [hbm:s3], $0xF7A  }
0x26: {  	[smem:$0x3F98] =	sst s1;
	(tag) =	ssettag s2;
	_ =	strace s9  }
0x27: {  	s1 =	sld [smem:$0x3FA8]  }
0x28: {  	s2 =	sld [smem:$0x3FA9]  }
0x29: {  	s4 =	sld [smem:$0x3FAB]  }
0x2a: {  	p0 =	seq.s32 s5, $0x0;
	s5 =	sld [smem:$0x3FAC]  }
0x2b: {  	s6 =	sld [smem:$0x3FAD]  }
0x2c: {  	s7 =	sld [smem:$0x3FAE]  }
0x2d: {  	s3 =	simm.s32 $0x108;
	s8 =	sld [smem:$0x3FAF]  }
0x2e: {  	s3 =	simm.s32 @!p0 $0x1082;
	s9 =	sld [smem:$0x3FB0]  }
0x2f: {  	lr =	sadd.s32 s0, s3;
	s0 =	sld [smem:$0x3FA7]  }
0x30: {  	s3 =	sld [smem:$0x3FAA]  }
0x31: {  	[smem:$0x3FB3] =	sst s10  }
0x32: {  	s10 =	sld [smem:$0x3FB1];
	_ =	sdelay $0x3  }
0x33: {  	p0 =	seq.s32 s10, $0x1;
	s10 =	sld [smem:$0x3FB3];
	_ =	sdelay $0x3  }
0x34: {  	[smem:$0x3FB3] =	sst s10  }
0x35: {  	s10 =	sld [smem:$0x3FB2];
	_ =	sdelay $0x3  }
0x36: {  	p1 =	seq.s32 s10, $0x1;
	s10 =	sld [smem:$0x3FB3];
	_ =	sdelay $0x3  }
0x37: {  	[smem:$0x3FB3] =	sst s10  }
0x38: {  	s10 =	sld [smem:$0x3FB4]  }
0x39: {  	_ = 	snop;
	(pc) =	sbr.ind lr, $3  }
0x3a: {  	_ = 	snop  }
0x3b: {  	_ = 	snop  }
0x3c: {  	p2 =	seq.s32 s10, $0x1;
	s10 =	sld [smem:$0x3FB3]  }
0x3d: {  	_ =	shalt  }
0x3e: {  	_ =	shalt  }
0x3f: {  	_ =	shalt  }
0x40: {  	_ =	shalt  }
0x41: {  	_ =	shalt  }
0x42: {  	_ =	shalt  }
0x43: {  	_ =	shalt  }
0x44: {  	_ =	shalt  }
0x45: {  	_ =	shalt  }
0x46: {  	_ =	shalt  }
0x47: {  	_ =	shalt  }
0x48: {  	_ =	shalt  }
0x49: {  	_ =	shalt  }
0x4a: {  	_ =	shalt  }
0x4b: {  	_ =	shalt  }
0x4c: {  	_ =	shalt  }
0x4d: {  	_ =	shalt  }
0x4e: {  	_ =	shalt  }
0x4f: {  	_ =	shalt  }
0x50: {  	_ =	shalt  }
0x51: {  	_ =	shalt  }
0x52: {  	_ =	shalt  }
0x53: {  	_ =	shalt  }
0x54: {  	_ =	shalt  }
0x55: {  	_ =	shalt  }
0x56: {  	_ =	shalt  }
0x57: {  	_ =	shalt  }
0x58: {  	_ =	shalt  }
0x59: {  	_ =	shalt  }
0x5a: {  	_ =	shalt  }
0x5b: {  	_ =	shalt  }
0x5c: {  	_ =	shalt  }
0x5d: {  	_ =	shalt  }
0x5e: {  	_ =	shalt  }
0x5f: {  	_ =	shalt  }
0x60: {  	_ =	shalt  }
0x61: {  	_ =	shalt  }
0x62: {  	_ =	shalt  }
0x63: {  	_ =	shalt  }
0x64: {  	_ =	shalt  }
0x65: {  	_ =	shalt  }
0x66: {  	_ =	shalt  }
0x67: {  	_ =	shalt  }
0x68: {  	_ =	shalt  }
0x69: {  	_ =	shalt  }
0x6a: {  	_ =	shalt  }
0x6b: {  	_ =	shalt  }
0x6c: {  	_ =	shalt  }
0x6d: {  	_ =	shalt  }
0x6e: {  	_ =	shalt  }
0x6f: {  	_ =	shalt  }
0x70: {  	_ =	shalt  }
0x71: {  	_ =	shalt  }
0x72: {  	_ =	shalt  }
0x73: {  	_ =	shalt  }
0x74: {  	_ =	shalt  }
0x75: {  	_ =	shalt  }
0x76: {  	_ =	shalt  }
0x77: {  	_ =	shalt  }
0x78: {  	_ =	shalt  }
0x79: {  	_ =	shalt  }
0x7a: {  	_ =	shalt  }
0x7b: {  	_ =	shalt  }
0x7c: {  	_ =	shalt  }
0x7d: {  	_ =	shalt  }
0x7e: {  	_ =	shalt  }
0x7f: {  	_ =	shalt  }
0x80: {  	_ =	shalt  }
0x81: {  	_ =	shalt  }
0x82: {  	_ =	shalt  }
0x83: {  	_ =	shalt  }
0x84: {  	_ =	shalt  }
0x85: {  	_ =	shalt  }
0x86: {  	_ =	shalt  }
0x87: {  	_ =	shalt  }
.Lfunc_end0:
.L_simem_size_0:
called_computation.2_lowered:
.L_overlay_start_0:
0x88: {  	s2 =	sld [smem:$0x3FD9]  }
0x89: {  	s3 =	sld [smem:$0x3FFE];
	_ =	sdelay $0x1  }
0x8a: {  	s1 =	srdreg.scid  }
0x8b: {  	s0 =	sand.u32 $0x1, s1  }
0x8c: {  	s17 =	sshll.u32 s0, $0xA;
	s2 =	sadd.s32 s3, s2  }
0x8d: {  	s2 =	sadd.s32 s2, s17  }
0x8e: {  	[smem:$0x3FBF] =	sst s2  }
0x8f: {  	_ = 	snop  }
0x90: {  	s2 =	sld [smem:$0x3FD0];
	(tm) =	ssettm $0x1  }
0x91: {  	s18 =	sld [smem:$0x3FFB];
	_ =	sdelay $0x3  }
0x92: {  	_ =	strace s18  }
0x93: {  	s3 =	sld [smem:$0x3FFC];
	_ =	sdelay $0x3  }
0x94: {  	_ =	strace s3  }
0x95: {  	s3 =	sld [smem:$0x3FFD];
	_ =	sdelay $0x3  }
0x96: {  	_ =	strace s3  }
0x97: {  	_ =	strace $0x8FFFFFFF  }
0x98: {  	s19 =	sld [smem:$0x3FDB];
	_ =	sdelay $0x1  }
0x99: {  	s4 =	simm.s32 $_scs_section_size  }
0x9a: {  	s5 =	simm.s32 $_size__tile_overlayer_lowered;
	s6 =	simm.s32 $_tile_overlayer_lowered  }
0x9b: {  	s22 =	simm.s32 $0x1BFF;
	s21 =	sshll.u32 s6, $0x1;
	s3 =	sadd.s32 s4, s19  }
0x9c: {  	s7 =	simm.s32 $0x0;
	s20 =	sshll.u32 s5, $0x1;
	s5 =	sadd.s32 s21, s3  }
0x9d: {  	[timem:s7], [sflag:s22] =	dma.local [hbm:s5], s20  }
0x9e: {  	_ =	swait.ge [sflag:s22], s20  }
0x9f: {  	s4 =	ssub.s32 $0x0, s20;
	[sflag:s22] =	ssyncset.done $0x0  }
0xa0: {  	[sflag:s22] =	ssyncadd.s32 s4;
	_ =	sdelay $0x1  }
0xa1: {  	s23 =	simm.s32 $0x1B8B  }
0xa2: {  	_ =	swait.ge [sflag:s23], $0x1  }
0xa3: {  	[sflag:s23] =	ssyncset.done $0x0  }
0xa4: {  	s25 =	simm.s32 $0x1B8E;
	s24 =	sld [smem:$0x3FFE];
	[sflag:s23] =	ssyncadd.s32 $0xFFFFFFFF  }
0xa5: {  	s26 =	simm.s32 $execute0_lowered;
	[smem:$0x3FD2] =	sst s25  }
0xa6: {  	s5 =	sshll.u32 s26, $0x1;
	_ =	strace $0x8000004C;
	[dreg:$0x1] =	wrdreg $0xFFFFFFFF  }
0xa7: {  	s28 =	simm.s32 $_size_execute0_lowered;
	s3 =	sadd.s32 s3, s5;
	[dreg:$0x0] =	wrdreg $0x0  }
0xa8: {  	s5 =	sshll.u32 s28, $0x1;
	[dreg:$0x2] =	wrdreg s3  }
0xa9: {  	[dreg:$0x3] =	wrdreg s5  }
0xaa: {  	[dreg:$0x4] =	wrdreg $0xC0  }
0xab: {  	_ =	task [dreg:s7], $0x5FFFF  }
0xac: {  	[dreg:$0x1] =	wrdreg $0xFFFFFFFF  }
0xad: {  	[dreg:$0x0] =	wrdreg $0x60  }
0xae: {  	[dreg:$0x2] =	wrdreg s2  }
0xaf: {  	[dreg:$0x3] =	wrdreg s24  }
0xb0: {  	[dreg:$0x4] =	wrdreg $0xA8000  }
0xb1: {  	[dreg:$0x5] =	wrdreg $0x9  }
0xb2: {  	_ =	task.clear_ibuf [dreg:s7], $0x6FFFF;
	_ =	strace $0x9000004C  }
0xb3: {  	s29 =	simm.s32 $0x9;
	_ =	strace $0x8000004E  }
0xb4: {  	_ =	swait.ge [sflag:s29], $0x1  }
0xb5: {  	[sflag:s29] =	ssyncadd.s32 $0xFFFFFFFF  }
0xb6: {  	_ =	strace $0x9000004E  }
0xb7: {  	_ =	sfence  }
0xb8: {  	s30 =	sld [smem:$0x0];
	_ =	sdelay $0x2  }
0xb9: {  	s31 =	sshll.u32 s1, $0xD;
	s1 =	sshrl.u32 s1, $0x2  }
0xba: {  	s3 =	sand.u32 $0x4000, s31;
	s1 =	sadd.s32 s1, s30  }
0xbb: {  	s0 =	sor.u32 s3, s0;
	s1 =	sshll.u32 s1, $0x11  }
0xbc: {  	s0 =	sor.u32 s1, s0  }
0xbd: {  	s0 =	sadd.s32 $0x8F2B, s0  }
0xbe: {  	[sflag:s0] =	ssyncadd.remote.s32 $0x1  }
0xbf: {  	_ =	sfence.sel $0xFFFF  }
0xc0: {  	[dreg:$0x0] =	wrdreg $0xFFFFFFFF;
	(pc) =	sbr.abs _section_cstart, $3  }
0xc1: {  	[dreg:$0x1] =	wrdreg $0xFFFFFFFF  }
0xc2: {  	_ =	task.clear_ibuf [dreg:s7], $0x2FFFF;
	_ =	strace $0x9FFFFFFF  }
0xc3: {  	(tm) =	ssettm $0x7FFFFFFF  }
tec
execute0_lowered:
.L_overlay_start_1:
0x0: {  	(tag) =	ssettag $0x1  }
0x1: {  	s1 =	rddreg [dreg:$0x0]  }
0x2: {  	s14 =	rddreg [dreg:$0x1]  }
0x3: {  	s0 =	srdreg.scid;
	s3 =	rddreg [dreg:$0x2];
	s4 =	simm.s32 $0x0  }
0x4: {  	s23 =	simm.s32 $0x1;
	s13 =	sand.u32 $0x1, s0;
	s0 =	stileid.u32  }
0x5: {  	s24 =	simm.s32 $0x2;
	s25 =	simm.s32 $0x0;
	s8 =	smul.u32 $0x280, s0  }
0x6: {  	[smem:$0x7FF] =	sst s4;
	s2 =	sshll.u32 s13, $0x4;
	s6 =	smul.u32 $0x50000, s0  }
0x7: {  	s7 =	ssub.s32 $0x2, s13;
	p0 =	seq.s32 s13, $0x0;
	s20 =	smul.u32 $0x2800, s0  }
0x8: {  	s5 =	sor.u32 s0, s2;
	s2 =	rddreg [dreg:$0x3];
	_ =	strace $0x8000004D  }
0x9: {  	s9 =	sshrl.u32 s7, $0x1;
	s5 =	smul.u32 $0x280, s5;
	s15 =	sadd.s32 $0x80, s8  }
0xa: {  	s6 =	sshrl.u32 s6, $0x2;
	s16 =	ssub.s32 s7, s9;
	s17 =	sadd.s32 $0x100, s8  }
0xb: {  	s18 =	sadd.s32 $0x180, s8;
	s19 =	sadd.s32 $0x200, s8;
	s10 =	sshll.u32 s15, $0x7  }
0xc: {  	s6 =	sadd.s32 s6, s3;
	s29 =	sshll.u32 s17, $0x7;
	s30 =	sshll.u32 s18, $0x7  }
0xd: {  	s31 =	sshll.u32 s19, $0x7;
	s21 =	sshll.u32 s15, $0x4;
	s15 =	simm.s32 $0x2800  }
0xe: {  	s17 =	sshll.u32 s17, $0x4;
	s18 =	sshll.u32 s18, $0x4;
	s19 =	sshll.u32 s19, $0x4  }
0xf: {  	s13 =	smax.u32 s16, $0x1;
	s12 =	sadd.s32 s5, s14;
	s5 =	sadd.s32 $0x64A00, s14  }
0x10: {  	s7 =	sadd.s32 s10, s3;
	s8 =	sadd.s32 s29, s3;
	s9 =	sadd.s32 s30, s3  }
.Ltmp0:
0x11: {  	s10 =	sadd.s32 s31, s3;
	s15 =	simm.s32 @!p0 $0x2A800;
	(pc) =	sbr.rel .LBB2_1-.Ltmp0, $4  }
0x12: {  	s11 =	sadd.s32 $0x5FA00, s12;
	s12 =	sadd.s32 $0x5AA00, s12;
	s22 =	sadd.s32 s15, s14  }
0x13: {  	s14 =	simm.s32 $0x2800;
	s15 =	sadd.s32 s22, s20;
	s16 =	sadd.s32 s22, s21  }
0x14: {  	s17 =	sadd.s32 s22, s17;
	s18 =	sadd.s32 s22, s18;
	s19 =	sadd.s32 s22, s19  }
0x15: {  	s20 =	simm.s32 $0x3;
	s21 =	simm.s32 $0x1400;
	s22 =	simm.s32 $0x80  }
.LBB2_5:
0x16: {  	_ =	swait.ge [sflag:s24], $0x4000  }
0x17: {  	[sflag:s24] =	ssyncset.done $0x0  }
0x18: {  	[sflag:s24] =	ssyncadd.s32 $0xFFFFC000  }
0x19: {  	[bflag:$0x0] =	sbarrier.arrive $0xFFFF  }
0x1a: {  	[tilespmem:s14], [sflag:$0x3] =	stream.linear.gather [spmem:s6], $0x4000, $0x38;
	[tilespmem:$0x1E800] =	vst v63  }
0x1b: {  	_ =	swait.ge [sflag:s20], $0x4000  }
0x1c: {  	[sflag:s20] =	ssyncset.done $0x0  }
0x1d: {  	[sflag:s20] =	ssyncadd.s32 $0xFFFFC000  }
0x1e: {  	[hbm4b:s15+s4] =	stream.linear.scatter [tilespmem:s14], [sflag:$0x3], $0x4000, $0x38;
	[tilespmem:$0x1E800] =	vst v63  }
0x1f: {  	_ =	swait.ge [sflag:s20], $0x4000  }
0x20: {  	[sflag:s20] =	ssyncset.done $0x0  }
0x21: {  	[sflag:s20] =	ssyncadd.s32 $0xFFFFC000  }
0x22: {  	[tilespmem:s14], [sflag:$0x3] =	stream.linear.gather [spmem:s7], $0x4000, $0x38;
	[tilespmem:$0x1E800] =	vst v63  }
0x23: {  	_ =	swait.ge [sflag:s20], $0x4000  }
0x24: {  	[sflag:s20] =	ssyncset.done $0x0  }
0x25: {  	[sflag:s20] =	ssyncadd.s32 $0xFFFFC000  }
0x26: {  	[hbm4b:s16+s4] =	stream.linear.scatter [tilespmem:s14], [sflag:$0x3], $0x4000, $0x38;
	[tilespmem:$0x1E800] =	vst v63  }
0x27: {  	_ =	swait.ge [sflag:s20], $0x4000  }
0x28: {  	[sflag:s20] =	ssyncset.done $0x0  }
0x29: {  	[sflag:s20] =	ssyncadd.s32 $0xFFFFC000  }
0x2a: {  	[tilespmem:s14], [sflag:$0x3] =	stream.linear.gather [spmem:s8], $0x4000, $0x38;
	[tilespmem:$0x1E800] =	vst v63  }
0x2b: {  	_ =	swait.ge [sflag:s20], $0x4000  }
0x2c: {  	[sflag:s20] =	ssyncset.done $0x0  }
0x2d: {  	[sflag:s20] =	ssyncadd.s32 $0xFFFFC000  }
0x2e: {  	[hbm4b:s17+s4] =	stream.linear.scatter [tilespmem:s14], [sflag:$0x3], $0x4000, $0x38;
	[tilespmem:$0x1E800] =	vst v63  }
0x2f: {  	_ =	swait.ge [sflag:s20], $0x4000  }
0x30: {  	[sflag:s20] =	ssyncset.done $0x0  }
0x31: {  	[sflag:s20] =	ssyncadd.s32 $0xFFFFC000  }
0x32: {  	[tilespmem:s14], [sflag:$0x3] =	stream.linear.gather [spmem:s9], $0x4000, $0x38;
	[tilespmem:$0x1E800] =	vst v63  }
0x33: {  	_ =	swait.ge [sflag:s20], $0x4000  }
0x34: {  	[sflag:s20] =	ssyncset.done $0x0  }
0x35: {  	[sflag:s20] =	ssyncadd.s32 $0xFFFFC000  }
0x36: {  	[hbm4b:s18+s4] =	stream.linear.scatter [tilespmem:s14], [sflag:$0x3], $0x4000, $0x38;
	[tilespmem:$0x1E800] =	vst v63  }
0x37: {  	_ =	swait.ge [sflag:s20], $0x4000  }
0x38: {  	[sflag:s20] =	ssyncset.done $0x0  }
0x39: {  	[sflag:s20] =	ssyncadd.s32 $0xFFFFC000  }
0x3a: {  	[tilespmem:s14], [sflag:$0x3] =	stream.linear.gather [spmem:s10], $0x4000, $0x38;
	[tilespmem:$0x1E800] =	vst v63  }
0x3b: {  	s25 =	sadd.s32 $0x1, s25;
	_ =	swait.ge [sflag:s20], $0x4000  }
0x3c: {  	p0 =	sne.s32 s25, s13;
	[sflag:s20] =	ssyncset.done $0x0  }
.Ltmp1:
0x3d: {  	[sflag:s20] =	ssyncadd.s32 $0xFFFFC000;
	(pc) =	sbr.rel @!p0 .LBB2_6-.Ltmp1, $4  }
0x3e: {  	[hbm4b:s19+s4] =	stream.linear.scatter [tilespmem:s14], [sflag:$0x3], $0x4000, $0x38;
	[tilespmem:$0x1E800] =	vst v63  }
0x3f: {  	_ =	swait.ge [sflag:s20], $0x4000  }
0x40: {  	[sflag:s20] =	ssyncset.done $0x0  }
0x41: {  	[sflag:s20] =	ssyncadd.s32 $0xFFFFC000  }
.LBB2_1:
0x42: {  	[tilespmem:s14], [sflag:$0x3] =	stream.linear.gather [hbm4b:s5+s4], $0x4000, $0x38;
	[tilespmem:$0x1E800] =	vst v63  }
0x43: {  	_ =	swait.ge [sflag:s20], $0x4000  }
0x44: {  	[sflag:s20] =	ssyncset.done $0x0  }
0x45: {  	[sflag:s20] =	ssyncadd.s32 $0xFFFFC000  }
0x46: {  	[spmem:s6] =	stream.linear.scatter [tilespmem:s14], [sflag:$0x3], $0x4000, $0x38;
	[tilespmem:$0x1E800] =	vst v63  }
0x47: {  	_ =	swait.ge [sflag:s20], $0x4000  }
0x48: {  	[sflag:s20] =	ssyncset.done $0x0  }
0x49: {  	[sflag:s20] =	ssyncadd.s32 $0xFFFFC000  }
0x4a: {  	[spmem:s7] =	stream.linear.scatter [tilespmem:s14], [sflag:$0x3], $0x4000, $0x38;
	[tilespmem:$0x1E800] =	vst v63  }
0x4b: {  	_ =	swait.ge [sflag:s20], $0x4000  }
0x4c: {  	[sflag:s20] =	ssyncset.done $0x0  }
0x4d: {  	[sflag:s20] =	ssyncadd.s32 $0xFFFFC000  }
0x4e: {  	[spmem:s8] =	stream.linear.scatter [tilespmem:s14], [sflag:$0x3], $0x4000, $0x38;
	[tilespmem:$0x1E800] =	vst v63  }
0x4f: {  	_ =	swait.ge [sflag:s20], $0x4000  }
0x50: {  	[sflag:s20] =	ssyncset.done $0x0  }
0x51: {  	[sflag:s20] =	ssyncadd.s32 $0xFFFFC000  }
0x52: {  	[spmem:s9] =	stream.linear.scatter [tilespmem:s14], [sflag:$0x3], $0x4000, $0x38;
	[tilespmem:$0x1E800] =	vst v63  }
0x53: {  	_ =	swait.ge [sflag:s20], $0x4000  }
0x54: {  	[sflag:s20] =	ssyncset.done $0x0  }
0x55: {  	[sflag:s20] =	ssyncadd.s32 $0xFFFFC000  }
0x56: {  	[spmem:s10] =	stream.linear.scatter [tilespmem:s14], [sflag:$0x3], $0x4000, $0x38;
	[tilespmem:$0x1E800] =	vst v63  }
0x57: {  	_ =	swait.ge [sflag:s20], $0x4000  }
0x58: {  	[sflag:s20] =	ssyncset.done $0x0  }
0x59: {  	[sflag:s20] =	ssyncadd.s32 $0xFFFFC000  }
0x5a: {  	[tilespmem:s4], [sflag:$0x3] =	stream.linear.gather [hbm4b:s11+s4], $0x1400, $0x38;
	[tilespmem:$0x1E800] =	vst v63  }
0x5b: {  	_ =	swait.ge [sflag:s20], $0x1400  }
0x5c: {  	[sflag:s20] =	ssyncset.done $0x0  }
0x5d: {  	[sflag:s20] =	ssyncadd.s32 $0xFFFFEC00  }
0x5e: {  	[tilespmem:s21], [sflag:$0x3] =	stream.linear.gather [hbm4b:s12+s4], $0x1400, $0x38;
	[tilespmem:$0x1E800] =	vst v63  }
.Ltmp2:
0x5f: {  	_ =	swait.ge [sflag:s20], $0x1400;
	(pc) =	sbr.rel .LBB2_2-.Ltmp2, $4  }
0x60: {  	[sflag:s20] =	ssyncset.done $0x0  }
0x61: {  	[sflag:s20] =	ssyncadd.s32 $0xFFFFEC00  }
0x62: {  	s26 =	simm.s32 $0x0;
	[bflag:$0x0] =	sbarrier.arrive $0xFFFF  }
0x63: {  	[tilespmem:s14], [sflag:$0x1] =	stream.indirect.gather [hbm4b:s1+s22], $0x80, s4, s22, $0xb8;
	[tilespmem:$0x1E800] =	vst v63  }
.LBB2_4:
0x64: {  	p0 =	slt.u32 s28, $0x28  }
.Ltmp3:
0x65: {  	_ =	swait.ge [sflag:s23], $0x4000;
	s26 =	sshll.u32 s26, $0x7;
	(pc) =	sbr.rel @!p0 .LBB2_5-.Ltmp3, $4  }
0x66: {  	s29 =	sshll.u32 s29, $0xE;
	[sflag:s23] =	ssyncset.done $0x0;
	s26 =	sand.u32 $0x3FFFFF80, s26  }
0x67: {  	s29 =	sor.u32 $0x2800, s29;
	[sflag:s23] =	ssyncadd.s32 $0xFFFFC000;
	s26 =	sadd.s32 $0x1400, s26  }
0x68: {  	[spmem:s3] =	stream.indirect.scatter.add.f32 [tilespmem:s29], [sflag:$0x2], $0x80, s26, s22, $0xb8;
	[tilespmem:$0x1E800] =	vst v63  }
0x69: {  	s26 =	smov.u32 s28  }
.LBB2_2:
0x6a: {  	p0 =	seq.s32 s26, $0x0  }
0x6b: {  	p1 =	seq.s32 @!p0 s26, $0x27  }
0x6c: {  	p1 =	por p0, !p1  }
.Ltmp4:
0x6d: {  	_ = 	snop;
	(pc) =	sbr.rel @!p1 .LBB2_4-.Ltmp4, $4  }
0x6e: {  	s28 =	simm.s32 @!p0 $0x2  }
0x6f: {  	_ =	swait.ge @!p0 [sflag:s28], $0x4000  }
0x70: {  	[sflag:s28] =	ssyncset.done @!p0 $0x0  }
0x71: {  	s29 =	sand.u32 $0x1, s26;
	[sflag:s28] =	ssyncadd.s32 @!p0 $0xFFFFC000;
	s28 =	simm.s32 @!p0 $0x28  }
.Ltmp5:
0x72: {  	s28 =	sadd.s32 @!p0 $0x1, s26;
	(pc) =	sbr.rel .LBB2_4-.Ltmp5, $4  }
0x73: {  	s28 =	simm.s32 @p0 $0x1  }
0x74: {  	s30 =	sshll.u32 s29, $0xE;
	s31 =	sshll.u32 s28, $0x7  }
0x75: {  	s30 =	sxor.u32 $0x6800, s30;
	s31 =	sand.u32 $0x3FFFFF80, s31  }
0x76: {  	[tilespmem:s30], [sflag:$0x1] =	stream.indirect.gather [hbm4b:s1+s22], $0x80, s31, s22, $0xb8;
	[tilespmem:$0x1E800] =	vst v63  }
.LBB2_6:
0x77: {  	_ =	sfence.sel $0x180000  }
0x78: {  	[bflag:$0x0] =	sbarrier.arrive $0xFFFF  }
0x79: {  	p0 =	sne.s32 s0, $0x0;
	_ =	strace $0x9000004D  }
0x7a: {  	s0 =	sadd.s32 @!p0 $0x100000, s2;
	[bflag:$0x2] =	sbarrier.arrive $0xFFFF  }
0x7b: {  	[sflag:s0] =	ssyncadd.tile.s32 @!p0 $0x1;
	_ =	shalt  }
.Lfunc_end2:
_tile_overlayer_lowered:
.L_overlay_start_2:
0x7c: {  	(tag) =	ssettag $0x2  }
0x7d: {  	s0 =	rddreg [dreg:$0x0];
	s2 =	stileid.u32  }
0x7e: {  	s1 =	rddreg [dreg:$0x1];
	p0 =	sne.s32 s2, $0x0  }
0x7f: {  	s3 =	rddreg [dreg:$0x2];
	[bflag:$0x3] =	sbarrier.arrive $0xFFFF;
	s2 =	simm.s32 @!p0 $0x1C03  }
0x80: {  	[timem:s3], [sflag:s2] =	dma.local @!p0 [hbm:s0], s1  }
0x81: {  	s0 =	simm.s32 @!p0 $0x3  }
0x82: {  	_ =	swait.ge @!p0 [sflag:s0], s1  }
0x83: {  	s1 =	ssub.s32 @!p0 $0x0, s1;
	[sflag:s0] =	ssyncset.done @!p0 $0x0  }
0x84: {  	[sflag:s0] =	ssyncadd.s32 @!p0 s1  }
0x85: {  	[bflag:$0x3] =	sbarrier.arrive $0xFFFF  }
0x86: {  	_ =	shalt  }

// kernel: kernel.7.cloned.1.call-start
scs
__scs_entry_jumppad:
0x0: {  	(pc) =	sbr.rel $0x88, $3  }
0x1: {  	(tag) =	ssettag $0x0;
	lr =	simm.s32 $0x1  }
0x2: {  	[smem:$0x3F98] =	sst lr;
	_ =	strace $0xD0000000  }
0x3: {  	_ = 	snop  }
0x4: {  	_ = 	snop  }
0x5: {  	_ = 	snop  }
0x6: {  	_ = 	snop  }
0x7: {  	_ = 	snop  }
__scs_overlays_trampoline_lowered:
0x8: {  	[smem:$0x3FA7] =	sst s0  }
0x9: {  	[smem:$0x3FA8] =	sst s1  }
0xa: {  	[smem:$0x3FA9] =	sst s2  }
0xb: {  	[smem:$0x3FAA] =	sst s3  }
0xc: {  	[smem:$0x3FAB] =	sst s4  }
0xd: {  	[smem:$0x3FAC] =	sst s5  }
0xe: {  	[smem:$0x3FAD] =	sst s6  }
0xf: {  	[smem:$0x3FAE] =	sst s7  }
0x10: {  	[smem:$0x3FAF] =	sst s8  }
0x11: {  	[smem:$0x3FB0] =	sst s9;
	s0 =	simm.s32 @!p0 $0x0  }
0x12: {  	s1 =	sld [smem:$0x3F96];
	s0 =	simm.s32 @p0 $0x1  }
0x13: {  	[smem:$0x3FB1] =	sst s0;
	s0 =	simm.s32 @!p1 $0x0  }
0x14: {  	s2 =	sld [smem:$0x3F95];
	s0 =	simm.s32 @p1 $0x1  }
0x15: {  	[smem:$0x3FB2] =	sst s0;
	s0 =	simm.s32 @!p2 $0x0  }
0x16: {  	s3 =	sld [smem:$0x3FDB];
	s0 =	simm.s32 @p2 $0x1  }
0x17: {  	s4 =	simm.s32 $0x1BF5;
	[smem:$0x3FB4] =	sst s0  }
0x18: {  	s0 =	sld [smem:$0x3F97];
	_ =	swait.ge [sflag:s4], $0x0  }
0x19: {  	s7 =	sld [smem:$0x3F98]  }
0x1a: {  	s8 =	sadd.s32 $0xFFFFE003, lr  }
0x1b: {  	s9 =	sadd.s32 $0xFFFFFEF7, lr;
	s5 =	simm.s32 $0xFFFFFFFF;
	p2 =	slt.u32 s8, $0xFFFFF086  }
0x1c: {  	p1 =	slt.u32 s9, $0xF7A;
	s5 =	simm.s32 @!p2 $0x0  }
0x1d: {  	s5 =	simm.s32 @p1 $0x1;
	p0 =	seq.s32 s7, s2  }
0x1e: {  	s7 =	smul.u32 @!p0 $0xF7A, s2;
	p2 =	seq.s32 @!p0 s5, $0x0  }
0x1f: {  	s9 =	smul.u32 $0xF7A, s1;
	s8 =	simm.s32 @!p0 $0x1BF5;
	p2 =	por !p2, p0  }
0x20: {  	[sflag:s8] =	ssyncset.s32 @!p0 $0xFFFFF086;
	s6 =	sadd.s32 @!p0 s3, s7;
	s7 =	simm.s32 @!p0 $0x108  }
0x21: {  	s3 =	sadd.s32 s3, s9;
	s6 =	sadd.s32 @!p0 $0x88, s6;
	s7 =	simm.s32 @p2 $0x1082  }
0x22: {  	[simem:s7], [sflag:s8] =	dma.local @!p0 [hbm:s6], $0xF7A  }
0x23: {  	s9 =	sor.u32 $0xD0000000, s2;
	s6 =	simm.s32 $0x108;
	_ =	swait.ge @!p0 [sflag:s8], $0x0  }
0x24: {  	s3 =	sadd.s32 $0x88, s3;
	s6 =	simm.s32 @!p1 $0x1082;
	[sflag:s4] =	ssyncset.s32 $0xFFFFF086  }
0x25: {  	[simem:s6], [sflag:s4] =	dma.local [hbm:s3], $0xF7A  }
0x26: {  	[smem:$0x3F98] =	sst s1;
	(tag) =	ssettag s2;
	_ =	strace s9  }
0x27: {  	s1 =	sld [smem:$0x3FA8]  }
0x28: {  	s2 =	sld [smem:$0x3FA9]  }
0x29: {  	s4 =	sld [smem:$0x3FAB]  }
0x2a: {  	p0 =	seq.s32 s5, $0x0;
	s5 =	sld [smem:$0x3FAC]  }
0x2b: {  	s6 =	sld [smem:$0x3FAD]  }
0x2c: {  	s7 =	sld [smem:$0x3FAE]  }
0x2d: {  	s3 =	simm.s32 $0x108;
	s8 =	sld [smem:$0x3FAF]  }
0x2e: {  	s3 =	simm.s32 @!p0 $0x1082;
	s9 =	sld [smem:$0x3FB0]  }
0x2f: {  	lr =	sadd.s32 s0, s3;
	s0 =	sld [smem:$0x3FA7]  }
0x30: {  	s3 =	sld [smem:$0x3FAA]  }
0x31: {  	[smem:$0x3FB3] =	sst s10  }
0x32: {  	s10 =	sld [smem:$0x3FB1];
	_ =	sdelay $0x3  }
0x33: {  	p0 =	seq.s32 s10, $0x1;
	s10 =	sld [smem:$0x3FB3];
	_ =	sdelay $0x3  }
0x34: {  	[smem:$0x3FB3] =	sst s10  }
0x35: {  	s10 =	sld [smem:$0x3FB2];
	_ =	sdelay $0x3  }
0x36: {  	p1 =	seq.s32 s10, $0x1;
	s10 =	sld [smem:$0x3FB3];
	_ =	sdelay $0x3  }
0x37: {  	[smem:$0x3FB3] =	sst s10  }
0x38: {  	s10 =	sld [smem:$0x3FB4]  }
0x39: {  	_ = 	snop;
	(pc) =	sbr.ind lr, $3  }
0x3a: {  	_ = 	snop  }
0x3b: {  	_ = 	snop  }
0x3c: {  	p2 =	seq.s32 s10, $0x1;
	s10 =	sld [smem:$0x3FB3]  }
0x3d: {  	_ =	shalt  }
0x3e: {  	_ =	shalt  }
0x3f: {  	_ =	shalt  }
0x40: {  	_ =	shalt  }
0x41: {  	_ =	shalt  }
0x42: {  	_ =	shalt  }
0x43: {  	_ =	shalt  }
0x44: {  	_ =	shalt  }
0x45: {  	_ =	shalt  }
0x46: {  	_ =	shalt  }
0x47: {  	_ =	shalt  }
0x48: {  	_ =	shalt  }
0x49: {  	_ =	shalt  }
0x4a: {  	_ =	shalt  }
0x4b: {  	_ =	shalt  }
0x4c: {  	_ =	shalt  }
0x4d: {  	_ =	shalt  }
0x4e: {  	_ =	shalt  }
0x4f: {  	_ =	shalt  }
0x50: {  	_ =	shalt  }
0x51: {  	_ =	shalt  }
0x52: {  	_ =	shalt  }
0x53: {  	_ =	shalt  }
0x54: {  	_ =	shalt  }
0x55: {  	_ =	shalt  }
0x56: {  	_ =	shalt  }
0x57: {  	_ =	shalt  }
0x58: {  	_ =	shalt  }
0x59: {  	_ =	shalt  }
0x5a: {  	_ =	shalt  }
0x5b: {  	_ =	shalt  }
0x5c: {  	_ =	shalt  }
0x5d: {  	_ =	shalt  }
0x5e: {  	_ =	shalt  }
0x5f: {  	_ =	shalt  }
0x60: {  	_ =	shalt  }
0x61: {  	_ =	shalt  }
0x62: {  	_ =	shalt  }
0x63: {  	_ =	shalt  }
0x64: {  	_ =	shalt  }
0x65: {  	_ =	shalt  }
0x66: {  	_ =	shalt  }
0x67: {  	_ =	shalt  }
0x68: {  	_ =	shalt  }
0x69: {  	_ =	shalt  }
0x6a: {  	_ =	shalt  }
0x6b: {  	_ =	shalt  }
0x6c: {  	_ =	shalt  }
0x6d: {  	_ =	shalt  }
0x6e: {  	_ =	shalt  }
0x6f: {  	_ =	shalt  }
0x70: {  	_ =	shalt  }
0x71: {  	_ =	shalt  }
0x72: {  	_ =	shalt  }
0x73: {  	_ =	shalt  }
0x74: {  	_ =	shalt  }
0x75: {  	_ =	shalt  }
0x76: {  	_ =	shalt  }
0x77: {  	_ =	shalt  }
0x78: {  	_ =	shalt  }
0x79: {  	_ =	shalt  }
0x7a: {  	_ =	shalt  }
0x7b: {  	_ =	shalt  }
0x7c: {  	_ =	shalt  }
0x7d: {  	_ =	shalt  }
0x7e: {  	_ =	shalt  }
0x7f: {  	_ =	shalt  }
0x80: {  	_ =	shalt  }
0x81: {  	_ =	shalt  }
0x82: {  	_ =	shalt  }
0x83: {  	_ =	shalt  }
0x84: {  	_ =	shalt  }
0x85: {  	_ =	shalt  }
0x86: {  	_ =	shalt  }
0x87: {  	_ =	shalt  }
.Lfunc_end0:
.L_simem_size_0:
called_computation_lowered:
.L_overlay_start_0:
0x88: {  	s2 =	sld [smem:$0x3FD9]  }
0x89: {  	s3 =	sld [smem:$0x3FFE];
	_ =	sdelay $0x1  }
0x8a: {  	s1 =	srdreg.scid  }
0x8b: {  	s0 =	sand.u32 $0x1, s1  }
0x8c: {  	s17 =	sshll.u32 s0, $0xA;
	s2 =	sadd.s32 s3, s2  }
0x8d: {  	s2 =	sadd.s32 s2, s17  }
0x8e: {  	[smem:$0x3FBF] =	sst s2  }
0x8f: {  	_ = 	snop  }
0x90: {  	(tm) =	ssettm $0x1  }
0x91: {  	s18 =	sld [smem:$0x3FFB];
	_ =	sdelay $0x3  }
0x92: {  	_ =	strace s18  }
0x93: {  	s2 =	sld [smem:$0x3FFC];
	_ =	sdelay $0x3  }
0x94: {  	_ =	strace s2  }
0x95: {  	s2 =	sld [smem:$0x3FFD];
	_ =	sdelay $0x3  }
0x96: {  	_ =	strace s2  }
0x97: {  	_ =	strace $0x8FFFFFFF  }
0x98: {  	s19 =	sld [smem:$0x3FDB];
	_ =	sdelay $0x1  }
0x99: {  	s20 =	simm.s32 $_scs_section_size  }
0x9a: {  	s4 =	simm.s32 $_size__tile_overlayer_lowered;
	s5 =	simm.s32 $_tile_overlayer_lowered  }
0x9b: {  	s6 =	simm.s32 $0x1BFF;
	s21 =	sshll.u32 s5, $0x1;
	s3 =	sadd.s32 s20, s19  }
0x9c: {  	s22 =	simm.s32 $0x0;
	s4 =	sshll.u32 s4, $0x1;
	s5 =	sadd.s32 s21, s3  }
0x9d: {  	[timem:s22], [sflag:s6] =	dma.local [hbm:s5], s4  }
0x9e: {  	_ =	swait.ge [sflag:s6], s4  }
0x9f: {  	s4 =	ssub.s32 $0x0, s4;
	[sflag:s6] =	ssyncset.done $0x0  }
0xa0: {  	[sflag:s6] =	ssyncadd.s32 s4;
	_ =	sdelay $0x1  }
0xa1: {  	s23 =	simm.s32 $0x1B8B  }
0xa2: {  	_ =	swait.ge [sflag:s23], $0x1  }
0xa3: {  	[sflag:s23] =	ssyncset.done $0x0  }
0xa4: {  	[sflag:s23] =	ssyncadd.s32 $0xFFFFFFFF  }
0xa5: {  	s4 =	sld [smem:$0x0]  }
0xa6: {  	s5 =	sand.u32 $0xFFFFFFFE, s1  }
0xa7: {  	p0 =	sne.s32 s1, s5  }
0xa8: {  	s5 =	sshll.u32 @p0 s5, $0xE  }
0xa9: {  	s5 =	sadd.s32 @p0 $0x11B8D, s5;
	s6 =	sshll.u32 @p0 s4, $0x11  }
0xaa: {  	s5 =	sor.u32 @p0 s6, s5  }
0xab: {  	[sflag:s5] =	ssyncadd.remote.s32 @p0 $0x1;
	_ =	sdelay $0x1  }
0xac: {  	s5 =	simm.s32 @p0 $0x1B8D  }
0xad: {  	_ =	swait.eq @p0 [sflag:s5], $0x1  }
0xae: {  	[sflag:s5] =	ssyncadd.s32 @p0 $0xFFFFFFFF  }
0xaf: {  	s6 =	sshll.u32 @!p0 s1, $0xE  }
0xb0: {  	s6 =	sor.u32 @!p0 $0x4000, s6;
	s5 =	simm.s32 @!p0 $0x1B8D  }
0xb1: {  	s4 =	sshll.u32 @!p0 s4, $0x11;
	s6 =	sadd.s32 @!p0 $0x11B8D, s6;
	_ =	swait.eq @!p0 [sflag:s5], $0x1  }
0xb2: {  	s4 =	sor.u32 @!p0 s4, s6;
	[sflag:s5] =	ssyncadd.s32 @!p0 $0xFFFFFFFF  }
0xb3: {  	s25 =	simm.s32 $0x1B8E;
	s24 =	sld [smem:$0x3FFE];
	[sflag:s4] =	ssyncadd.remote.s32 @!p0 $0x1  }
0xb4: {  	s26 =	simm.s32 $execute0_lowered;
	[smem:$0x3FD2] =	sst s25  }
0xb5: {  	s5 =	sshll.u32 s26, $0x1;
	_ =	strace $0x80000049;
	[dreg:$0x1] =	wrdreg $0xFFFFFFFF  }
0xb6: {  	s28 =	simm.s32 $_size_execute0_lowered;
	s3 =	sadd.s32 s3, s5;
	[dreg:$0x0] =	wrdreg $0x0  }
0xb7: {  	s5 =	sshll.u32 s28, $0x1;
	[dreg:$0x2] =	wrdreg s3  }
0xb8: {  	[dreg:$0x3] =	wrdreg s5  }
0xb9: {  	[dreg:$0x4] =	wrdreg $0xC0  }
0xba: {  	_ =	task [dreg:s22], $0x5FFFF  }
0xbb: {  	[dreg:$0x1] =	wrdreg $0xFFFFFFFF  }
0xbc: {  	[dreg:$0x0] =	wrdreg $0x60  }
0xbd: {  	[dreg:$0x2] =	wrdreg s24  }
0xbe: {  	[dreg:$0x3] =	wrdreg $0x68000  }
0xbf: {  	[dreg:$0x4] =	wrdreg $0x9  }
0xc0: {  	_ =	task.clear_ibuf [dreg:s22], $0x5FFFF;
	_ =	strace $0x90000049  }
0xc1: {  	s29 =	simm.s32 $0x9;
	_ =	strace $0x8000004B  }
0xc2: {  	_ =	swait.ge [sflag:s29], $0x1  }
0xc3: {  	[sflag:s29] =	ssyncadd.s32 $0xFFFFFFFF  }
0xc4: {  	_ =	strace $0x9000004B  }
0xc5: {  	_ =	sfence  }
0xc6: {  	s30 =	sld [smem:$0x0];
	_ =	sdelay $0x2  }
0xc7: {  	s31 =	sshll.u32 s1, $0xD;
	s1 =	sshrl.u32 s1, $0x2  }
0xc8: {  	s4 =	sand.u32 $0x4000, s31;
	s1 =	sadd.s32 s1, s30  }
0xc9: {  	s0 =	sor.u32 s4, s0;
	s1 =	sshll.u32 s1, $0x11  }
0xca: {  	s0 =	sor.u32 s1, s0  }
0xcb: {  	s0 =	sadd.s32 $0x8F2B, s0  }
0xcc: {  	[sflag:s0] =	ssyncadd.remote.s32 $0x1  }
0xcd: {  	_ =	sfence.sel $0xFFFF  }
0xce: {  	[dreg:$0x0] =	wrdreg $0xFFFFFFFF;
	(pc) =	sbr.abs _section_cstart, $3  }
0xcf: {  	[dreg:$0x1] =	wrdreg $0xFFFFFFFF  }
0xd0: {  	_ =	task.clear_ibuf [dreg:s22], $0x2FFFF;
	_ =	strace $0x9FFFFFFF  }
0xd1: {  	(tm) =	ssettm $0x7FFFFFFF  }
tec
execute0_lowered:
.L_overlay_start_1:
0x0: {  	(tag) =	ssettag $0x1  }
0x1: {  	s6 =	rddreg [dreg:$0x0]  }
0x2: {  	s1 =	rddreg [dreg:$0x1]  }
0x3: {  	s0 =	rddreg [dreg:$0x2]  }
0x4: {  	s2 =	simm.s32 $0x0;
	s3 =	stileid.u32;
	s7 =	srdreg.scid  }
0x5: {  	s22 =	simm.s32 $0x180;
	s23 =	simm.s32 $0x1;
	s24 =	simm.s32 $0x0  }
0x6: {  	[smem:$0x7FF] =	sst s2;
	s11 =	sadd.s32 $0x55A00, s6;
	s8 =	smul.u32 $0x280, s3  }
0x7: {  	s12 =	sadd.s32 $0x5AA00, s6;
	s4 =	sadd.s32 $0x64A00, s6;
	s25 =	smul.u32 $0x50000, s3  }
0x8: {  	s5 =	sadd.s32 $0xB5200, s6;
	s13 =	sand.u32 $0x1, s7;
	s31 =	smul.u32 $0x500, s3  }
0x9: {  	s14 =	sadd.s32 $0xB5A00, s6;
	s17 =	sadd.s32 $0xDDA00, s6;
	s21 =	smul.u32 $0x2800, s3  }
0xa: {  	_ =	strace $0x8000004A;
	s26 =	ssub.s32 $0x2, s13;
	p0 =	seq.s32 s13, $0x0  }
0xb: {  	s9 =	sshrl.u32 s26, $0x1;
	s7 =	sshrl.u32 s25, $0x2;
	s15 =	sadd.s32 $0x80, s8  }
0xc: {  	s18 =	sadd.s32 $0x100, s8;
	s19 =	sadd.s32 $0x180, s8;
	s20 =	sadd.s32 $0x200, s8  }
0xd: {  	s12 =	smov.u32 @p0 s11;
	s17 =	smov.u32 @p0 s14;
	s16 =	ssub.s32 s26, s9  }
0xe: {  	s6 =	sadd.s32 s7, s1;
	s28 =	sshll.u32 s15, $0x7;
	s29 =	sshll.u32 s18, $0x7  }
0xf: {  	s10 =	sshll.u32 s19, $0x7;
	s30 =	sshll.u32 s20, $0x7;
	s15 =	sshll.u32 s15, $0x4  }
0x10: {  	s18 =	sshll.u32 s18, $0x4;
	s19 =	sshll.u32 s19, $0x4;
	s20 =	sshll.u32 s20, $0x4  }
0x11: {  	s12 =	sadd.s32 s12, s31;
	s13 =	sadd.s32 s17, s21;
	s21 =	simm.s32 $0x100  }
0x12: {  	s7 =	sadd.s32 s28, s1;
	s8 =	sadd.s32 s29, s1;
	s9 =	sadd.s32 s10, s1  }
0x13: {  	s10 =	sadd.s32 s30, s1;
	s11 =	smax.u32 s16, $0x1;
	s14 =	sadd.s32 s17, s15  }
0x14: {  	s15 =	sadd.s32 s17, s18;
	s16 =	sadd.s32 s17, s19;
	s17 =	sadd.s32 s17, s20  }
0x15: {  	s18 =	simm.s32 $0x2800;
	s19 =	simm.s32 $0x2;
	s20 =	simm.s32 $0x80  }
.LBB2_1:
0x16: {  	[tilespmem:s18], [sflag:$0x2] =	stream.linear.gather [hbm4b:s4+s2], $0x4000, $0x38;
	[tilespmem:$0x1A800] =	vst v63  }
0x17: {  	_ =	swait.ge [sflag:s19], $0x4000  }
0x18: {  	[sflag:s19] =	ssyncset.done $0x0  }
0x19: {  	[sflag:s19] =	ssyncadd.s32 $0xFFFFC000  }
0x1a: {  	[spmem:s6] =	stream.linear.scatter [tilespmem:s18], [sflag:$0x2], $0x4000, $0x38;
	[tilespmem:$0x1A800] =	vst v63  }
0x1b: {  	_ =	swait.ge [sflag:s19], $0x4000  }
0x1c: {  	[sflag:s19] =	ssyncset.done $0x0  }
0x1d: {  	[sflag:s19] =	ssyncadd.s32 $0xFFFFC000  }
0x1e: {  	[spmem:s7] =	stream.linear.scatter [tilespmem:s18], [sflag:$0x2], $0x4000, $0x38;
	[tilespmem:$0x1A800] =	vst v63  }
0x1f: {  	_ =	swait.ge [sflag:s19], $0x4000  }
0x20: {  	[sflag:s19] =	ssyncset.done $0x0  }
0x21: {  	[sflag:s19] =	ssyncadd.s32 $0xFFFFC000  }
0x22: {  	[spmem:s8] =	stream.linear.scatter [tilespmem:s18], [sflag:$0x2], $0x4000, $0x38;
	[tilespmem:$0x1A800] =	vst v63  }
0x23: {  	_ =	swait.ge [sflag:s19], $0x4000  }
0x24: {  	[sflag:s19] =	ssyncset.done $0x0  }
0x25: {  	[sflag:s19] =	ssyncadd.s32 $0xFFFFC000  }
0x26: {  	[spmem:s9] =	stream.linear.scatter [tilespmem:s18], [sflag:$0x2], $0x4000, $0x38;
	[tilespmem:$0x1A800] =	vst v63  }
0x27: {  	_ =	swait.ge [sflag:s19], $0x4000  }
0x28: {  	[sflag:s19] =	ssyncset.done $0x0  }
0x29: {  	[sflag:s19] =	ssyncadd.s32 $0xFFFFC000  }
0x2a: {  	[spmem:s10] =	stream.linear.scatter [tilespmem:s18], [sflag:$0x2], $0x4000, $0x38;
	[tilespmem:$0x1A800] =	vst v63  }
0x2b: {  	_ =	swait.ge [sflag:s19], $0x4000  }
0x2c: {  	[sflag:s19] =	ssyncset.done $0x0  }
0x2d: {  	[sflag:s19] =	ssyncadd.s32 $0xFFFFC000  }
0x2e: {  	[tilespmem:s2], [sflag:$0x2] =	stream.linear.gather [hbm4b:s12+s2], $0x2800, $0x38;
	[tilespmem:$0x1A800] =	vst v63  }
0x2f: {  	_ =	swait.ge [sflag:s19], $0x2800  }
0x30: {  	[sflag:s19] =	ssyncset.done $0x0  }
0x31: {  	[sflag:s19] =	ssyncadd.s32 $0xFFFFD800  }
0x32: {  	[tilespmem:s18], [sflag:$0x2] =	stream.linear.gather [hbm4b:s5+s2], $0x4000, $0x38;
	[tilespmem:$0x1A800] =	vst v63  }
0x33: {  	_ =	swait.ge [sflag:s19], $0x4000  }
0x34: {  	[sflag:s19] =	ssyncset.done $0x0  }
0x35: {  	[sflag:s19] =	ssyncadd.s32 $0xFFFFC000  }
0x36: {  	[bflag:$0x0] =	sbarrier.arrive $0xFFFF  }
0x37: {  	[spmem:s1] =	stream.indirect.scatter.add.f32 [tilespmem:s18], [sflag:$0x1], $0x80, s2, s20, $0xb8;
	[tilespmem:$0x1A800] =	vst v63  }
0x38: {  	_ = 	snop  }
0x39: {  	[spmem:s1] =	stream.indirect.scatter.add.f32 [tilespmem:s18], [sflag:$0x1], $0x80, s20, s20, $0xb8;
	[tilespmem:$0x1A800] =	vst v63  }
0x3a: {  	_ = 	snop  }
0x3b: {  	[spmem:s1] =	stream.indirect.scatter.add.f32 [tilespmem:s18], [sflag:$0x1], $0x80, s21, s20, $0xb8;
	[tilespmem:$0x1A800] =	vst v63  }
0x3c: {  	_ = 	snop  }
0x3d: {  	[spmem:s1] =	stream.indirect.scatter.add.f32 [tilespmem:s18], [sflag:$0x1], $0x80, s22, s20, $0xb8;
	[tilespmem:$0x1A800] =	vst v63  }
0x3e: {  	s25 =	simm.s32 $0x200  }
0x3f: {  	[spmem:s1] =	stream.indirect.scatter.add.f32 [tilespmem:s18], [sflag:$0x1], $0x80, s25, s20, $0xb8;
	[tilespmem:$0x1A800] =	vst v63  }
0x40: {  	_ =	swait.ge [sflag:s23], $0x4000  }
0x41: {  	s25 =	simm.s32 $0xA00;
	[sflag:s23] =	ssyncset.done $0x0  }
.LBB2_2:
0x42: {  	s26 =	sshra.s32 s25, $0x2;
	[sflag:s23] =	ssyncadd.s32 $0xFFFFC000;
	p0 =	sne.s32 s25, $0x9E00  }
0x43: {  	[spmem:s1] =	stream.indirect.scatter.add.f32 [tilespmem:s18], [sflag:$0x1], $0x80, s26, s20, $0xb8;
	[tilespmem:$0x1A800] =	vst v63  }
.Ltmp0:
0x44: {  	_ = 	snop;
	(pc) =	sbr.rel @p0 .LBB2_2-.Ltmp0, $4  }
0x45: {  	_ = 	snop  }
0x46: {  	s25 =	sadd.s32 $0x200, s25  }
0x47: {  	_ =	swait.ge [sflag:s23], $0x4000  }
0x48: {  	[sflag:s23] =	ssyncset.done $0x0  }
0x49: {  	[sflag:s23] =	ssyncadd.s32 $0xFFFFC000  }
0x4a: {  	_ =	swait.ge [sflag:s23], $0x4000  }
0x4b: {  	[sflag:s23] =	ssyncset.done $0x0  }
0x4c: {  	[sflag:s23] =	ssyncadd.s32 $0xFFFFC000  }
0x4d: {  	_ =	swait.ge [sflag:s23], $0x4000  }
0x4e: {  	[sflag:s23] =	ssyncset.done $0x0  }
0x4f: {  	[sflag:s23] =	ssyncadd.s32 $0xFFFFC000  }
0x50: {  	_ =	swait.ge [sflag:s23], $0x4000  }
0x51: {  	[sflag:s23] =	ssyncset.done $0x0  }
0x52: {  	[sflag:s23] =	ssyncadd.s32 $0xFFFFC000  }
0x53: {  	_ =	swait.ge [sflag:s23], $0x4000  }
0x54: {  	[sflag:s23] =	ssyncset.done $0x0  }
0x55: {  	[sflag:s23] =	ssyncadd.s32 $0xFFFFC000  }
0x56: {  	[bflag:$0x0] =	sbarrier.arrive $0xFFFF  }
0x57: {  	[tilespmem:s18], [sflag:$0x2] =	stream.linear.gather [spmem:s6], $0x4000, $0x38;
	[tilespmem:$0x1A800] =	vst v63  }
0x58: {  	_ =	swait.ge [sflag:s19], $0x4000  }
0x59: {  	[sflag:s19] =	ssyncset.done $0x0  }
0x5a: {  	[sflag:s19] =	ssyncadd.s32 $0xFFFFC000  }
0x5b: {  	[hbm4b:s13+s2] =	stream.linear.scatter [tilespmem:s18], [sflag:$0x2], $0x4000, $0x38;
	[tilespmem:$0x1A800] =	vst v63  }
0x5c: {  	_ =	swait.ge [sflag:s19], $0x4000  }
0x5d: {  	[sflag:s19] =	ssyncset.done $0x0  }
0x5e: {  	[sflag:s19] =	ssyncadd.s32 $0xFFFFC000  }
0x5f: {  	[tilespmem:s18], [sflag:$0x2] =	stream.linear.gather [spmem:s7], $0x4000, $0x38;
	[tilespmem:$0x1A800] =	vst v63  }
0x60: {  	_ =	swait.ge [sflag:s19], $0x4000  }
0x61: {  	[sflag:s19] =	ssyncset.done $0x0  }
0x62: {  	[sflag:s19] =	ssyncadd.s32 $0xFFFFC000  }
0x63: {  	[hbm4b:s14+s2] =	stream.linear.scatter [tilespmem:s18], [sflag:$0x2], $0x4000, $0x38;
	[tilespmem:$0x1A800] =	vst v63  }
0x64: {  	_ =	swait.ge [sflag:s19], $0x4000  }
0x65: {  	[sflag:s19] =	ssyncset.done $0x0  }
0x66: {  	[sflag:s19] =	ssyncadd.s32 $0xFFFFC000  }
0x67: {  	[tilespmem:s18], [sflag:$0x2] =	stream.linear.gather [spmem:s8], $0x4000, $0x38;
	[tilespmem:$0x1A800] =	vst v63  }
0x68: {  	_ =	swait.ge [sflag:s19], $0x4000  }
0x69: {  	[sflag:s19] =	ssyncset.done $0x0  }
0x6a: {  	[sflag:s19] =	ssyncadd.s32 $0xFFFFC000  }
0x6b: {  	[hbm4b:s15+s2] =	stream.linear.scatter [tilespmem:s18], [sflag:$0x2], $0x4000, $0x38;
	[tilespmem:$0x1A800] =	vst v63  }
0x6c: {  	_ =	swait.ge [sflag:s19], $0x4000  }
0x6d: {  	[sflag:s19] =	ssyncset.done $0x0  }
0x6e: {  	[sflag:s19] =	ssyncadd.s32 $0xFFFFC000  }
0x6f: {  	[tilespmem:s18], [sflag:$0x2] =	stream.linear.gather [spmem:s9], $0x4000, $0x38;
	[tilespmem:$0x1A800] =	vst v63  }
0x70: {  	_ =	swait.ge [sflag:s19], $0x4000  }
0x71: {  	[sflag:s19] =	ssyncset.done $0x0  }
0x72: {  	[sflag:s19] =	ssyncadd.s32 $0xFFFFC000  }
0x73: {  	[hbm4b:s16+s2] =	stream.linear.scatter [tilespmem:s18], [sflag:$0x2], $0x4000, $0x38;
	[tilespmem:$0x1A800] =	vst v63  }
0x74: {  	_ =	swait.ge [sflag:s19], $0x4000  }
0x75: {  	[sflag:s19] =	ssyncset.done $0x0  }
0x76: {  	[sflag:s19] =	ssyncadd.s32 $0xFFFFC000  }
0x77: {  	[tilespmem:s18], [sflag:$0x2] =	stream.linear.gather [spmem:s10], $0x4000, $0x38;
	[tilespmem:$0x1A800] =	vst v63  }
0x78: {  	s24 =	sadd.s32 $0x1, s24;
	_ =	swait.ge [sflag:s19], $0x4000  }
0x79: {  	p0 =	sne.s32 s24, s11;
	[sflag:s19] =	ssyncset.done $0x0  }
.Ltmp1:
0x7a: {  	[sflag:s19] =	ssyncadd.s32 $0xFFFFC000;
	(pc) =	sbr.rel @p0 .LBB2_1-.Ltmp1, $4  }
0x7b: {  	[hbm4b:s17+s2] =	stream.linear.scatter [tilespmem:s18], [sflag:$0x2], $0x4000, $0x38;
	[tilespmem:$0x1A800] =	vst v63  }
0x7c: {  	_ =	swait.ge [sflag:s19], $0x4000  }
0x7d: {  	[sflag:s19] =	ssyncset.done $0x0  }
0x7e: {  	[sflag:s19] =	ssyncadd.s32 $0xFFFFC000  }
0x7f: {  	_ =	sfence.sel $0x180000  }
0x80: {  	[bflag:$0x0] =	sbarrier.arrive $0xFFFF  }
0x81: {  	p0 =	sne.s32 s3, $0x0;
	_ =	strace $0x9000004A  }
0x82: {  	s0 =	sadd.s32 @!p0 $0x100000, s0;
	[bflag:$0x2] =	sbarrier.arrive $0xFFFF  }
0x83: {  	[sflag:s0] =	ssyncadd.tile.s32 @!p0 $0x1;
	_ =	shalt  }
.Lfunc_end2:
_tile_overlayer_lowered:
.L_overlay_start_2:
0x84: {  	(tag) =	ssettag $0x2  }
0x85: {  	s0 =	rddreg [dreg:$0x0];
	s2 =	stileid.u32  }
0x86: {  	s1 =	rddreg [dreg:$0x1];
	p0 =	sne.s32 s2, $0x0  }
0x87: {  	s3 =	rddreg [dreg:$0x2];
	[bflag:$0x3] =	sbarrier.arrive $0xFFFF;
	s2 =	simm.s32 @!p0 $0x1C02  }
0x88: {  	[timem:s3], [sflag:s2] =	dma.local @!p0 [hbm:s0], s1  }
0x89: {  	s0 =	simm.s32 @!p0 $0x2  }
0x8a: {  	_ =	swait.ge @!p0 [sflag:s0], s1  }
0x8b: {  	s1 =	ssub.s32 @!p0 $0x0, s1;
	[sflag:s0] =	ssyncset.done @!p0 $0x0  }
0x8c: {  	[sflag:s0] =	ssyncadd.s32 @!p0 s1  }
0x8d: {  	[bflag:$0x3] =	sbarrier.arrive $0xFFFF  }
0x8e: {  	_ =	shalt  }

</sc_bundles>
